<compile_context>
chip_gen: v7x
topology: tpu7x:2x2x1
jax: 0.10.2.dev20260603
libtpu: 0.0.44.dev20260713+nightly
codegen_flags: <defaults>
</compile_context>

<pallas_src>
import functools

import jax
import jax.numpy as jnp
from jax import lax
from jax.experimental import pallas as pl
from jax.experimental.pallas import tpu as pltpu
from jax.experimental.pallas import tpu_sc as plsc

B = 4
N = 10000
NR = 64
G = 128
GS = G * G * G
CZ = 4
CHUNK = CZ * G * G
GRP = 128
NSCAN = N // 16
IDXCAP = N + GRP + 16


def _body(meta_hbm, zcol_hbm, zeros_hbm, out_hbm, zbuf, idxbuf, metabuf, accum):
    wid = lax.axis_index("s") * 2 + lax.axis_index("c")
    z0 = wid * CZ
    zeros16f = jnp.zeros((16,), jnp.float32)
    zeros16i = jnp.zeros((16,), jnp.int32)
    iota = lax.iota(jnp.int32, 16)

    offs = []
    for r in range(8):
        k = iota + (16 * r)
        ozi = k // 25
        rem = k - ozi * 25
        oyi = rem // 5
        oxi = rem - oyi * 5
        offs.append((
            ozi,
            5 + oyi,
            10 + oxi,
            ozi * (G * G) + oyi * G + oxi,
        ))
    q5 = iota // 5
    fracidx = jnp.maximum(2 - q5, 0)
    offv = (iota - q5 * 5 - 2).astype(jnp.float32)

    def clear(ref, nvec, zval):
        def zb(i, c):
            ref[pl.ds(i * 16, 16)] = zval
            return c
        lax.fori_loop(0, nvec, zb, 0)

    clear(idxbuf, IDXCAP // 16, zeros16i)

    accum[pl.ds(CHUNK, 16)] = zeros16f

    def per_batch(b, carry):
        pltpu.sync_copy(zeros_hbm, accum.at[pl.ds(0, CHUNK)])
        pltpu.sync_copy(zcol_hbm.at[b], zbuf)

        @plsc.parallel_loop(0, NSCAN, step=1, unroll=2, carry=jnp.int32(0))
        def comp(i, off):
            ziv = zbuf[pl.ds(i * 16, 16)].astype(jnp.int32)
            t = jnp.minimum(ziv - (z0 - 2), (z0 + CZ + 1) - ziv)
            f = 1 - lax.shift_right_logical(t, 31)
            pos = plsc.cumsum(f)
            slot = (off + pos - 1) * f + (IDXCAP - 16) * (1 - f)
            plsc.store_scatter(idxbuf, [slot], iota + (i * 16 + b * N))
            return off + pos[15]
        M = comp
        ngrp = (M + (GRP - 1)) // GRP

        def group(g, c):
            idxsl = idxbuf.at[pl.ds(g * GRP, GRP)]
            pltpu.sync_copy(meta_hbm.at[idxsl], metabuf)
            gsz = jnp.minimum(GRP, M - g * GRP)

            @plsc.parallel_loop(0, gsz, step=1, unroll=6)
            def atom(j):
                jsplat = jnp.full((16,), j, jnp.int32)
                vrow = metabuf[j, pl.ds(0, 16)]

                def perm(vec, pidx):
                    return lax.gather(
                        vec, pidx[:, None],
                        dimension_numbers=lax.GatherDimensionNumbers(
                            offset_dims=(), collapsed_slice_dims=(0,),
                            start_index_map=(0,)),
                        slice_sizes=(1,),
                        mode=lax.GatherScatterMode.PROMISE_IN_BOUNDS)

                vrowi = vrow.astype(jnp.int32)
                vfrac = vrow - vrowi.astype(jnp.float32)
                d15 = perm(vfrac, fracidx) - offv
                u = plsc.bitcast(d15, jnp.int32)
                u = (u + 0x7FFF + (lax.shift_right_logical(u, 16) & 1)) & (-65536)
                d15 = plsc.bitcast(u, jnp.float32)
                d15 = d15 * d15

                occ = perm(vrow, zeros16i + 3) * perm(vrow, zeros16i + 4)
                xs = perm(vrowi, zeros16i)
                ys = perm(vrowi, zeros16i + 1)
                zs = perm(vrowi, zeros16i + 2)
                zbase = zs - (z0 + 2)
                base = zbase * (G * G) + ys * G + xs - (2 * G + 2)

                for r in range(8):
                    pz, py, px, coff = offs[r]
                    d2 = perm(d15, pz) + perm(d15, py) + perm(d15, px)
                    d2 = jnp.maximum(d2, 1e-12)
                    ui = plsc.bitcast(d2, jnp.int32)
                    ui = 0x5F3759DF - lax.shift_right_logical(ui, 1)
                    yv = plsc.bitcast(ui, jnp.float32)
                    h = -0.5 * d2
                    yv = yv * (1.5 + h * yv * yv)
                    yv = yv * (1.5 + h * yv * yv)
                    rc = (d2 * yv) * 10.0
                    ri = rc.astype(jnp.int32)
                    wh = rc - ri.astype(jnp.float32)
                    rdl = plsc.load_gather(metabuf, [jsplat, ri + NR])
                    rdh = plsc.load_gather(metabuf, [jsplat, ri + (NR + 1)])
                    dens = (rdl + wh * (rdh - rdl)) * occ
                    zloc = zbase + pz
                    t = zloc | ((CZ - 1) - zloc)
                    if r == 7:
                        t = t | (12 - iota)
                    sel = 1 - lax.shift_right_logical(t, 31)
                    idx = base + coff
                    idx = idx * sel + CHUNK * (1 - sel)
                    plsc.addupdate_scatter(accum, [idx], dens * sel.astype(jnp.float32))

            return c

        with jax.named_scope("groups"):
            lax.fori_loop(0, ngrp, group, 0)

        obase = b * GS + wid * CHUNK
        pltpu.sync_copy(accum.at[pl.ds(0, CHUNK)], out_hbm.at[pl.ds(obase, CHUNK)])
        return carry

    lax.fori_loop(0, B, per_batch, 0)


@jax.jit
def _dilate_sc(meta, zcol):
    mesh = plsc.VectorSubcoreMesh(core_axis_name="c", subcore_axis_name="s")
    run = functools.partial(
        pl.kernel,
        out_type=jax.ShapeDtypeStruct((B * GS,), jnp.float32),
        mesh=mesh,
        scratch_types=[
            pltpu.VMEM((N,), jnp.float32),
            pltpu.VMEM((IDXCAP,), jnp.int32),
            pltpu.VMEM((GRP, 128), jnp.float32),
            pltpu.VMEM((CHUNK + 16,), jnp.float32),
        ],
        compiler_params=pltpu.CompilerParams(needs_layout_passes=False),
    )(_body)
    return run(meta, zcol, jnp.zeros((CHUNK,), jnp.float32))


def kernel(coordinates, active, occupancies, lmax, radial_densities, grid_to_cartesian):
    del lmax, grid_to_cartesian
    meta = jnp.concatenate(
        [
            coordinates,
            occupancies[..., None],
            active[..., None].astype(jnp.float32),
            jnp.zeros((B, N, NR - 5), jnp.float32),
            radial_densities,
        ],
        axis=-1,
    ).reshape(B * N, 2 * NR)
    zcol = coordinates[..., 2]
    out = _dilate_sc(meta, zcol)
    return out.reshape(B, G, G, G)

# --- scband reference (transcript-rebuilt; emitter-appended) ---
"""Pipeline reference for scband-differentiable-transformer-13984413515891 (READ-ONLY COPY).

The authoritative reference and input builder live on the scoring server;
editing this copy changes nothing except your own understanding.
"""

import jax, jax.numpy as jnp
import numpy as np

GRID_SHAPE = (128, 128, 128)
RSTEP = 0.1
LMAX = (2.0, 2.0, 2.0)


def setup_inputs(seed: int = 0):
    key = jax.random.key(seed)
    k1, k2, k3 = jax.random.split(key, 3)
    batch, n_atoms, n_radial = 4, 10000, 64
    coordinates = jax.random.uniform(k1, (batch, n_atoms, 3), dtype=jnp.float32, minval=4.0, maxval=120.0)
    active = jnp.ones((batch, n_atoms), dtype=bool)
    occupancies = jax.random.uniform(k2, (batch, n_atoms), dtype=jnp.float32)
    lmax = jnp.array(LMAX, dtype=jnp.float32)
    radial_densities = jax.random.uniform(k3, (batch, n_atoms, n_radial), dtype=jnp.float32)
    grid_to_cartesian = jnp.eye(3, dtype=jnp.float32)
    return {"coordinates": coordinates, "active": active, "occupancies": occupancies, "lmax": lmax, "radial_densities": radial_densities, "grid_to_cartesian": grid_to_cartesian}


def _dilate(coordinates, active, occupancies, radial_densities, grid_to_cartesian):
    grid_shape = GRID_SHAPE
    rstep = RSTEP
    batch_size, n_atoms = coordinates.shape[:2]
    ext = [int(np.ceil(l)) for l in LMAX]
    gx = jnp.arange(-ext[2], ext[2] + 1)
    gy = jnp.arange(-ext[1], ext[1] + 1)
    gz = jnp.arange(-ext[0], ext[0] + 1)
    nearby = jnp.stack(jnp.meshgrid(gx, gy, gz, indexing='ij'), axis=-1).reshape(-1, 3)
    nearby_abc = nearby[:, ::-1]
    grid_diff = coordinates - jnp.floor(coordinates)
    # delta per (batch, atom, nearby-offset, 3); same set of values as torch (batch, nearby, atom, 3)
    delta = grid_diff[:, :, None, :] - nearby_abc[None, None, :, :].astype(coordinates.dtype)
    cart = jnp.matmul(delta, grid_to_cartesian.T)
    dist = jnp.sqrt(jnp.sum(cart * cart, axis=-1))
    rad_cont = dist / rstep
    rad_low = jnp.floor(rad_cont).astype(jnp.int32)
    w_high = rad_cont - rad_low.astype(coordinates.dtype)
    w_low = 1.0 - w_high
    max_rad = radial_densities.shape[-1] - 1
    rad_low = jnp.clip(rad_low, 0, max_rad)
    rad_high = jnp.clip(rad_low + 1, 0, max_rad)
    rd_low = jnp.take_along_axis(radial_densities, rad_low, axis=-1)
    rd_high = jnp.take_along_axis(radial_densities, rad_high, axis=-1)
    dens = (w_low * rd_low + w_high * rd_high) * occupancies[:, :, None]
    # inactive atoms contribute zero (equivalent to torch's nonzero() filtering)
    dens = dens * active[:, :, None].astype(dens.dtype)
    coord_floor = jnp.floor(coordinates).astype(jnp.int32)
    mod = jnp.array([grid_shape[2], grid_shape[1], grid_shape[0]], dtype=jnp.int32)
    gp = jnp.mod(coord_floor[:, :, None, :] + nearby_abc[None, None, :, :].astype(jnp.int32), mod)
    s0 = grid_shape[1] * grid_shape[2]
    s1 = grid_shape[2]
    gsize = grid_shape[0] * grid_shape[1] * grid_shape[2]
    b_idx = jnp.arange(batch_size, dtype=jnp.int32)[:, None, None]
    flat_idx = (b_idx * gsize + gp[..., 2] * s0 + gp[..., 1] * s1 + gp[..., 0]).reshape(-1)
    result = jnp.zeros((batch_size * gsize,), dtype=coordinates.dtype).at[flat_idx].add(dens.reshape(-1))
    return result.reshape((batch_size,) + grid_shape)


def reference(coordinates, active, occupancies, lmax, radial_densities, grid_to_cartesian):
    return _dilate(coordinates, active, occupancies, radial_densities, grid_to_cartesian)

if __name__ == "__main__":
    import jax
    _d = setup_inputs()
    print(jax.jit(kernel)(*tuple(_d.values())))

</pallas_src>

<mosaic_0001>
#map = affine_map<(d0, d1) -> (0, 0)>
#map1 = affine_map<(d0, d1) -> (0)>
module attributes {stable_mosaic.version = 14 : i64} {
  func.func @_body(%arg0: i32, %arg1: i32, %arg2: memref<40000x128xf32, #tpu.memory_space<hbm>>, %arg3: memref<4x10000xf32, #tpu.memory_space<hbm>>, %arg4: memref<65536xf32, #tpu.memory_space<hbm>>, %arg5: memref<8388608xf32, #tpu.memory_space<hbm>>, %arg6: memref<10000xf32, #tpu.memory_space<vmem>>, %arg7: memref<10144xi32, #tpu.memory_space<vmem>>, %arg8: memref<128x128xf32, #tpu.memory_space<vmem>>, %arg9: memref<65552xf32, #tpu.memory_space<vmem>>) attributes {dimension_semantics = [#tpu.dimension_semantics<core_parallel>, #tpu.dimension_semantics<subcore_parallel>], iteration_bounds = array<i64: 2, 16>, scalar_prefetch = 0 : i64, scratch_operands = 4 : i64, tpu.core_type = #tpu.core_type<sc_vector_subcore>, window_params = [{transform_indices = #map}, {transform_indices = #map}, {transform_indices = #map1}, {transform_indices = #map1}]} {
    %mul3A = arith.constant 2 : i32
    %mul3A_0 = arith.muli %arg1, %mul3A : i32
    %add3A = arith.addi %mul3A_0, %arg0 : i32
    %mul3A_1 = arith.constant 4 : i32
    %mul3A_2 = arith.muli %add3A, %mul3A_1 : i32
    %broadcast_in_dim3A = arith.constant 0.000000e+00 : f32
    %broadcast_in_dim3A_3 = vector.broadcast %broadcast_in_dim3A : f32 to vector<16xf32>
    %broadcast_in_dim3A_4 = arith.constant 0 : i32
    %broadcast_in_dim3A_5 = vector.broadcast %broadcast_in_dim3A_4 : i32 to vector<16xi32>
    %iota3A = tpu.iota {dimensions = array<i32: 0>} : vector<16xi32>
    %add3A_6 = arith.constant 0 : i32
    %add3A_7 = vector.broadcast %add3A_6 : i32 to vector<16xi32>
    %add3A_8 = arith.addi %iota3A, %add3A_7 : vector<16xi32>
    %jit3A = arith.constant 25 : i32
    %div3A = vector.broadcast %jit3A : i32 to vector<16xi32>
    %div3A_9 = arith.divsi %add3A_8, %div3A : vector<16xi32>
    %sign3A = arith.constant 0 : i32
    %sign3A_10 = vector.broadcast %sign3A : i32 to vector<16xi32>
    %sign3A_11 = arith.cmpi sgt, %add3A_8, %sign3A_10 : vector<16xi32>
    %sign3A_12 = arith.extui %sign3A_11 : vector<16xi1> to vector<16xi32>
    %sign3A_13 = arith.constant 0 : i32
    %sign3A_14 = vector.broadcast %sign3A_13 : i32 to vector<16xi32>
    %sign3A_15 = arith.cmpi slt, %add3A_8, %sign3A_14 : vector<16xi32>
    %sign3A_16 = arith.extui %sign3A_15 : vector<16xi1> to vector<16xi32>
    %sign3A_17 = arith.subi %sign3A_12, %sign3A_16 : vector<16xi32>
    %sign3A_18 = arith.constant 0 : i32
    %sign3A_19 = arith.cmpi sgt, %jit3A, %sign3A_18 : i32
    %sign3A_20 = arith.extui %sign3A_19 : i1 to i32
    %sign3A_21 = arith.constant 0 : i32
    %sign3A_22 = arith.cmpi slt, %jit3A, %sign3A_21 : i32
    %sign3A_23 = arith.extui %sign3A_22 : i1 to i32
    %sign3A_24 = arith.subi %sign3A_20, %sign3A_23 : i32
    %ne3A = vector.broadcast %sign3A_24 : i32 to vector<16xi32>
    %ne3A_25 = arith.cmpi ne, %sign3A_17, %ne3A : vector<16xi32>
    %rem3A = vector.broadcast %jit3A : i32 to vector<16xi32>
    %rem3A_26 = arith.remsi %add3A_8, %rem3A : vector<16xi32>
    %ne3A_27 = arith.constant 0 : i32
    %ne3A_28 = vector.broadcast %ne3A_27 : i32 to vector<16xi32>
    %ne3A_29 = arith.cmpi ne, %rem3A_26, %ne3A_28 : vector<16xi32>
    %and3A = arith.andi %ne3A_25, %ne3A_29 : vector<16xi1>
    %sub3A = arith.constant 1 : i32
    %sub3A_30 = vector.broadcast %sub3A : i32 to vector<16xi32>
    %sub3A_31 = arith.subi %div3A_9, %sub3A_30 : vector<16xi32>
    %select_n3A = arith.select %and3A, %sub3A_31, %div3A_9 : vector<16xi1>, vector<16xi32>
    %mul3A_32 = arith.constant 25 : i32
    %mul3A_33 = vector.broadcast %mul3A_32 : i32 to vector<16xi32>
    %mul3A_34 = arith.muli %select_n3A, %mul3A_33 : vector<16xi32>
    %sub3A_35 = arith.subi %add3A_8, %mul3A_34 : vector<16xi32>
    %jit3A_36 = arith.constant 5 : i32
    %div3A_37 = vector.broadcast %jit3A_36 : i32 to vector<16xi32>
    %div3A_38 = arith.divsi %sub3A_35, %div3A_37 : vector<16xi32>
    %sign3A_39 = arith.constant 0 : i32
    %sign3A_40 = vector.broadcast %sign3A_39 : i32 to vector<16xi32>
    %sign3A_41 = arith.cmpi sgt, %sub3A_35, %sign3A_40 : vector<16xi32>
    %sign3A_42 = arith.extui %sign3A_41 : vector<16xi1> to vector<16xi32>
    %sign3A_43 = arith.constant 0 : i32
    %sign3A_44 = vector.broadcast %sign3A_43 : i32 to vector<16xi32>
    %sign3A_45 = arith.cmpi slt, %sub3A_35, %sign3A_44 : vector<16xi32>
    %sign3A_46 = arith.extui %sign3A_45 : vector<16xi1> to vector<16xi32>
    %sign3A_47 = arith.subi %sign3A_42, %sign3A_46 : vector<16xi32>
    %sign3A_48 = arith.constant 0 : i32
    %sign3A_49 = arith.cmpi sgt, %jit3A_36, %sign3A_48 : i32
    %sign3A_50 = arith.extui %sign3A_49 : i1 to i32
    %sign3A_51 = arith.constant 0 : i32
    %sign3A_52 = arith.cmpi slt, %jit3A_36, %sign3A_51 : i32
    %sign3A_53 = arith.extui %sign3A_52 : i1 to i32
    %sign3A_54 = arith.subi %sign3A_50, %sign3A_53 : i32
    %ne3A_55 = vector.broadcast %sign3A_54 : i32 to vector<16xi32>
    %ne3A_56 = arith.cmpi ne, %sign3A_47, %ne3A_55 : vector<16xi32>
    %rem3A_57 = vector.broadcast %jit3A_36 : i32 to vector<16xi32>
    %rem3A_58 = arith.remsi %sub3A_35, %rem3A_57 : vector<16xi32>
    %ne3A_59 = arith.constant 0 : i32
    %ne3A_60 = vector.broadcast %ne3A_59 : i32 to vector<16xi32>
    %ne3A_61 = arith.cmpi ne, %rem3A_58, %ne3A_60 : vector<16xi32>
    %and3A_62 = arith.andi %ne3A_56, %ne3A_61 : vector<16xi1>
    %sub3A_63 = arith.constant 1 : i32
    %sub3A_64 = vector.broadcast %sub3A_63 : i32 to vector<16xi32>
    %sub3A_65 = arith.subi %div3A_38, %sub3A_64 : vector<16xi32>
    %select_n3A_66 = arith.select %and3A_62, %sub3A_65, %div3A_38 : vector<16xi1>, vector<16xi32>
    %mul3A_67 = arith.constant 5 : i32
    %mul3A_68 = vector.broadcast %mul3A_67 : i32 to vector<16xi32>
    %mul3A_69 = arith.muli %select_n3A_66, %mul3A_68 : vector<16xi32>
    %sub3A_70 = arith.subi %sub3A_35, %mul3A_69 : vector<16xi32>
    %add3A_71 = arith.constant 5 : i32
    %add3A_72 = vector.broadcast %add3A_71 : i32 to vector<16xi32>
    %add3A_73 = arith.addi %add3A_72, %select_n3A_66 : vector<16xi32>
    %add3A_74 = arith.constant 10 : i32
    %add3A_75 = vector.broadcast %add3A_74 : i32 to vector<16xi32>
    %add3A_76 = arith.addi %add3A_75, %sub3A_70 : vector<16xi32>
    %mul3A_77 = arith.constant 16384 : i32
    %mul3A_78 = vector.broadcast %mul3A_77 : i32 to vector<16xi32>
    %mul3A_79 = arith.muli %select_n3A, %mul3A_78 : vector<16xi32>
    %mul3A_80 = arith.constant 128 : i32
    %mul3A_81 = vector.broadcast %mul3A_80 : i32 to vector<16xi32>
    %mul3A_82 = arith.muli %select_n3A_66, %mul3A_81 : vector<16xi32>
    %add3A_83 = arith.addi %mul3A_79, %mul3A_82 : vector<16xi32>
    %add3A_84 = arith.addi %add3A_83, %sub3A_70 : vector<16xi32>
    %add3A_85 = arith.constant 16 : i32
    %add3A_86 = vector.broadcast %add3A_85 : i32 to vector<16xi32>
    %add3A_87 = arith.addi %iota3A, %add3A_86 : vector<16xi32>
    %jit3A_88 = arith.constant 25 : i32
    %div3A_89 = vector.broadcast %jit3A_88 : i32 to vector<16xi32>
    %div3A_90 = arith.divsi %add3A_87, %div3A_89 : vector<16xi32>
    %sign3A_91 = arith.constant 0 : i32
    %sign3A_92 = vector.broadcast %sign3A_91 : i32 to vector<16xi32>
    %sign3A_93 = arith.cmpi sgt, %add3A_87, %sign3A_92 : vector<16xi32>
    %sign3A_94 = arith.extui %sign3A_93 : vector<16xi1> to vector<16xi32>
    %sign3A_95 = arith.constant 0 : i32
    %sign3A_96 = vector.broadcast %sign3A_95 : i32 to vector<16xi32>
    %sign3A_97 = arith.cmpi slt, %add3A_87, %sign3A_96 : vector<16xi32>
    %sign3A_98 = arith.extui %sign3A_97 : vector<16xi1> to vector<16xi32>
    %sign3A_99 = arith.subi %sign3A_94, %sign3A_98 : vector<16xi32>
    %sign3A_100 = arith.constant 0 : i32
    %sign3A_101 = arith.cmpi sgt, %jit3A_88, %sign3A_100 : i32
    %sign3A_102 = arith.extui %sign3A_101 : i1 to i32
    %sign3A_103 = arith.constant 0 : i32
    %sign3A_104 = arith.cmpi slt, %jit3A_88, %sign3A_103 : i32
    %sign3A_105 = arith.extui %sign3A_104 : i1 to i32
    %sign3A_106 = arith.subi %sign3A_102, %sign3A_105 : i32
    %ne3A_107 = vector.broadcast %sign3A_106 : i32 to vector<16xi32>
    %ne3A_108 = arith.cmpi ne, %sign3A_99, %ne3A_107 : vector<16xi32>
    %rem3A_109 = vector.broadcast %jit3A_88 : i32 to vector<16xi32>
    %rem3A_110 = arith.remsi %add3A_87, %rem3A_109 : vector<16xi32>
    %ne3A_111 = arith.constant 0 : i32
    %ne3A_112 = vector.broadcast %ne3A_111 : i32 to vector<16xi32>
    %ne3A_113 = arith.cmpi ne, %rem3A_110, %ne3A_112 : vector<16xi32>
    %and3A_114 = arith.andi %ne3A_108, %ne3A_113 : vector<16xi1>
    %sub3A_115 = arith.constant 1 : i32
    %sub3A_116 = vector.broadcast %sub3A_115 : i32 to vector<16xi32>
    %sub3A_117 = arith.subi %div3A_90, %sub3A_116 : vector<16xi32>
    %select_n3A_118 = arith.select %and3A_114, %sub3A_117, %div3A_90 : vector<16xi1>, vector<16xi32>
    %mul3A_119 = arith.constant 25 : i32
    %mul3A_120 = vector.broadcast %mul3A_119 : i32 to vector<16xi32>
    %mul3A_121 = arith.muli %select_n3A_118, %mul3A_120 : vector<16xi32>
    %sub3A_122 = arith.subi %add3A_87, %mul3A_121 : vector<16xi32>
    %jit3A_123 = arith.constant 5 : i32
    %div3A_124 = vector.broadcast %jit3A_123 : i32 to vector<16xi32>
    %div3A_125 = arith.divsi %sub3A_122, %div3A_124 : vector<16xi32>
    %sign3A_126 = arith.constant 0 : i32
    %sign3A_127 = vector.broadcast %sign3A_126 : i32 to vector<16xi32>
    %sign3A_128 = arith.cmpi sgt, %sub3A_122, %sign3A_127 : vector<16xi32>
    %sign3A_129 = arith.extui %sign3A_128 : vector<16xi1> to vector<16xi32>
    %sign3A_130 = arith.constant 0 : i32
    %sign3A_131 = vector.broadcast %sign3A_130 : i32 to vector<16xi32>
    %sign3A_132 = arith.cmpi slt, %sub3A_122, %sign3A_131 : vector<16xi32>
    %sign3A_133 = arith.extui %sign3A_132 : vector<16xi1> to vector<16xi32>
    %sign3A_134 = arith.subi %sign3A_129, %sign3A_133 : vector<16xi32>
    %sign3A_135 = arith.constant 0 : i32
    %sign3A_136 = arith.cmpi sgt, %jit3A_123, %sign3A_135 : i32
    %sign3A_137 = arith.extui %sign3A_136 : i1 to i32
    %sign3A_138 = arith.constant 0 : i32
    %sign3A_139 = arith.cmpi slt, %jit3A_123, %sign3A_138 : i32
    %sign3A_140 = arith.extui %sign3A_139 : i1 to i32
    %sign3A_141 = arith.subi %sign3A_137, %sign3A_140 : i32
    %ne3A_142 = vector.broadcast %sign3A_141 : i32 to vector<16xi32>
    %ne3A_143 = arith.cmpi ne, %sign3A_134, %ne3A_142 : vector<16xi32>
    %rem3A_144 = vector.broadcast %jit3A_123 : i32 to vector<16xi32>
    %rem3A_145 = arith.remsi %sub3A_122, %rem3A_144 : vector<16xi32>
    %ne3A_146 = arith.constant 0 : i32
    %ne3A_147 = vector.broadcast %ne3A_146 : i32 to vector<16xi32>
    %ne3A_148 = arith.cmpi ne, %rem3A_145, %ne3A_147 : vector<16xi32>
    %and3A_149 = arith.andi %ne3A_143, %ne3A_148 : vector<16xi1>
    %sub3A_150 = arith.constant 1 : i32
    %sub3A_151 = vector.broadcast %sub3A_150 : i32 to vector<16xi32>
    %sub3A_152 = arith.subi %div3A_125, %sub3A_151 : vector<16xi32>
    %select_n3A_153 = arith.select %and3A_149, %sub3A_152, %div3A_125 : vector<16xi1>, vector<16xi32>
    %mul3A_154 = arith.constant 5 : i32
    %mul3A_155 = vector.broadcast %mul3A_154 : i32 to vector<16xi32>
    %mul3A_156 = arith.muli %select_n3A_153, %mul3A_155 : vector<16xi32>
    %sub3A_157 = arith.subi %sub3A_122, %mul3A_156 : vector<16xi32>
    %add3A_158 = arith.constant 5 : i32
    %add3A_159 = vector.broadcast %add3A_158 : i32 to vector<16xi32>
    %add3A_160 = arith.addi %add3A_159, %select_n3A_153 : vector<16xi32>
    %add3A_161 = arith.constant 10 : i32
    %add3A_162 = vector.broadcast %add3A_161 : i32 to vector<16xi32>
    %add3A_163 = arith.addi %add3A_162, %sub3A_157 : vector<16xi32>
    %mul3A_164 = arith.constant 16384 : i32
    %mul3A_165 = vector.broadcast %mul3A_164 : i32 to vector<16xi32>
    %mul3A_166 = arith.muli %select_n3A_118, %mul3A_165 : vector<16xi32>
    %mul3A_167 = arith.constant 128 : i32
    %mul3A_168 = vector.broadcast %mul3A_167 : i32 to vector<16xi32>
    %mul3A_169 = arith.muli %select_n3A_153, %mul3A_168 : vector<16xi32>
    %add3A_170 = arith.addi %mul3A_166, %mul3A_169 : vector<16xi32>
    %add3A_171 = arith.addi %add3A_170, %sub3A_157 : vector<16xi32>
    %add3A_172 = arith.constant 32 : i32
    %add3A_173 = vector.broadcast %add3A_172 : i32 to vector<16xi32>
    %add3A_174 = arith.addi %iota3A, %add3A_173 : vector<16xi32>
    %jit3A_175 = arith.constant 25 : i32
    %div3A_176 = vector.broadcast %jit3A_175 : i32 to vector<16xi32>
    %div3A_177 = arith.divsi %add3A_174, %div3A_176 : vector<16xi32>
    %sign3A_178 = arith.constant 0 : i32
    %sign3A_179 = vector.broadcast %sign3A_178 : i32 to vector<16xi32>
    %sign3A_180 = arith.cmpi sgt, %add3A_174, %sign3A_179 : vector<16xi32>
    %sign3A_181 = arith.extui %sign3A_180 : vector<16xi1> to vector<16xi32>
    %sign3A_182 = arith.constant 0 : i32
    %sign3A_183 = vector.broadcast %sign3A_182 : i32 to vector<16xi32>
    %sign3A_184 = arith.cmpi slt, %add3A_174, %sign3A_183 : vector<16xi32>
    %sign3A_185 = arith.extui %sign3A_184 : vector<16xi1> to vector<16xi32>
    %sign3A_186 = arith.subi %sign3A_181, %sign3A_185 : vector<16xi32>
    %sign3A_187 = arith.constant 0 : i32
    %sign3A_188 = arith.cmpi sgt, %jit3A_175, %sign3A_187 : i32
    %sign3A_189 = arith.extui %sign3A_188 : i1 to i32
    %sign3A_190 = arith.constant 0 : i32
    %sign3A_191 = arith.cmpi slt, %jit3A_175, %sign3A_190 : i32
    %sign3A_192 = arith.extui %sign3A_191 : i1 to i32
    %sign3A_193 = arith.subi %sign3A_189, %sign3A_192 : i32
    %ne3A_194 = vector.broadcast %sign3A_193 : i32 to vector<16xi32>
    %ne3A_195 = arith.cmpi ne, %sign3A_186, %ne3A_194 : vector<16xi32>
    %rem3A_196 = vector.broadcast %jit3A_175 : i32 to vector<16xi32>
    %rem3A_197 = arith.remsi %add3A_174, %rem3A_196 : vector<16xi32>
    %ne3A_198 = arith.constant 0 : i32
    %ne3A_199 = vector.broadcast %ne3A_198 : i32 to vector<16xi32>
    %ne3A_200 = arith.cmpi ne, %rem3A_197, %ne3A_199 : vector<16xi32>
    %and3A_201 = arith.andi %ne3A_195, %ne3A_200 : vector<16xi1>
    %sub3A_202 = arith.constant 1 : i32
    %sub3A_203 = vector.broadcast %sub3A_202 : i32 to vector<16xi32>
    %sub3A_204 = arith.subi %div3A_177, %sub3A_203 : vector<16xi32>
    %select_n3A_205 = arith.select %and3A_201, %sub3A_204, %div3A_177 : vector<16xi1>, vector<16xi32>
    %mul3A_206 = arith.constant 25 : i32
    %mul3A_207 = vector.broadcast %mul3A_206 : i32 to vector<16xi32>
    %mul3A_208 = arith.muli %select_n3A_205, %mul3A_207 : vector<16xi32>
    %sub3A_209 = arith.subi %add3A_174, %mul3A_208 : vector<16xi32>
    %jit3A_210 = arith.constant 5 : i32
    %div3A_211 = vector.broadcast %jit3A_210 : i32 to vector<16xi32>
    %div3A_212 = arith.divsi %sub3A_209, %div3A_211 : vector<16xi32>
    %sign3A_213 = arith.constant 0 : i32
    %sign3A_214 = vector.broadcast %sign3A_213 : i32 to vector<16xi32>
    %sign3A_215 = arith.cmpi sgt, %sub3A_209, %sign3A_214 : vector<16xi32>
    %sign3A_216 = arith.extui %sign3A_215 : vector<16xi1> to vector<16xi32>
    %sign3A_217 = arith.constant 0 : i32
    %sign3A_218 = vector.broadcast %sign3A_217 : i32 to vector<16xi32>
    %sign3A_219 = arith.cmpi slt, %sub3A_209, %sign3A_218 : vector<16xi32>
    %sign3A_220 = arith.extui %sign3A_219 : vector<16xi1> to vector<16xi32>
    %sign3A_221 = arith.subi %sign3A_216, %sign3A_220 : vector<16xi32>
    %sign3A_222 = arith.constant 0 : i32
    %sign3A_223 = arith.cmpi sgt, %jit3A_210, %sign3A_222 : i32
    %sign3A_224 = arith.extui %sign3A_223 : i1 to i32
    %sign3A_225 = arith.constant 0 : i32
    %sign3A_226 = arith.cmpi slt, %jit3A_210, %sign3A_225 : i32
    %sign3A_227 = arith.extui %sign3A_226 : i1 to i32
    %sign3A_228 = arith.subi %sign3A_224, %sign3A_227 : i32
    %ne3A_229 = vector.broadcast %sign3A_228 : i32 to vector<16xi32>
    %ne3A_230 = arith.cmpi ne, %sign3A_221, %ne3A_229 : vector<16xi32>
    %rem3A_231 = vector.broadcast %jit3A_210 : i32 to vector<16xi32>
    %rem3A_232 = arith.remsi %sub3A_209, %rem3A_231 : vector<16xi32>
    %ne3A_233 = arith.constant 0 : i32
    %ne3A_234 = vector.broadcast %ne3A_233 : i32 to vector<16xi32>
    %ne3A_235 = arith.cmpi ne, %rem3A_232, %ne3A_234 : vector<16xi32>
    %and3A_236 = arith.andi %ne3A_230, %ne3A_235 : vector<16xi1>
    %sub3A_237 = arith.constant 1 : i32
    %sub3A_238 = vector.broadcast %sub3A_237 : i32 to vector<16xi32>
    %sub3A_239 = arith.subi %div3A_212, %sub3A_238 : vector<16xi32>
    %select_n3A_240 = arith.select %and3A_236, %sub3A_239, %div3A_212 : vector<16xi1>, vector<16xi32>
    %mul3A_241 = arith.constant 5 : i32
    %mul3A_242 = vector.broadcast %mul3A_241 : i32 to vector<16xi32>
    %mul3A_243 = arith.muli %select_n3A_240, %mul3A_242 : vector<16xi32>
    %sub3A_244 = arith.subi %sub3A_209, %mul3A_243 : vector<16xi32>
    %add3A_245 = arith.constant 5 : i32
    %add3A_246 = vector.broadcast %add3A_245 : i32 to vector<16xi32>
    %add3A_247 = arith.addi %add3A_246, %select_n3A_240 : vector<16xi32>
    %add3A_248 = arith.constant 10 : i32
    %add3A_249 = vector.broadcast %add3A_248 : i32 to vector<16xi32>
    %add3A_250 = arith.addi %add3A_249, %sub3A_244 : vector<16xi32>
    %mul3A_251 = arith.constant 16384 : i32
    %mul3A_252 = vector.broadcast %mul3A_251 : i32 to vector<16xi32>
    %mul3A_253 = arith.muli %select_n3A_205, %mul3A_252 : vector<16xi32>
    %mul3A_254 = arith.constant 128 : i32
    %mul3A_255 = vector.broadcast %mul3A_254 : i32 to vector<16xi32>
    %mul3A_256 = arith.muli %select_n3A_240, %mul3A_255 : vector<16xi32>
    %add3A_257 = arith.addi %mul3A_253, %mul3A_256 : vector<16xi32>
    %add3A_258 = arith.addi %add3A_257, %sub3A_244 : vector<16xi32>
    %add3A_259 = arith.constant 48 : i32
    %add3A_260 = vector.broadcast %add3A_259 : i32 to vector<16xi32>
    %add3A_261 = arith.addi %iota3A, %add3A_260 : vector<16xi32>
    %jit3A_262 = arith.constant 25 : i32
    %div3A_263 = vector.broadcast %jit3A_262 : i32 to vector<16xi32>
    %div3A_264 = arith.divsi %add3A_261, %div3A_263 : vector<16xi32>
    %sign3A_265 = arith.constant 0 : i32
    %sign3A_266 = vector.broadcast %sign3A_265 : i32 to vector<16xi32>
    %sign3A_267 = arith.cmpi sgt, %add3A_261, %sign3A_266 : vector<16xi32>
    %sign3A_268 = arith.extui %sign3A_267 : vector<16xi1> to vector<16xi32>
    %sign3A_269 = arith.constant 0 : i32
    %sign3A_270 = vector.broadcast %sign3A_269 : i32 to vector<16xi32>
    %sign3A_271 = arith.cmpi slt, %add3A_261, %sign3A_270 : vector<16xi32>
    %sign3A_272 = arith.extui %sign3A_271 : vector<16xi1> to vector<16xi32>
    %sign3A_273 = arith.subi %sign3A_268, %sign3A_272 : vector<16xi32>
    %sign3A_274 = arith.constant 0 : i32
    %sign3A_275 = arith.cmpi sgt, %jit3A_262, %sign3A_274 : i32
    %sign3A_276 = arith.extui %sign3A_275 : i1 to i32
    %sign3A_277 = arith.constant 0 : i32
    %sign3A_278 = arith.cmpi slt, %jit3A_262, %sign3A_277 : i32
    %sign3A_279 = arith.extui %sign3A_278 : i1 to i32
    %sign3A_280 = arith.subi %sign3A_276, %sign3A_279 : i32
    %ne3A_281 = vector.broadcast %sign3A_280 : i32 to vector<16xi32>
    %ne3A_282 = arith.cmpi ne, %sign3A_273, %ne3A_281 : vector<16xi32>
    %rem3A_283 = vector.broadcast %jit3A_262 : i32 to vector<16xi32>
    %rem3A_284 = arith.remsi %add3A_261, %rem3A_283 : vector<16xi32>
    %ne3A_285 = arith.constant 0 : i32
    %ne3A_286 = vector.broadcast %ne3A_285 : i32 to vector<16xi32>
    %ne3A_287 = arith.cmpi ne, %rem3A_284, %ne3A_286 : vector<16xi32>
    %and3A_288 = arith.andi %ne3A_282, %ne3A_287 : vector<16xi1>
    %sub3A_289 = arith.constant 1 : i32
    %sub3A_290 = vector.broadcast %sub3A_289 : i32 to vector<16xi32>
    %sub3A_291 = arith.subi %div3A_264, %sub3A_290 : vector<16xi32>
    %select_n3A_292 = arith.select %and3A_288, %sub3A_291, %div3A_264 : vector<16xi1>, vector<16xi32>
    %mul3A_293 = arith.constant 25 : i32
    %mul3A_294 = vector.broadcast %mul3A_293 : i32 to vector<16xi32>
    %mul3A_295 = arith.muli %select_n3A_292, %mul3A_294 : vector<16xi32>
    %sub3A_296 = arith.subi %add3A_261, %mul3A_295 : vector<16xi32>
    %jit3A_297 = arith.constant 5 : i32
    %div3A_298 = vector.broadcast %jit3A_297 : i32 to vector<16xi32>
    %div3A_299 = arith.divsi %sub3A_296, %div3A_298 : vector<16xi32>
    %sign3A_300 = arith.constant 0 : i32
    %sign3A_301 = vector.broadcast %sign3A_300 : i32 to vector<16xi32>
    %sign3A_302 = arith.cmpi sgt, %sub3A_296, %sign3A_301 : vector<16xi32>
    %sign3A_303 = arith.extui %sign3A_302 : vector<16xi1> to vector<16xi32>
    %sign3A_304 = arith.constant 0 : i32
    %sign3A_305 = vector.broadcast %sign3A_304 : i32 to vector<16xi32>
    %sign3A_306 = arith.cmpi slt, %sub3A_296, %sign3A_305 : vector<16xi32>
    %sign3A_307 = arith.extui %sign3A_306 : vector<16xi1> to vector<16xi32>
    %sign3A_308 = arith.subi %sign3A_303, %sign3A_307 : vector<16xi32>
    %sign3A_309 = arith.constant 0 : i32
    %sign3A_310 = arith.cmpi sgt, %jit3A_297, %sign3A_309 : i32
    %sign3A_311 = arith.extui %sign3A_310 : i1 to i32
    %sign3A_312 = arith.constant 0 : i32
    %sign3A_313 = arith.cmpi slt, %jit3A_297, %sign3A_312 : i32
    %sign3A_314 = arith.extui %sign3A_313 : i1 to i32
    %sign3A_315 = arith.subi %sign3A_311, %sign3A_314 : i32
    %ne3A_316 = vector.broadcast %sign3A_315 : i32 to vector<16xi32>
    %ne3A_317 = arith.cmpi ne, %sign3A_308, %ne3A_316 : vector<16xi32>
    %rem3A_318 = vector.broadcast %jit3A_297 : i32 to vector<16xi32>
    %rem3A_319 = arith.remsi %sub3A_296, %rem3A_318 : vector<16xi32>
    %ne3A_320 = arith.constant 0 : i32
    %ne3A_321 = vector.broadcast %ne3A_320 : i32 to vector<16xi32>
    %ne3A_322 = arith.cmpi ne, %rem3A_319, %ne3A_321 : vector<16xi32>
    %and3A_323 = arith.andi %ne3A_317, %ne3A_322 : vector<16xi1>
    %sub3A_324 = arith.constant 1 : i32
    %sub3A_325 = vector.broadcast %sub3A_324 : i32 to vector<16xi32>
    %sub3A_326 = arith.subi %div3A_299, %sub3A_325 : vector<16xi32>
    %select_n3A_327 = arith.select %and3A_323, %sub3A_326, %div3A_299 : vector<16xi1>, vector<16xi32>
    %mul3A_328 = arith.constant 5 : i32
    %mul3A_329 = vector.broadcast %mul3A_328 : i32 to vector<16xi32>
    %mul3A_330 = arith.muli %select_n3A_327, %mul3A_329 : vector<16xi32>
    %sub3A_331 = arith.subi %sub3A_296, %mul3A_330 : vector<16xi32>
    %add3A_332 = arith.constant 5 : i32
    %add3A_333 = vector.broadcast %add3A_332 : i32 to vector<16xi32>
    %add3A_334 = arith.addi %add3A_333, %select_n3A_327 : vector<16xi32>
    %add3A_335 = arith.constant 10 : i32
    %add3A_336 = vector.broadcast %add3A_335 : i32 to vector<16xi32>
    %add3A_337 = arith.addi %add3A_336, %sub3A_331 : vector<16xi32>
    %mul3A_338 = arith.constant 16384 : i32
    %mul3A_339 = vector.broadcast %mul3A_338 : i32 to vector<16xi32>
    %mul3A_340 = arith.muli %select_n3A_292, %mul3A_339 : vector<16xi32>
    %mul3A_341 = arith.constant 128 : i32
    %mul3A_342 = vector.broadcast %mul3A_341 : i32 to vector<16xi32>
    %mul3A_343 = arith.muli %select_n3A_327, %mul3A_342 : vector<16xi32>
    %add3A_344 = arith.addi %mul3A_340, %mul3A_343 : vector<16xi32>
    %add3A_345 = arith.addi %add3A_344, %sub3A_331 : vector<16xi32>
    %add3A_346 = arith.constant 64 : i32
    %add3A_347 = vector.broadcast %add3A_346 : i32 to vector<16xi32>
    %add3A_348 = arith.addi %iota3A, %add3A_347 : vector<16xi32>
    %jit3A_349 = arith.constant 25 : i32
    %div3A_350 = vector.broadcast %jit3A_349 : i32 to vector<16xi32>
    %div3A_351 = arith.divsi %add3A_348, %div3A_350 : vector<16xi32>
    %sign3A_352 = arith.constant 0 : i32
    %sign3A_353 = vector.broadcast %sign3A_352 : i32 to vector<16xi32>
    %sign3A_354 = arith.cmpi sgt, %add3A_348, %sign3A_353 : vector<16xi32>
    %sign3A_355 = arith.extui %sign3A_354 : vector<16xi1> to vector<16xi32>
    %sign3A_356 = arith.constant 0 : i32
    %sign3A_357 = vector.broadcast %sign3A_356 : i32 to vector<16xi32>
    %sign3A_358 = arith.cmpi slt, %add3A_348, %sign3A_357 : vector<16xi32>
    %sign3A_359 = arith.extui %sign3A_358 : vector<16xi1> to vector<16xi32>
    %sign3A_360 = arith.subi %sign3A_355, %sign3A_359 : vector<16xi32>
    %sign3A_361 = arith.constant 0 : i32
    %sign3A_362 = arith.cmpi sgt, %jit3A_349, %sign3A_361 : i32
    %sign3A_363 = arith.extui %sign3A_362 : i1 to i32
    %sign3A_364 = arith.constant 0 : i32
    %sign3A_365 = arith.cmpi slt, %jit3A_349, %sign3A_364 : i32
    %sign3A_366 = arith.extui %sign3A_365 : i1 to i32
    %sign3A_367 = arith.subi %sign3A_363, %sign3A_366 : i32
    %ne3A_368 = vector.broadcast %sign3A_367 : i32 to vector<16xi32>
    %ne3A_369 = arith.cmpi ne, %sign3A_360, %ne3A_368 : vector<16xi32>
    %rem3A_370 = vector.broadcast %jit3A_349 : i32 to vector<16xi32>
    %rem3A_371 = arith.remsi %add3A_348, %rem3A_370 : vector<16xi32>
    %ne3A_372 = arith.constant 0 : i32
    %ne3A_373 = vector.broadcast %ne3A_372 : i32 to vector<16xi32>
    %ne3A_374 = arith.cmpi ne, %rem3A_371, %ne3A_373 : vector<16xi32>
    %and3A_375 = arith.andi %ne3A_369, %ne3A_374 : vector<16xi1>
    %sub3A_376 = arith.constant 1 : i32
    %sub3A_377 = vector.broadcast %sub3A_376 : i32 to vector<16xi32>
    %sub3A_378 = arith.subi %div3A_351, %sub3A_377 : vector<16xi32>
    %select_n3A_379 = arith.select %and3A_375, %sub3A_378, %div3A_351 : vector<16xi1>, vector<16xi32>
    %mul3A_380 = arith.constant 25 : i32
    %mul3A_381 = vector.broadcast %mul3A_380 : i32 to vector<16xi32>
    %mul3A_382 = arith.muli %select_n3A_379, %mul3A_381 : vector<16xi32>
    %sub3A_383 = arith.subi %add3A_348, %mul3A_382 : vector<16xi32>
    %jit3A_384 = arith.constant 5 : i32
    %div3A_385 = vector.broadcast %jit3A_384 : i32 to vector<16xi32>
    %div3A_386 = arith.divsi %sub3A_383, %div3A_385 : vector<16xi32>
    %sign3A_387 = arith.constant 0 : i32
    %sign3A_388 = vector.broadcast %sign3A_387 : i32 to vector<16xi32>
    %sign3A_389 = arith.cmpi sgt, %sub3A_383, %sign3A_388 : vector<16xi32>
    %sign3A_390 = arith.extui %sign3A_389 : vector<16xi1> to vector<16xi32>
    %sign3A_391 = arith.constant 0 : i32
    %sign3A_392 = vector.broadcast %sign3A_391 : i32 to vector<16xi32>
    %sign3A_393 = arith.cmpi slt, %sub3A_383, %sign3A_392 : vector<16xi32>
    %sign3A_394 = arith.extui %sign3A_393 : vector<16xi1> to vector<16xi32>
    %sign3A_395 = arith.subi %sign3A_390, %sign3A_394 : vector<16xi32>
    %sign3A_396 = arith.constant 0 : i32
    %sign3A_397 = arith.cmpi sgt, %jit3A_384, %sign3A_396 : i32
    %sign3A_398 = arith.extui %sign3A_397 : i1 to i32
    %sign3A_399 = arith.constant 0 : i32
    %sign3A_400 = arith.cmpi slt, %jit3A_384, %sign3A_399 : i32
    %sign3A_401 = arith.extui %sign3A_400 : i1 to i32
    %sign3A_402 = arith.subi %sign3A_398, %sign3A_401 : i32
    %ne3A_403 = vector.broadcast %sign3A_402 : i32 to vector<16xi32>
    %ne3A_404 = arith.cmpi ne, %sign3A_395, %ne3A_403 : vector<16xi32>
    %rem3A_405 = vector.broadcast %jit3A_384 : i32 to vector<16xi32>
    %rem3A_406 = arith.remsi %sub3A_383, %rem3A_405 : vector<16xi32>
    %ne3A_407 = arith.constant 0 : i32
    %ne3A_408 = vector.broadcast %ne3A_407 : i32 to vector<16xi32>
    %ne3A_409 = arith.cmpi ne, %rem3A_406, %ne3A_408 : vector<16xi32>
    %and3A_410 = arith.andi %ne3A_404, %ne3A_409 : vector<16xi1>
    %sub3A_411 = arith.constant 1 : i32
    %sub3A_412 = vector.broadcast %sub3A_411 : i32 to vector<16xi32>
    %sub3A_413 = arith.subi %div3A_386, %sub3A_412 : vector<16xi32>
    %select_n3A_414 = arith.select %and3A_410, %sub3A_413, %div3A_386 : vector<16xi1>, vector<16xi32>
    %mul3A_415 = arith.constant 5 : i32
    %mul3A_416 = vector.broadcast %mul3A_415 : i32 to vector<16xi32>
    %mul3A_417 = arith.muli %select_n3A_414, %mul3A_416 : vector<16xi32>
    %sub3A_418 = arith.subi %sub3A_383, %mul3A_417 : vector<16xi32>
    %add3A_419 = arith.constant 5 : i32
    %add3A_420 = vector.broadcast %add3A_419 : i32 to vector<16xi32>
    %add3A_421 = arith.addi %add3A_420, %select_n3A_414 : vector<16xi32>
    %add3A_422 = arith.constant 10 : i32
    %add3A_423 = vector.broadcast %add3A_422 : i32 to vector<16xi32>
    %add3A_424 = arith.addi %add3A_423, %sub3A_418 : vector<16xi32>
    %mul3A_425 = arith.constant 16384 : i32
    %mul3A_426 = vector.broadcast %mul3A_425 : i32 to vector<16xi32>
    %mul3A_427 = arith.muli %select_n3A_379, %mul3A_426 : vector<16xi32>
    %mul3A_428 = arith.constant 128 : i32
    %mul3A_429 = vector.broadcast %mul3A_428 : i32 to vector<16xi32>
    %mul3A_430 = arith.muli %select_n3A_414, %mul3A_429 : vector<16xi32>
    %add3A_431 = arith.addi %mul3A_427, %mul3A_430 : vector<16xi32>
    %add3A_432 = arith.addi %add3A_431, %sub3A_418 : vector<16xi32>
    %add3A_433 = arith.constant 80 : i32
    %add3A_434 = vector.broadcast %add3A_433 : i32 to vector<16xi32>
    %add3A_435 = arith.addi %iota3A, %add3A_434 : vector<16xi32>
    %jit3A_436 = arith.constant 25 : i32
    %div3A_437 = vector.broadcast %jit3A_436 : i32 to vector<16xi32>
    %div3A_438 = arith.divsi %add3A_435, %div3A_437 : vector<16xi32>
    %sign3A_439 = arith.constant 0 : i32
    %sign3A_440 = vector.broadcast %sign3A_439 : i32 to vector<16xi32>
    %sign3A_441 = arith.cmpi sgt, %add3A_435, %sign3A_440 : vector<16xi32>
    %sign3A_442 = arith.extui %sign3A_441 : vector<16xi1> to vector<16xi32>
    %sign3A_443 = arith.constant 0 : i32
    %sign3A_444 = vector.broadcast %sign3A_443 : i32 to vector<16xi32>
    %sign3A_445 = arith.cmpi slt, %add3A_435, %sign3A_444 : vector<16xi32>
    %sign3A_446 = arith.extui %sign3A_445 : vector<16xi1> to vector<16xi32>
    %sign3A_447 = arith.subi %sign3A_442, %sign3A_446 : vector<16xi32>
    %sign3A_448 = arith.constant 0 : i32
    %sign3A_449 = arith.cmpi sgt, %jit3A_436, %sign3A_448 : i32
    %sign3A_450 = arith.extui %sign3A_449 : i1 to i32
    %sign3A_451 = arith.constant 0 : i32
    %sign3A_452 = arith.cmpi slt, %jit3A_436, %sign3A_451 : i32
    %sign3A_453 = arith.extui %sign3A_452 : i1 to i32
    %sign3A_454 = arith.subi %sign3A_450, %sign3A_453 : i32
    %ne3A_455 = vector.broadcast %sign3A_454 : i32 to vector<16xi32>
    %ne3A_456 = arith.cmpi ne, %sign3A_447, %ne3A_455 : vector<16xi32>
    %rem3A_457 = vector.broadcast %jit3A_436 : i32 to vector<16xi32>
    %rem3A_458 = arith.remsi %add3A_435, %rem3A_457 : vector<16xi32>
    %ne3A_459 = arith.constant 0 : i32
    %ne3A_460 = vector.broadcast %ne3A_459 : i32 to vector<16xi32>
    %ne3A_461 = arith.cmpi ne, %rem3A_458, %ne3A_460 : vector<16xi32>
    %and3A_462 = arith.andi %ne3A_456, %ne3A_461 : vector<16xi1>
    %sub3A_463 = arith.constant 1 : i32
    %sub3A_464 = vector.broadcast %sub3A_463 : i32 to vector<16xi32>
    %sub3A_465 = arith.subi %div3A_438, %sub3A_464 : vector<16xi32>
    %select_n3A_466 = arith.select %and3A_462, %sub3A_465, %div3A_438 : vector<16xi1>, vector<16xi32>
    %mul3A_467 = arith.constant 25 : i32
    %mul3A_468 = vector.broadcast %mul3A_467 : i32 to vector<16xi32>
    %mul3A_469 = arith.muli %select_n3A_466, %mul3A_468 : vector<16xi32>
    %sub3A_470 = arith.subi %add3A_435, %mul3A_469 : vector<16xi32>
    %jit3A_471 = arith.constant 5 : i32
    %div3A_472 = vector.broadcast %jit3A_471 : i32 to vector<16xi32>
    %div3A_473 = arith.divsi %sub3A_470, %div3A_472 : vector<16xi32>
    %sign3A_474 = arith.constant 0 : i32
    %sign3A_475 = vector.broadcast %sign3A_474 : i32 to vector<16xi32>
    %sign3A_476 = arith.cmpi sgt, %sub3A_470, %sign3A_475 : vector<16xi32>
    %sign3A_477 = arith.extui %sign3A_476 : vector<16xi1> to vector<16xi32>
    %sign3A_478 = arith.constant 0 : i32
    %sign3A_479 = vector.broadcast %sign3A_478 : i32 to vector<16xi32>
    %sign3A_480 = arith.cmpi slt, %sub3A_470, %sign3A_479 : vector<16xi32>
    %sign3A_481 = arith.extui %sign3A_480 : vector<16xi1> to vector<16xi32>
    %sign3A_482 = arith.subi %sign3A_477, %sign3A_481 : vector<16xi32>
    %sign3A_483 = arith.constant 0 : i32
    %sign3A_484 = arith.cmpi sgt, %jit3A_471, %sign3A_483 : i32
    %sign3A_485 = arith.extui %sign3A_484 : i1 to i32
    %sign3A_486 = arith.constant 0 : i32
    %sign3A_487 = arith.cmpi slt, %jit3A_471, %sign3A_486 : i32
    %sign3A_488 = arith.extui %sign3A_487 : i1 to i32
    %sign3A_489 = arith.subi %sign3A_485, %sign3A_488 : i32
    %ne3A_490 = vector.broadcast %sign3A_489 : i32 to vector<16xi32>
    %ne3A_491 = arith.cmpi ne, %sign3A_482, %ne3A_490 : vector<16xi32>
    %rem3A_492 = vector.broadcast %jit3A_471 : i32 to vector<16xi32>
    %rem3A_493 = arith.remsi %sub3A_470, %rem3A_492 : vector<16xi32>
    %ne3A_494 = arith.constant 0 : i32
    %ne3A_495 = vector.broadcast %ne3A_494 : i32 to vector<16xi32>
    %ne3A_496 = arith.cmpi ne, %rem3A_493, %ne3A_495 : vector<16xi32>
    %and3A_497 = arith.andi %ne3A_491, %ne3A_496 : vector<16xi1>
    %sub3A_498 = arith.constant 1 : i32
    %sub3A_499 = vector.broadcast %sub3A_498 : i32 to vector<16xi32>
    %sub3A_500 = arith.subi %div3A_473, %sub3A_499 : vector<16xi32>
    %select_n3A_501 = arith.select %and3A_497, %sub3A_500, %div3A_473 : vector<16xi1>, vector<16xi32>
    %mul3A_502 = arith.constant 5 : i32
    %mul3A_503 = vector.broadcast %mul3A_502 : i32 to vector<16xi32>
    %mul3A_504 = arith.muli %select_n3A_501, %mul3A_503 : vector<16xi32>
    %sub3A_505 = arith.subi %sub3A_470, %mul3A_504 : vector<16xi32>
    %add3A_506 = arith.constant 5 : i32
    %add3A_507 = vector.broadcast %add3A_506 : i32 to vector<16xi32>
    %add3A_508 = arith.addi %add3A_507, %select_n3A_501 : vector<16xi32>
    %add3A_509 = arith.constant 10 : i32
    %add3A_510 = vector.broadcast %add3A_509 : i32 to vector<16xi32>
    %add3A_511 = arith.addi %add3A_510, %sub3A_505 : vector<16xi32>
    %mul3A_512 = arith.constant 16384 : i32
    %mul3A_513 = vector.broadcast %mul3A_512 : i32 to vector<16xi32>
    %mul3A_514 = arith.muli %select_n3A_466, %mul3A_513 : vector<16xi32>
    %mul3A_515 = arith.constant 128 : i32
    %mul3A_516 = vector.broadcast %mul3A_515 : i32 to vector<16xi32>
    %mul3A_517 = arith.muli %select_n3A_501, %mul3A_516 : vector<16xi32>
    %add3A_518 = arith.addi %mul3A_514, %mul3A_517 : vector<16xi32>
    %add3A_519 = arith.addi %add3A_518, %sub3A_505 : vector<16xi32>
    %add3A_520 = arith.constant 96 : i32
    %add3A_521 = vector.broadcast %add3A_520 : i32 to vector<16xi32>
    %add3A_522 = arith.addi %iota3A, %add3A_521 : vector<16xi32>
    %jit3A_523 = arith.constant 25 : i32
    %div3A_524 = vector.broadcast %jit3A_523 : i32 to vector<16xi32>
    %div3A_525 = arith.divsi %add3A_522, %div3A_524 : vector<16xi32>
    %sign3A_526 = arith.constant 0 : i32
    %sign3A_527 = vector.broadcast %sign3A_526 : i32 to vector<16xi32>
    %sign3A_528 = arith.cmpi sgt, %add3A_522, %sign3A_527 : vector<16xi32>
    %sign3A_529 = arith.extui %sign3A_528 : vector<16xi1> to vector<16xi32>
    %sign3A_530 = arith.constant 0 : i32
    %sign3A_531 = vector.broadcast %sign3A_530 : i32 to vector<16xi32>
    %sign3A_532 = arith.cmpi slt, %add3A_522, %sign3A_531 : vector<16xi32>
    %sign3A_533 = arith.extui %sign3A_532 : vector<16xi1> to vector<16xi32>
    %sign3A_534 = arith.subi %sign3A_529, %sign3A_533 : vector<16xi32>
    %sign3A_535 = arith.constant 0 : i32
    %sign3A_536 = arith.cmpi sgt, %jit3A_523, %sign3A_535 : i32
    %sign3A_537 = arith.extui %sign3A_536 : i1 to i32
    %sign3A_538 = arith.constant 0 : i32
    %sign3A_539 = arith.cmpi slt, %jit3A_523, %sign3A_538 : i32
    %sign3A_540 = arith.extui %sign3A_539 : i1 to i32
    %sign3A_541 = arith.subi %sign3A_537, %sign3A_540 : i32
    %ne3A_542 = vector.broadcast %sign3A_541 : i32 to vector<16xi32>
    %ne3A_543 = arith.cmpi ne, %sign3A_534, %ne3A_542 : vector<16xi32>
    %rem3A_544 = vector.broadcast %jit3A_523 : i32 to vector<16xi32>
    %rem3A_545 = arith.remsi %add3A_522, %rem3A_544 : vector<16xi32>
    %ne3A_546 = arith.constant 0 : i32
    %ne3A_547 = vector.broadcast %ne3A_546 : i32 to vector<16xi32>
    %ne3A_548 = arith.cmpi ne, %rem3A_545, %ne3A_547 : vector<16xi32>
    %and3A_549 = arith.andi %ne3A_543, %ne3A_548 : vector<16xi1>
    %sub3A_550 = arith.constant 1 : i32
    %sub3A_551 = vector.broadcast %sub3A_550 : i32 to vector<16xi32>
    %sub3A_552 = arith.subi %div3A_525, %sub3A_551 : vector<16xi32>
    %select_n3A_553 = arith.select %and3A_549, %sub3A_552, %div3A_525 : vector<16xi1>, vector<16xi32>
    %mul3A_554 = arith.constant 25 : i32
    %mul3A_555 = vector.broadcast %mul3A_554 : i32 to vector<16xi32>
    %mul3A_556 = arith.muli %select_n3A_553, %mul3A_555 : vector<16xi32>
    %sub3A_557 = arith.subi %add3A_522, %mul3A_556 : vector<16xi32>
    %jit3A_558 = arith.constant 5 : i32
    %div3A_559 = vector.broadcast %jit3A_558 : i32 to vector<16xi32>
    %div3A_560 = arith.divsi %sub3A_557, %div3A_559 : vector<16xi32>
    %sign3A_561 = arith.constant 0 : i32
    %sign3A_562 = vector.broadcast %sign3A_561 : i32 to vector<16xi32>
    %sign3A_563 = arith.cmpi sgt, %sub3A_557, %sign3A_562 : vector<16xi32>
    %sign3A_564 = arith.extui %sign3A_563 : vector<16xi1> to vector<16xi32>
    %sign3A_565 = arith.constant 0 : i32
    %sign3A_566 = vector.broadcast %sign3A_565 : i32 to vector<16xi32>
    %sign3A_567 = arith.cmpi slt, %sub3A_557, %sign3A_566 : vector<16xi32>
    %sign3A_568 = arith.extui %sign3A_567 : vector<16xi1> to vector<16xi32>
    %sign3A_569 = arith.subi %sign3A_564, %sign3A_568 : vector<16xi32>
    %sign3A_570 = arith.constant 0 : i32
    %sign3A_571 = arith.cmpi sgt, %jit3A_558, %sign3A_570 : i32
    %sign3A_572 = arith.extui %sign3A_571 : i1 to i32
    %sign3A_573 = arith.constant 0 : i32
    %sign3A_574 = arith.cmpi slt, %jit3A_558, %sign3A_573 : i32
    %sign3A_575 = arith.extui %sign3A_574 : i1 to i32
    %sign3A_576 = arith.subi %sign3A_572, %sign3A_575 : i32
    %ne3A_577 = vector.broadcast %sign3A_576 : i32 to vector<16xi32>
    %ne3A_578 = arith.cmpi ne, %sign3A_569, %ne3A_577 : vector<16xi32>
    %rem3A_579 = vector.broadcast %jit3A_558 : i32 to vector<16xi32>
    %rem3A_580 = arith.remsi %sub3A_557, %rem3A_579 : vector<16xi32>
    %ne3A_581 = arith.constant 0 : i32
    %ne3A_582 = vector.broadcast %ne3A_581 : i32 to vector<16xi32>
    %ne3A_583 = arith.cmpi ne, %rem3A_580, %ne3A_582 : vector<16xi32>
    %and3A_584 = arith.andi %ne3A_578, %ne3A_583 : vector<16xi1>
    %sub3A_585 = arith.constant 1 : i32
    %sub3A_586 = vector.broadcast %sub3A_585 : i32 to vector<16xi32>
    %sub3A_587 = arith.subi %div3A_560, %sub3A_586 : vector<16xi32>
    %select_n3A_588 = arith.select %and3A_584, %sub3A_587, %div3A_560 : vector<16xi1>, vector<16xi32>
    %mul3A_589 = arith.constant 5 : i32
    %mul3A_590 = vector.broadcast %mul3A_589 : i32 to vector<16xi32>
    %mul3A_591 = arith.muli %select_n3A_588, %mul3A_590 : vector<16xi32>
    %sub3A_592 = arith.subi %sub3A_557, %mul3A_591 : vector<16xi32>
    %add3A_593 = arith.constant 5 : i32
    %add3A_594 = vector.broadcast %add3A_593 : i32 to vector<16xi32>
    %add3A_595 = arith.addi %add3A_594, %select_n3A_588 : vector<16xi32>
    %add3A_596 = arith.constant 10 : i32
    %add3A_597 = vector.broadcast %add3A_596 : i32 to vector<16xi32>
    %add3A_598 = arith.addi %add3A_597, %sub3A_592 : vector<16xi32>
    %mul3A_599 = arith.constant 16384 : i32
    %mul3A_600 = vector.broadcast %mul3A_599 : i32 to vector<16xi32>
    %mul3A_601 = arith.muli %select_n3A_553, %mul3A_600 : vector<16xi32>
    %mul3A_602 = arith.constant 128 : i32
    %mul3A_603 = vector.broadcast %mul3A_602 : i32 to vector<16xi32>
    %mul3A_604 = arith.muli %select_n3A_588, %mul3A_603 : vector<16xi32>
    %add3A_605 = arith.addi %mul3A_601, %mul3A_604 : vector<16xi32>
    %add3A_606 = arith.addi %add3A_605, %sub3A_592 : vector<16xi32>
    %add3A_607 = arith.constant 112 : i32
    %add3A_608 = vector.broadcast %add3A_607 : i32 to vector<16xi32>
    %add3A_609 = arith.addi %iota3A, %add3A_608 : vector<16xi32>
    %jit3A_610 = arith.constant 25 : i32
    %div3A_611 = vector.broadcast %jit3A_610 : i32 to vector<16xi32>
    %div3A_612 = arith.divsi %add3A_609, %div3A_611 : vector<16xi32>
    %sign3A_613 = arith.constant 0 : i32
    %sign3A_614 = vector.broadcast %sign3A_613 : i32 to vector<16xi32>
    %sign3A_615 = arith.cmpi sgt, %add3A_609, %sign3A_614 : vector<16xi32>
    %sign3A_616 = arith.extui %sign3A_615 : vector<16xi1> to vector<16xi32>
    %sign3A_617 = arith.constant 0 : i32
    %sign3A_618 = vector.broadcast %sign3A_617 : i32 to vector<16xi32>
    %sign3A_619 = arith.cmpi slt, %add3A_609, %sign3A_618 : vector<16xi32>
    %sign3A_620 = arith.extui %sign3A_619 : vector<16xi1> to vector<16xi32>
    %sign3A_621 = arith.subi %sign3A_616, %sign3A_620 : vector<16xi32>
    %sign3A_622 = arith.constant 0 : i32
    %sign3A_623 = arith.cmpi sgt, %jit3A_610, %sign3A_622 : i32
    %sign3A_624 = arith.extui %sign3A_623 : i1 to i32
    %sign3A_625 = arith.constant 0 : i32
    %sign3A_626 = arith.cmpi slt, %jit3A_610, %sign3A_625 : i32
    %sign3A_627 = arith.extui %sign3A_626 : i1 to i32
    %sign3A_628 = arith.subi %sign3A_624, %sign3A_627 : i32
    %ne3A_629 = vector.broadcast %sign3A_628 : i32 to vector<16xi32>
    %ne3A_630 = arith.cmpi ne, %sign3A_621, %ne3A_629 : vector<16xi32>
    %rem3A_631 = vector.broadcast %jit3A_610 : i32 to vector<16xi32>
    %rem3A_632 = arith.remsi %add3A_609, %rem3A_631 : vector<16xi32>
    %ne3A_633 = arith.constant 0 : i32
    %ne3A_634 = vector.broadcast %ne3A_633 : i32 to vector<16xi32>
    %ne3A_635 = arith.cmpi ne, %rem3A_632, %ne3A_634 : vector<16xi32>
    %and3A_636 = arith.andi %ne3A_630, %ne3A_635 : vector<16xi1>
    %sub3A_637 = arith.constant 1 : i32
    %sub3A_638 = vector.broadcast %sub3A_637 : i32 to vector<16xi32>
    %sub3A_639 = arith.subi %div3A_612, %sub3A_638 : vector<16xi32>
    %select_n3A_640 = arith.select %and3A_636, %sub3A_639, %div3A_612 : vector<16xi1>, vector<16xi32>
    %mul3A_641 = arith.constant 25 : i32
    %mul3A_642 = vector.broadcast %mul3A_641 : i32 to vector<16xi32>
    %mul3A_643 = arith.muli %select_n3A_640, %mul3A_642 : vector<16xi32>
    %sub3A_644 = arith.subi %add3A_609, %mul3A_643 : vector<16xi32>
    %jit3A_645 = arith.constant 5 : i32
    %div3A_646 = vector.broadcast %jit3A_645 : i32 to vector<16xi32>
    %div3A_647 = arith.divsi %sub3A_644, %div3A_646 : vector<16xi32>
    %sign3A_648 = arith.constant 0 : i32
    %sign3A_649 = vector.broadcast %sign3A_648 : i32 to vector<16xi32>
    %sign3A_650 = arith.cmpi sgt, %sub3A_644, %sign3A_649 : vector<16xi32>
    %sign3A_651 = arith.extui %sign3A_650 : vector<16xi1> to vector<16xi32>
    %sign3A_652 = arith.constant 0 : i32
    %sign3A_653 = vector.broadcast %sign3A_652 : i32 to vector<16xi32>
    %sign3A_654 = arith.cmpi slt, %sub3A_644, %sign3A_653 : vector<16xi32>
    %sign3A_655 = arith.extui %sign3A_654 : vector<16xi1> to vector<16xi32>
    %sign3A_656 = arith.subi %sign3A_651, %sign3A_655 : vector<16xi32>
    %sign3A_657 = arith.constant 0 : i32
    %sign3A_658 = arith.cmpi sgt, %jit3A_645, %sign3A_657 : i32
    %sign3A_659 = arith.extui %sign3A_658 : i1 to i32
    %sign3A_660 = arith.constant 0 : i32
    %sign3A_661 = arith.cmpi slt, %jit3A_645, %sign3A_660 : i32
    %sign3A_662 = arith.extui %sign3A_661 : i1 to i32
    %sign3A_663 = arith.subi %sign3A_659, %sign3A_662 : i32
    %ne3A_664 = vector.broadcast %sign3A_663 : i32 to vector<16xi32>
    %ne3A_665 = arith.cmpi ne, %sign3A_656, %ne3A_664 : vector<16xi32>
    %rem3A_666 = vector.broadcast %jit3A_645 : i32 to vector<16xi32>
    %rem3A_667 = arith.remsi %sub3A_644, %rem3A_666 : vector<16xi32>
    %ne3A_668 = arith.constant 0 : i32
    %ne3A_669 = vector.broadcast %ne3A_668 : i32 to vector<16xi32>
    %ne3A_670 = arith.cmpi ne, %rem3A_667, %ne3A_669 : vector<16xi32>
    %and3A_671 = arith.andi %ne3A_665, %ne3A_670 : vector<16xi1>
    %sub3A_672 = arith.constant 1 : i32
    %sub3A_673 = vector.broadcast %sub3A_672 : i32 to vector<16xi32>
    %sub3A_674 = arith.subi %div3A_647, %sub3A_673 : vector<16xi32>
    %select_n3A_675 = arith.select %and3A_671, %sub3A_674, %div3A_647 : vector<16xi1>, vector<16xi32>
    %mul3A_676 = arith.constant 5 : i32
    %mul3A_677 = vector.broadcast %mul3A_676 : i32 to vector<16xi32>
    %mul3A_678 = arith.muli %select_n3A_675, %mul3A_677 : vector<16xi32>
    %sub3A_679 = arith.subi %sub3A_644, %mul3A_678 : vector<16xi32>
    %add3A_680 = arith.constant 5 : i32
    %add3A_681 = vector.broadcast %add3A_680 : i32 to vector<16xi32>
    %add3A_682 = arith.addi %add3A_681, %select_n3A_675 : vector<16xi32>
    %add3A_683 = arith.constant 10 : i32
    %add3A_684 = vector.broadcast %add3A_683 : i32 to vector<16xi32>
    %add3A_685 = arith.addi %add3A_684, %sub3A_679 : vector<16xi32>
    %mul3A_686 = arith.constant 16384 : i32
    %mul3A_687 = vector.broadcast %mul3A_686 : i32 to vector<16xi32>
    %mul3A_688 = arith.muli %select_n3A_640, %mul3A_687 : vector<16xi32>
    %mul3A_689 = arith.constant 128 : i32
    %mul3A_690 = vector.broadcast %mul3A_689 : i32 to vector<16xi32>
    %mul3A_691 = arith.muli %select_n3A_675, %mul3A_690 : vector<16xi32>
    %add3A_692 = arith.addi %mul3A_688, %mul3A_691 : vector<16xi32>
    %add3A_693 = arith.addi %add3A_692, %sub3A_679 : vector<16xi32>
    %jit3A_694 = arith.constant 5 : i32
    %div3A_695 = vector.broadcast %jit3A_694 : i32 to vector<16xi32>
    %div3A_696 = arith.divsi %iota3A, %div3A_695 : vector<16xi32>
    %sign3A_697 = arith.constant 0 : i32
    %sign3A_698 = vector.broadcast %sign3A_697 : i32 to vector<16xi32>
    %sign3A_699 = arith.cmpi sgt, %iota3A, %sign3A_698 : vector<16xi32>
    %sign3A_700 = arith.extui %sign3A_699 : vector<16xi1> to vector<16xi32>
    %sign3A_701 = arith.constant 0 : i32
    %sign3A_702 = vector.broadcast %sign3A_701 : i32 to vector<16xi32>
    %sign3A_703 = arith.cmpi slt, %iota3A, %sign3A_702 : vector<16xi32>
    %sign3A_704 = arith.extui %sign3A_703 : vector<16xi1> to vector<16xi32>
    %sign3A_705 = arith.subi %sign3A_700, %sign3A_704 : vector<16xi32>
    %sign3A_706 = arith.constant 0 : i32
    %sign3A_707 = arith.cmpi sgt, %jit3A_694, %sign3A_706 : i32
    %sign3A_708 = arith.extui %sign3A_707 : i1 to i32
    %sign3A_709 = arith.constant 0 : i32
    %sign3A_710 = arith.cmpi slt, %jit3A_694, %sign3A_709 : i32
    %sign3A_711 = arith.extui %sign3A_710 : i1 to i32
    %sign3A_712 = arith.subi %sign3A_708, %sign3A_711 : i32
    %ne3A_713 = vector.broadcast %sign3A_712 : i32 to vector<16xi32>
    %ne3A_714 = arith.cmpi ne, %sign3A_705, %ne3A_713 : vector<16xi32>
    %rem3A_715 = vector.broadcast %jit3A_694 : i32 to vector<16xi32>
    %rem3A_716 = arith.remsi %iota3A, %rem3A_715 : vector<16xi32>
    %ne3A_717 = arith.constant 0 : i32
    %ne3A_718 = vector.broadcast %ne3A_717 : i32 to vector<16xi32>
    %ne3A_719 = arith.cmpi ne, %rem3A_716, %ne3A_718 : vector<16xi32>
    %and3A_720 = arith.andi %ne3A_714, %ne3A_719 : vector<16xi1>
    %sub3A_721 = arith.constant 1 : i32
    %sub3A_722 = vector.broadcast %sub3A_721 : i32 to vector<16xi32>
    %sub3A_723 = arith.subi %div3A_696, %sub3A_722 : vector<16xi32>
    %select_n3A_724 = arith.select %and3A_720, %sub3A_723, %div3A_696 : vector<16xi1>, vector<16xi32>
    %sub3A_725 = arith.constant 2 : i32
    %sub3A_726 = vector.broadcast %sub3A_725 : i32 to vector<16xi32>
    %sub3A_727 = arith.subi %sub3A_726, %select_n3A_724 : vector<16xi32>
    %max3A = arith.constant 0 : i32
    %max3A_728 = vector.broadcast %max3A : i32 to vector<16xi32>
    %max3A_729 = arith.maxsi %sub3A_727, %max3A_728 : vector<16xi32>
    %mul3A_730 = arith.constant 5 : i32
    %mul3A_731 = vector.broadcast %mul3A_730 : i32 to vector<16xi32>
    %mul3A_732 = arith.muli %select_n3A_724, %mul3A_731 : vector<16xi32>
    %sub3A_733 = arith.subi %iota3A, %mul3A_732 : vector<16xi32>
    %sub3A_734 = arith.constant 2 : i32
    %sub3A_735 = vector.broadcast %sub3A_734 : i32 to vector<16xi32>
    %sub3A_736 = arith.subi %sub3A_733, %sub3A_735 : vector<16xi32>
    %convert_element_type3A = arith.sitofp %sub3A_736 : vector<16xi32> to vector<16xf32>
    %scan3A = arith.constant 0 : i32
    %scan3A_737 = arith.constant 0 : i32
    %scan3A_738 = arith.constant 634 : i32
    %scan3A_739 = arith.addi %scan3A_737, %scan3A_738 : i32
    %scan3A_740 = arith.constant 1 : i32
    scf.for %scan3A_749 = %scan3A_737 to %scan3A_739 step %scan3A_740  : i32 {
      %mul3A_750 = arith.constant 16 : i32
      %mul3A_751 = arith.muli %scan3A_749, %mul3A_750 : i32
      %swap3A_752 = arith.index_cast %mul3A_751 : i32 to index
      %swap3A_753 = tpu.vector_load %arg7[%swap3A_752] {strides = array<i32>} : memref<10144xi32, #tpu.memory_space<vmem>>, vector<16xi32>,
      tpu.vector_store %arg7[%swap3A_752], %broadcast_in_dim3A_5 {strides = array<i32>} : memref<10144xi32, #tpu.memory_space<vmem>>, vector<16xi32>,
    }
    %scan3A_741 = arith.constant 634 : i32
    %swap3A = arith.constant 65536 : index
    %swap3A_742 = tpu.vector_load %arg9[%swap3A] {strides = array<i32>} : memref<65552xf32, #tpu.memory_space<vmem>>, vector<16xf32>,
    tpu.vector_store %arg9[%swap3A], %broadcast_in_dim3A_3 {strides = array<i32>} : memref<65552xf32, #tpu.memory_space<vmem>>, vector<16xf32>,
    %scan3A_743 = arith.constant 0 : i32
    %scan3A_744 = arith.constant 0 : i32
    %scan3A_745 = arith.constant 4 : i32
    %scan3A_746 = arith.addi %scan3A_744, %scan3A_745 : i32
    %scan3A_747 = arith.constant 1 : i32
    scf.for %scan3A_749 = %scan3A_744 to %scan3A_746 step %scan3A_747  : i32 {
      "tpu.region"() ({
        %run_scoped3A = tpu.sem_alloc : memref<!tpu.dma_semaphore, #tpu.memory_space<semaphore_mem>>
        %dma_start3A = arith.constant 0 : i32
        %dma_start3A_794 = tpu.memref_slice %arg9[%dma_start3A] : memref<65552xf32, #tpu.memory_space<vmem>> -> memref<65536xf32, #tpu.memory_space<vmem>>
        %dma_start3A_795 = arith.constant 0 : i32
        %dma_start3A_796 = tpu.memref_slice %arg9[%dma_start3A_795] : memref<65552xf32, #tpu.memory_space<vmem>> -> memref<65536xf32, #tpu.memory_space<vmem>>
        tpu.enqueue_dma source(%arg4 : memref<65536xf32, #tpu.memory_space<hbm>>) target(%dma_start3A_796 : memref<65536xf32, #tpu.memory_space<vmem>>) target_semaphore(%run_scoped3A : memref<!tpu.dma_semaphore, #tpu.memory_space<semaphore_mem>>)
        %dma_wait3A = arith.constant 0 : i32
        %dma_wait3A_797 = tpu.memref_slice %arg9[%dma_wait3A] : memref<65552xf32, #tpu.memory_space<vmem>> -> memref<65536xf32, #tpu.memory_space<vmem>>
        %dma_wait3A_798 = arith.constant 0 : i32
        %dma_wait3A_799 = tpu.memref_slice %arg9[%dma_wait3A_798] : memref<65552xf32, #tpu.memory_space<vmem>> -> memref<65536xf32, #tpu.memory_space<vmem>>
        tpu.wait_dma2 semaphore(%run_scoped3A : memref<!tpu.dma_semaphore, #tpu.memory_space<semaphore_mem>>) src(%arg4 : memref<65536xf32, #tpu.memory_space<hbm>>) dst(%dma_wait3A_799 : memref<65536xf32, #tpu.memory_space<vmem>>)
        tpu.yield
      }) : () -> ()
      "tpu.region"() ({
        %run_scoped3A = tpu.sem_alloc : memref<!tpu.dma_semaphore, #tpu.memory_space<semaphore_mem>>
        %dma_start3A = arith.constant 0 : i32
        %dma_start3A_794 = tpu.memref_slice %arg3[%scan3A_749, %dma_start3A] : memref<4x10000xf32, #tpu.memory_space<hbm>> -> memref<1x10000xf32, #tpu.memory_space<hbm>>
        %dma_start3A_795 = tpu.memref_squeeze %dma_start3A_794 : memref<1x10000xf32, #tpu.memory_space<hbm>> -> memref<10000xf32, #tpu.memory_space<hbm>>
        %dma_start3A_796 = arith.constant 0 : i32
        %dma_start3A_797 = tpu.memref_slice %arg3[%scan3A_749, %dma_start3A_796] : memref<4x10000xf32, #tpu.memory_space<hbm>> -> memref<1x10000xf32, #tpu.memory_space<hbm>>
        %dma_start3A_798 = tpu.memref_squeeze %dma_start3A_797 : memref<1x10000xf32, #tpu.memory_space<hbm>> -> memref<10000xf32, #tpu.memory_space<hbm>>
        tpu.enqueue_dma source(%dma_start3A_798 : memref<10000xf32, #tpu.memory_space<hbm>>) target(%arg6 : memref<10000xf32, #tpu.memory_space<vmem>>) target_semaphore(%run_scoped3A : memref<!tpu.dma_semaphore, #tpu.memory_space<semaphore_mem>>)
        %dma_wait3A = arith.constant 0 : i32
        %dma_wait3A_799 = tpu.memref_slice %arg3[%scan3A_749, %dma_wait3A] : memref<4x10000xf32, #tpu.memory_space<hbm>> -> memref<1x10000xf32, #tpu.memory_space<hbm>>
        %dma_wait3A_800 = tpu.memref_squeeze %dma_wait3A_799 : memref<1x10000xf32, #tpu.memory_space<hbm>> -> memref<10000xf32, #tpu.memory_space<hbm>>
        %dma_wait3A_801 = arith.constant 0 : i32
        %dma_wait3A_802 = tpu.memref_slice %arg3[%scan3A_749, %dma_wait3A_801] : memref<4x10000xf32, #tpu.memory_space<hbm>> -> memref<1x10000xf32, #tpu.memory_space<hbm>>
        %dma_wait3A_803 = tpu.memref_squeeze %dma_wait3A_802 : memref<1x10000xf32, #tpu.memory_space<hbm>> -> memref<10000xf32, #tpu.memory_space<hbm>>
        tpu.wait_dma2 semaphore(%run_scoped3A : memref<!tpu.dma_semaphore, #tpu.memory_space<semaphore_mem>>) src(%dma_wait3A_803 : memref<10000xf32, #tpu.memory_space<hbm>>) dst(%arg6 : memref<10000xf32, #tpu.memory_space<vmem>>)
        tpu.yield
      }) : () -> ()
      %parallel_loop3A = arith.constant 0 : i32
      %parallel_loop3A_750 = arith.constant 625 : i32
      %parallel_loop3A_751 = arith.constant 1 : i32
      %parallel_loop3A_752 = arith.constant 0 : i32
      %parallel_loop3A_753 = scf.for %parallel_loop3A_794 = %parallel_loop3A to %parallel_loop3A_750 step %parallel_loop3A_751 iter_args(%parallel_loop3A_795 = %parallel_loop3A_752) -> (i32)  : i32 {
        %parallel_loop3A_796 = arith.constant 16 : i32
        %parallel_loop3A_797 = arith.muli %parallel_loop3A_794, %parallel_loop3A_796 : i32
        %parallel_loop3A_798 = arith.index_cast %parallel_loop3A_797 : i32 to index
        %parallel_loop3A_799 = tpu.vector_load %arg6[%parallel_loop3A_798] {strides = array<i32>} : memref<10000xf32, #tpu.memory_space<vmem>>, vector<16xf32>,
        %parallel_loop3A_800 = arith.fptosi %parallel_loop3A_799 : vector<16xf32> to vector<16xi32>
        %parallel_loop3A_801 = arith.constant 2 : i32
        %parallel_loop3A_802 = arith.subi %mul3A_2, %parallel_loop3A_801 : i32
        %parallel_loop3A_803 = vector.broadcast %parallel_loop3A_802 : i32 to vector<16xi32>
        %parallel_loop3A_804 = arith.subi %parallel_loop3A_800, %parallel_loop3A_803 : vector<16xi32>
        %parallel_loop3A_805 = arith.constant 4 : i32
        %parallel_loop3A_806 = arith.addi %mul3A_2, %parallel_loop3A_805 : i32
        %parallel_loop3A_807 = arith.constant 1 : i32
        %parallel_loop3A_808 = arith.addi %parallel_loop3A_806, %parallel_loop3A_807 : i32
        %parallel_loop3A_809 = vector.broadcast %parallel_loop3A_808 : i32 to vector<16xi32>
        %parallel_loop3A_810 = arith.subi %parallel_loop3A_809, %parallel_loop3A_800 : vector<16xi32>
        %parallel_loop3A_811 = arith.minsi %parallel_loop3A_804, %parallel_loop3A_810 : vector<16xi32>
        %parallel_loop3A_812 = arith.constant 31 : i32
        %parallel_loop3A_813 = vector.broadcast %parallel_loop3A_812 : i32 to vector<16xi32>
        %parallel_loop3A_814 = arith.shrui %parallel_loop3A_811, %parallel_loop3A_813 : vector<16xi32>
        %parallel_loop3A_815 = arith.constant 1 : i32
        %parallel_loop3A_816 = vector.broadcast %parallel_loop3A_815 : i32 to vector<16xi32>
        %parallel_loop3A_817 = arith.subi %parallel_loop3A_816, %parallel_loop3A_814 : vector<16xi32>
        %parallel_loop3A_818 = arith.constant true
        %parallel_loop3A_819 = vector.broadcast %parallel_loop3A_818 : i1 to vector<16xi1>
        %parallel_loop3A_820 = tpu.scan <sum>, %parallel_loop3A_817 masked %parallel_loop3A_819 : vector<16xi32>, vector<16xi1> -> vector<16xi32>
        %parallel_loop3A_821 = vector.broadcast %parallel_loop3A_795 : i32 to vector<16xi32>
        %parallel_loop3A_822 = arith.addi %parallel_loop3A_821, %parallel_loop3A_820 : vector<16xi32>
        %parallel_loop3A_823 = arith.constant 1 : i32
        %parallel_loop3A_824 = vector.broadcast %parallel_loop3A_823 : i32 to vector<16xi32>
        %parallel_loop3A_825 = arith.subi %parallel_loop3A_822, %parallel_loop3A_824 : vector<16xi32>
        %parallel_loop3A_826 = arith.muli %parallel_loop3A_825, %parallel_loop3A_817 : vector<16xi32>
        %parallel_loop3A_827 = arith.constant 1 : i32
        %parallel_loop3A_828 = vector.broadcast %parallel_loop3A_827 : i32 to vector<16xi32>
        %parallel_loop3A_829 = arith.subi %parallel_loop3A_828, %parallel_loop3A_817 : vector<16xi32>
        %parallel_loop3A_830 = arith.constant 10128 : i32
        %parallel_loop3A_831 = vector.broadcast %parallel_loop3A_830 : i32 to vector<16xi32>
        %parallel_loop3A_832 = arith.muli %parallel_loop3A_831, %parallel_loop3A_829 : vector<16xi32>
        %parallel_loop3A_833 = arith.addi %parallel_loop3A_826, %parallel_loop3A_832 : vector<16xi32>
        %parallel_loop3A_834 = arith.constant 16 : i32
        %parallel_loop3A_835 = arith.muli %parallel_loop3A_794, %parallel_loop3A_834 : i32
        %parallel_loop3A_836 = arith.constant 10000 : i32
        %parallel_loop3A_837 = arith.muli %scan3A_749, %parallel_loop3A_836 : i32
        %parallel_loop3A_838 = arith.addi %parallel_loop3A_835, %parallel_loop3A_837 : i32
        %parallel_loop3A_839 = vector.broadcast %parallel_loop3A_838 : i32 to vector<16xi32>
        %parallel_loop3A_840 = arith.addi %iota3A, %parallel_loop3A_839 : vector<16xi32>
        tpu.vector_store_idx %arg7[%parallel_loop3A_833], %parallel_loop3A_840 : memref<10144xi32, #tpu.memory_space<vmem>>[vector<16xi32>], vector<16xi32>,
        %parallel_loop3A_841 = vector.extract_strided_slice %parallel_loop3A_820 {offsets = [15], sizes = [1], strides = [1]} : vector<16xi32> to vector<1xi32>
        %parallel_loop3A_842 = vector.extract %parallel_loop3A_841[0] : i32 from vector<1xi32>
        %parallel_loop3A_843 = arith.addi %parallel_loop3A_795, %parallel_loop3A_842 : i32
        scf.yield %parallel_loop3A_843 : i32
      } {sc.loop_unroll_factor = 2 : i64, sc.parallel_access}
      %add3A_754 = arith.constant 127 : i32
      %add3A_755 = arith.addi %parallel_loop3A_753, %add3A_754 : i32
      %jit3A_756 = arith.constant 128 : i32
      %div3A_757 = arith.divsi %add3A_755, %jit3A_756 : i32
      %sign3A_758 = arith.constant 0 : i32
      %sign3A_759 = arith.cmpi sgt, %add3A_755, %sign3A_758 : i32
      %sign3A_760 = arith.extui %sign3A_759 : i1 to i32
      %sign3A_761 = arith.constant 0 : i32
      %sign3A_762 = arith.cmpi slt, %add3A_755, %sign3A_761 : i32
      %sign3A_763 = arith.extui %sign3A_762 : i1 to i32
      %sign3A_764 = arith.subi %sign3A_760, %sign3A_763 : i32
      %sign3A_765 = arith.constant 0 : i32
      %sign3A_766 = arith.cmpi sgt, %jit3A_756, %sign3A_765 : i32
      %sign3A_767 = arith.extui %sign3A_766 : i1 to i32
      %sign3A_768 = arith.constant 0 : i32
      %sign3A_769 = arith.cmpi slt, %jit3A_756, %sign3A_768 : i32
      %sign3A_770 = arith.extui %sign3A_769 : i1 to i32
      %sign3A_771 = arith.subi %sign3A_767, %sign3A_770 : i32
      %ne3A_772 = arith.cmpi ne, %sign3A_764, %sign3A_771 : i32
      %rem3A_773 = arith.remsi %add3A_755, %jit3A_756 : i32
      %ne3A_774 = arith.constant 0 : i32
      %ne3A_775 = arith.cmpi ne, %rem3A_773, %ne3A_774 : i32
      %and3A_776 = arith.andi %ne3A_772, %ne3A_775 : i1
      %sub3A_777 = arith.constant 1 : i32
      %sub3A_778 = arith.subi %div3A_757, %sub3A_777 : i32
      %select_n3A_779 = arith.select %and3A_776, %sub3A_778, %div3A_757 : i32
      %while3A = arith.constant 0 : i32
      %while3A_780 = arith.constant 0 : i32
      "tpu.trace_start"() <{level = 10 : i32, message = "groups"}> : () -> ()
      %while3A_781 = arith.subi %select_n3A_779, %while3A_780 : i32
      %while3A_782 = arith.addi %while3A_780, %while3A_781 : i32
      %while3A_783 = arith.constant 1 : i32
      %while3A_784 = arith.divsi %while3A_781, %while3A_783 : i32
      %while3A_785 = arith.muli %while3A_784, %while3A_783 : i32
      %while3A_786 = arith.addi %while3A_780, %while3A_785 : i32
      %while3A_787 = arith.constant 1 : i32
      scf.for %while3A_794 = %while3A_780 to %while3A_786 step %while3A_787  : i32 {
        %mul3A_795 = arith.constant 128 : i32
        %mul3A_796 = arith.muli %while3A_794, %mul3A_795 : i32
        "tpu.region"() ({
          %run_scoped3A = tpu.sem_alloc : memref<!tpu.dma_semaphore, #tpu.memory_space<semaphore_mem>>
          %dma_start3A = tpu.memref_slice %arg7[%mul3A_796] : memref<10144xi32, #tpu.memory_space<vmem>> -> memref<128xi32, #tpu.memory_space<vmem>>
          %dma_start3A_803 = arith.constant 0 : i32
          %dma_start3A_804 = arith.constant 0 : i32
          %dma_start3A_805 = tpu.memref_slice %arg2[%dma_start3A_803, %dma_start3A_804] : memref<40000x128xf32, #tpu.memory_space<hbm>> -> memref<40000x128xf32, #tpu.memory_space<hbm>>
          tpu.enqueue_indirect_dma source(%dma_start3A_805 : memref<40000x128xf32, #tpu.memory_space<hbm>>) target(%arg8 : memref<128x128xf32, #tpu.memory_space<vmem>>) offsets(%dma_start3A : memref<128xi32, #tpu.memory_space<vmem>>) semaphore(%run_scoped3A : memref<!tpu.dma_semaphore, #tpu.memory_space<semaphore_mem>>)
          %dma_wait3A = tpu.memref_slice %arg7[%mul3A_796] : memref<10144xi32, #tpu.memory_space<vmem>> -> memref<128xi32, #tpu.memory_space<vmem>>
          %dma_wait3A_806 = arith.constant 0 : i32
          %dma_wait3A_807 = arith.constant 0 : i32
          %dma_wait3A_808 = tpu.memref_slice %arg2[%dma_wait3A_806, %dma_wait3A_807] : memref<40000x128xf32, #tpu.memory_space<hbm>> -> memref<40000x128xf32, #tpu.memory_space<hbm>>
          tpu.wait_indirect_dma semaphore(%run_scoped3A : memref<!tpu.dma_semaphore, #tpu.memory_space<semaphore_mem>>) src(%dma_wait3A_808 : memref<40000x128xf32, #tpu.memory_space<hbm>>) dst(%arg8 : memref<128x128xf32, #tpu.memory_space<vmem>>)
          tpu.yield
        }) : () -> ()
        %mul3A_797 = arith.constant 128 : i32
        %mul3A_798 = arith.muli %while3A_794, %mul3A_797 : i32
        %sub3A_799 = arith.subi %parallel_loop3A_753, %mul3A_798 : i32
        %min3A = arith.constant 128 : i32
        %min3A_800 = arith.minsi %min3A, %sub3A_799 : i32
        %parallel_loop3A_801 = arith.constant 0 : i32
        %parallel_loop3A_802 = arith.constant 1 : i32
        scf.for %parallel_loop3A_803 = %parallel_loop3A_801 to %min3A_800 step %parallel_loop3A_802  : i32 {
          %parallel_loop3A_804 = vector.broadcast %parallel_loop3A_803 : i32 to vector<16xi32>
          %parallel_loop3A_805 = arith.index_cast %parallel_loop3A_803 : i32 to index
          %parallel_loop3A_806 = arith.constant 0 : index
          %parallel_loop3A_807 = tpu.vector_load %arg8[%parallel_loop3A_805, %parallel_loop3A_806] {strides = array<i32>} : memref<128x128xf32, #tpu.memory_space<vmem>>, vector<16xf32>,
          %parallel_loop3A_808 = arith.fptosi %parallel_loop3A_807 : vector<16xf32> to vector<16xi32>
          %parallel_loop3A_809 = arith.sitofp %parallel_loop3A_808 : vector<16xi32> to vector<16xf32>
          %parallel_loop3A_810 = arith.subf %parallel_loop3A_807, %parallel_loop3A_809 : vector<16xf32>
          %parallel_loop3A_811 = vector.shape_cast %max3A_729 : vector<16xi32> to vector<16x1xi32>
          %parallel_loop3A_812 = vector.shape_cast %parallel_loop3A_811 : vector<16x1xi32> to vector<16xi32>
          %parallel_loop3A_813 = tpu.dynamic_gather %parallel_loop3A_810[%parallel_loop3A_812] in [0] : vector<16xf32>, vector<16xi32> -> vector<16xf32>
          %parallel_loop3A_814 = arith.subf %parallel_loop3A_813, %convert_element_type3A : vector<16xf32>
          %parallel_loop3A_815 = vector.bitcast %parallel_loop3A_814 : vector<16xf32> to vector<16xi32>
          %parallel_loop3A_816 = arith.constant 32767 : i32
          %parallel_loop3A_817 = vector.broadcast %parallel_loop3A_816 : i32 to vector<16xi32>
          %parallel_loop3A_818 = arith.addi %parallel_loop3A_815, %parallel_loop3A_817 : vector<16xi32>
          %parallel_loop3A_819 = arith.constant 16 : i32
          %parallel_loop3A_820 = vector.broadcast %parallel_loop3A_819 : i32 to vector<16xi32>
          %parallel_loop3A_821 = arith.shrui %parallel_loop3A_815, %parallel_loop3A_820 : vector<16xi32>
          %parallel_loop3A_822 = arith.constant 1 : i32
          %parallel_loop3A_823 = vector.broadcast %parallel_loop3A_822 : i32 to vector<16xi32>
          %parallel_loop3A_824 = arith.andi %parallel_loop3A_821, %parallel_loop3A_823 : vector<16xi32>
          %parallel_loop3A_825 = arith.addi %parallel_loop3A_818, %parallel_loop3A_824 : vector<16xi32>
          %parallel_loop3A_826 = arith.constant -65536 : i32
          %parallel_loop3A_827 = vector.broadcast %parallel_loop3A_826 : i32 to vector<16xi32>
          %parallel_loop3A_828 = arith.andi %parallel_loop3A_825, %parallel_loop3A_827 : vector<16xi32>
          %parallel_loop3A_829 = vector.bitcast %parallel_loop3A_828 : vector<16xi32> to vector<16xf32>
          %parallel_loop3A_830 = arith.mulf %parallel_loop3A_829, %parallel_loop3A_829 : vector<16xf32>
          %parallel_loop3A_831 = arith.constant 3 : i32
          %parallel_loop3A_832 = vector.broadcast %parallel_loop3A_831 : i32 to vector<16xi32>
          %parallel_loop3A_833 = arith.addi %broadcast_in_dim3A_5, %parallel_loop3A_832 : vector<16xi32>
          %parallel_loop3A_834 = vector.shape_cast %parallel_loop3A_833 : vector<16xi32> to vector<16x1xi32>
          %parallel_loop3A_835 = vector.shape_cast %parallel_loop3A_834 : vector<16x1xi32> to vector<16xi32>
          %parallel_loop3A_836 = tpu.dynamic_gather %parallel_loop3A_807[%parallel_loop3A_835] in [0] : vector<16xf32>, vector<16xi32> -> vector<16xf32>
          %parallel_loop3A_837 = arith.constant 4 : i32
          %parallel_loop3A_838 = vector.broadcast %parallel_loop3A_837 : i32 to vector<16xi32>
          %parallel_loop3A_839 = arith.addi %broadcast_in_dim3A_5, %parallel_loop3A_838 : vector<16xi32>
          %parallel_loop3A_840 = vector.shape_cast %parallel_loop3A_839 : vector<16xi32> to vector<16x1xi32>
          %parallel_loop3A_841 = vector.shape_cast %parallel_loop3A_840 : vector<16x1xi32> to vector<16xi32>
          %parallel_loop3A_842 = tpu.dynamic_gather %parallel_loop3A_807[%parallel_loop3A_841] in [0] : vector<16xf32>, vector<16xi32> -> vector<16xf32>
          %parallel_loop3A_843 = arith.mulf %parallel_loop3A_836, %parallel_loop3A_842 : vector<16xf32>
          %parallel_loop3A_844 = vector.shape_cast %broadcast_in_dim3A_5 : vector<16xi32> to vector<16x1xi32>
          %parallel_loop3A_845 = vector.shape_cast %parallel_loop3A_844 : vector<16x1xi32> to vector<16xi32>
          %parallel_loop3A_846 = tpu.dynamic_gather %parallel_loop3A_808[%parallel_loop3A_845] in [0] : vector<16xi32>, vector<16xi32> -> vector<16xi32>
          %parallel_loop3A_847 = arith.constant 1 : i32
          %parallel_loop3A_848 = vector.broadcast %parallel_loop3A_847 : i32 to vector<16xi32>
          %parallel_loop3A_849 = arith.addi %broadcast_in_dim3A_5, %parallel_loop3A_848 : vector<16xi32>
          %parallel_loop3A_850 = vector.shape_cast %parallel_loop3A_849 : vector<16xi32> to vector<16x1xi32>
          %parallel_loop3A_851 = vector.shape_cast %parallel_loop3A_850 : vector<16x1xi32> to vector<16xi32>
          %parallel_loop3A_852 = tpu.dynamic_gather %parallel_loop3A_808[%parallel_loop3A_851] in [0] : vector<16xi32>, vector<16xi32> -> vector<16xi32>
          %parallel_loop3A_853 = arith.constant 2 : i32
          %parallel_loop3A_854 = vector.broadcast %parallel_loop3A_853 : i32 to vector<16xi32>
          %parallel_loop3A_855 = arith.addi %broadcast_in_dim3A_5, %parallel_loop3A_854 : vector<16xi32>
          %parallel_loop3A_856 = vector.shape_cast %parallel_loop3A_855 : vector<16xi32> to vector<16x1xi32>
          %parallel_loop3A_857 = vector.shape_cast %parallel_loop3A_856 : vector<16x1xi32> to vector<16xi32>
          %parallel_loop3A_858 = tpu.dynamic_gather %parallel_loop3A_808[%parallel_loop3A_857] in [0] : vector<16xi32>, vector<16xi32> -> vector<16xi32>
          %parallel_loop3A_859 = arith.constant 2 : i32
          %parallel_loop3A_860 = arith.addi %mul3A_2, %parallel_loop3A_859 : i32
          %parallel_loop3A_861 = vector.broadcast %parallel_loop3A_860 : i32 to vector<16xi32>
          %parallel_loop3A_862 = arith.subi %parallel_loop3A_858, %parallel_loop3A_861 : vector<16xi32>
          %parallel_loop3A_863 = arith.constant 16384 : i32
          %parallel_loop3A_864 = vector.broadcast %parallel_loop3A_863 : i32 to vector<16xi32>
          %parallel_loop3A_865 = arith.muli %parallel_loop3A_862, %parallel_loop3A_864 : vector<16xi32>
          %parallel_loop3A_866 = arith.constant 128 : i32
          %parallel_loop3A_867 = vector.broadcast %parallel_loop3A_866 : i32 to vector<16xi32>
          %parallel_loop3A_868 = arith.muli %parallel_loop3A_852, %parallel_loop3A_867 : vector<16xi32>
          %parallel_loop3A_869 = arith.addi %parallel_loop3A_865, %parallel_loop3A_868 : vector<16xi32>
          %parallel_loop3A_870 = arith.addi %parallel_loop3A_869, %parallel_loop3A_846 : vector<16xi32>
          %parallel_loop3A_871 = arith.constant 258 : i32
          %parallel_loop3A_872 = vector.broadcast %parallel_loop3A_871 : i32 to vector<16xi32>
          %parallel_loop3A_873 = arith.subi %parallel_loop3A_870, %parallel_loop3A_872 : vector<16xi32>
          %parallel_loop3A_874 = vector.shape_cast %select_n3A : vector<16xi32> to vector<16x1xi32>
          %parallel_loop3A_875 = vector.shape_cast %parallel_loop3A_874 : vector<16x1xi32> to vector<16xi32>
          %parallel_loop3A_876 = tpu.dynamic_gather %parallel_loop3A_830[%parallel_loop3A_875] in [0] : vector<16xf32>, vector<16xi32> -> vector<16xf32>
          %parallel_loop3A_877 = vector.shape_cast %add3A_73 : vector<16xi32> to vector<16x1xi32>
          %parallel_loop3A_878 = vector.shape_cast %parallel_loop3A_877 : vector<16x1xi32> to vector<16xi32>
          %parallel_loop3A_879 = tpu.dynamic_gather %parallel_loop3A_830[%parallel_loop3A_878] in [0] : vector<16xf32>, vector<16xi32> -> vector<16xf32>
          %parallel_loop3A_880 = arith.addf %parallel_loop3A_876, %parallel_loop3A_879 : vector<16xf32>
          %parallel_loop3A_881 = vector.shape_cast %add3A_76 : vector<16xi32> to vector<16x1xi32>
          %parallel_loop3A_882 = vector.shape_cast %parallel_loop3A_881 : vector<16x1xi32> to vector<16xi32>
          %parallel_loop3A_883 = tpu.dynamic_gather %parallel_loop3A_830[%parallel_loop3A_882] in [0] : vector<16xf32>, vector<16xi32> -> vector<16xf32>
          %parallel_loop3A_884 = arith.addf %parallel_loop3A_880, %parallel_loop3A_883 : vector<16xf32>
          %parallel_loop3A_885 = arith.constant 9.99999996E-13 : f32
          %parallel_loop3A_886 = vector.broadcast %parallel_loop3A_885 : f32 to vector<16xf32>
          %parallel_loop3A_887 = arith.maximumf %parallel_loop3A_884, %parallel_loop3A_886 : vector<16xf32>
          %parallel_loop3A_888 = vector.bitcast %parallel_loop3A_887 : vector<16xf32> to vector<16xi32>
          %parallel_loop3A_889 = arith.constant 1 : i32
          %parallel_loop3A_890 = vector.broadcast %parallel_loop3A_889 : i32 to vector<16xi32>
          %parallel_loop3A_891 = arith.shrui %parallel_loop3A_888, %parallel_loop3A_890 : vector<16xi32>
          %parallel_loop3A_892 = arith.constant 1597463007 : i32
          %parallel_loop3A_893 = vector.broadcast %parallel_loop3A_892 : i32 to vector<16xi32>
          %parallel_loop3A_894 = arith.subi %parallel_loop3A_893, %parallel_loop3A_891 : vector<16xi32>
          %parallel_loop3A_895 = vector.bitcast %parallel_loop3A_894 : vector<16xi32> to vector<16xf32>
          %parallel_loop3A_896 = arith.constant -5.000000e-01 : f32
          %parallel_loop3A_897 = vector.broadcast %parallel_loop3A_896 : f32 to vector<16xf32>
          %parallel_loop3A_898 = arith.mulf %parallel_loop3A_897, %parallel_loop3A_887 : vector<16xf32>
          %parallel_loop3A_899 = arith.mulf %parallel_loop3A_898, %parallel_loop3A_895 : vector<16xf32>
          %parallel_loop3A_900 = arith.mulf %parallel_loop3A_899, %parallel_loop3A_895 : vector<16xf32>
          %parallel_loop3A_901 = arith.constant 1.500000e+00 : f32
          %parallel_loop3A_902 = vector.broadcast %parallel_loop3A_901 : f32 to vector<16xf32>
          %parallel_loop3A_903 = arith.addf %parallel_loop3A_902, %parallel_loop3A_900 : vector<16xf32>
          %parallel_loop3A_904 = arith.mulf %parallel_loop3A_895, %parallel_loop3A_903 : vector<16xf32>
          %parallel_loop3A_905 = arith.mulf %parallel_loop3A_898, %parallel_loop3A_904 : vector<16xf32>
          %parallel_loop3A_906 = arith.mulf %parallel_loop3A_905, %parallel_loop3A_904 : vector<16xf32>
          %parallel_loop3A_907 = arith.constant 1.500000e+00 : f32
          %parallel_loop3A_908 = vector.broadcast %parallel_loop3A_907 : f32 to vector<16xf32>
          %parallel_loop3A_909 = arith.addf %parallel_loop3A_908, %parallel_loop3A_906 : vector<16xf32>
          %parallel_loop3A_910 = arith.mulf %parallel_loop3A_904, %parallel_loop3A_909 : vector<16xf32>
          %parallel_loop3A_911 = arith.mulf %parallel_loop3A_887, %parallel_loop3A_910 : vector<16xf32>
          %parallel_loop3A_912 = arith.constant 1.000000e+01 : f32
          %parallel_loop3A_913 = vector.broadcast %parallel_loop3A_912 : f32 to vector<16xf32>
          %parallel_loop3A_914 = arith.mulf %parallel_loop3A_911, %parallel_loop3A_913 : vector<16xf32>
          %parallel_loop3A_915 = arith.fptosi %parallel_loop3A_914 : vector<16xf32> to vector<16xi32>
          %parallel_loop3A_916 = arith.sitofp %parallel_loop3A_915 : vector<16xi32> to vector<16xf32>
          %parallel_loop3A_917 = arith.subf %parallel_loop3A_914, %parallel_loop3A_916 : vector<16xf32>
          %parallel_loop3A_918 = arith.constant 64 : i32
          %parallel_loop3A_919 = vector.broadcast %parallel_loop3A_918 : i32 to vector<16xi32>
          %parallel_loop3A_920 = arith.addi %parallel_loop3A_915, %parallel_loop3A_919 : vector<16xi32>
          %parallel_loop3A_921 = tpu.vector_load_idx %arg8[%parallel_loop3A_804, %parallel_loop3A_920] : memref<128x128xf32, #tpu.memory_space<vmem>>[vector<16xi32>, vector<16xi32>], vector<16xf32>,
          %parallel_loop3A_922 = arith.constant 65 : i32
          %parallel_loop3A_923 = vector.broadcast %parallel_loop3A_922 : i32 to vector<16xi32>
          %parallel_loop3A_924 = arith.addi %parallel_loop3A_915, %parallel_loop3A_923 : vector<16xi32>
          %parallel_loop3A_925 = tpu.vector_load_idx %arg8[%parallel_loop3A_804, %parallel_loop3A_924] : memref<128x128xf32, #tpu.memory_space<vmem>>[vector<16xi32>, vector<16xi32>], vector<16xf32>,
          %parallel_loop3A_926 = arith.subf %parallel_loop3A_925, %parallel_loop3A_921 : vector<16xf32>
          %parallel_loop3A_927 = arith.mulf %parallel_loop3A_917, %parallel_loop3A_926 : vector<16xf32>
          %parallel_loop3A_928 = arith.addf %parallel_loop3A_921, %parallel_loop3A_927 : vector<16xf32>
          %parallel_loop3A_929 = arith.mulf %parallel_loop3A_928, %parallel_loop3A_843 : vector<16xf32>
          %parallel_loop3A_930 = arith.addi %parallel_loop3A_862, %select_n3A : vector<16xi32>
          %parallel_loop3A_931 = arith.constant 3 : i32
          %parallel_loop3A_932 = vector.broadcast %parallel_loop3A_931 : i32 to vector<16xi32>
          %parallel_loop3A_933 = arith.subi %parallel_loop3A_932, %parallel_loop3A_930 : vector<16xi32>
          %parallel_loop3A_934 = arith.ori %parallel_loop3A_930, %parallel_loop3A_933 : vector<16xi32>
          %parallel_loop3A_935 = arith.constant 31 : i32
          %parallel_loop3A_936 = vector.broadcast %parallel_loop3A_935 : i32 to vector<16xi32>
          %parallel_loop3A_937 = arith.shrui %parallel_loop3A_934, %parallel_loop3A_936 : vector<16xi32>
          %parallel_loop3A_938 = arith.constant 1 : i32
          %parallel_loop3A_939 = vector.broadcast %parallel_loop3A_938 : i32 to vector<16xi32>
          %parallel_loop3A_940 = arith.subi %parallel_loop3A_939, %parallel_loop3A_937 : vector<16xi32>
          %parallel_loop3A_941 = arith.addi %parallel_loop3A_873, %add3A_84 : vector<16xi32>
          %parallel_loop3A_942 = arith.muli %parallel_loop3A_941, %parallel_loop3A_940 : vector<16xi32>
          %parallel_loop3A_943 = arith.constant 1 : i32
          %parallel_loop3A_944 = vector.broadcast %parallel_loop3A_943 : i32 to vector<16xi32>
          %parallel_loop3A_945 = arith.subi %parallel_loop3A_944, %parallel_loop3A_940 : vector<16xi32>
          %parallel_loop3A_946 = arith.constant 65536 : i32
          %parallel_loop3A_947 = vector.broadcast %parallel_loop3A_946 : i32 to vector<16xi32>
          %parallel_loop3A_948 = arith.muli %parallel_loop3A_947, %parallel_loop3A_945 : vector<16xi32>
          %parallel_loop3A_949 = arith.addi %parallel_loop3A_942, %parallel_loop3A_948 : vector<16xi32>
          %parallel_loop3A_950 = arith.sitofp %parallel_loop3A_940 : vector<16xi32> to vector<16xf32>
          %parallel_loop3A_951 = arith.mulf %parallel_loop3A_929, %parallel_loop3A_950 : vector<16xf32>
          tpu.vector_store_idx %arg9[%parallel_loop3A_949], %parallel_loop3A_951 {add = true} : memref<65552xf32, #tpu.memory_space<vmem>>[vector<16xi32>], vector<16xf32>,
          %parallel_loop3A_952 = vector.shape_cast %select_n3A_118 : vector<16xi32> to vector<16x1xi32>
          %parallel_loop3A_953 = vector.shape_cast %parallel_loop3A_952 : vector<16x1xi32> to vector<16xi32>
          %parallel_loop3A_954 = tpu.dynamic_gather %parallel_loop3A_830[%parallel_loop3A_953] in [0] : vector<16xf32>, vector<16xi32> -> vector<16xf32>
          %parallel_loop3A_955 = vector.shape_cast %add3A_160 : vector<16xi32> to vector<16x1xi32>
          %parallel_loop3A_956 = vector.shape_cast %parallel_loop3A_955 : vector<16x1xi32> to vector<16xi32>
          %parallel_loop3A_957 = tpu.dynamic_gather %parallel_loop3A_830[%parallel_loop3A_956] in [0] : vector<16xf32>, vector<16xi32> -> vector<16xf32>
          %parallel_loop3A_958 = arith.addf %parallel_loop3A_954, %parallel_loop3A_957 : vector<16xf32>
          %parallel_loop3A_959 = vector.shape_cast %add3A_163 : vector<16xi32> to vector<16x1xi32>
          %parallel_loop3A_960 = vector.shape_cast %parallel_loop3A_959 : vector<16x1xi32> to vector<16xi32>
          %parallel_loop3A_961 = tpu.dynamic_gather %parallel_loop3A_830[%parallel_loop3A_960] in [0] : vector<16xf32>, vector<16xi32> -> vector<16xf32>
          %parallel_loop3A_962 = arith.addf %parallel_loop3A_958, %parallel_loop3A_961 : vector<16xf32>
          %parallel_loop3A_963 = arith.constant 9.99999996E-13 : f32
          %parallel_loop3A_964 = vector.broadcast %parallel_loop3A_963 : f32 to vector<16xf32>
          %parallel_loop3A_965 = arith.maximumf %parallel_loop3A_962, %parallel_loop3A_964 : vector<16xf32>
          %parallel_loop3A_966 = vector.bitcast %parallel_loop3A_965 : vector<16xf32> to vector<16xi32>
          %parallel_loop3A_967 = arith.constant 1 : i32
          %parallel_loop3A_968 = vector.broadcast %parallel_loop3A_967 : i32 to vector<16xi32>
          %parallel_loop3A_969 = arith.shrui %parallel_loop3A_966, %parallel_loop3A_968 : vector<16xi32>
          %parallel_loop3A_970 = arith.constant 1597463007 : i32
          %parallel_loop3A_971 = vector.broadcast %parallel_loop3A_970 : i32 to vector<16xi32>
          %parallel_loop3A_972 = arith.subi %parallel_loop3A_971, %parallel_loop3A_969 : vector<16xi32>
          %parallel_loop3A_973 = vector.bitcast %parallel_loop3A_972 : vector<16xi32> to vector<16xf32>
          %parallel_loop3A_974 = arith.constant -5.000000e-01 : f32
          %parallel_loop3A_975 = vector.broadcast %parallel_loop3A_974 : f32 to vector<16xf32>
          %parallel_loop3A_976 = arith.mulf %parallel_loop3A_975, %parallel_loop3A_965 : vector<16xf32>
          %parallel_loop3A_977 = arith.mulf %parallel_loop3A_976, %parallel_loop3A_973 : vector<16xf32>
          %parallel_loop3A_978 = arith.mulf %parallel_loop3A_977, %parallel_loop3A_973 : vector<16xf32>
          %parallel_loop3A_979 = arith.constant 1.500000e+00 : f32
          %parallel_loop3A_980 = vector.broadcast %parallel_loop3A_979 : f32 to vector<16xf32>
          %parallel_loop3A_981 = arith.addf %parallel_loop3A_980, %parallel_loop3A_978 : vector<16xf32>
          %parallel_loop3A_982 = arith.mulf %parallel_loop3A_973, %parallel_loop3A_981 : vector<16xf32>
          %parallel_loop3A_983 = arith.mulf %parallel_loop3A_976, %parallel_loop3A_982 : vector<16xf32>
          %parallel_loop3A_984 = arith.mulf %parallel_loop3A_983, %parallel_loop3A_982 : vector<16xf32>
          %parallel_loop3A_985 = arith.constant 1.500000e+00 : f32
          %parallel_loop3A_986 = vector.broadcast %parallel_loop3A_985 : f32 to vector<16xf32>
          %parallel_loop3A_987 = arith.addf %parallel_loop3A_986, %parallel_loop3A_984 : vector<16xf32>
          %parallel_loop3A_988 = arith.mulf %parallel_loop3A_982, %parallel_loop3A_987 : vector<16xf32>
          %parallel_loop3A_989 = arith.mulf %parallel_loop3A_965, %parallel_loop3A_988 : vector<16xf32>
          %parallel_loop3A_990 = arith.constant 1.000000e+01 : f32
          %parallel_loop3A_991 = vector.broadcast %parallel_loop3A_990 : f32 to vector<16xf32>
          %parallel_loop3A_992 = arith.mulf %parallel_loop3A_989, %parallel_loop3A_991 : vector<16xf32>
          %parallel_loop3A_993 = arith.fptosi %parallel_loop3A_992 : vector<16xf32> to vector<16xi32>
          %parallel_loop3A_994 = arith.sitofp %parallel_loop3A_993 : vector<16xi32> to vector<16xf32>
          %parallel_loop3A_995 = arith.subf %parallel_loop3A_992, %parallel_loop3A_994 : vector<16xf32>
          %parallel_loop3A_996 = arith.constant 64 : i32
          %parallel_loop3A_997 = vector.broadcast %parallel_loop3A_996 : i32 to vector<16xi32>
          %parallel_loop3A_998 = arith.addi %parallel_loop3A_993, %parallel_loop3A_997 : vector<16xi32>
          %parallel_loop3A_999 = tpu.vector_load_idx %arg8[%parallel_loop3A_804, %parallel_loop3A_998] : memref<128x128xf32, #tpu.memory_space<vmem>>[vector<16xi32>, vector<16xi32>], vector<16xf32>,
          %parallel_loop3A_1000 = arith.constant 65 : i32
          %parallel_loop3A_1001 = vector.broadcast %parallel_loop3A_1000 : i32 to vector<16xi32>
          %parallel_loop3A_1002 = arith.addi %parallel_loop3A_993, %parallel_loop3A_1001 : vector<16xi32>
          %parallel_loop3A_1003 = tpu.vector_load_idx %arg8[%parallel_loop3A_804, %parallel_loop3A_1002] : memref<128x128xf32, #tpu.memory_space<vmem>>[vector<16xi32>, vector<16xi32>], vector<16xf32>,
          %parallel_loop3A_1004 = arith.subf %parallel_loop3A_1003, %parallel_loop3A_999 : vector<16xf32>
          %parallel_loop3A_1005 = arith.mulf %parallel_loop3A_995, %parallel_loop3A_1004 : vector<16xf32>
          %parallel_loop3A_1006 = arith.addf %parallel_loop3A_999, %parallel_loop3A_1005 : vector<16xf32>
          %parallel_loop3A_1007 = arith.mulf %parallel_loop3A_1006, %parallel_loop3A_843 : vector<16xf32>
          %parallel_loop3A_1008 = arith.addi %parallel_loop3A_862, %select_n3A_118 : vector<16xi32>
          %parallel_loop3A_1009 = arith.constant 3 : i32
          %parallel_loop3A_1010 = vector.broadcast %parallel_loop3A_1009 : i32 to vector<16xi32>
          %parallel_loop3A_1011 = arith.subi %parallel_loop3A_1010, %parallel_loop3A_1008 : vector<16xi32>
          %parallel_loop3A_1012 = arith.ori %parallel_loop3A_1008, %parallel_loop3A_1011 : vector<16xi32>
          %parallel_loop3A_1013 = arith.constant 31 : i32
          %parallel_loop3A_1014 = vector.broadcast %parallel_loop3A_1013 : i32 to vector<16xi32>
          %parallel_loop3A_1015 = arith.shrui %parallel_loop3A_1012, %parallel_loop3A_1014 : vector<16xi32>
          %parallel_loop3A_1016 = arith.constant 1 : i32
          %parallel_loop3A_1017 = vector.broadcast %parallel_loop3A_1016 : i32 to vector<16xi32>
          %parallel_loop3A_1018 = arith.subi %parallel_loop3A_1017, %parallel_loop3A_1015 : vector<16xi32>
          %parallel_loop3A_1019 = arith.addi %parallel_loop3A_873, %add3A_171 : vector<16xi32>
          %parallel_loop3A_1020 = arith.muli %parallel_loop3A_1019, %parallel_loop3A_1018 : vector<16xi32>
          %parallel_loop3A_1021 = arith.constant 1 : i32
          %parallel_loop3A_1022 = vector.broadcast %parallel_loop3A_1021 : i32 to vector<16xi32>
          %parallel_loop3A_1023 = arith.subi %parallel_loop3A_1022, %parallel_loop3A_1018 : vector<16xi32>
          %parallel_loop3A_1024 = arith.constant 65536 : i32
          %parallel_loop3A_1025 = vector.broadcast %parallel_loop3A_1024 : i32 to vector<16xi32>
          %parallel_loop3A_1026 = arith.muli %parallel_loop3A_1025, %parallel_loop3A_1023 : vector<16xi32>
          %parallel_loop3A_1027 = arith.addi %parallel_loop3A_1020, %parallel_loop3A_1026 : vector<16xi32>
          %parallel_loop3A_1028 = arith.sitofp %parallel_loop3A_1018 : vector<16xi32> to vector<16xf32>
          %parallel_loop3A_1029 = arith.mulf %parallel_loop3A_1007, %parallel_loop3A_1028 : vector<16xf32>
          tpu.vector_store_idx %arg9[%parallel_loop3A_1027], %parallel_loop3A_1029 {add = true} : memref<65552xf32, #tpu.memory_space<vmem>>[vector<16xi32>], vector<16xf32>,
          %parallel_loop3A_1030 = vector.shape_cast %select_n3A_205 : vector<16xi32> to vector<16x1xi32>
          %parallel_loop3A_1031 = vector.shape_cast %parallel_loop3A_1030 : vector<16x1xi32> to vector<16xi32>
          %parallel_loop3A_1032 = tpu.dynamic_gather %parallel_loop3A_830[%parallel_loop3A_1031] in [0] : vector<16xf32>, vector<16xi32> -> vector<16xf32>
          %parallel_loop3A_1033 = vector.shape_cast %add3A_247 : vector<16xi32> to vector<16x1xi32>
          %parallel_loop3A_1034 = vector.shape_cast %parallel_loop3A_1033 : vector<16x1xi32> to vector<16xi32>
          %parallel_loop3A_1035 = tpu.dynamic_gather %parallel_loop3A_830[%parallel_loop3A_1034] in [0] : vector<16xf32>, vector<16xi32> -> vector<16xf32>
          %parallel_loop3A_1036 = arith.addf %parallel_loop3A_1032, %parallel_loop3A_1035 : vector<16xf32>
          %parallel_loop3A_1037 = vector.shape_cast %add3A_250 : vector<16xi32> to vector<16x1xi32>
          %parallel_loop3A_1038 = vector.shape_cast %parallel_loop3A_1037 : vector<16x1xi32> to vector<16xi32>
          %parallel_loop3A_1039 = tpu.dynamic_gather %parallel_loop3A_830[%parallel_loop3A_1038] in [0] : vector<16xf32>, vector<16xi32> -> vector<16xf32>
          %parallel_loop3A_1040 = arith.addf %parallel_loop3A_1036, %parallel_loop3A_1039 : vector<16xf32>
          %parallel_loop3A_1041 = arith.constant 9.99999996E-13 : f32
          %parallel_loop3A_1042 = vector.broadcast %parallel_loop3A_1041 : f32 to vector<16xf32>
          %parallel_loop3A_1043 = arith.maximumf %parallel_loop3A_1040, %parallel_loop3A_1042 : vector<16xf32>
          %parallel_loop3A_1044 = vector.bitcast %parallel_loop3A_1043 : vector<16xf32> to vector<16xi32>
          %parallel_loop3A_1045 = arith.constant 1 : i32
          %parallel_loop3A_1046 = vector.broadcast %parallel_loop3A_1045 : i32 to vector<16xi32>
          %parallel_loop3A_1047 = arith.shrui %parallel_loop3A_1044, %parallel_loop3A_1046 : vector<16xi32>
          %parallel_loop3A_1048 = arith.constant 1597463007 : i32
          %parallel_loop3A_1049 = vector.broadcast %parallel_loop3A_1048 : i32 to vector<16xi32>
          %parallel_loop3A_1050 = arith.subi %parallel_loop3A_1049, %parallel_loop3A_1047 : vector<16xi32>
          %parallel_loop3A_1051 = vector.bitcast %parallel_loop3A_1050 : vector<16xi32> to vector<16xf32>
          %parallel_loop3A_1052 = arith.constant -5.000000e-01 : f32
          %parallel_loop3A_1053 = vector.broadcast %parallel_loop3A_1052 : f32 to vector<16xf32>
          %parallel_loop3A_1054 = arith.mulf %parallel_loop3A_1053, %parallel_loop3A_1043 : vector<16xf32>
          %parallel_loop3A_1055 = arith.mulf %parallel_loop3A_1054, %parallel_loop3A_1051 : vector<16xf32>
          %parallel_loop3A_1056 = arith.mulf %parallel_loop3A_1055, %parallel_loop3A_1051 : vector<16xf32>
          %parallel_loop3A_1057 = arith.constant 1.500000e+00 : f32
          %parallel_loop3A_1058 = vector.broadcast %parallel_loop3A_1057 : f32 to vector<16xf32>
          %parallel_loop3A_1059 = arith.addf %parallel_loop3A_1058, %parallel_loop3A_1056 : vector<16xf32>
          %parallel_loop3A_1060 = arith.mulf %parallel_loop3A_1051, %parallel_loop3A_1059 : vector<16xf32>
          %parallel_loop3A_1061 = arith.mulf %parallel_loop3A_1054, %parallel_loop3A_1060 : vector<16xf32>
          %parallel_loop3A_1062 = arith.mulf %parallel_loop3A_1061, %parallel_loop3A_1060 : vector<16xf32>
          %parallel_loop3A_1063 = arith.constant 1.500000e+00 : f32
          %parallel_loop3A_1064 = vector.broadcast %parallel_loop3A_1063 : f32 to vector<16xf32>
          %parallel_loop3A_1065 = arith.addf %parallel_loop3A_1064, %parallel_loop3A_1062 : vector<16xf32>
          %parallel_loop3A_1066 = arith.mulf %parallel_loop3A_1060, %parallel_loop3A_1065 : vector<16xf32>
          %parallel_loop3A_1067 = arith.mulf %parallel_loop3A_1043, %parallel_loop3A_1066 : vector<16xf32>
          %parallel_loop3A_1068 = arith.constant 1.000000e+01 : f32
          %parallel_loop3A_1069 = vector.broadcast %parallel_loop3A_1068 : f32 to vector<16xf32>
          %parallel_loop3A_1070 = arith.mulf %parallel_loop3A_1067, %parallel_loop3A_1069 : vector<16xf32>
          %parallel_loop3A_1071 = arith.fptosi %parallel_loop3A_1070 : vector<16xf32> to vector<16xi32>
          %parallel_loop3A_1072 = arith.sitofp %parallel_loop3A_1071 : vector<16xi32> to vector<16xf32>
          %parallel_loop3A_1073 = arith.subf %parallel_loop3A_1070, %parallel_loop3A_1072 : vector<16xf32>
          %parallel_loop3A_1074 = arith.constant 64 : i32
          %parallel_loop3A_1075 = vector.broadcast %parallel_loop3A_1074 : i32 to vector<16xi32>
          %parallel_loop3A_1076 = arith.addi %parallel_loop3A_1071, %parallel_loop3A_1075 : vector<16xi32>
          %parallel_loop3A_1077 = tpu.vector_load_idx %arg8[%parallel_loop3A_804, %parallel_loop3A_1076] : memref<128x128xf32, #tpu.memory_space<vmem>>[vector<16xi32>, vector<16xi32>], vector<16xf32>,
          %parallel_loop3A_1078 = arith.constant 65 : i32
          %parallel_loop3A_1079 = vector.broadcast %parallel_loop3A_1078 : i32 to vector<16xi32>
          %parallel_loop3A_1080 = arith.addi %parallel_loop3A_1071, %parallel_loop3A_1079 : vector<16xi32>
          %parallel_loop3A_1081 = tpu.vector_load_idx %arg8[%parallel_loop3A_804, %parallel_loop3A_1080] : memref<128x128xf32, #tpu.memory_space<vmem>>[vector<16xi32>, vector<16xi32>], vector<16xf32>,
          %parallel_loop3A_1082 = arith.subf %parallel_loop3A_1081, %parallel_loop3A_1077 : vector<16xf32>
          %parallel_loop3A_1083 = arith.mulf %parallel_loop3A_1073, %parallel_loop3A_1082 : vector<16xf32>
          %parallel_loop3A_1084 = arith.addf %parallel_loop3A_1077, %parallel_loop3A_1083 : vector<16xf32>
          %parallel_loop3A_1085 = arith.mulf %parallel_loop3A_1084, %parallel_loop3A_843 : vector<16xf32>
          %parallel_loop3A_1086 = arith.addi %parallel_loop3A_862, %select_n3A_205 : vector<16xi32>
          %parallel_loop3A_1087 = arith.constant 3 : i32
          %parallel_loop3A_1088 = vector.broadcast %parallel_loop3A_1087 : i32 to vector<16xi32>
          %parallel_loop3A_1089 = arith.subi %parallel_loop3A_1088, %parallel_loop3A_1086 : vector<16xi32>
          %parallel_loop3A_1090 = arith.ori %parallel_loop3A_1086, %parallel_loop3A_1089 : vector<16xi32>
          %parallel_loop3A_1091 = arith.constant 31 : i32
          %parallel_loop3A_1092 = vector.broadcast %parallel_loop3A_1091 : i32 to vector<16xi32>
          %parallel_loop3A_1093 = arith.shrui %parallel_loop3A_1090, %parallel_loop3A_1092 : vector<16xi32>
          %parallel_loop3A_1094 = arith.constant 1 : i32
          %parallel_loop3A_1095 = vector.broadcast %parallel_loop3A_1094 : i32 to vector<16xi32>
          %parallel_loop3A_1096 = arith.subi %parallel_loop3A_1095, %parallel_loop3A_1093 : vector<16xi32>
          %parallel_loop3A_1097 = arith.addi %parallel_loop3A_873, %add3A_258 : vector<16xi32>
          %parallel_loop3A_1098 = arith.muli %parallel_loop3A_1097, %parallel_loop3A_1096 : vector<16xi32>
          %parallel_loop3A_1099 = arith.constant 1 : i32
          %parallel_loop3A_1100 = vector.broadcast %parallel_loop3A_1099 : i32 to vector<16xi32>
          %parallel_loop3A_1101 = arith.subi %parallel_loop3A_1100, %parallel_loop3A_1096 : vector<16xi32>
          %parallel_loop3A_1102 = arith.constant 65536 : i32
          %parallel_loop3A_1103 = vector.broadcast %parallel_loop3A_1102 : i32 to vector<16xi32>
          %parallel_loop3A_1104 = arith.muli %parallel_loop3A_1103, %parallel_loop3A_1101 : vector<16xi32>
          %parallel_loop3A_1105 = arith.addi %parallel_loop3A_1098, %parallel_loop3A_1104 : vector<16xi32>
          %parallel_loop3A_1106 = arith.sitofp %parallel_loop3A_1096 : vector<16xi32> to vector<16xf32>
          %parallel_loop3A_1107 = arith.mulf %parallel_loop3A_1085, %parallel_loop3A_1106 : vector<16xf32>
          tpu.vector_store_idx %arg9[%parallel_loop3A_1105], %parallel_loop3A_1107 {add = true} : memref<65552xf32, #tpu.memory_space<vmem>>[vector<16xi32>], vector<16xf32>,
          %parallel_loop3A_1108 = vector.shape_cast %select_n3A_292 : vector<16xi32> to vector<16x1xi32>
          %parallel_loop3A_1109 = vector.shape_cast %parallel_loop3A_1108 : vector<16x1xi32> to vector<16xi32>
          %parallel_loop3A_1110 = tpu.dynamic_gather %parallel_loop3A_830[%parallel_loop3A_1109] in [0] : vector<16xf32>, vector<16xi32> -> vector<16xf32>
          %parallel_loop3A_1111 = vector.shape_cast %add3A_334 : vector<16xi32> to vector<16x1xi32>
          %parallel_loop3A_1112 = vector.shape_cast %parallel_loop3A_1111 : vector<16x1xi32> to vector<16xi32>
          %parallel_loop3A_1113 = tpu.dynamic_gather %parallel_loop3A_830[%parallel_loop3A_1112] in [0] : vector<16xf32>, vector<16xi32> -> vector<16xf32>
          %parallel_loop3A_1114 = arith.addf %parallel_loop3A_1110, %parallel_loop3A_1113 : vector<16xf32>
          %parallel_loop3A_1115 = vector.shape_cast %add3A_337 : vector<16xi32> to vector<16x1xi32>
          %parallel_loop3A_1116 = vector.shape_cast %parallel_loop3A_1115 : vector<16x1xi32> to vector<16xi32>
          %parallel_loop3A_1117 = tpu.dynamic_gather %parallel_loop3A_830[%parallel_loop3A_1116] in [0] : vector<16xf32>, vector<16xi32> -> vector<16xf32>
          %parallel_loop3A_1118 = arith.addf %parallel_loop3A_1114, %parallel_loop3A_1117 : vector<16xf32>
          %parallel_loop3A_1119 = arith.constant 9.99999996E-13 : f32
          %parallel_loop3A_1120 = vector.broadcast %parallel_loop3A_1119 : f32 to vector<16xf32>
          %parallel_loop3A_1121 = arith.maximumf %parallel_loop3A_1118, %parallel_loop3A_1120 : vector<16xf32>
          %parallel_loop3A_1122 = vector.bitcast %parallel_loop3A_1121 : vector<16xf32> to vector<16xi32>
          %parallel_loop3A_1123 = arith.constant 1 : i32
          %parallel_loop3A_1124 = vector.broadcast %parallel_loop3A_1123 : i32 to vector<16xi32>
          %parallel_loop3A_1125 = arith.shrui %parallel_loop3A_1122, %parallel_loop3A_1124 : vector<16xi32>
          %parallel_loop3A_1126 = arith.constant 1597463007 : i32
          %parallel_loop3A_1127 = vector.broadcast %parallel_loop3A_1126 : i32 to vector<16xi32>
          %parallel_loop3A_1128 = arith.subi %parallel_loop3A_1127, %parallel_loop3A_1125 : vector<16xi32>
          %parallel_loop3A_1129 = vector.bitcast %parallel_loop3A_1128 : vector<16xi32> to vector<16xf32>
          %parallel_loop3A_1130 = arith.constant -5.000000e-01 : f32
          %parallel_loop3A_1131 = vector.broadcast %parallel_loop3A_1130 : f32 to vector<16xf32>
          %parallel_loop3A_1132 = arith.mulf %parallel_loop3A_1131, %parallel_loop3A_1121 : vector<16xf32>
          %parallel_loop3A_1133 = arith.mulf %parallel_loop3A_1132, %parallel_loop3A_1129 : vector<16xf32>
          %parallel_loop3A_1134 = arith.mulf %parallel_loop3A_1133, %parallel_loop3A_1129 : vector<16xf32>
          %parallel_loop3A_1135 = arith.constant 1.500000e+00 : f32
          %parallel_loop3A_1136 = vector.broadcast %parallel_loop3A_1135 : f32 to vector<16xf32>
          %parallel_loop3A_1137 = arith.addf %parallel_loop3A_1136, %parallel_loop3A_1134 : vector<16xf32>
          %parallel_loop3A_1138 = arith.mulf %parallel_loop3A_1129, %parallel_loop3A_1137 : vector<16xf32>
          %parallel_loop3A_1139 = arith.mulf %parallel_loop3A_1132, %parallel_loop3A_1138 : vector<16xf32>
          %parallel_loop3A_1140 = arith.mulf %parallel_loop3A_1139, %parallel_loop3A_1138 : vector<16xf32>
          %parallel_loop3A_1141 = arith.constant 1.500000e+00 : f32
          %parallel_loop3A_1142 = vector.broadcast %parallel_loop3A_1141 : f32 to vector<16xf32>
          %parallel_loop3A_1143 = arith.addf %parallel_loop3A_1142, %parallel_loop3A_1140 : vector<16xf32>
          %parallel_loop3A_1144 = arith.mulf %parallel_loop3A_1138, %parallel_loop3A_1143 : vector<16xf32>
          %parallel_loop3A_1145 = arith.mulf %parallel_loop3A_1121, %parallel_loop3A_1144 : vector<16xf32>
          %parallel_loop3A_1146 = arith.constant 1.000000e+01 : f32
          %parallel_loop3A_1147 = vector.broadcast %parallel_loop3A_1146 : f32 to vector<16xf32>
          %parallel_loop3A_1148 = arith.mulf %parallel_loop3A_1145, %parallel_loop3A_1147 : vector<16xf32>
          %parallel_loop3A_1149 = arith.fptosi %parallel_loop3A_1148 : vector<16xf32> to vector<16xi32>
          %parallel_loop3A_1150 = arith.sitofp %parallel_loop3A_1149 : vector<16xi32> to vector<16xf32>
          %parallel_loop3A_1151 = arith.subf %parallel_loop3A_1148, %parallel_loop3A_1150 : vector<16xf32>
          %parallel_loop3A_1152 = arith.constant 64 : i32
          %parallel_loop3A_1153 = vector.broadcast %parallel_loop3A_1152 : i32 to vector<16xi32>
          %parallel_loop3A_1154 = arith.addi %parallel_loop3A_1149, %parallel_loop3A_1153 : vector<16xi32>
          %parallel_loop3A_1155 = tpu.vector_load_idx %arg8[%parallel_loop3A_804, %parallel_loop3A_1154] : memref<128x128xf32, #tpu.memory_space<vmem>>[vector<16xi32>, vector<16xi32>], vector<16xf32>,
          %parallel_loop3A_1156 = arith.constant 65 : i32
          %parallel_loop3A_1157 = vector.broadcast %parallel_loop3A_1156 : i32 to vector<16xi32>
          %parallel_loop3A_1158 = arith.addi %parallel_loop3A_1149, %parallel_loop3A_1157 : vector<16xi32>
          %parallel_loop3A_1159 = tpu.vector_load_idx %arg8[%parallel_loop3A_804, %parallel_loop3A_1158] : memref<128x128xf32, #tpu.memory_space<vmem>>[vector<16xi32>, vector<16xi32>], vector<16xf32>,
          %parallel_loop3A_1160 = arith.subf %parallel_loop3A_1159, %parallel_loop3A_1155 : vector<16xf32>
          %parallel_loop3A_1161 = arith.mulf %parallel_loop3A_1151, %parallel_loop3A_1160 : vector<16xf32>
          %parallel_loop3A_1162 = arith.addf %parallel_loop3A_1155, %parallel_loop3A_1161 : vector<16xf32>
          %parallel_loop3A_1163 = arith.mulf %parallel_loop3A_1162, %parallel_loop3A_843 : vector<16xf32>
          %parallel_loop3A_1164 = arith.addi %parallel_loop3A_862, %select_n3A_292 : vector<16xi32>
          %parallel_loop3A_1165 = arith.constant 3 : i32
          %parallel_loop3A_1166 = vector.broadcast %parallel_loop3A_1165 : i32 to vector<16xi32>
          %parallel_loop3A_1167 = arith.subi %parallel_loop3A_1166, %parallel_loop3A_1164 : vector<16xi32>
          %parallel_loop3A_1168 = arith.ori %parallel_loop3A_1164, %parallel_loop3A_1167 : vector<16xi32>
          %parallel_loop3A_1169 = arith.constant 31 : i32
          %parallel_loop3A_1170 = vector.broadcast %parallel_loop3A_1169 : i32 to vector<16xi32>
          %parallel_loop3A_1171 = arith.shrui %parallel_loop3A_1168, %parallel_loop3A_1170 : vector<16xi32>
          %parallel_loop3A_1172 = arith.constant 1 : i32
          %parallel_loop3A_1173 = vector.broadcast %parallel_loop3A_1172 : i32 to vector<16xi32>
          %parallel_loop3A_1174 = arith.subi %parallel_loop3A_1173, %parallel_loop3A_1171 : vector<16xi32>
          %parallel_loop3A_1175 = arith.addi %parallel_loop3A_873, %add3A_345 : vector<16xi32>
          %parallel_loop3A_1176 = arith.muli %parallel_loop3A_1175, %parallel_loop3A_1174 : vector<16xi32>
          %parallel_loop3A_1177 = arith.constant 1 : i32
          %parallel_loop3A_1178 = vector.broadcast %parallel_loop3A_1177 : i32 to vector<16xi32>
          %parallel_loop3A_1179 = arith.subi %parallel_loop3A_1178, %parallel_loop3A_1174 : vector<16xi32>
          %parallel_loop3A_1180 = arith.constant 65536 : i32
          %parallel_loop3A_1181 = vector.broadcast %parallel_loop3A_1180 : i32 to vector<16xi32>
          %parallel_loop3A_1182 = arith.muli %parallel_loop3A_1181, %parallel_loop3A_1179 : vector<16xi32>
          %parallel_loop3A_1183 = arith.addi %parallel_loop3A_1176, %parallel_loop3A_1182 : vector<16xi32>
          %parallel_loop3A_1184 = arith.sitofp %parallel_loop3A_1174 : vector<16xi32> to vector<16xf32>
          %parallel_loop3A_1185 = arith.mulf %parallel_loop3A_1163, %parallel_loop3A_1184 : vector<16xf32>
          tpu.vector_store_idx %arg9[%parallel_loop3A_1183], %parallel_loop3A_1185 {add = true} : memref<65552xf32, #tpu.memory_space<vmem>>[vector<16xi32>], vector<16xf32>,
          %parallel_loop3A_1186 = vector.shape_cast %select_n3A_379 : vector<16xi32> to vector<16x1xi32>
          %parallel_loop3A_1187 = vector.shape_cast %parallel_loop3A_1186 : vector<16x1xi32> to vector<16xi32>
          %parallel_loop3A_1188 = tpu.dynamic_gather %parallel_loop3A_830[%parallel_loop3A_1187] in [0] : vector<16xf32>, vector<16xi32> -> vector<16xf32>
          %parallel_loop3A_1189 = vector.shape_cast %add3A_421 : vector<16xi32> to vector<16x1xi32>
          %parallel_loop3A_1190 = vector.shape_cast %parallel_loop3A_1189 : vector<16x1xi32> to vector<16xi32>
          %parallel_loop3A_1191 = tpu.dynamic_gather %parallel_loop3A_830[%parallel_loop3A_1190] in [0] : vector<16xf32>, vector<16xi32> -> vector<16xf32>
          %parallel_loop3A_1192 = arith.addf %parallel_loop3A_1188, %parallel_loop3A_1191 : vector<16xf32>
          %parallel_loop3A_1193 = vector.shape_cast %add3A_424 : vector<16xi32> to vector<16x1xi32>
          %parallel_loop3A_1194 = vector.shape_cast %parallel_loop3A_1193 : vector<16x1xi32> to vector<16xi32>
          %parallel_loop3A_1195 = tpu.dynamic_gather %parallel_loop3A_830[%parallel_loop3A_1194] in [0] : vector<16xf32>, vector<16xi32> -> vector<16xf32>
          %parallel_loop3A_1196 = arith.addf %parallel_loop3A_1192, %parallel_loop3A_1195 : vector<16xf32>
          %parallel_loop3A_1197 = arith.constant 9.99999996E-13 : f32
          %parallel_loop3A_1198 = vector.broadcast %parallel_loop3A_1197 : f32 to vector<16xf32>
          %parallel_loop3A_1199 = arith.maximumf %parallel_loop3A_1196, %parallel_loop3A_1198 : vector<16xf32>
          %parallel_loop3A_1200 = vector.bitcast %parallel_loop3A_1199 : vector<16xf32> to vector<16xi32>
          %parallel_loop3A_1201 = arith.constant 1 : i32
          %parallel_loop3A_1202 = vector.broadcast %parallel_loop3A_1201 : i32 to vector<16xi32>
          %parallel_loop3A_1203 = arith.shrui %parallel_loop3A_1200, %parallel_loop3A_1202 : vector<16xi32>
          %parallel_loop3A_1204 = arith.constant 1597463007 : i32
          %parallel_loop3A_1205 = vector.broadcast %parallel_loop3A_1204 : i32 to vector<16xi32>
          %parallel_loop3A_1206 = arith.subi %parallel_loop3A_1205, %parallel_loop3A_1203 : vector<16xi32>
          %parallel_loop3A_1207 = vector.bitcast %parallel_loop3A_1206 : vector<16xi32> to vector<16xf32>
          %parallel_loop3A_1208 = arith.constant -5.000000e-01 : f32
          %parallel_loop3A_1209 = vector.broadcast %parallel_loop3A_1208 : f32 to vector<16xf32>
          %parallel_loop3A_1210 = arith.mulf %parallel_loop3A_1209, %parallel_loop3A_1199 : vector<16xf32>
          %parallel_loop3A_1211 = arith.mulf %parallel_loop3A_1210, %parallel_loop3A_1207 : vector<16xf32>
          %parallel_loop3A_1212 = arith.mulf %parallel_loop3A_1211, %parallel_loop3A_1207 : vector<16xf32>
          %parallel_loop3A_1213 = arith.constant 1.500000e+00 : f32
          %parallel_loop3A_1214 = vector.broadcast %parallel_loop3A_1213 : f32 to vector<16xf32>
          %parallel_loop3A_1215 = arith.addf %parallel_loop3A_1214, %parallel_loop3A_1212 : vector<16xf32>
          %parallel_loop3A_1216 = arith.mulf %parallel_loop3A_1207, %parallel_loop3A_1215 : vector<16xf32>
          %parallel_loop3A_1217 = arith.mulf %parallel_loop3A_1210, %parallel_loop3A_1216 : vector<16xf32>
          %parallel_loop3A_1218 = arith.mulf %parallel_loop3A_1217, %parallel_loop3A_1216 : vector<16xf32>
          %parallel_loop3A_1219 = arith.constant 1.500000e+00 : f32
          %parallel_loop3A_1220 = vector.broadcast %parallel_loop3A_1219 : f32 to vector<16xf32>
          %parallel_loop3A_1221 = arith.addf %parallel_loop3A_1220, %parallel_loop3A_1218 : vector<16xf32>
          %parallel_loop3A_1222 = arith.mulf %parallel_loop3A_1216, %parallel_loop3A_1221 : vector<16xf32>
          %parallel_loop3A_1223 = arith.mulf %parallel_loop3A_1199, %parallel_loop3A_1222 : vector<16xf32>
          %parallel_loop3A_1224 = arith.constant 1.000000e+01 : f32
          %parallel_loop3A_1225 = vector.broadcast %parallel_loop3A_1224 : f32 to vector<16xf32>
          %parallel_loop3A_1226 = arith.mulf %parallel_loop3A_1223, %parallel_loop3A_1225 : vector<16xf32>
          %parallel_loop3A_1227 = arith.fptosi %parallel_loop3A_1226 : vector<16xf32> to vector<16xi32>
          %parallel_loop3A_1228 = arith.sitofp %parallel_loop3A_1227 : vector<16xi32> to vector<16xf32>
          %parallel_loop3A_1229 = arith.subf %parallel_loop3A_1226, %parallel_loop3A_1228 : vector<16xf32>
          %parallel_loop3A_1230 = arith.constant 64 : i32
          %parallel_loop3A_1231 = vector.broadcast %parallel_loop3A_1230 : i32 to vector<16xi32>
          %parallel_loop3A_1232 = arith.addi %parallel_loop3A_1227, %parallel_loop3A_1231 : vector<16xi32>
          %parallel_loop3A_1233 = tpu.vector_load_idx %arg8[%parallel_loop3A_804, %parallel_loop3A_1232] : memref<128x128xf32, #tpu.memory_space<vmem>>[vector<16xi32>, vector<16xi32>], vector<16xf32>,
          %parallel_loop3A_1234 = arith.constant 65 : i32
          %parallel_loop3A_1235 = vector.broadcast %parallel_loop3A_1234 : i32 to vector<16xi32>
          %parallel_loop3A_1236 = arith.addi %parallel_loop3A_1227, %parallel_loop3A_1235 : vector<16xi32>
          %parallel_loop3A_1237 = tpu.vector_load_idx %arg8[%parallel_loop3A_804, %parallel_loop3A_1236] : memref<128x128xf32, #tpu.memory_space<vmem>>[vector<16xi32>, vector<16xi32>], vector<16xf32>,
          %parallel_loop3A_1238 = arith.subf %parallel_loop3A_1237, %parallel_loop3A_1233 : vector<16xf32>
          %parallel_loop3A_1239 = arith.mulf %parallel_loop3A_1229, %parallel_loop3A_1238 : vector<16xf32>
          %parallel_loop3A_1240 = arith.addf %parallel_loop3A_1233, %parallel_loop3A_1239 : vector<16xf32>
          %parallel_loop3A_1241 = arith.mulf %parallel_loop3A_1240, %parallel_loop3A_843 : vector<16xf32>
          %parallel_loop3A_1242 = arith.addi %parallel_loop3A_862, %select_n3A_379 : vector<16xi32>
          %parallel_loop3A_1243 = arith.constant 3 : i32
          %parallel_loop3A_1244 = vector.broadcast %parallel_loop3A_1243 : i32 to vector<16xi32>
          %parallel_loop3A_1245 = arith.subi %parallel_loop3A_1244, %parallel_loop3A_1242 : vector<16xi32>
          %parallel_loop3A_1246 = arith.ori %parallel_loop3A_1242, %parallel_loop3A_1245 : vector<16xi32>
          %parallel_loop3A_1247 = arith.constant 31 : i32
          %parallel_loop3A_1248 = vector.broadcast %parallel_loop3A_1247 : i32 to vector<16xi32>
          %parallel_loop3A_1249 = arith.shrui %parallel_loop3A_1246, %parallel_loop3A_1248 : vector<16xi32>
          %parallel_loop3A_1250 = arith.constant 1 : i32
          %parallel_loop3A_1251 = vector.broadcast %parallel_loop3A_1250 : i32 to vector<16xi32>
          %parallel_loop3A_1252 = arith.subi %parallel_loop3A_1251, %parallel_loop3A_1249 : vector<16xi32>
          %parallel_loop3A_1253 = arith.addi %parallel_loop3A_873, %add3A_432 : vector<16xi32>
          %parallel_loop3A_1254 = arith.muli %parallel_loop3A_1253, %parallel_loop3A_1252 : vector<16xi32>
          %parallel_loop3A_1255 = arith.constant 1 : i32
          %parallel_loop3A_1256 = vector.broadcast %parallel_loop3A_1255 : i32 to vector<16xi32>
          %parallel_loop3A_1257 = arith.subi %parallel_loop3A_1256, %parallel_loop3A_1252 : vector<16xi32>
          %parallel_loop3A_1258 = arith.constant 65536 : i32
          %parallel_loop3A_1259 = vector.broadcast %parallel_loop3A_1258 : i32 to vector<16xi32>
          %parallel_loop3A_1260 = arith.muli %parallel_loop3A_1259, %parallel_loop3A_1257 : vector<16xi32>
          %parallel_loop3A_1261 = arith.addi %parallel_loop3A_1254, %parallel_loop3A_1260 : vector<16xi32>
          %parallel_loop3A_1262 = arith.sitofp %parallel_loop3A_1252 : vector<16xi32> to vector<16xf32>
          %parallel_loop3A_1263 = arith.mulf %parallel_loop3A_1241, %parallel_loop3A_1262 : vector<16xf32>
          tpu.vector_store_idx %arg9[%parallel_loop3A_1261], %parallel_loop3A_1263 {add = true} : memref<65552xf32, #tpu.memory_space<vmem>>[vector<16xi32>], vector<16xf32>,
          %parallel_loop3A_1264 = vector.shape_cast %select_n3A_466 : vector<16xi32> to vector<16x1xi32>
          %parallel_loop3A_1265 = vector.shape_cast %parallel_loop3A_1264 : vector<16x1xi32> to vector<16xi32>
          %parallel_loop3A_1266 = tpu.dynamic_gather %parallel_loop3A_830[%parallel_loop3A_1265] in [0] : vector<16xf32>, vector<16xi32> -> vector<16xf32>
          %parallel_loop3A_1267 = vector.shape_cast %add3A_508 : vector<16xi32> to vector<16x1xi32>
          %parallel_loop3A_1268 = vector.shape_cast %parallel_loop3A_1267 : vector<16x1xi32> to vector<16xi32>
          %parallel_loop3A_1269 = tpu.dynamic_gather %parallel_loop3A_830[%parallel_loop3A_1268] in [0] : vector<16xf32>, vector<16xi32> -> vector<16xf32>
          %parallel_loop3A_1270 = arith.addf %parallel_loop3A_1266, %parallel_loop3A_1269 : vector<16xf32>
          %parallel_loop3A_1271 = vector.shape_cast %add3A_511 : vector<16xi32> to vector<16x1xi32>
          %parallel_loop3A_1272 = vector.shape_cast %parallel_loop3A_1271 : vector<16x1xi32> to vector<16xi32>
          %parallel_loop3A_1273 = tpu.dynamic_gather %parallel_loop3A_830[%parallel_loop3A_1272] in [0] : vector<16xf32>, vector<16xi32> -> vector<16xf32>
          %parallel_loop3A_1274 = arith.addf %parallel_loop3A_1270, %parallel_loop3A_1273 : vector<16xf32>
          %parallel_loop3A_1275 = arith.constant 9.99999996E-13 : f32
          %parallel_loop3A_1276 = vector.broadcast %parallel_loop3A_1275 : f32 to vector<16xf32>
          %parallel_loop3A_1277 = arith.maximumf %parallel_loop3A_1274, %parallel_loop3A_1276 : vector<16xf32>
          %parallel_loop3A_1278 = vector.bitcast %parallel_loop3A_1277 : vector<16xf32> to vector<16xi32>
          %parallel_loop3A_1279 = arith.constant 1 : i32
          %parallel_loop3A_1280 = vector.broadcast %parallel_loop3A_1279 : i32 to vector<16xi32>
          %parallel_loop3A_1281 = arith.shrui %parallel_loop3A_1278, %parallel_loop3A_1280 : vector<16xi32>
          %parallel_loop3A_1282 = arith.constant 1597463007 : i32
          %parallel_loop3A_1283 = vector.broadcast %parallel_loop3A_1282 : i32 to vector<16xi32>
          %parallel_loop3A_1284 = arith.subi %parallel_loop3A_1283, %parallel_loop3A_1281 : vector<16xi32>
          %parallel_loop3A_1285 = vector.bitcast %parallel_loop3A_1284 : vector<16xi32> to vector<16xf32>
          %parallel_loop3A_1286 = arith.constant -5.000000e-01 : f32
          %parallel_loop3A_1287 = vector.broadcast %parallel_loop3A_1286 : f32 to vector<16xf32>
          %parallel_loop3A_1288 = arith.mulf %parallel_loop3A_1287, %parallel_loop3A_1277 : vector<16xf32>
          %parallel_loop3A_1289 = arith.mulf %parallel_loop3A_1288, %parallel_loop3A_1285 : vector<16xf32>
          %parallel_loop3A_1290 = arith.mulf %parallel_loop3A_1289, %parallel_loop3A_1285 : vector<16xf32>
          %parallel_loop3A_1291 = arith.constant 1.500000e+00 : f32
          %parallel_loop3A_1292 = vector.broadcast %parallel_loop3A_1291 : f32 to vector<16xf32>
          %parallel_loop3A_1293 = arith.addf %parallel_loop3A_1292, %parallel_loop3A_1290 : vector<16xf32>
          %parallel_loop3A_1294 = arith.mulf %parallel_loop3A_1285, %parallel_loop3A_1293 : vector<16xf32>
          %parallel_loop3A_1295 = arith.mulf %parallel_loop3A_1288, %parallel_loop3A_1294 : vector<16xf32>
          %parallel_loop3A_1296 = arith.mulf %parallel_loop3A_1295, %parallel_loop3A_1294 : vector<16xf32>
          %parallel_loop3A_1297 = arith.constant 1.500000e+00 : f32
          %parallel_loop3A_1298 = vector.broadcast %parallel_loop3A_1297 : f32 to vector<16xf32>
          %parallel_loop3A_1299 = arith.addf %parallel_loop3A_1298, %parallel_loop3A_1296 : vector<16xf32>
          %parallel_loop3A_1300 = arith.mulf %parallel_loop3A_1294, %parallel_loop3A_1299 : vector<16xf32>
          %parallel_loop3A_1301 = arith.mulf %parallel_loop3A_1277, %parallel_loop3A_1300 : vector<16xf32>
          %parallel_loop3A_1302 = arith.constant 1.000000e+01 : f32
          %parallel_loop3A_1303 = vector.broadcast %parallel_loop3A_1302 : f32 to vector<16xf32>
          %parallel_loop3A_1304 = arith.mulf %parallel_loop3A_1301, %parallel_loop3A_1303 : vector<16xf32>
          %parallel_loop3A_1305 = arith.fptosi %parallel_loop3A_1304 : vector<16xf32> to vector<16xi32>
          %parallel_loop3A_1306 = arith.sitofp %parallel_loop3A_1305 : vector<16xi32> to vector<16xf32>
          %parallel_loop3A_1307 = arith.subf %parallel_loop3A_1304, %parallel_loop3A_1306 : vector<16xf32>
          %parallel_loop3A_1308 = arith.constant 64 : i32
          %parallel_loop3A_1309 = vector.broadcast %parallel_loop3A_1308 : i32 to vector<16xi32>
          %parallel_loop3A_1310 = arith.addi %parallel_loop3A_1305, %parallel_loop3A_1309 : vector<16xi32>
          %parallel_loop3A_1311 = tpu.vector_load_idx %arg8[%parallel_loop3A_804, %parallel_loop3A_1310] : memref<128x128xf32, #tpu.memory_space<vmem>>[vector<16xi32>, vector<16xi32>], vector<16xf32>,
          %parallel_loop3A_1312 = arith.constant 65 : i32
          %parallel_loop3A_1313 = vector.broadcast %parallel_loop3A_1312 : i32 to vector<16xi32>
          %parallel_loop3A_1314 = arith.addi %parallel_loop3A_1305, %parallel_loop3A_1313 : vector<16xi32>
          %parallel_loop3A_1315 = tpu.vector_load_idx %arg8[%parallel_loop3A_804, %parallel_loop3A_1314] : memref<128x128xf32, #tpu.memory_space<vmem>>[vector<16xi32>, vector<16xi32>], vector<16xf32>,
          %parallel_loop3A_1316 = arith.subf %parallel_loop3A_1315, %parallel_loop3A_1311 : vector<16xf32>
          %parallel_loop3A_1317 = arith.mulf %parallel_loop3A_1307, %parallel_loop3A_1316 : vector<16xf32>
          %parallel_loop3A_1318 = arith.addf %parallel_loop3A_1311, %parallel_loop3A_1317 : vector<16xf32>
          %parallel_loop3A_1319 = arith.mulf %parallel_loop3A_1318, %parallel_loop3A_843 : vector<16xf32>
          %parallel_loop3A_1320 = arith.addi %parallel_loop3A_862, %select_n3A_466 : vector<16xi32>
          %parallel_loop3A_1321 = arith.constant 3 : i32
          %parallel_loop3A_1322 = vector.broadcast %parallel_loop3A_1321 : i32 to vector<16xi32>
          %parallel_loop3A_1323 = arith.subi %parallel_loop3A_1322, %parallel_loop3A_1320 : vector<16xi32>
          %parallel_loop3A_1324 = arith.ori %parallel_loop3A_1320, %parallel_loop3A_1323 : vector<16xi32>
          %parallel_loop3A_1325 = arith.constant 31 : i32
          %parallel_loop3A_1326 = vector.broadcast %parallel_loop3A_1325 : i32 to vector<16xi32>
          %parallel_loop3A_1327 = arith.shrui %parallel_loop3A_1324, %parallel_loop3A_1326 : vector<16xi32>
          %parallel_loop3A_1328 = arith.constant 1 : i32
          %parallel_loop3A_1329 = vector.broadcast %parallel_loop3A_1328 : i32 to vector<16xi32>
          %parallel_loop3A_1330 = arith.subi %parallel_loop3A_1329, %parallel_loop3A_1327 : vector<16xi32>
          %parallel_loop3A_1331 = arith.addi %parallel_loop3A_873, %add3A_519 : vector<16xi32>
          %parallel_loop3A_1332 = arith.muli %parallel_loop3A_1331, %parallel_loop3A_1330 : vector<16xi32>
          %parallel_loop3A_1333 = arith.constant 1 : i32
          %parallel_loop3A_1334 = vector.broadcast %parallel_loop3A_1333 : i32 to vector<16xi32>
          %parallel_loop3A_1335 = arith.subi %parallel_loop3A_1334, %parallel_loop3A_1330 : vector<16xi32>
          %parallel_loop3A_1336 = arith.constant 65536 : i32
          %parallel_loop3A_1337 = vector.broadcast %parallel_loop3A_1336 : i32 to vector<16xi32>
          %parallel_loop3A_1338 = arith.muli %parallel_loop3A_1337, %parallel_loop3A_1335 : vector<16xi32>
          %parallel_loop3A_1339 = arith.addi %parallel_loop3A_1332, %parallel_loop3A_1338 : vector<16xi32>
          %parallel_loop3A_1340 = arith.sitofp %parallel_loop3A_1330 : vector<16xi32> to vector<16xf32>
          %parallel_loop3A_1341 = arith.mulf %parallel_loop3A_1319, %parallel_loop3A_1340 : vector<16xf32>
          tpu.vector_store_idx %arg9[%parallel_loop3A_1339], %parallel_loop3A_1341 {add = true} : memref<65552xf32, #tpu.memory_space<vmem>>[vector<16xi32>], vector<16xf32>,
          %parallel_loop3A_1342 = vector.shape_cast %select_n3A_553 : vector<16xi32> to vector<16x1xi32>
          %parallel_loop3A_1343 = vector.shape_cast %parallel_loop3A_1342 : vector<16x1xi32> to vector<16xi32>
          %parallel_loop3A_1344 = tpu.dynamic_gather %parallel_loop3A_830[%parallel_loop3A_1343] in [0] : vector<16xf32>, vector<16xi32> -> vector<16xf32>
          %parallel_loop3A_1345 = vector.shape_cast %add3A_595 : vector<16xi32> to vector<16x1xi32>
          %parallel_loop3A_1346 = vector.shape_cast %parallel_loop3A_1345 : vector<16x1xi32> to vector<16xi32>
          %parallel_loop3A_1347 = tpu.dynamic_gather %parallel_loop3A_830[%parallel_loop3A_1346] in [0] : vector<16xf32>, vector<16xi32> -> vector<16xf32>
          %parallel_loop3A_1348 = arith.addf %parallel_loop3A_1344, %parallel_loop3A_1347 : vector<16xf32>
          %parallel_loop3A_1349 = vector.shape_cast %add3A_598 : vector<16xi32> to vector<16x1xi32>
          %parallel_loop3A_1350 = vector.shape_cast %parallel_loop3A_1349 : vector<16x1xi32> to vector<16xi32>
          %parallel_loop3A_1351 = tpu.dynamic_gather %parallel_loop3A_830[%parallel_loop3A_1350] in [0] : vector<16xf32>, vector<16xi32> -> vector<16xf32>
          %parallel_loop3A_1352 = arith.addf %parallel_loop3A_1348, %parallel_loop3A_1351 : vector<16xf32>
          %parallel_loop3A_1353 = arith.constant 9.99999996E-13 : f32
          %parallel_loop3A_1354 = vector.broadcast %parallel_loop3A_1353 : f32 to vector<16xf32>
          %parallel_loop3A_1355 = arith.maximumf %parallel_loop3A_1352, %parallel_loop3A_1354 : vector<16xf32>
          %parallel_loop3A_1356 = vector.bitcast %parallel_loop3A_1355 : vector<16xf32> to vector<16xi32>
          %parallel_loop3A_1357 = arith.constant 1 : i32
          %parallel_loop3A_1358 = vector.broadcast %parallel_loop3A_1357 : i32 to vector<16xi32>
          %parallel_loop3A_1359 = arith.shrui %parallel_loop3A_1356, %parallel_loop3A_1358 : vector<16xi32>
          %parallel_loop3A_1360 = arith.constant 1597463007 : i32
          %parallel_loop3A_1361 = vector.broadcast %parallel_loop3A_1360 : i32 to vector<16xi32>
          %parallel_loop3A_1362 = arith.subi %parallel_loop3A_1361, %parallel_loop3A_1359 : vector<16xi32>
          %parallel_loop3A_1363 = vector.bitcast %parallel_loop3A_1362 : vector<16xi32> to vector<16xf32>
          %parallel_loop3A_1364 = arith.constant -5.000000e-01 : f32
          %parallel_loop3A_1365 = vector.broadcast %parallel_loop3A_1364 : f32 to vector<16xf32>
          %parallel_loop3A_1366 = arith.mulf %parallel_loop3A_1365, %parallel_loop3A_1355 : vector<16xf32>
          %parallel_loop3A_1367 = arith.mulf %parallel_loop3A_1366, %parallel_loop3A_1363 : vector<16xf32>
          %parallel_loop3A_1368 = arith.mulf %parallel_loop3A_1367, %parallel_loop3A_1363 : vector<16xf32>
          %parallel_loop3A_1369 = arith.constant 1.500000e+00 : f32
          %parallel_loop3A_1370 = vector.broadcast %parallel_loop3A_1369 : f32 to vector<16xf32>
          %parallel_loop3A_1371 = arith.addf %parallel_loop3A_1370, %parallel_loop3A_1368 : vector<16xf32>
          %parallel_loop3A_1372 = arith.mulf %parallel_loop3A_1363, %parallel_loop3A_1371 : vector<16xf32>
          %parallel_loop3A_1373 = arith.mulf %parallel_loop3A_1366, %parallel_loop3A_1372 : vector<16xf32>
          %parallel_loop3A_1374 = arith.mulf %parallel_loop3A_1373, %parallel_loop3A_1372 : vector<16xf32>
          %parallel_loop3A_1375 = arith.constant 1.500000e+00 : f32
          %parallel_loop3A_1376 = vector.broadcast %parallel_loop3A_1375 : f32 to vector<16xf32>
          %parallel_loop3A_1377 = arith.addf %parallel_loop3A_1376, %parallel_loop3A_1374 : vector<16xf32>
          %parallel_loop3A_1378 = arith.mulf %parallel_loop3A_1372, %parallel_loop3A_1377 : vector<16xf32>
          %parallel_loop3A_1379 = arith.mulf %parallel_loop3A_1355, %parallel_loop3A_1378 : vector<16xf32>
          %parallel_loop3A_1380 = arith.constant 1.000000e+01 : f32
          %parallel_loop3A_1381 = vector.broadcast %parallel_loop3A_1380 : f32 to vector<16xf32>
          %parallel_loop3A_1382 = arith.mulf %parallel_loop3A_1379, %parallel_loop3A_1381 : vector<16xf32>
          %parallel_loop3A_1383 = arith.fptosi %parallel_loop3A_1382 : vector<16xf32> to vector<16xi32>
          %parallel_loop3A_1384 = arith.sitofp %parallel_loop3A_1383 : vector<16xi32> to vector<16xf32>
          %parallel_loop3A_1385 = arith.subf %parallel_loop3A_1382, %parallel_loop3A_1384 : vector<16xf32>
          %parallel_loop3A_1386 = arith.constant 64 : i32
          %parallel_loop3A_1387 = vector.broadcast %parallel_loop3A_1386 : i32 to vector<16xi32>
          %parallel_loop3A_1388 = arith.addi %parallel_loop3A_1383, %parallel_loop3A_1387 : vector<16xi32>
          %parallel_loop3A_1389 = tpu.vector_load_idx %arg8[%parallel_loop3A_804, %parallel_loop3A_1388] : memref<128x128xf32, #tpu.memory_space<vmem>>[vector<16xi32>, vector<16xi32>], vector<16xf32>,
          %parallel_loop3A_1390 = arith.constant 65 : i32
          %parallel_loop3A_1391 = vector.broadcast %parallel_loop3A_1390 : i32 to vector<16xi32>
          %parallel_loop3A_1392 = arith.addi %parallel_loop3A_1383, %parallel_loop3A_1391 : vector<16xi32>
          %parallel_loop3A_1393 = tpu.vector_load_idx %arg8[%parallel_loop3A_804, %parallel_loop3A_1392] : memref<128x128xf32, #tpu.memory_space<vmem>>[vector<16xi32>, vector<16xi32>], vector<16xf32>,
          %parallel_loop3A_1394 = arith.subf %parallel_loop3A_1393, %parallel_loop3A_1389 : vector<16xf32>
          %parallel_loop3A_1395 = arith.mulf %parallel_loop3A_1385, %parallel_loop3A_1394 : vector<16xf32>
          %parallel_loop3A_1396 = arith.addf %parallel_loop3A_1389, %parallel_loop3A_1395 : vector<16xf32>
          %parallel_loop3A_1397 = arith.mulf %parallel_loop3A_1396, %parallel_loop3A_843 : vector<16xf32>
          %parallel_loop3A_1398 = arith.addi %parallel_loop3A_862, %select_n3A_553 : vector<16xi32>
          %parallel_loop3A_1399 = arith.constant 3 : i32
          %parallel_loop3A_1400 = vector.broadcast %parallel_loop3A_1399 : i32 to vector<16xi32>
          %parallel_loop3A_1401 = arith.subi %parallel_loop3A_1400, %parallel_loop3A_1398 : vector<16xi32>
          %parallel_loop3A_1402 = arith.ori %parallel_loop3A_1398, %parallel_loop3A_1401 : vector<16xi32>
          %parallel_loop3A_1403 = arith.constant 31 : i32
          %parallel_loop3A_1404 = vector.broadcast %parallel_loop3A_1403 : i32 to vector<16xi32>
          %parallel_loop3A_1405 = arith.shrui %parallel_loop3A_1402, %parallel_loop3A_1404 : vector<16xi32>
          %parallel_loop3A_1406 = arith.constant 1 : i32
          %parallel_loop3A_1407 = vector.broadcast %parallel_loop3A_1406 : i32 to vector<16xi32>
          %parallel_loop3A_1408 = arith.subi %parallel_loop3A_1407, %parallel_loop3A_1405 : vector<16xi32>
          %parallel_loop3A_1409 = arith.addi %parallel_loop3A_873, %add3A_606 : vector<16xi32>
          %parallel_loop3A_1410 = arith.muli %parallel_loop3A_1409, %parallel_loop3A_1408 : vector<16xi32>
          %parallel_loop3A_1411 = arith.constant 1 : i32
          %parallel_loop3A_1412 = vector.broadcast %parallel_loop3A_1411 : i32 to vector<16xi32>
          %parallel_loop3A_1413 = arith.subi %parallel_loop3A_1412, %parallel_loop3A_1408 : vector<16xi32>
          %parallel_loop3A_1414 = arith.constant 65536 : i32
          %parallel_loop3A_1415 = vector.broadcast %parallel_loop3A_1414 : i32 to vector<16xi32>
          %parallel_loop3A_1416 = arith.muli %parallel_loop3A_1415, %parallel_loop3A_1413 : vector<16xi32>
          %parallel_loop3A_1417 = arith.addi %parallel_loop3A_1410, %parallel_loop3A_1416 : vector<16xi32>
          %parallel_loop3A_1418 = arith.sitofp %parallel_loop3A_1408 : vector<16xi32> to vector<16xf32>
          %parallel_loop3A_1419 = arith.mulf %parallel_loop3A_1397, %parallel_loop3A_1418 : vector<16xf32>
          tpu.vector_store_idx %arg9[%parallel_loop3A_1417], %parallel_loop3A_1419 {add = true} : memref<65552xf32, #tpu.memory_space<vmem>>[vector<16xi32>], vector<16xf32>,
          %parallel_loop3A_1420 = vector.shape_cast %select_n3A_640 : vector<16xi32> to vector<16x1xi32>
          %parallel_loop3A_1421 = vector.shape_cast %parallel_loop3A_1420 : vector<16x1xi32> to vector<16xi32>
          %parallel_loop3A_1422 = tpu.dynamic_gather %parallel_loop3A_830[%parallel_loop3A_1421] in [0] : vector<16xf32>, vector<16xi32> -> vector<16xf32>
          %parallel_loop3A_1423 = vector.shape_cast %add3A_682 : vector<16xi32> to vector<16x1xi32>
          %parallel_loop3A_1424 = vector.shape_cast %parallel_loop3A_1423 : vector<16x1xi32> to vector<16xi32>
          %parallel_loop3A_1425 = tpu.dynamic_gather %parallel_loop3A_830[%parallel_loop3A_1424] in [0] : vector<16xf32>, vector<16xi32> -> vector<16xf32>
          %parallel_loop3A_1426 = arith.addf %parallel_loop3A_1422, %parallel_loop3A_1425 : vector<16xf32>
          %parallel_loop3A_1427 = vector.shape_cast %add3A_685 : vector<16xi32> to vector<16x1xi32>
          %parallel_loop3A_1428 = vector.shape_cast %parallel_loop3A_1427 : vector<16x1xi32> to vector<16xi32>
          %parallel_loop3A_1429 = tpu.dynamic_gather %parallel_loop3A_830[%parallel_loop3A_1428] in [0] : vector<16xf32>, vector<16xi32> -> vector<16xf32>
          %parallel_loop3A_1430 = arith.addf %parallel_loop3A_1426, %parallel_loop3A_1429 : vector<16xf32>
          %parallel_loop3A_1431 = arith.constant 9.99999996E-13 : f32
          %parallel_loop3A_1432 = vector.broadcast %parallel_loop3A_1431 : f32 to vector<16xf32>
          %parallel_loop3A_1433 = arith.maximumf %parallel_loop3A_1430, %parallel_loop3A_1432 : vector<16xf32>
          %parallel_loop3A_1434 = vector.bitcast %parallel_loop3A_1433 : vector<16xf32> to vector<16xi32>
          %parallel_loop3A_1435 = arith.constant 1 : i32
          %parallel_loop3A_1436 = vector.broadcast %parallel_loop3A_1435 : i32 to vector<16xi32>
          %parallel_loop3A_1437 = arith.shrui %parallel_loop3A_1434, %parallel_loop3A_1436 : vector<16xi32>
          %parallel_loop3A_1438 = arith.constant 1597463007 : i32
          %parallel_loop3A_1439 = vector.broadcast %parallel_loop3A_1438 : i32 to vector<16xi32>
          %parallel_loop3A_1440 = arith.subi %parallel_loop3A_1439, %parallel_loop3A_1437 : vector<16xi32>
          %parallel_loop3A_1441 = vector.bitcast %parallel_loop3A_1440 : vector<16xi32> to vector<16xf32>
          %parallel_loop3A_1442 = arith.constant -5.000000e-01 : f32
          %parallel_loop3A_1443 = vector.broadcast %parallel_loop3A_1442 : f32 to vector<16xf32>
          %parallel_loop3A_1444 = arith.mulf %parallel_loop3A_1443, %parallel_loop3A_1433 : vector<16xf32>
          %parallel_loop3A_1445 = arith.mulf %parallel_loop3A_1444, %parallel_loop3A_1441 : vector<16xf32>
          %parallel_loop3A_1446 = arith.mulf %parallel_loop3A_1445, %parallel_loop3A_1441 : vector<16xf32>
          %parallel_loop3A_1447 = arith.constant 1.500000e+00 : f32
          %parallel_loop3A_1448 = vector.broadcast %parallel_loop3A_1447 : f32 to vector<16xf32>
          %parallel_loop3A_1449 = arith.addf %parallel_loop3A_1448, %parallel_loop3A_1446 : vector<16xf32>
          %parallel_loop3A_1450 = arith.mulf %parallel_loop3A_1441, %parallel_loop3A_1449 : vector<16xf32>
          %parallel_loop3A_1451 = arith.mulf %parallel_loop3A_1444, %parallel_loop3A_1450 : vector<16xf32>
          %parallel_loop3A_1452 = arith.mulf %parallel_loop3A_1451, %parallel_loop3A_1450 : vector<16xf32>
          %parallel_loop3A_1453 = arith.constant 1.500000e+00 : f32
          %parallel_loop3A_1454 = vector.broadcast %parallel_loop3A_1453 : f32 to vector<16xf32>
          %parallel_loop3A_1455 = arith.addf %parallel_loop3A_1454, %parallel_loop3A_1452 : vector<16xf32>
          %parallel_loop3A_1456 = arith.mulf %parallel_loop3A_1450, %parallel_loop3A_1455 : vector<16xf32>
          %parallel_loop3A_1457 = arith.mulf %parallel_loop3A_1433, %parallel_loop3A_1456 : vector<16xf32>
          %parallel_loop3A_1458 = arith.constant 1.000000e+01 : f32
          %parallel_loop3A_1459 = vector.broadcast %parallel_loop3A_1458 : f32 to vector<16xf32>
          %parallel_loop3A_1460 = arith.mulf %parallel_loop3A_1457, %parallel_loop3A_1459 : vector<16xf32>
          %parallel_loop3A_1461 = arith.fptosi %parallel_loop3A_1460 : vector<16xf32> to vector<16xi32>
          %parallel_loop3A_1462 = arith.sitofp %parallel_loop3A_1461 : vector<16xi32> to vector<16xf32>
          %parallel_loop3A_1463 = arith.subf %parallel_loop3A_1460, %parallel_loop3A_1462 : vector<16xf32>
          %parallel_loop3A_1464 = arith.constant 64 : i32
          %parallel_loop3A_1465 = vector.broadcast %parallel_loop3A_1464 : i32 to vector<16xi32>
          %parallel_loop3A_1466 = arith.addi %parallel_loop3A_1461, %parallel_loop3A_1465 : vector<16xi32>
          %parallel_loop3A_1467 = tpu.vector_load_idx %arg8[%parallel_loop3A_804, %parallel_loop3A_1466] : memref<128x128xf32, #tpu.memory_space<vmem>>[vector<16xi32>, vector<16xi32>], vector<16xf32>,
          %parallel_loop3A_1468 = arith.constant 65 : i32
          %parallel_loop3A_1469 = vector.broadcast %parallel_loop3A_1468 : i32 to vector<16xi32>
          %parallel_loop3A_1470 = arith.addi %parallel_loop3A_1461, %parallel_loop3A_1469 : vector<16xi32>
          %parallel_loop3A_1471 = tpu.vector_load_idx %arg8[%parallel_loop3A_804, %parallel_loop3A_1470] : memref<128x128xf32, #tpu.memory_space<vmem>>[vector<16xi32>, vector<16xi32>], vector<16xf32>,
          %parallel_loop3A_1472 = arith.subf %parallel_loop3A_1471, %parallel_loop3A_1467 : vector<16xf32>
          %parallel_loop3A_1473 = arith.mulf %parallel_loop3A_1463, %parallel_loop3A_1472 : vector<16xf32>
          %parallel_loop3A_1474 = arith.addf %parallel_loop3A_1467, %parallel_loop3A_1473 : vector<16xf32>
          %parallel_loop3A_1475 = arith.mulf %parallel_loop3A_1474, %parallel_loop3A_843 : vector<16xf32>
          %parallel_loop3A_1476 = arith.addi %parallel_loop3A_862, %select_n3A_640 : vector<16xi32>
          %parallel_loop3A_1477 = arith.constant 3 : i32
          %parallel_loop3A_1478 = vector.broadcast %parallel_loop3A_1477 : i32 to vector<16xi32>
          %parallel_loop3A_1479 = arith.subi %parallel_loop3A_1478, %parallel_loop3A_1476 : vector<16xi32>
          %parallel_loop3A_1480 = arith.ori %parallel_loop3A_1476, %parallel_loop3A_1479 : vector<16xi32>
          %parallel_loop3A_1481 = arith.constant 12 : i32
          %parallel_loop3A_1482 = vector.broadcast %parallel_loop3A_1481 : i32 to vector<16xi32>
          %parallel_loop3A_1483 = arith.subi %parallel_loop3A_1482, %iota3A : vector<16xi32>
          %parallel_loop3A_1484 = arith.ori %parallel_loop3A_1480, %parallel_loop3A_1483 : vector<16xi32>
          %parallel_loop3A_1485 = arith.constant 31 : i32
          %parallel_loop3A_1486 = vector.broadcast %parallel_loop3A_1485 : i32 to vector<16xi32>
          %parallel_loop3A_1487 = arith.shrui %parallel_loop3A_1484, %parallel_loop3A_1486 : vector<16xi32>
          %parallel_loop3A_1488 = arith.constant 1 : i32
          %parallel_loop3A_1489 = vector.broadcast %parallel_loop3A_1488 : i32 to vector<16xi32>
          %parallel_loop3A_1490 = arith.subi %parallel_loop3A_1489, %parallel_loop3A_1487 : vector<16xi32>
          %parallel_loop3A_1491 = arith.addi %parallel_loop3A_873, %add3A_693 : vector<16xi32>
          %parallel_loop3A_1492 = arith.muli %parallel_loop3A_1491, %parallel_loop3A_1490 : vector<16xi32>
          %parallel_loop3A_1493 = arith.constant 1 : i32
          %parallel_loop3A_1494 = vector.broadcast %parallel_loop3A_1493 : i32 to vector<16xi32>
          %parallel_loop3A_1495 = arith.subi %parallel_loop3A_1494, %parallel_loop3A_1490 : vector<16xi32>
          %parallel_loop3A_1496 = arith.constant 65536 : i32
          %parallel_loop3A_1497 = vector.broadcast %parallel_loop3A_1496 : i32 to vector<16xi32>
          %parallel_loop3A_1498 = arith.muli %parallel_loop3A_1497, %parallel_loop3A_1495 : vector<16xi32>
          %parallel_loop3A_1499 = arith.addi %parallel_loop3A_1492, %parallel_loop3A_1498 : vector<16xi32>
          %parallel_loop3A_1500 = arith.sitofp %parallel_loop3A_1490 : vector<16xi32> to vector<16xf32>
          %parallel_loop3A_1501 = arith.mulf %parallel_loop3A_1475, %parallel_loop3A_1500 : vector<16xf32>
          tpu.vector_store_idx %arg9[%parallel_loop3A_1499], %parallel_loop3A_1501 {add = true} : memref<65552xf32, #tpu.memory_space<vmem>>[vector<16xi32>], vector<16xf32>,
        } {sc.loop_unroll_factor = 6 : i64, sc.parallel_access}
      }
      %while3A_788 = arith.constant 1 : i32
      scf.for %while3A_794 = %while3A_786 to %while3A_782 step %while3A_788  : i32 {
        %mul3A_795 = arith.constant 128 : i32
        %mul3A_796 = arith.muli %while3A_794, %mul3A_795 : i32
        "tpu.region"() ({
          %run_scoped3A = tpu.sem_alloc : memref<!tpu.dma_semaphore, #tpu.memory_space<semaphore_mem>>
          %dma_start3A = tpu.memref_slice %arg7[%mul3A_796] : memref<10144xi32, #tpu.memory_space<vmem>> -> memref<128xi32, #tpu.memory_space<vmem>>
          %dma_start3A_803 = arith.constant 0 : i32
          %dma_start3A_804 = arith.constant 0 : i32
          %dma_start3A_805 = tpu.memref_slice %arg2[%dma_start3A_803, %dma_start3A_804] : memref<40000x128xf32, #tpu.memory_space<hbm>> -> memref<40000x128xf32, #tpu.memory_space<hbm>>
          tpu.enqueue_indirect_dma source(%dma_start3A_805 : memref<40000x128xf32, #tpu.memory_space<hbm>>) target(%arg8 : memref<128x128xf32, #tpu.memory_space<vmem>>) offsets(%dma_start3A : memref<128xi32, #tpu.memory_space<vmem>>) semaphore(%run_scoped3A : memref<!tpu.dma_semaphore, #tpu.memory_space<semaphore_mem>>)
          %dma_wait3A = tpu.memref_slice %arg7[%mul3A_796] : memref<10144xi32, #tpu.memory_space<vmem>> -> memref<128xi32, #tpu.memory_space<vmem>>
          %dma_wait3A_806 = arith.constant 0 : i32
          %dma_wait3A_807 = arith.constant 0 : i32
          %dma_wait3A_808 = tpu.memref_slice %arg2[%dma_wait3A_806, %dma_wait3A_807] : memref<40000x128xf32, #tpu.memory_space<hbm>> -> memref<40000x128xf32, #tpu.memory_space<hbm>>
          tpu.wait_indirect_dma semaphore(%run_scoped3A : memref<!tpu.dma_semaphore, #tpu.memory_space<semaphore_mem>>) src(%dma_wait3A_808 : memref<40000x128xf32, #tpu.memory_space<hbm>>) dst(%arg8 : memref<128x128xf32, #tpu.memory_space<vmem>>)
          tpu.yield
        }) : () -> ()
        %mul3A_797 = arith.constant 128 : i32
        %mul3A_798 = arith.muli %while3A_794, %mul3A_797 : i32
        %sub3A_799 = arith.subi %parallel_loop3A_753, %mul3A_798 : i32
        %min3A = arith.constant 128 : i32
        %min3A_800 = arith.minsi %min3A, %sub3A_799 : i32
        %parallel_loop3A_801 = arith.constant 0 : i32
        %parallel_loop3A_802 = arith.constant 1 : i32
        scf.for %parallel_loop3A_803 = %parallel_loop3A_801 to %min3A_800 step %parallel_loop3A_802  : i32 {
          %parallel_loop3A_804 = vector.broadcast %parallel_loop3A_803 : i32 to vector<16xi32>
          %parallel_loop3A_805 = arith.index_cast %parallel_loop3A_803 : i32 to index
          %parallel_loop3A_806 = arith.constant 0 : index
          %parallel_loop3A_807 = tpu.vector_load %arg8[%parallel_loop3A_805, %parallel_loop3A_806] {strides = array<i32>} : memref<128x128xf32, #tpu.memory_space<vmem>>, vector<16xf32>,
          %parallel_loop3A_808 = arith.fptosi %parallel_loop3A_807 : vector<16xf32> to vector<16xi32>
          %parallel_loop3A_809 = arith.sitofp %parallel_loop3A_808 : vector<16xi32> to vector<16xf32>
          %parallel_loop3A_810 = arith.subf %parallel_loop3A_807, %parallel_loop3A_809 : vector<16xf32>
          %parallel_loop3A_811 = vector.shape_cast %max3A_729 : vector<16xi32> to vector<16x1xi32>
          %parallel_loop3A_812 = vector.shape_cast %parallel_loop3A_811 : vector<16x1xi32> to vector<16xi32>
          %parallel_loop3A_813 = tpu.dynamic_gather %parallel_loop3A_810[%parallel_loop3A_812] in [0] : vector<16xf32>, vector<16xi32> -> vector<16xf32>
          %parallel_loop3A_814 = arith.subf %parallel_loop3A_813, %convert_element_type3A : vector<16xf32>
          %parallel_loop3A_815 = vector.bitcast %parallel_loop3A_814 : vector<16xf32> to vector<16xi32>
          %parallel_loop3A_816 = arith.constant 32767 : i32
          %parallel_loop3A_817 = vector.broadcast %parallel_loop3A_816 : i32 to vector<16xi32>
          %parallel_loop3A_818 = arith.addi %parallel_loop3A_815, %parallel_loop3A_817 : vector<16xi32>
          %parallel_loop3A_819 = arith.constant 16 : i32
          %parallel_loop3A_820 = vector.broadcast %parallel_loop3A_819 : i32 to vector<16xi32>
          %parallel_loop3A_821 = arith.shrui %parallel_loop3A_815, %parallel_loop3A_820 : vector<16xi32>
          %parallel_loop3A_822 = arith.constant 1 : i32
          %parallel_loop3A_823 = vector.broadcast %parallel_loop3A_822 : i32 to vector<16xi32>
          %parallel_loop3A_824 = arith.andi %parallel_loop3A_821, %parallel_loop3A_823 : vector<16xi32>
          %parallel_loop3A_825 = arith.addi %parallel_loop3A_818, %parallel_loop3A_824 : vector<16xi32>
          %parallel_loop3A_826 = arith.constant -65536 : i32
          %parallel_loop3A_827 = vector.broadcast %parallel_loop3A_826 : i32 to vector<16xi32>
          %parallel_loop3A_828 = arith.andi %parallel_loop3A_825, %parallel_loop3A_827 : vector<16xi32>
          %parallel_loop3A_829 = vector.bitcast %parallel_loop3A_828 : vector<16xi32> to vector<16xf32>
          %parallel_loop3A_830 = arith.mulf %parallel_loop3A_829, %parallel_loop3A_829 : vector<16xf32>
          %parallel_loop3A_831 = arith.constant 3 : i32
          %parallel_loop3A_832 = vector.broadcast %parallel_loop3A_831 : i32 to vector<16xi32>
          %parallel_loop3A_833 = arith.addi %broadcast_in_dim3A_5, %parallel_loop3A_832 : vector<16xi32>
          %parallel_loop3A_834 = vector.shape_cast %parallel_loop3A_833 : vector<16xi32> to vector<16x1xi32>
          %parallel_loop3A_835 = vector.shape_cast %parallel_loop3A_834 : vector<16x1xi32> to vector<16xi32>
          %parallel_loop3A_836 = tpu.dynamic_gather %parallel_loop3A_807[%parallel_loop3A_835] in [0] : vector<16xf32>, vector<16xi32> -> vector<16xf32>
          %parallel_loop3A_837 = arith.constant 4 : i32
          %parallel_loop3A_838 = vector.broadcast %parallel_loop3A_837 : i32 to vector<16xi32>
          %parallel_loop3A_839 = arith.addi %broadcast_in_dim3A_5, %parallel_loop3A_838 : vector<16xi32>
          %parallel_loop3A_840 = vector.shape_cast %parallel_loop3A_839 : vector<16xi32> to vector<16x1xi32>
          %parallel_loop3A_841 = vector.shape_cast %parallel_loop3A_840 : vector<16x1xi32> to vector<16xi32>
          %parallel_loop3A_842 = tpu.dynamic_gather %parallel_loop3A_807[%parallel_loop3A_841] in [0] : vector<16xf32>, vector<16xi32> -> vector<16xf32>
          %parallel_loop3A_843 = arith.mulf %parallel_loop3A_836, %parallel_loop3A_842 : vector<16xf32>
          %parallel_loop3A_844 = vector.shape_cast %broadcast_in_dim3A_5 : vector<16xi32> to vector<16x1xi32>
          %parallel_loop3A_845 = vector.shape_cast %parallel_loop3A_844 : vector<16x1xi32> to vector<16xi32>
          %parallel_loop3A_846 = tpu.dynamic_gather %parallel_loop3A_808[%parallel_loop3A_845] in [0] : vector<16xi32>, vector<16xi32> -> vector<16xi32>
          %parallel_loop3A_847 = arith.constant 1 : i32
          %parallel_loop3A_848 = vector.broadcast %parallel_loop3A_847 : i32 to vector<16xi32>
          %parallel_loop3A_849 = arith.addi %broadcast_in_dim3A_5, %parallel_loop3A_848 : vector<16xi32>
          %parallel_loop3A_850 = vector.shape_cast %parallel_loop3A_849 : vector<16xi32> to vector<16x1xi32>
          %parallel_loop3A_851 = vector.shape_cast %parallel_loop3A_850 : vector<16x1xi32> to vector<16xi32>
          %parallel_loop3A_852 = tpu.dynamic_gather %parallel_loop3A_808[%parallel_loop3A_851] in [0] : vector<16xi32>, vector<16xi32> -> vector<16xi32>
          %parallel_loop3A_853 = arith.constant 2 : i32
          %parallel_loop3A_854 = vector.broadcast %parallel_loop3A_853 : i32 to vector<16xi32>
          %parallel_loop3A_855 = arith.addi %broadcast_in_dim3A_5, %parallel_loop3A_854 : vector<16xi32>
          %parallel_loop3A_856 = vector.shape_cast %parallel_loop3A_855 : vector<16xi32> to vector<16x1xi32>
          %parallel_loop3A_857 = vector.shape_cast %parallel_loop3A_856 : vector<16x1xi32> to vector<16xi32>
          %parallel_loop3A_858 = tpu.dynamic_gather %parallel_loop3A_808[%parallel_loop3A_857] in [0] : vector<16xi32>, vector<16xi32> -> vector<16xi32>
          %parallel_loop3A_859 = arith.constant 2 : i32
          %parallel_loop3A_860 = arith.addi %mul3A_2, %parallel_loop3A_859 : i32
          %parallel_loop3A_861 = vector.broadcast %parallel_loop3A_860 : i32 to vector<16xi32>
          %parallel_loop3A_862 = arith.subi %parallel_loop3A_858, %parallel_loop3A_861 : vector<16xi32>
          %parallel_loop3A_863 = arith.constant 16384 : i32
          %parallel_loop3A_864 = vector.broadcast %parallel_loop3A_863 : i32 to vector<16xi32>
          %parallel_loop3A_865 = arith.muli %parallel_loop3A_862, %parallel_loop3A_864 : vector<16xi32>
          %parallel_loop3A_866 = arith.constant 128 : i32
          %parallel_loop3A_867 = vector.broadcast %parallel_loop3A_866 : i32 to vector<16xi32>
          %parallel_loop3A_868 = arith.muli %parallel_loop3A_852, %parallel_loop3A_867 : vector<16xi32>
          %parallel_loop3A_869 = arith.addi %parallel_loop3A_865, %parallel_loop3A_868 : vector<16xi32>
          %parallel_loop3A_870 = arith.addi %parallel_loop3A_869, %parallel_loop3A_846 : vector<16xi32>
          %parallel_loop3A_871 = arith.constant 258 : i32
          %parallel_loop3A_872 = vector.broadcast %parallel_loop3A_871 : i32 to vector<16xi32>
          %parallel_loop3A_873 = arith.subi %parallel_loop3A_870, %parallel_loop3A_872 : vector<16xi32>
          %parallel_loop3A_874 = vector.shape_cast %select_n3A : vector<16xi32> to vector<16x1xi32>
          %parallel_loop3A_875 = vector.shape_cast %parallel_loop3A_874 : vector<16x1xi32> to vector<16xi32>
          %parallel_loop3A_876 = tpu.dynamic_gather %parallel_loop3A_830[%parallel_loop3A_875] in [0] : vector<16xf32>, vector<16xi32> -> vector<16xf32>
          %parallel_loop3A_877 = vector.shape_cast %add3A_73 : vector<16xi32> to vector<16x1xi32>
          %parallel_loop3A_878 = vector.shape_cast %parallel_loop3A_877 : vector<16x1xi32> to vector<16xi32>
          %parallel_loop3A_879 = tpu.dynamic_gather %parallel_loop3A_830[%parallel_loop3A_878] in [0] : vector<16xf32>, vector<16xi32> -> vector<16xf32>
          %parallel_loop3A_880 = arith.addf %parallel_loop3A_876, %parallel_loop3A_879 : vector<16xf32>
          %parallel_loop3A_881 = vector.shape_cast %add3A_76 : vector<16xi32> to vector<16x1xi32>
          %parallel_loop3A_882 = vector.shape_cast %parallel_loop3A_881 : vector<16x1xi32> to vector<16xi32>
          %parallel_loop3A_883 = tpu.dynamic_gather %parallel_loop3A_830[%parallel_loop3A_882] in [0] : vector<16xf32>, vector<16xi32> -> vector<16xf32>
          %parallel_loop3A_884 = arith.addf %parallel_loop3A_880, %parallel_loop3A_883 : vector<16xf32>
          %parallel_loop3A_885 = arith.constant 9.99999996E-13 : f32
          %parallel_loop3A_886 = vector.broadcast %parallel_loop3A_885 : f32 to vector<16xf32>
          %parallel_loop3A_887 = arith.maximumf %parallel_loop3A_884, %parallel_loop3A_886 : vector<16xf32>
          %parallel_loop3A_888 = vector.bitcast %parallel_loop3A_887 : vector<16xf32> to vector<16xi32>
          %parallel_loop3A_889 = arith.constant 1 : i32
          %parallel_loop3A_890 = vector.broadcast %parallel_loop3A_889 : i32 to vector<16xi32>
          %parallel_loop3A_891 = arith.shrui %parallel_loop3A_888, %parallel_loop3A_890 : vector<16xi32>
          %parallel_loop3A_892 = arith.constant 1597463007 : i32
          %parallel_loop3A_893 = vector.broadcast %parallel_loop3A_892 : i32 to vector<16xi32>
          %parallel_loop3A_894 = arith.subi %parallel_loop3A_893, %parallel_loop3A_891 : vector<16xi32>
          %parallel_loop3A_895 = vector.bitcast %parallel_loop3A_894 : vector<16xi32> to vector<16xf32>
          %parallel_loop3A_896 = arith.constant -5.000000e-01 : f32
          %parallel_loop3A_897 = vector.broadcast %parallel_loop3A_896 : f32 to vector<16xf32>
          %parallel_loop3A_898 = arith.mulf %parallel_loop3A_897, %parallel_loop3A_887 : vector<16xf32>
          %parallel_loop3A_899 = arith.mulf %parallel_loop3A_898, %parallel_loop3A_895 : vector<16xf32>
          %parallel_loop3A_900 = arith.mulf %parallel_loop3A_899, %parallel_loop3A_895 : vector<16xf32>
          %parallel_loop3A_901 = arith.constant 1.500000e+00 : f32
          %parallel_loop3A_902 = vector.broadcast %parallel_loop3A_901 : f32 to vector<16xf32>
          %parallel_loop3A_903 = arith.addf %parallel_loop3A_902, %parallel_loop3A_900 : vector<16xf32>
          %parallel_loop3A_904 = arith.mulf %parallel_loop3A_895, %parallel_loop3A_903 : vector<16xf32>
          %parallel_loop3A_905 = arith.mulf %parallel_loop3A_898, %parallel_loop3A_904 : vector<16xf32>
          %parallel_loop3A_906 = arith.mulf %parallel_loop3A_905, %parallel_loop3A_904 : vector<16xf32>
          %parallel_loop3A_907 = arith.constant 1.500000e+00 : f32
          %parallel_loop3A_908 = vector.broadcast %parallel_loop3A_907 : f32 to vector<16xf32>
          %parallel_loop3A_909 = arith.addf %parallel_loop3A_908, %parallel_loop3A_906 : vector<16xf32>
          %parallel_loop3A_910 = arith.mulf %parallel_loop3A_904, %parallel_loop3A_909 : vector<16xf32>
          %parallel_loop3A_911 = arith.mulf %parallel_loop3A_887, %parallel_loop3A_910 : vector<16xf32>
          %parallel_loop3A_912 = arith.constant 1.000000e+01 : f32
          %parallel_loop3A_913 = vector.broadcast %parallel_loop3A_912 : f32 to vector<16xf32>
          %parallel_loop3A_914 = arith.mulf %parallel_loop3A_911, %parallel_loop3A_913 : vector<16xf32>
          %parallel_loop3A_915 = arith.fptosi %parallel_loop3A_914 : vector<16xf32> to vector<16xi32>
          %parallel_loop3A_916 = arith.sitofp %parallel_loop3A_915 : vector<16xi32> to vector<16xf32>
          %parallel_loop3A_917 = arith.subf %parallel_loop3A_914, %parallel_loop3A_916 : vector<16xf32>
          %parallel_loop3A_918 = arith.constant 64 : i32
          %parallel_loop3A_919 = vector.broadcast %parallel_loop3A_918 : i32 to vector<16xi32>
          %parallel_loop3A_920 = arith.addi %parallel_loop3A_915, %parallel_loop3A_919 : vector<16xi32>
          %parallel_loop3A_921 = tpu.vector_load_idx %arg8[%parallel_loop3A_804, %parallel_loop3A_920] : memref<128x128xf32, #tpu.memory_space<vmem>>[vector<16xi32>, vector<16xi32>], vector<16xf32>,
          %parallel_loop3A_922 = arith.constant 65 : i32
          %parallel_loop3A_923 = vector.broadcast %parallel_loop3A_922 : i32 to vector<16xi32>
          %parallel_loop3A_924 = arith.addi %parallel_loop3A_915, %parallel_loop3A_923 : vector<16xi32>
          %parallel_loop3A_925 = tpu.vector_load_idx %arg8[%parallel_loop3A_804, %parallel_loop3A_924] : memref<128x128xf32, #tpu.memory_space<vmem>>[vector<16xi32>, vector<16xi32>], vector<16xf32>,
          %parallel_loop3A_926 = arith.subf %parallel_loop3A_925, %parallel_loop3A_921 : vector<16xf32>
          %parallel_loop3A_927 = arith.mulf %parallel_loop3A_917, %parallel_loop3A_926 : vector<16xf32>
          %parallel_loop3A_928 = arith.addf %parallel_loop3A_921, %parallel_loop3A_927 : vector<16xf32>
          %parallel_loop3A_929 = arith.mulf %parallel_loop3A_928, %parallel_loop3A_843 : vector<16xf32>
          %parallel_loop3A_930 = arith.addi %parallel_loop3A_862, %select_n3A : vector<16xi32>
          %parallel_loop3A_931 = arith.constant 3 : i32
          %parallel_loop3A_932 = vector.broadcast %parallel_loop3A_931 : i32 to vector<16xi32>
          %parallel_loop3A_933 = arith.subi %parallel_loop3A_932, %parallel_loop3A_930 : vector<16xi32>
          %parallel_loop3A_934 = arith.ori %parallel_loop3A_930, %parallel_loop3A_933 : vector<16xi32>
          %parallel_loop3A_935 = arith.constant 31 : i32
          %parallel_loop3A_936 = vector.broadcast %parallel_loop3A_935 : i32 to vector<16xi32>
          %parallel_loop3A_937 = arith.shrui %parallel_loop3A_934, %parallel_loop3A_936 : vector<16xi32>
          %parallel_loop3A_938 = arith.constant 1 : i32
          %parallel_loop3A_939 = vector.broadcast %parallel_loop3A_938 : i32 to vector<16xi32>
          %parallel_loop3A_940 = arith.subi %parallel_loop3A_939, %parallel_loop3A_937 : vector<16xi32>
          %parallel_loop3A_941 = arith.addi %parallel_loop3A_873, %add3A_84 : vector<16xi32>
          %parallel_loop3A_942 = arith.muli %parallel_loop3A_941, %parallel_loop3A_940 : vector<16xi32>
          %parallel_loop3A_943 = arith.constant 1 : i32
          %parallel_loop3A_944 = vector.broadcast %parallel_loop3A_943 : i32 to vector<16xi32>
          %parallel_loop3A_945 = arith.subi %parallel_loop3A_944, %parallel_loop3A_940 : vector<16xi32>
          %parallel_loop3A_946 = arith.constant 65536 : i32
          %parallel_loop3A_947 = vector.broadcast %parallel_loop3A_946 : i32 to vector<16xi32>
          %parallel_loop3A_948 = arith.muli %parallel_loop3A_947, %parallel_loop3A_945 : vector<16xi32>
          %parallel_loop3A_949 = arith.addi %parallel_loop3A_942, %parallel_loop3A_948 : vector<16xi32>
          %parallel_loop3A_950 = arith.sitofp %parallel_loop3A_940 : vector<16xi32> to vector<16xf32>
          %parallel_loop3A_951 = arith.mulf %parallel_loop3A_929, %parallel_loop3A_950 : vector<16xf32>
          tpu.vector_store_idx %arg9[%parallel_loop3A_949], %parallel_loop3A_951 {add = true} : memref<65552xf32, #tpu.memory_space<vmem>>[vector<16xi32>], vector<16xf32>,
          %parallel_loop3A_952 = vector.shape_cast %select_n3A_118 : vector<16xi32> to vector<16x1xi32>
          %parallel_loop3A_953 = vector.shape_cast %parallel_loop3A_952 : vector<16x1xi32> to vector<16xi32>
          %parallel_loop3A_954 = tpu.dynamic_gather %parallel_loop3A_830[%parallel_loop3A_953] in [0] : vector<16xf32>, vector<16xi32> -> vector<16xf32>
          %parallel_loop3A_955 = vector.shape_cast %add3A_160 : vector<16xi32> to vector<16x1xi32>
          %parallel_loop3A_956 = vector.shape_cast %parallel_loop3A_955 : vector<16x1xi32> to vector<16xi32>
          %parallel_loop3A_957 = tpu.dynamic_gather %parallel_loop3A_830[%parallel_loop3A_956] in [0] : vector<16xf32>, vector<16xi32> -> vector<16xf32>
          %parallel_loop3A_958 = arith.addf %parallel_loop3A_954, %parallel_loop3A_957 : vector<16xf32>
          %parallel_loop3A_959 = vector.shape_cast %add3A_163 : vector<16xi32> to vector<16x1xi32>
          %parallel_loop3A_960 = vector.shape_cast %parallel_loop3A_959 : vector<16x1xi32> to vector<16xi32>
          %parallel_loop3A_961 = tpu.dynamic_gather %parallel_loop3A_830[%parallel_loop3A_960] in [0] : vector<16xf32>, vector<16xi32> -> vector<16xf32>
          %parallel_loop3A_962 = arith.addf %parallel_loop3A_958, %parallel_loop3A_961 : vector<16xf32>
          %parallel_loop3A_963 = arith.constant 9.99999996E-13 : f32
          %parallel_loop3A_964 = vector.broadcast %parallel_loop3A_963 : f32 to vector<16xf32>
          %parallel_loop3A_965 = arith.maximumf %parallel_loop3A_962, %parallel_loop3A_964 : vector<16xf32>
          %parallel_loop3A_966 = vector.bitcast %parallel_loop3A_965 : vector<16xf32> to vector<16xi32>
          %parallel_loop3A_967 = arith.constant 1 : i32
          %parallel_loop3A_968 = vector.broadcast %parallel_loop3A_967 : i32 to vector<16xi32>
          %parallel_loop3A_969 = arith.shrui %parallel_loop3A_966, %parallel_loop3A_968 : vector<16xi32>
          %parallel_loop3A_970 = arith.constant 1597463007 : i32
          %parallel_loop3A_971 = vector.broadcast %parallel_loop3A_970 : i32 to vector<16xi32>
          %parallel_loop3A_972 = arith.subi %parallel_loop3A_971, %parallel_loop3A_969 : vector<16xi32>
          %parallel_loop3A_973 = vector.bitcast %parallel_loop3A_972 : vector<16xi32> to vector<16xf32>
          %parallel_loop3A_974 = arith.constant -5.000000e-01 : f32
          %parallel_loop3A_975 = vector.broadcast %parallel_loop3A_974 : f32 to vector<16xf32>
          %parallel_loop3A_976 = arith.mulf %parallel_loop3A_975, %parallel_loop3A_965 : vector<16xf32>
          %parallel_loop3A_977 = arith.mulf %parallel_loop3A_976, %parallel_loop3A_973 : vector<16xf32>
          %parallel_loop3A_978 = arith.mulf %parallel_loop3A_977, %parallel_loop3A_973 : vector<16xf32>
          %parallel_loop3A_979 = arith.constant 1.500000e+00 : f32
          %parallel_loop3A_980 = vector.broadcast %parallel_loop3A_979 : f32 to vector<16xf32>
          %parallel_loop3A_981 = arith.addf %parallel_loop3A_980, %parallel_loop3A_978 : vector<16xf32>
          %parallel_loop3A_982 = arith.mulf %parallel_loop3A_973, %parallel_loop3A_981 : vector<16xf32>
          %parallel_loop3A_983 = arith.mulf %parallel_loop3A_976, %parallel_loop3A_982 : vector<16xf32>
          %parallel_loop3A_984 = arith.mulf %parallel_loop3A_983, %parallel_loop3A_982 : vector<16xf32>
          %parallel_loop3A_985 = arith.constant 1.500000e+00 : f32
          %parallel_loop3A_986 = vector.broadcast %parallel_loop3A_985 : f32 to vector<16xf32>
          %parallel_loop3A_987 = arith.addf %parallel_loop3A_986, %parallel_loop3A_984 : vector<16xf32>
          %parallel_loop3A_988 = arith.mulf %parallel_loop3A_982, %parallel_loop3A_987 : vector<16xf32>
          %parallel_loop3A_989 = arith.mulf %parallel_loop3A_965, %parallel_loop3A_988 : vector<16xf32>
          %parallel_loop3A_990 = arith.constant 1.000000e+01 : f32
          %parallel_loop3A_991 = vector.broadcast %parallel_loop3A_990 : f32 to vector<16xf32>
          %parallel_loop3A_992 = arith.mulf %parallel_loop3A_989, %parallel_loop3A_991 : vector<16xf32>
          %parallel_loop3A_993 = arith.fptosi %parallel_loop3A_992 : vector<16xf32> to vector<16xi32>
          %parallel_loop3A_994 = arith.sitofp %parallel_loop3A_993 : vector<16xi32> to vector<16xf32>
          %parallel_loop3A_995 = arith.subf %parallel_loop3A_992, %parallel_loop3A_994 : vector<16xf32>
          %parallel_loop3A_996 = arith.constant 64 : i32
          %parallel_loop3A_997 = vector.broadcast %parallel_loop3A_996 : i32 to vector<16xi32>
          %parallel_loop3A_998 = arith.addi %parallel_loop3A_993, %parallel_loop3A_997 : vector<16xi32>
          %parallel_loop3A_999 = tpu.vector_load_idx %arg8[%parallel_loop3A_804, %parallel_loop3A_998] : memref<128x128xf32, #tpu.memory_space<vmem>>[vector<16xi32>, vector<16xi32>], vector<16xf32>,
          %parallel_loop3A_1000 = arith.constant 65 : i32
          %parallel_loop3A_1001 = vector.broadcast %parallel_loop3A_1000 : i32 to vector<16xi32>
          %parallel_loop3A_1002 = arith.addi %parallel_loop3A_993, %parallel_loop3A_1001 : vector<16xi32>
          %parallel_loop3A_1003 = tpu.vector_load_idx %arg8[%parallel_loop3A_804, %parallel_loop3A_1002] : memref<128x128xf32, #tpu.memory_space<vmem>>[vector<16xi32>, vector<16xi32>], vector<16xf32>,
          %parallel_loop3A_1004 = arith.subf %parallel_loop3A_1003, %parallel_loop3A_999 : vector<16xf32>
          %parallel_loop3A_1005 = arith.mulf %parallel_loop3A_995, %parallel_loop3A_1004 : vector<16xf32>
          %parallel_loop3A_1006 = arith.addf %parallel_loop3A_999, %parallel_loop3A_1005 : vector<16xf32>
          %parallel_loop3A_1007 = arith.mulf %parallel_loop3A_1006, %parallel_loop3A_843 : vector<16xf32>
          %parallel_loop3A_1008 = arith.addi %parallel_loop3A_862, %select_n3A_118 : vector<16xi32>
          %parallel_loop3A_1009 = arith.constant 3 : i32
          %parallel_loop3A_1010 = vector.broadcast %parallel_loop3A_1009 : i32 to vector<16xi32>
          %parallel_loop3A_1011 = arith.subi %parallel_loop3A_1010, %parallel_loop3A_1008 : vector<16xi32>
          %parallel_loop3A_1012 = arith.ori %parallel_loop3A_1008, %parallel_loop3A_1011 : vector<16xi32>
          %parallel_loop3A_1013 = arith.constant 31 : i32
          %parallel_loop3A_1014 = vector.broadcast %parallel_loop3A_1013 : i32 to vector<16xi32>
          %parallel_loop3A_1015 = arith.shrui %parallel_loop3A_1012, %parallel_loop3A_1014 : vector<16xi32>
          %parallel_loop3A_1016 = arith.constant 1 : i32
          %parallel_loop3A_1017 = vector.broadcast %parallel_loop3A_1016 : i32 to vector<16xi32>
          %parallel_loop3A_1018 = arith.subi %parallel_loop3A_1017, %parallel_loop3A_1015 : vector<16xi32>
          %parallel_loop3A_1019 = arith.addi %parallel_loop3A_873, %add3A_171 : vector<16xi32>
          %parallel_loop3A_1020 = arith.muli %parallel_loop3A_1019, %parallel_loop3A_1018 : vector<16xi32>
          %parallel_loop3A_1021 = arith.constant 1 : i32
          %parallel_loop3A_1022 = vector.broadcast %parallel_loop3A_1021 : i32 to vector<16xi32>
          %parallel_loop3A_1023 = arith.subi %parallel_loop3A_1022, %parallel_loop3A_1018 : vector<16xi32>
          %parallel_loop3A_1024 = arith.constant 65536 : i32
          %parallel_loop3A_1025 = vector.broadcast %parallel_loop3A_1024 : i32 to vector<16xi32>
          %parallel_loop3A_1026 = arith.muli %parallel_loop3A_1025, %parallel_loop3A_1023 : vector<16xi32>
          %parallel_loop3A_1027 = arith.addi %parallel_loop3A_1020, %parallel_loop3A_1026 : vector<16xi32>
          %parallel_loop3A_1028 = arith.sitofp %parallel_loop3A_1018 : vector<16xi32> to vector<16xf32>
          %parallel_loop3A_1029 = arith.mulf %parallel_loop3A_1007, %parallel_loop3A_1028 : vector<16xf32>
          tpu.vector_store_idx %arg9[%parallel_loop3A_1027], %parallel_loop3A_1029 {add = true} : memref<65552xf32, #tpu.memory_space<vmem>>[vector<16xi32>], vector<16xf32>,
          %parallel_loop3A_1030 = vector.shape_cast %select_n3A_205 : vector<16xi32> to vector<16x1xi32>
          %parallel_loop3A_1031 = vector.shape_cast %parallel_loop3A_1030 : vector<16x1xi32> to vector<16xi32>
          %parallel_loop3A_1032 = tpu.dynamic_gather %parallel_loop3A_830[%parallel_loop3A_1031] in [0] : vector<16xf32>, vector<16xi32> -> vector<16xf32>
          %parallel_loop3A_1033 = vector.shape_cast %add3A_247 : vector<16xi32> to vector<16x1xi32>
          %parallel_loop3A_1034 = vector.shape_cast %parallel_loop3A_1033 : vector<16x1xi32> to vector<16xi32>
          %parallel_loop3A_1035 = tpu.dynamic_gather %parallel_loop3A_830[%parallel_loop3A_1034] in [0] : vector<16xf32>, vector<16xi32> -> vector<16xf32>
          %parallel_loop3A_1036 = arith.addf %parallel_loop3A_1032, %parallel_loop3A_1035 : vector<16xf32>
          %parallel_loop3A_1037 = vector.shape_cast %add3A_250 : vector<16xi32> to vector<16x1xi32>
          %parallel_loop3A_1038 = vector.shape_cast %parallel_loop3A_1037 : vector<16x1xi32> to vector<16xi32>
          %parallel_loop3A_1039 = tpu.dynamic_gather %parallel_loop3A_830[%parallel_loop3A_1038] in [0] : vector<16xf32>, vector<16xi32> -> vector<16xf32>
          %parallel_loop3A_1040 = arith.addf %parallel_loop3A_1036, %parallel_loop3A_1039 : vector<16xf32>
          %parallel_loop3A_1041 = arith.constant 9.99999996E-13 : f32
          %parallel_loop3A_1042 = vector.broadcast %parallel_loop3A_1041 : f32 to vector<16xf32>
          %parallel_loop3A_1043 = arith.maximumf %parallel_loop3A_1040, %parallel_loop3A_1042 : vector<16xf32>
          %parallel_loop3A_1044 = vector.bitcast %parallel_loop3A_1043 : vector<16xf32> to vector<16xi32>
          %parallel_loop3A_1045 = arith.constant 1 : i32
          %parallel_loop3A_1046 = vector.broadcast %parallel_loop3A_1045 : i32 to vector<16xi32>
          %parallel_loop3A_1047 = arith.shrui %parallel_loop3A_1044, %parallel_loop3A_1046 : vector<16xi32>
          %parallel_loop3A_1048 = arith.constant 1597463007 : i32
          %parallel_loop3A_1049 = vector.broadcast %parallel_loop3A_1048 : i32 to vector<16xi32>
          %parallel_loop3A_1050 = arith.subi %parallel_loop3A_1049, %parallel_loop3A_1047 : vector<16xi32>
          %parallel_loop3A_1051 = vector.bitcast %parallel_loop3A_1050 : vector<16xi32> to vector<16xf32>
          %parallel_loop3A_1052 = arith.constant -5.000000e-01 : f32
          %parallel_loop3A_1053 = vector.broadcast %parallel_loop3A_1052 : f32 to vector<16xf32>
          %parallel_loop3A_1054 = arith.mulf %parallel_loop3A_1053, %parallel_loop3A_1043 : vector<16xf32>
          %parallel_loop3A_1055 = arith.mulf %parallel_loop3A_1054, %parallel_loop3A_1051 : vector<16xf32>
          %parallel_loop3A_1056 = arith.mulf %parallel_loop3A_1055, %parallel_loop3A_1051 : vector<16xf32>
          %parallel_loop3A_1057 = arith.constant 1.500000e+00 : f32
          %parallel_loop3A_1058 = vector.broadcast %parallel_loop3A_1057 : f32 to vector<16xf32>
          %parallel_loop3A_1059 = arith.addf %parallel_loop3A_1058, %parallel_loop3A_1056 : vector<16xf32>
          %parallel_loop3A_1060 = arith.mulf %parallel_loop3A_1051, %parallel_loop3A_1059 : vector<16xf32>
          %parallel_loop3A_1061 = arith.mulf %parallel_loop3A_1054, %parallel_loop3A_1060 : vector<16xf32>
          %parallel_loop3A_1062 = arith.mulf %parallel_loop3A_1061, %parallel_loop3A_1060 : vector<16xf32>
          %parallel_loop3A_1063 = arith.constant 1.500000e+00 : f32
          %parallel_loop3A_1064 = vector.broadcast %parallel_loop3A_1063 : f32 to vector<16xf32>
          %parallel_loop3A_1065 = arith.addf %parallel_loop3A_1064, %parallel_loop3A_1062 : vector<16xf32>
          %parallel_loop3A_1066 = arith.mulf %parallel_loop3A_1060, %parallel_loop3A_1065 : vector<16xf32>
          %parallel_loop3A_1067 = arith.mulf %parallel_loop3A_1043, %parallel_loop3A_1066 : vector<16xf32>
          %parallel_loop3A_1068 = arith.constant 1.000000e+01 : f32
          %parallel_loop3A_1069 = vector.broadcast %parallel_loop3A_1068 : f32 to vector<16xf32>
          %parallel_loop3A_1070 = arith.mulf %parallel_loop3A_1067, %parallel_loop3A_1069 : vector<16xf32>
          %parallel_loop3A_1071 = arith.fptosi %parallel_loop3A_1070 : vector<16xf32> to vector<16xi32>
          %parallel_loop3A_1072 = arith.sitofp %parallel_loop3A_1071 : vector<16xi32> to vector<16xf32>
          %parallel_loop3A_1073 = arith.subf %parallel_loop3A_1070, %parallel_loop3A_1072 : vector<16xf32>
          %parallel_loop3A_1074 = arith.constant 64 : i32
          %parallel_loop3A_1075 = vector.broadcast %parallel_loop3A_1074 : i32 to vector<16xi32>
          %parallel_loop3A_1076 = arith.addi %parallel_loop3A_1071, %parallel_loop3A_1075 : vector<16xi32>
          %parallel_loop3A_1077 = tpu.vector_load_idx %arg8[%parallel_loop3A_804, %parallel_loop3A_1076] : memref<128x128xf32, #tpu.memory_space<vmem>>[vector<16xi32>, vector<16xi32>], vector<16xf32>,
          %parallel_loop3A_1078 = arith.constant 65 : i32
          %parallel_loop3A_1079 = vector.broadcast %parallel_loop3A_1078 : i32 to vector<16xi32>
          %parallel_loop3A_1080 = arith.addi %parallel_loop3A_1071, %parallel_loop3A_1079 : vector<16xi32>
          %parallel_loop3A_1081 = tpu.vector_load_idx %arg8[%parallel_loop3A_804, %parallel_loop3A_1080] : memref<128x128xf32, #tpu.memory_space<vmem>>[vector<16xi32>, vector<16xi32>], vector<16xf32>,
          %parallel_loop3A_1082 = arith.subf %parallel_loop3A_1081, %parallel_loop3A_1077 : vector<16xf32>
          %parallel_loop3A_1083 = arith.mulf %parallel_loop3A_1073, %parallel_loop3A_1082 : vector<16xf32>
          %parallel_loop3A_1084 = arith.addf %parallel_loop3A_1077, %parallel_loop3A_1083 : vector<16xf32>
          %parallel_loop3A_1085 = arith.mulf %parallel_loop3A_1084, %parallel_loop3A_843 : vector<16xf32>
          %parallel_loop3A_1086 = arith.addi %parallel_loop3A_862, %select_n3A_205 : vector<16xi32>
          %parallel_loop3A_1087 = arith.constant 3 : i32
          %parallel_loop3A_1088 = vector.broadcast %parallel_loop3A_1087 : i32 to vector<16xi32>
          %parallel_loop3A_1089 = arith.subi %parallel_loop3A_1088, %parallel_loop3A_1086 : vector<16xi32>
          %parallel_loop3A_1090 = arith.ori %parallel_loop3A_1086, %parallel_loop3A_1089 : vector<16xi32>
          %parallel_loop3A_1091 = arith.constant 31 : i32
          %parallel_loop3A_1092 = vector.broadcast %parallel_loop3A_1091 : i32 to vector<16xi32>
          %parallel_loop3A_1093 = arith.shrui %parallel_loop3A_1090, %parallel_loop3A_1092 : vector<16xi32>
          %parallel_loop3A_1094 = arith.constant 1 : i32
          %parallel_loop3A_1095 = vector.broadcast %parallel_loop3A_1094 : i32 to vector<16xi32>
          %parallel_loop3A_1096 = arith.subi %parallel_loop3A_1095, %parallel_loop3A_1093 : vector<16xi32>
          %parallel_loop3A_1097 = arith.addi %parallel_loop3A_873, %add3A_258 : vector<16xi32>
          %parallel_loop3A_1098 = arith.muli %parallel_loop3A_1097, %parallel_loop3A_1096 : vector<16xi32>
          %parallel_loop3A_1099 = arith.constant 1 : i32
          %parallel_loop3A_1100 = vector.broadcast %parallel_loop3A_1099 : i32 to vector<16xi32>
          %parallel_loop3A_1101 = arith.subi %parallel_loop3A_1100, %parallel_loop3A_1096 : vector<16xi32>
          %parallel_loop3A_1102 = arith.constant 65536 : i32
          %parallel_loop3A_1103 = vector.broadcast %parallel_loop3A_1102 : i32 to vector<16xi32>
          %parallel_loop3A_1104 = arith.muli %parallel_loop3A_1103, %parallel_loop3A_1101 : vector<16xi32>
          %parallel_loop3A_1105 = arith.addi %parallel_loop3A_1098, %parallel_loop3A_1104 : vector<16xi32>
          %parallel_loop3A_1106 = arith.sitofp %parallel_loop3A_1096 : vector<16xi32> to vector<16xf32>
          %parallel_loop3A_1107 = arith.mulf %parallel_loop3A_1085, %parallel_loop3A_1106 : vector<16xf32>
          tpu.vector_store_idx %arg9[%parallel_loop3A_1105], %parallel_loop3A_1107 {add = true} : memref<65552xf32, #tpu.memory_space<vmem>>[vector<16xi32>], vector<16xf32>,
          %parallel_loop3A_1108 = vector.shape_cast %select_n3A_292 : vector<16xi32> to vector<16x1xi32>
          %parallel_loop3A_1109 = vector.shape_cast %parallel_loop3A_1108 : vector<16x1xi32> to vector<16xi32>
          %parallel_loop3A_1110 = tpu.dynamic_gather %parallel_loop3A_830[%parallel_loop3A_1109] in [0] : vector<16xf32>, vector<16xi32> -> vector<16xf32>
          %parallel_loop3A_1111 = vector.shape_cast %add3A_334 : vector<16xi32> to vector<16x1xi32>
          %parallel_loop3A_1112 = vector.shape_cast %parallel_loop3A_1111 : vector<16x1xi32> to vector<16xi32>
          %parallel_loop3A_1113 = tpu.dynamic_gather %parallel_loop3A_830[%parallel_loop3A_1112] in [0] : vector<16xf32>, vector<16xi32> -> vector<16xf32>
          %parallel_loop3A_1114 = arith.addf %parallel_loop3A_1110, %parallel_loop3A_1113 : vector<16xf32>
          %parallel_loop3A_1115 = vector.shape_cast %add3A_337 : vector<16xi32> to vector<16x1xi32>
          %parallel_loop3A_1116 = vector.shape_cast %parallel_loop3A_1115 : vector<16x1xi32> to vector<16xi32>
          %parallel_loop3A_1117 = tpu.dynamic_gather %parallel_loop3A_830[%parallel_loop3A_1116] in [0] : vector<16xf32>, vector<16xi32> -> vector<16xf32>
          %parallel_loop3A_1118 = arith.addf %parallel_loop3A_1114, %parallel_loop3A_1117 : vector<16xf32>
          %parallel_loop3A_1119 = arith.constant 9.99999996E-13 : f32
          %parallel_loop3A_1120 = vector.broadcast %parallel_loop3A_1119 : f32 to vector<16xf32>
          %parallel_loop3A_1121 = arith.maximumf %parallel_loop3A_1118, %parallel_loop3A_1120 : vector<16xf32>
          %parallel_loop3A_1122 = vector.bitcast %parallel_loop3A_1121 : vector<16xf32> to vector<16xi32>
          %parallel_loop3A_1123 = arith.constant 1 : i32
          %parallel_loop3A_1124 = vector.broadcast %parallel_loop3A_1123 : i32 to vector<16xi32>
          %parallel_loop3A_1125 = arith.shrui %parallel_loop3A_1122, %parallel_loop3A_1124 : vector<16xi32>
          %parallel_loop3A_1126 = arith.constant 1597463007 : i32
          %parallel_loop3A_1127 = vector.broadcast %parallel_loop3A_1126 : i32 to vector<16xi32>
          %parallel_loop3A_1128 = arith.subi %parallel_loop3A_1127, %parallel_loop3A_1125 : vector<16xi32>
          %parallel_loop3A_1129 = vector.bitcast %parallel_loop3A_1128 : vector<16xi32> to vector<16xf32>
          %parallel_loop3A_1130 = arith.constant -5.000000e-01 : f32
          %parallel_loop3A_1131 = vector.broadcast %parallel_loop3A_1130 : f32 to vector<16xf32>
          %parallel_loop3A_1132 = arith.mulf %parallel_loop3A_1131, %parallel_loop3A_1121 : vector<16xf32>
          %parallel_loop3A_1133 = arith.mulf %parallel_loop3A_1132, %parallel_loop3A_1129 : vector<16xf32>
          %parallel_loop3A_1134 = arith.mulf %parallel_loop3A_1133, %parallel_loop3A_1129 : vector<16xf32>
          %parallel_loop3A_1135 = arith.constant 1.500000e+00 : f32
          %parallel_loop3A_1136 = vector.broadcast %parallel_loop3A_1135 : f32 to vector<16xf32>
          %parallel_loop3A_1137 = arith.addf %parallel_loop3A_1136, %parallel_loop3A_1134 : vector<16xf32>
          %parallel_loop3A_1138 = arith.mulf %parallel_loop3A_1129, %parallel_loop3A_1137 : vector<16xf32>
          %parallel_loop3A_1139 = arith.mulf %parallel_loop3A_1132, %parallel_loop3A_1138 : vector<16xf32>
          %parallel_loop3A_1140 = arith.mulf %parallel_loop3A_1139, %parallel_loop3A_1138 : vector<16xf32>
          %parallel_loop3A_1141 = arith.constant 1.500000e+00 : f32
          %parallel_loop3A_1142 = vector.broadcast %parallel_loop3A_1141 : f32 to vector<16xf32>
          %parallel_loop3A_1143 = arith.addf %parallel_loop3A_1142, %parallel_loop3A_1140 : vector<16xf32>
          %parallel_loop3A_1144 = arith.mulf %parallel_loop3A_1138, %parallel_loop3A_1143 : vector<16xf32>
          %parallel_loop3A_1145 = arith.mulf %parallel_loop3A_1121, %parallel_loop3A_1144 : vector<16xf32>
          %parallel_loop3A_1146 = arith.constant 1.000000e+01 : f32
          %parallel_loop3A_1147 = vector.broadcast %parallel_loop3A_1146 : f32 to vector<16xf32>
          %parallel_loop3A_1148 = arith.mulf %parallel_loop3A_1145, %parallel_loop3A_1147 : vector<16xf32>
          %parallel_loop3A_1149 = arith.fptosi %parallel_loop3A_1148 : vector<16xf32> to vector<16xi32>
          %parallel_loop3A_1150 = arith.sitofp %parallel_loop3A_1149 : vector<16xi32> to vector<16xf32>
          %parallel_loop3A_1151 = arith.subf %parallel_loop3A_1148, %parallel_loop3A_1150 : vector<16xf32>
          %parallel_loop3A_1152 = arith.constant 64 : i32
          %parallel_loop3A_1153 = vector.broadcast %parallel_loop3A_1152 : i32 to vector<16xi32>
          %parallel_loop3A_1154 = arith.addi %parallel_loop3A_1149, %parallel_loop3A_1153 : vector<16xi32>
          %parallel_loop3A_1155 = tpu.vector_load_idx %arg8[%parallel_loop3A_804, %parallel_loop3A_1154] : memref<128x128xf32, #tpu.memory_space<vmem>>[vector<16xi32>, vector<16xi32>], vector<16xf32>,
          %parallel_loop3A_1156 = arith.constant 65 : i32
          %parallel_loop3A_1157 = vector.broadcast %parallel_loop3A_1156 : i32 to vector<16xi32>
          %parallel_loop3A_1158 = arith.addi %parallel_loop3A_1149, %parallel_loop3A_1157 : vector<16xi32>
          %parallel_loop3A_1159 = tpu.vector_load_idx %arg8[%parallel_loop3A_804, %parallel_loop3A_1158] : memref<128x128xf32, #tpu.memory_space<vmem>>[vector<16xi32>, vector<16xi32>], vector<16xf32>,
          %parallel_loop3A_1160 = arith.subf %parallel_loop3A_1159, %parallel_loop3A_1155 : vector<16xf32>
          %parallel_loop3A_1161 = arith.mulf %parallel_loop3A_1151, %parallel_loop3A_1160 : vector<16xf32>
          %parallel_loop3A_1162 = arith.addf %parallel_loop3A_1155, %parallel_loop3A_1161 : vector<16xf32>
          %parallel_loop3A_1163 = arith.mulf %parallel_loop3A_1162, %parallel_loop3A_843 : vector<16xf32>
          %parallel_loop3A_1164 = arith.addi %parallel_loop3A_862, %select_n3A_292 : vector<16xi32>
          %parallel_loop3A_1165 = arith.constant 3 : i32
          %parallel_loop3A_1166 = vector.broadcast %parallel_loop3A_1165 : i32 to vector<16xi32>
          %parallel_loop3A_1167 = arith.subi %parallel_loop3A_1166, %parallel_loop3A_1164 : vector<16xi32>
          %parallel_loop3A_1168 = arith.ori %parallel_loop3A_1164, %parallel_loop3A_1167 : vector<16xi32>
          %parallel_loop3A_1169 = arith.constant 31 : i32
          %parallel_loop3A_1170 = vector.broadcast %parallel_loop3A_1169 : i32 to vector<16xi32>
          %parallel_loop3A_1171 = arith.shrui %parallel_loop3A_1168, %parallel_loop3A_1170 : vector<16xi32>
          %parallel_loop3A_1172 = arith.constant 1 : i32
          %parallel_loop3A_1173 = vector.broadcast %parallel_loop3A_1172 : i32 to vector<16xi32>
          %parallel_loop3A_1174 = arith.subi %parallel_loop3A_1173, %parallel_loop3A_1171 : vector<16xi32>
          %parallel_loop3A_1175 = arith.addi %parallel_loop3A_873, %add3A_345 : vector<16xi32>
          %parallel_loop3A_1176 = arith.muli %parallel_loop3A_1175, %parallel_loop3A_1174 : vector<16xi32>
          %parallel_loop3A_1177 = arith.constant 1 : i32
          %parallel_loop3A_1178 = vector.broadcast %parallel_loop3A_1177 : i32 to vector<16xi32>
          %parallel_loop3A_1179 = arith.subi %parallel_loop3A_1178, %parallel_loop3A_1174 : vector<16xi32>
          %parallel_loop3A_1180 = arith.constant 65536 : i32
          %parallel_loop3A_1181 = vector.broadcast %parallel_loop3A_1180 : i32 to vector<16xi32>
          %parallel_loop3A_1182 = arith.muli %parallel_loop3A_1181, %parallel_loop3A_1179 : vector<16xi32>
          %parallel_loop3A_1183 = arith.addi %parallel_loop3A_1176, %parallel_loop3A_1182 : vector<16xi32>
          %parallel_loop3A_1184 = arith.sitofp %parallel_loop3A_1174 : vector<16xi32> to vector<16xf32>
          %parallel_loop3A_1185 = arith.mulf %parallel_loop3A_1163, %parallel_loop3A_1184 : vector<16xf32>
          tpu.vector_store_idx %arg9[%parallel_loop3A_1183], %parallel_loop3A_1185 {add = true} : memref<65552xf32, #tpu.memory_space<vmem>>[vector<16xi32>], vector<16xf32>,
          %parallel_loop3A_1186 = vector.shape_cast %select_n3A_379 : vector<16xi32> to vector<16x1xi32>
          %parallel_loop3A_1187 = vector.shape_cast %parallel_loop3A_1186 : vector<16x1xi32> to vector<16xi32>
          %parallel_loop3A_1188 = tpu.dynamic_gather %parallel_loop3A_830[%parallel_loop3A_1187] in [0] : vector<16xf32>, vector<16xi32> -> vector<16xf32>
          %parallel_loop3A_1189 = vector.shape_cast %add3A_421 : vector<16xi32> to vector<16x1xi32>
          %parallel_loop3A_1190 = vector.shape_cast %parallel_loop3A_1189 : vector<16x1xi32> to vector<16xi32>
          %parallel_loop3A_1191 = tpu.dynamic_gather %parallel_loop3A_830[%parallel_loop3A_1190] in [0] : vector<16xf32>, vector<16xi32> -> vector<16xf32>
          %parallel_loop3A_1192 = arith.addf %parallel_loop3A_1188, %parallel_loop3A_1191 : vector<16xf32>
          %parallel_loop3A_1193 = vector.shape_cast %add3A_424 : vector<16xi32> to vector<16x1xi32>
          %parallel_loop3A_1194 = vector.shape_cast %parallel_loop3A_1193 : vector<16x1xi32> to vector<16xi32>
          %parallel_loop3A_1195 = tpu.dynamic_gather %parallel_loop3A_830[%parallel_loop3A_1194] in [0] : vector<16xf32>, vector<16xi32> -> vector<16xf32>
          %parallel_loop3A_1196 = arith.addf %parallel_loop3A_1192, %parallel_loop3A_1195 : vector<16xf32>
          %parallel_loop3A_1197 = arith.constant 9.99999996E-13 : f32
          %parallel_loop3A_1198 = vector.broadcast %parallel_loop3A_1197 : f32 to vector<16xf32>
          %parallel_loop3A_1199 = arith.maximumf %parallel_loop3A_1196, %parallel_loop3A_1198 : vector<16xf32>
          %parallel_loop3A_1200 = vector.bitcast %parallel_loop3A_1199 : vector<16xf32> to vector<16xi32>
          %parallel_loop3A_1201 = arith.constant 1 : i32
          %parallel_loop3A_1202 = vector.broadcast %parallel_loop3A_1201 : i32 to vector<16xi32>
          %parallel_loop3A_1203 = arith.shrui %parallel_loop3A_1200, %parallel_loop3A_1202 : vector<16xi32>
          %parallel_loop3A_1204 = arith.constant 1597463007 : i32
          %parallel_loop3A_1205 = vector.broadcast %parallel_loop3A_1204 : i32 to vector<16xi32>
          %parallel_loop3A_1206 = arith.subi %parallel_loop3A_1205, %parallel_loop3A_1203 : vector<16xi32>
          %parallel_loop3A_1207 = vector.bitcast %parallel_loop3A_1206 : vector<16xi32> to vector<16xf32>
          %parallel_loop3A_1208 = arith.constant -5.000000e-01 : f32
          %parallel_loop3A_1209 = vector.broadcast %parallel_loop3A_1208 : f32 to vector<16xf32>
          %parallel_loop3A_1210 = arith.mulf %parallel_loop3A_1209, %parallel_loop3A_1199 : vector<16xf32>
          %parallel_loop3A_1211 = arith.mulf %parallel_loop3A_1210, %parallel_loop3A_1207 : vector<16xf32>
          %parallel_loop3A_1212 = arith.mulf %parallel_loop3A_1211, %parallel_loop3A_1207 : vector<16xf32>
          %parallel_loop3A_1213 = arith.constant 1.500000e+00 : f32
          %parallel_loop3A_1214 = vector.broadcast %parallel_loop3A_1213 : f32 to vector<16xf32>
          %parallel_loop3A_1215 = arith.addf %parallel_loop3A_1214, %parallel_loop3A_1212 : vector<16xf32>
          %parallel_loop3A_1216 = arith.mulf %parallel_loop3A_1207, %parallel_loop3A_1215 : vector<16xf32>
          %parallel_loop3A_1217 = arith.mulf %parallel_loop3A_1210, %parallel_loop3A_1216 : vector<16xf32>
          %parallel_loop3A_1218 = arith.mulf %parallel_loop3A_1217, %parallel_loop3A_1216 : vector<16xf32>
          %parallel_loop3A_1219 = arith.constant 1.500000e+00 : f32
          %parallel_loop3A_1220 = vector.broadcast %parallel_loop3A_1219 : f32 to vector<16xf32>
          %parallel_loop3A_1221 = arith.addf %parallel_loop3A_1220, %parallel_loop3A_1218 : vector<16xf32>
          %parallel_loop3A_1222 = arith.mulf %parallel_loop3A_1216, %parallel_loop3A_1221 : vector<16xf32>
          %parallel_loop3A_1223 = arith.mulf %parallel_loop3A_1199, %parallel_loop3A_1222 : vector<16xf32>
          %parallel_loop3A_1224 = arith.constant 1.000000e+01 : f32
          %parallel_loop3A_1225 = vector.broadcast %parallel_loop3A_1224 : f32 to vector<16xf32>
          %parallel_loop3A_1226 = arith.mulf %parallel_loop3A_1223, %parallel_loop3A_1225 : vector<16xf32>
          %parallel_loop3A_1227 = arith.fptosi %parallel_loop3A_1226 : vector<16xf32> to vector<16xi32>
          %parallel_loop3A_1228 = arith.sitofp %parallel_loop3A_1227 : vector<16xi32> to vector<16xf32>
          %parallel_loop3A_1229 = arith.subf %parallel_loop3A_1226, %parallel_loop3A_1228 : vector<16xf32>
          %parallel_loop3A_1230 = arith.constant 64 : i32
          %parallel_loop3A_1231 = vector.broadcast %parallel_loop3A_1230 : i32 to vector<16xi32>
          %parallel_loop3A_1232 = arith.addi %parallel_loop3A_1227, %parallel_loop3A_1231 : vector<16xi32>
          %parallel_loop3A_1233 = tpu.vector_load_idx %arg8[%parallel_loop3A_804, %parallel_loop3A_1232] : memref<128x128xf32, #tpu.memory_space<vmem>>[vector<16xi32>, vector<16xi32>], vector<16xf32>,
          %parallel_loop3A_1234 = arith.constant 65 : i32
          %parallel_loop3A_1235 = vector.broadcast %parallel_loop3A_1234 : i32 to vector<16xi32>
          %parallel_loop3A_1236 = arith.addi %parallel_loop3A_1227, %parallel_loop3A_1235 : vector<16xi32>
          %parallel_loop3A_1237 = tpu.vector_load_idx %arg8[%parallel_loop3A_804, %parallel_loop3A_1236] : memref<128x128xf32, #tpu.memory_space<vmem>>[vector<16xi32>, vector<16xi32>], vector<16xf32>,
          %parallel_loop3A_1238 = arith.subf %parallel_loop3A_1237, %parallel_loop3A_1233 : vector<16xf32>
          %parallel_loop3A_1239 = arith.mulf %parallel_loop3A_1229, %parallel_loop3A_1238 : vector<16xf32>
          %parallel_loop3A_1240 = arith.addf %parallel_loop3A_1233, %parallel_loop3A_1239 : vector<16xf32>
          %parallel_loop3A_1241 = arith.mulf %parallel_loop3A_1240, %parallel_loop3A_843 : vector<16xf32>
          %parallel_loop3A_1242 = arith.addi %parallel_loop3A_862, %select_n3A_379 : vector<16xi32>
          %parallel_loop3A_1243 = arith.constant 3 : i32
          %parallel_loop3A_1244 = vector.broadcast %parallel_loop3A_1243 : i32 to vector<16xi32>
          %parallel_loop3A_1245 = arith.subi %parallel_loop3A_1244, %parallel_loop3A_1242 : vector<16xi32>
          %parallel_loop3A_1246 = arith.ori %parallel_loop3A_1242, %parallel_loop3A_1245 : vector<16xi32>
          %parallel_loop3A_1247 = arith.constant 31 : i32
          %parallel_loop3A_1248 = vector.broadcast %parallel_loop3A_1247 : i32 to vector<16xi32>
          %parallel_loop3A_1249 = arith.shrui %parallel_loop3A_1246, %parallel_loop3A_1248 : vector<16xi32>
          %parallel_loop3A_1250 = arith.constant 1 : i32
          %parallel_loop3A_1251 = vector.broadcast %parallel_loop3A_1250 : i32 to vector<16xi32>
          %parallel_loop3A_1252 = arith.subi %parallel_loop3A_1251, %parallel_loop3A_1249 : vector<16xi32>
          %parallel_loop3A_1253 = arith.addi %parallel_loop3A_873, %add3A_432 : vector<16xi32>
          %parallel_loop3A_1254 = arith.muli %parallel_loop3A_1253, %parallel_loop3A_1252 : vector<16xi32>
          %parallel_loop3A_1255 = arith.constant 1 : i32
          %parallel_loop3A_1256 = vector.broadcast %parallel_loop3A_1255 : i32 to vector<16xi32>
          %parallel_loop3A_1257 = arith.subi %parallel_loop3A_1256, %parallel_loop3A_1252 : vector<16xi32>
          %parallel_loop3A_1258 = arith.constant 65536 : i32
          %parallel_loop3A_1259 = vector.broadcast %parallel_loop3A_1258 : i32 to vector<16xi32>
          %parallel_loop3A_1260 = arith.muli %parallel_loop3A_1259, %parallel_loop3A_1257 : vector<16xi32>
          %parallel_loop3A_1261 = arith.addi %parallel_loop3A_1254, %parallel_loop3A_1260 : vector<16xi32>
          %parallel_loop3A_1262 = arith.sitofp %parallel_loop3A_1252 : vector<16xi32> to vector<16xf32>
          %parallel_loop3A_1263 = arith.mulf %parallel_loop3A_1241, %parallel_loop3A_1262 : vector<16xf32>
          tpu.vector_store_idx %arg9[%parallel_loop3A_1261], %parallel_loop3A_1263 {add = true} : memref<65552xf32, #tpu.memory_space<vmem>>[vector<16xi32>], vector<16xf32>,
          %parallel_loop3A_1264 = vector.shape_cast %select_n3A_466 : vector<16xi32> to vector<16x1xi32>
          %parallel_loop3A_1265 = vector.shape_cast %parallel_loop3A_1264 : vector<16x1xi32> to vector<16xi32>
          %parallel_loop3A_1266 = tpu.dynamic_gather %parallel_loop3A_830[%parallel_loop3A_1265] in [0] : vector<16xf32>, vector<16xi32> -> vector<16xf32>
          %parallel_loop3A_1267 = vector.shape_cast %add3A_508 : vector<16xi32> to vector<16x1xi32>
          %parallel_loop3A_1268 = vector.shape_cast %parallel_loop3A_1267 : vector<16x1xi32> to vector<16xi32>
          %parallel_loop3A_1269 = tpu.dynamic_gather %parallel_loop3A_830[%parallel_loop3A_1268] in [0] : vector<16xf32>, vector<16xi32> -> vector<16xf32>
          %parallel_loop3A_1270 = arith.addf %parallel_loop3A_1266, %parallel_loop3A_1269 : vector<16xf32>
          %parallel_loop3A_1271 = vector.shape_cast %add3A_511 : vector<16xi32> to vector<16x1xi32>
          %parallel_loop3A_1272 = vector.shape_cast %parallel_loop3A_1271 : vector<16x1xi32> to vector<16xi32>
          %parallel_loop3A_1273 = tpu.dynamic_gather %parallel_loop3A_830[%parallel_loop3A_1272] in [0] : vector<16xf32>, vector<16xi32> -> vector<16xf32>
          %parallel_loop3A_1274 = arith.addf %parallel_loop3A_1270, %parallel_loop3A_1273 : vector<16xf32>
          %parallel_loop3A_1275 = arith.constant 9.99999996E-13 : f32
          %parallel_loop3A_1276 = vector.broadcast %parallel_loop3A_1275 : f32 to vector<16xf32>
          %parallel_loop3A_1277 = arith.maximumf %parallel_loop3A_1274, %parallel_loop3A_1276 : vector<16xf32>
          %parallel_loop3A_1278 = vector.bitcast %parallel_loop3A_1277 : vector<16xf32> to vector<16xi32>
          %parallel_loop3A_1279 = arith.constant 1 : i32
          %parallel_loop3A_1280 = vector.broadcast %parallel_loop3A_1279 : i32 to vector<16xi32>
          %parallel_loop3A_1281 = arith.shrui %parallel_loop3A_1278, %parallel_loop3A_1280 : vector<16xi32>
          %parallel_loop3A_1282 = arith.constant 1597463007 : i32
          %parallel_loop3A_1283 = vector.broadcast %parallel_loop3A_1282 : i32 to vector<16xi32>
          %parallel_loop3A_1284 = arith.subi %parallel_loop3A_1283, %parallel_loop3A_1281 : vector<16xi32>
          %parallel_loop3A_1285 = vector.bitcast %parallel_loop3A_1284 : vector<16xi32> to vector<16xf32>
          %parallel_loop3A_1286 = arith.constant -5.000000e-01 : f32
          %parallel_loop3A_1287 = vector.broadcast %parallel_loop3A_1286 : f32 to vector<16xf32>
          %parallel_loop3A_1288 = arith.mulf %parallel_loop3A_1287, %parallel_loop3A_1277 : vector<16xf32>
          %parallel_loop3A_1289 = arith.mulf %parallel_loop3A_1288, %parallel_loop3A_1285 : vector<16xf32>
          %parallel_loop3A_1290 = arith.mulf %parallel_loop3A_1289, %parallel_loop3A_1285 : vector<16xf32>
          %parallel_loop3A_1291 = arith.constant 1.500000e+00 : f32
          %parallel_loop3A_1292 = vector.broadcast %parallel_loop3A_1291 : f32 to vector<16xf32>
          %parallel_loop3A_1293 = arith.addf %parallel_loop3A_1292, %parallel_loop3A_1290 : vector<16xf32>
          %parallel_loop3A_1294 = arith.mulf %parallel_loop3A_1285, %parallel_loop3A_1293 : vector<16xf32>
          %parallel_loop3A_1295 = arith.mulf %parallel_loop3A_1288, %parallel_loop3A_1294 : vector<16xf32>
          %parallel_loop3A_1296 = arith.mulf %parallel_loop3A_1295, %parallel_loop3A_1294 : vector<16xf32>
          %parallel_loop3A_1297 = arith.constant 1.500000e+00 : f32
          %parallel_loop3A_1298 = vector.broadcast %parallel_loop3A_1297 : f32 to vector<16xf32>
          %parallel_loop3A_1299 = arith.addf %parallel_loop3A_1298, %parallel_loop3A_1296 : vector<16xf32>
          %parallel_loop3A_1300 = arith.mulf %parallel_loop3A_1294, %parallel_loop3A_1299 : vector<16xf32>
          %parallel_loop3A_1301 = arith.mulf %parallel_loop3A_1277, %parallel_loop3A_1300 : vector<16xf32>
          %parallel_loop3A_1302 = arith.constant 1.000000e+01 : f32
          %parallel_loop3A_1303 = vector.broadcast %parallel_loop3A_1302 : f32 to vector<16xf32>
          %parallel_loop3A_1304 = arith.mulf %parallel_loop3A_1301, %parallel_loop3A_1303 : vector<16xf32>
          %parallel_loop3A_1305 = arith.fptosi %parallel_loop3A_1304 : vector<16xf32> to vector<16xi32>
          %parallel_loop3A_1306 = arith.sitofp %parallel_loop3A_1305 : vector<16xi32> to vector<16xf32>
          %parallel_loop3A_1307 = arith.subf %parallel_loop3A_1304, %parallel_loop3A_1306 : vector<16xf32>
          %parallel_loop3A_1308 = arith.constant 64 : i32
          %parallel_loop3A_1309 = vector.broadcast %parallel_loop3A_1308 : i32 to vector<16xi32>
          %parallel_loop3A_1310 = arith.addi %parallel_loop3A_1305, %parallel_loop3A_1309 : vector<16xi32>
          %parallel_loop3A_1311 = tpu.vector_load_idx %arg8[%parallel_loop3A_804, %parallel_loop3A_1310] : memref<128x128xf32, #tpu.memory_space<vmem>>[vector<16xi32>, vector<16xi32>], vector<16xf32>,
          %parallel_loop3A_1312 = arith.constant 65 : i32
          %parallel_loop3A_1313 = vector.broadcast %parallel_loop3A_1312 : i32 to vector<16xi32>
          %parallel_loop3A_1314 = arith.addi %parallel_loop3A_1305, %parallel_loop3A_1313 : vector<16xi32>
          %parallel_loop3A_1315 = tpu.vector_load_idx %arg8[%parallel_loop3A_804, %parallel_loop3A_1314] : memref<128x128xf32, #tpu.memory_space<vmem>>[vector<16xi32>, vector<16xi32>], vector<16xf32>,
          %parallel_loop3A_1316 = arith.subf %parallel_loop3A_1315, %parallel_loop3A_1311 : vector<16xf32>
          %parallel_loop3A_1317 = arith.mulf %parallel_loop3A_1307, %parallel_loop3A_1316 : vector<16xf32>
          %parallel_loop3A_1318 = arith.addf %parallel_loop3A_1311, %parallel_loop3A_1317 : vector<16xf32>
          %parallel_loop3A_1319 = arith.mulf %parallel_loop3A_1318, %parallel_loop3A_843 : vector<16xf32>
          %parallel_loop3A_1320 = arith.addi %parallel_loop3A_862, %select_n3A_466 : vector<16xi32>
          %parallel_loop3A_1321 = arith.constant 3 : i32
          %parallel_loop3A_1322 = vector.broadcast %parallel_loop3A_1321 : i32 to vector<16xi32>
          %parallel_loop3A_1323 = arith.subi %parallel_loop3A_1322, %parallel_loop3A_1320 : vector<16xi32>
          %parallel_loop3A_1324 = arith.ori %parallel_loop3A_1320, %parallel_loop3A_1323 : vector<16xi32>
          %parallel_loop3A_1325 = arith.constant 31 : i32
          %parallel_loop3A_1326 = vector.broadcast %parallel_loop3A_1325 : i32 to vector<16xi32>
          %parallel_loop3A_1327 = arith.shrui %parallel_loop3A_1324, %parallel_loop3A_1326 : vector<16xi32>
          %parallel_loop3A_1328 = arith.constant 1 : i32
          %parallel_loop3A_1329 = vector.broadcast %parallel_loop3A_1328 : i32 to vector<16xi32>
          %parallel_loop3A_1330 = arith.subi %parallel_loop3A_1329, %parallel_loop3A_1327 : vector<16xi32>
          %parallel_loop3A_1331 = arith.addi %parallel_loop3A_873, %add3A_519 : vector<16xi32>
          %parallel_loop3A_1332 = arith.muli %parallel_loop3A_1331, %parallel_loop3A_1330 : vector<16xi32>
          %parallel_loop3A_1333 = arith.constant 1 : i32
          %parallel_loop3A_1334 = vector.broadcast %parallel_loop3A_1333 : i32 to vector<16xi32>
          %parallel_loop3A_1335 = arith.subi %parallel_loop3A_1334, %parallel_loop3A_1330 : vector<16xi32>
          %parallel_loop3A_1336 = arith.constant 65536 : i32
          %parallel_loop3A_1337 = vector.broadcast %parallel_loop3A_1336 : i32 to vector<16xi32>
          %parallel_loop3A_1338 = arith.muli %parallel_loop3A_1337, %parallel_loop3A_1335 : vector<16xi32>
          %parallel_loop3A_1339 = arith.addi %parallel_loop3A_1332, %parallel_loop3A_1338 : vector<16xi32>
          %parallel_loop3A_1340 = arith.sitofp %parallel_loop3A_1330 : vector<16xi32> to vector<16xf32>
          %parallel_loop3A_1341 = arith.mulf %parallel_loop3A_1319, %parallel_loop3A_1340 : vector<16xf32>
          tpu.vector_store_idx %arg9[%parallel_loop3A_1339], %parallel_loop3A_1341 {add = true} : memref<65552xf32, #tpu.memory_space<vmem>>[vector<16xi32>], vector<16xf32>,
          %parallel_loop3A_1342 = vector.shape_cast %select_n3A_553 : vector<16xi32> to vector<16x1xi32>
          %parallel_loop3A_1343 = vector.shape_cast %parallel_loop3A_1342 : vector<16x1xi32> to vector<16xi32>
          %parallel_loop3A_1344 = tpu.dynamic_gather %parallel_loop3A_830[%parallel_loop3A_1343] in [0] : vector<16xf32>, vector<16xi32> -> vector<16xf32>
          %parallel_loop3A_1345 = vector.shape_cast %add3A_595 : vector<16xi32> to vector<16x1xi32>
          %parallel_loop3A_1346 = vector.shape_cast %parallel_loop3A_1345 : vector<16x1xi32> to vector<16xi32>
          %parallel_loop3A_1347 = tpu.dynamic_gather %parallel_loop3A_830[%parallel_loop3A_1346] in [0] : vector<16xf32>, vector<16xi32> -> vector<16xf32>
          %parallel_loop3A_1348 = arith.addf %parallel_loop3A_1344, %parallel_loop3A_1347 : vector<16xf32>
          %parallel_loop3A_1349 = vector.shape_cast %add3A_598 : vector<16xi32> to vector<16x1xi32>
          %parallel_loop3A_1350 = vector.shape_cast %parallel_loop3A_1349 : vector<16x1xi32> to vector<16xi32>
          %parallel_loop3A_1351 = tpu.dynamic_gather %parallel_loop3A_830[%parallel_loop3A_1350] in [0] : vector<16xf32>, vector<16xi32> -> vector<16xf32>
          %parallel_loop3A_1352 = arith.addf %parallel_loop3A_1348, %parallel_loop3A_1351 : vector<16xf32>
          %parallel_loop3A_1353 = arith.constant 9.99999996E-13 : f32
          %parallel_loop3A_1354 = vector.broadcast %parallel_loop3A_1353 : f32 to vector<16xf32>
          %parallel_loop3A_1355 = arith.maximumf %parallel_loop3A_1352, %parallel_loop3A_1354 : vector<16xf32>
          %parallel_loop3A_1356 = vector.bitcast %parallel_loop3A_1355 : vector<16xf32> to vector<16xi32>
          %parallel_loop3A_1357 = arith.constant 1 : i32
          %parallel_loop3A_1358 = vector.broadcast %parallel_loop3A_1357 : i32 to vector<16xi32>
          %parallel_loop3A_1359 = arith.shrui %parallel_loop3A_1356, %parallel_loop3A_1358 : vector<16xi32>
          %parallel_loop3A_1360 = arith.constant 1597463007 : i32
          %parallel_loop3A_1361 = vector.broadcast %parallel_loop3A_1360 : i32 to vector<16xi32>
          %parallel_loop3A_1362 = arith.subi %parallel_loop3A_1361, %parallel_loop3A_1359 : vector<16xi32>
          %parallel_loop3A_1363 = vector.bitcast %parallel_loop3A_1362 : vector<16xi32> to vector<16xf32>
          %parallel_loop3A_1364 = arith.constant -5.000000e-01 : f32
          %parallel_loop3A_1365 = vector.broadcast %parallel_loop3A_1364 : f32 to vector<16xf32>
          %parallel_loop3A_1366 = arith.mulf %parallel_loop3A_1365, %parallel_loop3A_1355 : vector<16xf32>
          %parallel_loop3A_1367 = arith.mulf %parallel_loop3A_1366, %parallel_loop3A_1363 : vector<16xf32>
          %parallel_loop3A_1368 = arith.mulf %parallel_loop3A_1367, %parallel_loop3A_1363 : vector<16xf32>
          %parallel_loop3A_1369 = arith.constant 1.500000e+00 : f32
          %parallel_loop3A_1370 = vector.broadcast %parallel_loop3A_1369 : f32 to vector<16xf32>
          %parallel_loop3A_1371 = arith.addf %parallel_loop3A_1370, %parallel_loop3A_1368 : vector<16xf32>
          %parallel_loop3A_1372 = arith.mulf %parallel_loop3A_1363, %parallel_loop3A_1371 : vector<16xf32>
          %parallel_loop3A_1373 = arith.mulf %parallel_loop3A_1366, %parallel_loop3A_1372 : vector<16xf32>
          %parallel_loop3A_1374 = arith.mulf %parallel_loop3A_1373, %parallel_loop3A_1372 : vector<16xf32>
          %parallel_loop3A_1375 = arith.constant 1.500000e+00 : f32
          %parallel_loop3A_1376 = vector.broadcast %parallel_loop3A_1375 : f32 to vector<16xf32>
          %parallel_loop3A_1377 = arith.addf %parallel_loop3A_1376, %parallel_loop3A_1374 : vector<16xf32>
          %parallel_loop3A_1378 = arith.mulf %parallel_loop3A_1372, %parallel_loop3A_1377 : vector<16xf32>
          %parallel_loop3A_1379 = arith.mulf %parallel_loop3A_1355, %parallel_loop3A_1378 : vector<16xf32>
          %parallel_loop3A_1380 = arith.constant 1.000000e+01 : f32
          %parallel_loop3A_1381 = vector.broadcast %parallel_loop3A_1380 : f32 to vector<16xf32>
          %parallel_loop3A_1382 = arith.mulf %parallel_loop3A_1379, %parallel_loop3A_1381 : vector<16xf32>
          %parallel_loop3A_1383 = arith.fptosi %parallel_loop3A_1382 : vector<16xf32> to vector<16xi32>
          %parallel_loop3A_1384 = arith.sitofp %parallel_loop3A_1383 : vector<16xi32> to vector<16xf32>
          %parallel_loop3A_1385 = arith.subf %parallel_loop3A_1382, %parallel_loop3A_1384 : vector<16xf32>
          %parallel_loop3A_1386 = arith.constant 64 : i32
          %parallel_loop3A_1387 = vector.broadcast %parallel_loop3A_1386 : i32 to vector<16xi32>
          %parallel_loop3A_1388 = arith.addi %parallel_loop3A_1383, %parallel_loop3A_1387 : vector<16xi32>
          %parallel_loop3A_1389 = tpu.vector_load_idx %arg8[%parallel_loop3A_804, %parallel_loop3A_1388] : memref<128x128xf32, #tpu.memory_space<vmem>>[vector<16xi32>, vector<16xi32>], vector<16xf32>,
          %parallel_loop3A_1390 = arith.constant 65 : i32
          %parallel_loop3A_1391 = vector.broadcast %parallel_loop3A_1390 : i32 to vector<16xi32>
          %parallel_loop3A_1392 = arith.addi %parallel_loop3A_1383, %parallel_loop3A_1391 : vector<16xi32>
          %parallel_loop3A_1393 = tpu.vector_load_idx %arg8[%parallel_loop3A_804, %parallel_loop3A_1392] : memref<128x128xf32, #tpu.memory_space<vmem>>[vector<16xi32>, vector<16xi32>], vector<16xf32>,
          %parallel_loop3A_1394 = arith.subf %parallel_loop3A_1393, %parallel_loop3A_1389 : vector<16xf32>
          %parallel_loop3A_1395 = arith.mulf %parallel_loop3A_1385, %parallel_loop3A_1394 : vector<16xf32>
          %parallel_loop3A_1396 = arith.addf %parallel_loop3A_1389, %parallel_loop3A_1395 : vector<16xf32>
          %parallel_loop3A_1397 = arith.mulf %parallel_loop3A_1396, %parallel_loop3A_843 : vector<16xf32>
          %parallel_loop3A_1398 = arith.addi %parallel_loop3A_862, %select_n3A_553 : vector<16xi32>
          %parallel_loop3A_1399 = arith.constant 3 : i32
          %parallel_loop3A_1400 = vector.broadcast %parallel_loop3A_1399 : i32 to vector<16xi32>
          %parallel_loop3A_1401 = arith.subi %parallel_loop3A_1400, %parallel_loop3A_1398 : vector<16xi32>
          %parallel_loop3A_1402 = arith.ori %parallel_loop3A_1398, %parallel_loop3A_1401 : vector<16xi32>
          %parallel_loop3A_1403 = arith.constant 31 : i32
          %parallel_loop3A_1404 = vector.broadcast %parallel_loop3A_1403 : i32 to vector<16xi32>
          %parallel_loop3A_1405 = arith.shrui %parallel_loop3A_1402, %parallel_loop3A_1404 : vector<16xi32>
          %parallel_loop3A_1406 = arith.constant 1 : i32
          %parallel_loop3A_1407 = vector.broadcast %parallel_loop3A_1406 : i32 to vector<16xi32>
          %parallel_loop3A_1408 = arith.subi %parallel_loop3A_1407, %parallel_loop3A_1405 : vector<16xi32>
          %parallel_loop3A_1409 = arith.addi %parallel_loop3A_873, %add3A_606 : vector<16xi32>
          %parallel_loop3A_1410 = arith.muli %parallel_loop3A_1409, %parallel_loop3A_1408 : vector<16xi32>
          %parallel_loop3A_1411 = arith.constant 1 : i32
          %parallel_loop3A_1412 = vector.broadcast %parallel_loop3A_1411 : i32 to vector<16xi32>
          %parallel_loop3A_1413 = arith.subi %parallel_loop3A_1412, %parallel_loop3A_1408 : vector<16xi32>
          %parallel_loop3A_1414 = arith.constant 65536 : i32
          %parallel_loop3A_1415 = vector.broadcast %parallel_loop3A_1414 : i32 to vector<16xi32>
          %parallel_loop3A_1416 = arith.muli %parallel_loop3A_1415, %parallel_loop3A_1413 : vector<16xi32>
          %parallel_loop3A_1417 = arith.addi %parallel_loop3A_1410, %parallel_loop3A_1416 : vector<16xi32>
          %parallel_loop3A_1418 = arith.sitofp %parallel_loop3A_1408 : vector<16xi32> to vector<16xf32>
          %parallel_loop3A_1419 = arith.mulf %parallel_loop3A_1397, %parallel_loop3A_1418 : vector<16xf32>
          tpu.vector_store_idx %arg9[%parallel_loop3A_1417], %parallel_loop3A_1419 {add = true} : memref<65552xf32, #tpu.memory_space<vmem>>[vector<16xi32>], vector<16xf32>,
          %parallel_loop3A_1420 = vector.shape_cast %select_n3A_640 : vector<16xi32> to vector<16x1xi32>
          %parallel_loop3A_1421 = vector.shape_cast %parallel_loop3A_1420 : vector<16x1xi32> to vector<16xi32>
          %parallel_loop3A_1422 = tpu.dynamic_gather %parallel_loop3A_830[%parallel_loop3A_1421] in [0] : vector<16xf32>, vector<16xi32> -> vector<16xf32>
          %parallel_loop3A_1423 = vector.shape_cast %add3A_682 : vector<16xi32> to vector<16x1xi32>
          %parallel_loop3A_1424 = vector.shape_cast %parallel_loop3A_1423 : vector<16x1xi32> to vector<16xi32>
          %parallel_loop3A_1425 = tpu.dynamic_gather %parallel_loop3A_830[%parallel_loop3A_1424] in [0] : vector<16xf32>, vector<16xi32> -> vector<16xf32>
          %parallel_loop3A_1426 = arith.addf %parallel_loop3A_1422, %parallel_loop3A_1425 : vector<16xf32>
          %parallel_loop3A_1427 = vector.shape_cast %add3A_685 : vector<16xi32> to vector<16x1xi32>
          %parallel_loop3A_1428 = vector.shape_cast %parallel_loop3A_1427 : vector<16x1xi32> to vector<16xi32>
          %parallel_loop3A_1429 = tpu.dynamic_gather %parallel_loop3A_830[%parallel_loop3A_1428] in [0] : vector<16xf32>, vector<16xi32> -> vector<16xf32>
          %parallel_loop3A_1430 = arith.addf %parallel_loop3A_1426, %parallel_loop3A_1429 : vector<16xf32>
          %parallel_loop3A_1431 = arith.constant 9.99999996E-13 : f32
          %parallel_loop3A_1432 = vector.broadcast %parallel_loop3A_1431 : f32 to vector<16xf32>
          %parallel_loop3A_1433 = arith.maximumf %parallel_loop3A_1430, %parallel_loop3A_1432 : vector<16xf32>
          %parallel_loop3A_1434 = vector.bitcast %parallel_loop3A_1433 : vector<16xf32> to vector<16xi32>
          %parallel_loop3A_1435 = arith.constant 1 : i32
          %parallel_loop3A_1436 = vector.broadcast %parallel_loop3A_1435 : i32 to vector<16xi32>
          %parallel_loop3A_1437 = arith.shrui %parallel_loop3A_1434, %parallel_loop3A_1436 : vector<16xi32>
          %parallel_loop3A_1438 = arith.constant 1597463007 : i32
          %parallel_loop3A_1439 = vector.broadcast %parallel_loop3A_1438 : i32 to vector<16xi32>
          %parallel_loop3A_1440 = arith.subi %parallel_loop3A_1439, %parallel_loop3A_1437 : vector<16xi32>
          %parallel_loop3A_1441 = vector.bitcast %parallel_loop3A_1440 : vector<16xi32> to vector<16xf32>
          %parallel_loop3A_1442 = arith.constant -5.000000e-01 : f32
          %parallel_loop3A_1443 = vector.broadcast %parallel_loop3A_1442 : f32 to vector<16xf32>
          %parallel_loop3A_1444 = arith.mulf %parallel_loop3A_1443, %parallel_loop3A_1433 : vector<16xf32>
          %parallel_loop3A_1445 = arith.mulf %parallel_loop3A_1444, %parallel_loop3A_1441 : vector<16xf32>
          %parallel_loop3A_1446 = arith.mulf %parallel_loop3A_1445, %parallel_loop3A_1441 : vector<16xf32>
          %parallel_loop3A_1447 = arith.constant 1.500000e+00 : f32
          %parallel_loop3A_1448 = vector.broadcast %parallel_loop3A_1447 : f32 to vector<16xf32>
          %parallel_loop3A_1449 = arith.addf %parallel_loop3A_1448, %parallel_loop3A_1446 : vector<16xf32>
          %parallel_loop3A_1450 = arith.mulf %parallel_loop3A_1441, %parallel_loop3A_1449 : vector<16xf32>
          %parallel_loop3A_1451 = arith.mulf %parallel_loop3A_1444, %parallel_loop3A_1450 : vector<16xf32>
          %parallel_loop3A_1452 = arith.mulf %parallel_loop3A_1451, %parallel_loop3A_1450 : vector<16xf32>
          %parallel_loop3A_1453 = arith.constant 1.500000e+00 : f32
          %parallel_loop3A_1454 = vector.broadcast %parallel_loop3A_1453 : f32 to vector<16xf32>
          %parallel_loop3A_1455 = arith.addf %parallel_loop3A_1454, %parallel_loop3A_1452 : vector<16xf32>
          %parallel_loop3A_1456 = arith.mulf %parallel_loop3A_1450, %parallel_loop3A_1455 : vector<16xf32>
          %parallel_loop3A_1457 = arith.mulf %parallel_loop3A_1433, %parallel_loop3A_1456 : vector<16xf32>
          %parallel_loop3A_1458 = arith.constant 1.000000e+01 : f32
          %parallel_loop3A_1459 = vector.broadcast %parallel_loop3A_1458 : f32 to vector<16xf32>
          %parallel_loop3A_1460 = arith.mulf %parallel_loop3A_1457, %parallel_loop3A_1459 : vector<16xf32>
          %parallel_loop3A_1461 = arith.fptosi %parallel_loop3A_1460 : vector<16xf32> to vector<16xi32>
          %parallel_loop3A_1462 = arith.sitofp %parallel_loop3A_1461 : vector<16xi32> to vector<16xf32>
          %parallel_loop3A_1463 = arith.subf %parallel_loop3A_1460, %parallel_loop3A_1462 : vector<16xf32>
          %parallel_loop3A_1464 = arith.constant 64 : i32
          %parallel_loop3A_1465 = vector.broadcast %parallel_loop3A_1464 : i32 to vector<16xi32>
          %parallel_loop3A_1466 = arith.addi %parallel_loop3A_1461, %parallel_loop3A_1465 : vector<16xi32>
          %parallel_loop3A_1467 = tpu.vector_load_idx %arg8[%parallel_loop3A_804, %parallel_loop3A_1466] : memref<128x128xf32, #tpu.memory_space<vmem>>[vector<16xi32>, vector<16xi32>], vector<16xf32>,
          %parallel_loop3A_1468 = arith.constant 65 : i32
          %parallel_loop3A_1469 = vector.broadcast %parallel_loop3A_1468 : i32 to vector<16xi32>
          %parallel_loop3A_1470 = arith.addi %parallel_loop3A_1461, %parallel_loop3A_1469 : vector<16xi32>
          %parallel_loop3A_1471 = tpu.vector_load_idx %arg8[%parallel_loop3A_804, %parallel_loop3A_1470] : memref<128x128xf32, #tpu.memory_space<vmem>>[vector<16xi32>, vector<16xi32>], vector<16xf32>,
          %parallel_loop3A_1472 = arith.subf %parallel_loop3A_1471, %parallel_loop3A_1467 : vector<16xf32>
          %parallel_loop3A_1473 = arith.mulf %parallel_loop3A_1463, %parallel_loop3A_1472 : vector<16xf32>
          %parallel_loop3A_1474 = arith.addf %parallel_loop3A_1467, %parallel_loop3A_1473 : vector<16xf32>
          %parallel_loop3A_1475 = arith.mulf %parallel_loop3A_1474, %parallel_loop3A_843 : vector<16xf32>
          %parallel_loop3A_1476 = arith.addi %parallel_loop3A_862, %select_n3A_640 : vector<16xi32>
          %parallel_loop3A_1477 = arith.constant 3 : i32
          %parallel_loop3A_1478 = vector.broadcast %parallel_loop3A_1477 : i32 to vector<16xi32>
          %parallel_loop3A_1479 = arith.subi %parallel_loop3A_1478, %parallel_loop3A_1476 : vector<16xi32>
          %parallel_loop3A_1480 = arith.ori %parallel_loop3A_1476, %parallel_loop3A_1479 : vector<16xi32>
          %parallel_loop3A_1481 = arith.constant 12 : i32
          %parallel_loop3A_1482 = vector.broadcast %parallel_loop3A_1481 : i32 to vector<16xi32>
          %parallel_loop3A_1483 = arith.subi %parallel_loop3A_1482, %iota3A : vector<16xi32>
          %parallel_loop3A_1484 = arith.ori %parallel_loop3A_1480, %parallel_loop3A_1483 : vector<16xi32>
          %parallel_loop3A_1485 = arith.constant 31 : i32
          %parallel_loop3A_1486 = vector.broadcast %parallel_loop3A_1485 : i32 to vector<16xi32>
          %parallel_loop3A_1487 = arith.shrui %parallel_loop3A_1484, %parallel_loop3A_1486 : vector<16xi32>
          %parallel_loop3A_1488 = arith.constant 1 : i32
          %parallel_loop3A_1489 = vector.broadcast %parallel_loop3A_1488 : i32 to vector<16xi32>
          %parallel_loop3A_1490 = arith.subi %parallel_loop3A_1489, %parallel_loop3A_1487 : vector<16xi32>
          %parallel_loop3A_1491 = arith.addi %parallel_loop3A_873, %add3A_693 : vector<16xi32>
          %parallel_loop3A_1492 = arith.muli %parallel_loop3A_1491, %parallel_loop3A_1490 : vector<16xi32>
          %parallel_loop3A_1493 = arith.constant 1 : i32
          %parallel_loop3A_1494 = vector.broadcast %parallel_loop3A_1493 : i32 to vector<16xi32>
          %parallel_loop3A_1495 = arith.subi %parallel_loop3A_1494, %parallel_loop3A_1490 : vector<16xi32>
          %parallel_loop3A_1496 = arith.constant 65536 : i32
          %parallel_loop3A_1497 = vector.broadcast %parallel_loop3A_1496 : i32 to vector<16xi32>
          %parallel_loop3A_1498 = arith.muli %parallel_loop3A_1497, %parallel_loop3A_1495 : vector<16xi32>
          %parallel_loop3A_1499 = arith.addi %parallel_loop3A_1492, %parallel_loop3A_1498 : vector<16xi32>
          %parallel_loop3A_1500 = arith.sitofp %parallel_loop3A_1490 : vector<16xi32> to vector<16xf32>
          %parallel_loop3A_1501 = arith.mulf %parallel_loop3A_1475, %parallel_loop3A_1500 : vector<16xf32>
          tpu.vector_store_idx %arg9[%parallel_loop3A_1499], %parallel_loop3A_1501 {add = true} : memref<65552xf32, #tpu.memory_space<vmem>>[vector<16xi32>], vector<16xf32>,
        } {sc.loop_unroll_factor = 6 : i64, sc.parallel_access}
      }
      "tpu.trace_stop"() : () -> ()
      %mul3A_789 = arith.constant 2097152 : i32
      %mul3A_790 = arith.muli %scan3A_749, %mul3A_789 : i32
      %mul3A_791 = arith.constant 65536 : i32
      %mul3A_792 = arith.muli %add3A, %mul3A_791 : i32
      %add3A_793 = arith.addi %mul3A_790, %mul3A_792 : i32
      "tpu.region"() ({
        %run_scoped3A = tpu.sem_alloc : memref<!tpu.dma_semaphore, #tpu.memory_space<semaphore_mem>>
        %dma_start3A = arith.constant 0 : i32
        %dma_start3A_794 = tpu.memref_slice %arg9[%dma_start3A] : memref<65552xf32, #tpu.memory_space<vmem>> -> memref<65536xf32, #tpu.memory_space<vmem>>
        %dma_start3A_795 = tpu.memref_slice %arg5[%add3A_793] : memref<8388608xf32, #tpu.memory_space<hbm>> -> memref<65536xf32, #tpu.memory_space<hbm>>
        %dma_start3A_796 = tpu.memref_slice %arg5[%add3A_793] : memref<8388608xf32, #tpu.memory_space<hbm>> -> memref<65536xf32, #tpu.memory_space<hbm>>
        %dma_start3A_797 = arith.constant 0 : i32
        %dma_start3A_798 = tpu.memref_slice %arg9[%dma_start3A_797] : memref<65552xf32, #tpu.memory_space<vmem>> -> memref<65536xf32, #tpu.memory_space<vmem>>
        tpu.enqueue_dma source(%dma_start3A_798 : memref<65536xf32, #tpu.memory_space<vmem>>) target(%dma_start3A_796 : memref<65536xf32, #tpu.memory_space<hbm>>) target_semaphore(%run_scoped3A : memref<!tpu.dma_semaphore, #tpu.memory_space<semaphore_mem>>)
        %dma_wait3A = arith.constant 0 : i32
        %dma_wait3A_799 = tpu.memref_slice %arg9[%dma_wait3A] : memref<65552xf32, #tpu.memory_space<vmem>> -> memref<65536xf32, #tpu.memory_space<vmem>>
        %dma_wait3A_800 = tpu.memref_slice %arg5[%add3A_793] : memref<8388608xf32, #tpu.memory_space<hbm>> -> memref<65536xf32, #tpu.memory_space<hbm>>
        %dma_wait3A_801 = tpu.memref_slice %arg5[%add3A_793] : memref<8388608xf32, #tpu.memory_space<hbm>> -> memref<65536xf32, #tpu.memory_space<hbm>>
        %dma_wait3A_802 = arith.constant 0 : i32
        %dma_wait3A_803 = tpu.memref_slice %arg9[%dma_wait3A_802] : memref<65552xf32, #tpu.memory_space<vmem>> -> memref<65536xf32, #tpu.memory_space<vmem>>
        tpu.wait_dma2 semaphore(%run_scoped3A : memref<!tpu.dma_semaphore, #tpu.memory_space<semaphore_mem>>) src(%dma_wait3A_803 : memref<65536xf32, #tpu.memory_space<vmem>>) dst(%dma_wait3A_801 : memref<65536xf32, #tpu.memory_space<hbm>>)
        tpu.yield
      }) : () -> ()
    }
    %scan3A_748 = arith.constant 4 : i32
    return
  }
}

</mosaic_0001>

<sc_bundles>
// kernel: _dilate_sc.3.cloned.1.call-start
scs
__scs_entry_jumppad:
0x0: {  	(pc) =	sbr.rel $0x88, $3  }
0x1: {  	(tag) =	ssettag $0x0;
	lr =	simm.s32 $0x1  }
0x2: {  	[smem:$0x3F9F] =	sst lr;
	_ =	strace $0xD0000000  }
0x3: {  	_ = 	snop  }
0x4: {  	_ = 	snop  }
0x5: {  	_ = 	snop  }
0x6: {  	_ = 	snop  }
0x7: {  	_ = 	snop  }
__scs_overlays_trampoline_lowered:
0x8: {  	[smem:$0x3FAE] =	sst s0  }
0x9: {  	[smem:$0x3FAF] =	sst s1  }
0xa: {  	[smem:$0x3FB0] =	sst s2  }
0xb: {  	[smem:$0x3FB1] =	sst s3  }
0xc: {  	[smem:$0x3FB2] =	sst s4  }
0xd: {  	[smem:$0x3FB3] =	sst s5  }
0xe: {  	[smem:$0x3FB4] =	sst s6  }
0xf: {  	[smem:$0x3FB5] =	sst s7  }
0x10: {  	[smem:$0x3FB6] =	sst s8  }
0x11: {  	[smem:$0x3FB7] =	sst s9;
	s0 =	simm.s32 @!p0 $0x0  }
0x12: {  	s1 =	sld [smem:$0x3F9D];
	s0 =	simm.s32 @p0 $0x1  }
0x13: {  	[smem:$0x3FB8] =	sst s0;
	s0 =	simm.s32 @!p1 $0x0  }
0x14: {  	s2 =	sld [smem:$0x3F9C];
	s0 =	simm.s32 @p1 $0x1  }
0x15: {  	[smem:$0x3FB9] =	sst s0;
	s0 =	simm.s32 @!p2 $0x0  }
0x16: {  	s3 =	sld [smem:$0x3FDB];
	s0 =	simm.s32 @p2 $0x1  }
0x17: {  	s4 =	simm.s32 $0x1BF5;
	[smem:$0x3FBB] =	sst s0  }
0x18: {  	s0 =	sld [smem:$0x3F9E];
	_ =	swait.ge [sflag:s4], $0x0  }
0x19: {  	s7 =	sld [smem:$0x3F9F]  }
0x1a: {  	s8 =	sadd.s32 $0xFFFFE003, lr  }
0x1b: {  	s9 =	sadd.s32 $0xFFFFFEF7, lr;
	s5 =	simm.s32 $0xFFFFFFFF;
	p2 =	slt.u32 s8, $0xFFFFF086  }
0x1c: {  	p1 =	slt.u32 s9, $0xF7A;
	s5 =	simm.s32 @!p2 $0x0  }
0x1d: {  	s5 =	simm.s32 @p1 $0x1;
	p0 =	seq.s32 s7, s2  }
0x1e: {  	s7 =	smul.u32 @!p0 $0xF7A, s2;
	p2 =	seq.s32 @!p0 s5, $0x0  }
0x1f: {  	s9 =	smul.u32 $0xF7A, s1;
	s8 =	simm.s32 @!p0 $0x1BF5;
	p2 =	por !p2, p0  }
0x20: {  	[sflag:s8] =	ssyncset.s32 @!p0 $0xFFFFF086;
	s6 =	sadd.s32 @!p0 s3, s7;
	s7 =	simm.s32 @!p0 $0x108  }
0x21: {  	s3 =	sadd.s32 s3, s9;
	s6 =	sadd.s32 @!p0 $0x88, s6;
	s7 =	simm.s32 @p2 $0x1082  }
0x22: {  	[simem:s7], [sflag:s8] =	dma.local @!p0 [hbm:s6], $0xF7A  }
0x23: {  	s9 =	sor.u32 $0xD0000000, s2;
	s6 =	simm.s32 $0x108;
	_ =	swait.ge @!p0 [sflag:s8], $0x0  }
0x24: {  	s3 =	sadd.s32 $0x88, s3;
	s6 =	simm.s32 @!p1 $0x1082;
	[sflag:s4] =	ssyncset.s32 $0xFFFFF086  }
0x25: {  	[simem:s6], [sflag:s4] =	dma.local [hbm:s3], $0xF7A  }
0x26: {  	[smem:$0x3F9F] =	sst s1;
	(tag) =	ssettag s2;
	_ =	strace s9  }
0x27: {  	s1 =	sld [smem:$0x3FAF]  }
0x28: {  	s2 =	sld [smem:$0x3FB0]  }
0x29: {  	s4 =	sld [smem:$0x3FB2]  }
0x2a: {  	p0 =	seq.s32 s5, $0x0;
	s5 =	sld [smem:$0x3FB3]  }
0x2b: {  	s6 =	sld [smem:$0x3FB4]  }
0x2c: {  	s7 =	sld [smem:$0x3FB5]  }
0x2d: {  	s3 =	simm.s32 $0x108;
	s8 =	sld [smem:$0x3FB6]  }
0x2e: {  	s3 =	simm.s32 @!p0 $0x1082;
	s9 =	sld [smem:$0x3FB7]  }
0x2f: {  	lr =	sadd.s32 s0, s3;
	s0 =	sld [smem:$0x3FAE]  }
0x30: {  	s3 =	sld [smem:$0x3FB1]  }
0x31: {  	[smem:$0x3FBA] =	sst s10  }
0x32: {  	s10 =	sld [smem:$0x3FB8];
	_ =	sdelay $0x3  }
0x33: {  	p0 =	seq.s32 s10, $0x1;
	s10 =	sld [smem:$0x3FBA];
	_ =	sdelay $0x3  }
0x34: {  	[smem:$0x3FBA] =	sst s10  }
0x35: {  	s10 =	sld [smem:$0x3FB9];
	_ =	sdelay $0x3  }
0x36: {  	p1 =	seq.s32 s10, $0x1;
	s10 =	sld [smem:$0x3FBA];
	_ =	sdelay $0x3  }
0x37: {  	[smem:$0x3FBA] =	sst s10  }
0x38: {  	s10 =	sld [smem:$0x3FBB]  }
0x39: {  	_ = 	snop;
	(pc) =	sbr.ind lr, $3  }
0x3a: {  	_ = 	snop  }
0x3b: {  	_ = 	snop  }
0x3c: {  	p2 =	seq.s32 s10, $0x1;
	s10 =	sld [smem:$0x3FBA]  }
0x3d: {  	_ =	shalt  }
0x3e: {  	_ =	shalt  }
0x3f: {  	_ =	shalt  }
0x40: {  	_ =	shalt  }
0x41: {  	_ =	shalt  }
0x42: {  	_ =	shalt  }
0x43: {  	_ =	shalt  }
0x44: {  	_ =	shalt  }
0x45: {  	_ =	shalt  }
0x46: {  	_ =	shalt  }
0x47: {  	_ =	shalt  }
0x48: {  	_ =	shalt  }
0x49: {  	_ =	shalt  }
0x4a: {  	_ =	shalt  }
0x4b: {  	_ =	shalt  }
0x4c: {  	_ =	shalt  }
0x4d: {  	_ =	shalt  }
0x4e: {  	_ =	shalt  }
0x4f: {  	_ =	shalt  }
0x50: {  	_ =	shalt  }
0x51: {  	_ =	shalt  }
0x52: {  	_ =	shalt  }
0x53: {  	_ =	shalt  }
0x54: {  	_ =	shalt  }
0x55: {  	_ =	shalt  }
0x56: {  	_ =	shalt  }
0x57: {  	_ =	shalt  }
0x58: {  	_ =	shalt  }
0x59: {  	_ =	shalt  }
0x5a: {  	_ =	shalt  }
0x5b: {  	_ =	shalt  }
0x5c: {  	_ =	shalt  }
0x5d: {  	_ =	shalt  }
0x5e: {  	_ =	shalt  }
0x5f: {  	_ =	shalt  }
0x60: {  	_ =	shalt  }
0x61: {  	_ =	shalt  }
0x62: {  	_ =	shalt  }
0x63: {  	_ =	shalt  }
0x64: {  	_ =	shalt  }
0x65: {  	_ =	shalt  }
0x66: {  	_ =	shalt  }
0x67: {  	_ =	shalt  }
0x68: {  	_ =	shalt  }
0x69: {  	_ =	shalt  }
0x6a: {  	_ =	shalt  }
0x6b: {  	_ =	shalt  }
0x6c: {  	_ =	shalt  }
0x6d: {  	_ =	shalt  }
0x6e: {  	_ =	shalt  }
0x6f: {  	_ =	shalt  }
0x70: {  	_ =	shalt  }
0x71: {  	_ =	shalt  }
0x72: {  	_ =	shalt  }
0x73: {  	_ =	shalt  }
0x74: {  	_ =	shalt  }
0x75: {  	_ =	shalt  }
0x76: {  	_ =	shalt  }
0x77: {  	_ =	shalt  }
0x78: {  	_ =	shalt  }
0x79: {  	_ =	shalt  }
0x7a: {  	_ =	shalt  }
0x7b: {  	_ =	shalt  }
0x7c: {  	_ =	shalt  }
0x7d: {  	_ =	shalt  }
0x7e: {  	_ =	shalt  }
0x7f: {  	_ =	shalt  }
0x80: {  	_ =	shalt  }
0x81: {  	_ =	shalt  }
0x82: {  	_ =	shalt  }
0x83: {  	_ =	shalt  }
0x84: {  	_ =	shalt  }
0x85: {  	_ =	shalt  }
0x86: {  	_ =	shalt  }
0x87: {  	_ =	shalt  }
.Lfunc_end0:
.L_simem_size_0:
called_computation_lowered:
.L_overlay_start_0:
0x88: {  	s2 =	sld [smem:$0x3FD9]  }
0x89: {  	s3 =	sld [smem:$0x3FFE];
	_ =	sdelay $0x1  }
0x8a: {  	s1 =	srdreg.scid  }
0x8b: {  	s0 =	sand.u32 $0x1, s1  }
0x8c: {  	s17 =	sshll.u32 s0, $0xA;
	s2 =	sadd.s32 s3, s2  }
0x8d: {  	s2 =	sadd.s32 s2, s17  }
0x8e: {  	[smem:$0x3FC6] =	sst s2  }
0x8f: {  	_ = 	snop  }
0x90: {  	s2 =	sld [smem:$0x3FC9]  }
0x91: {  	s18 =	sld [smem:$0x3FC8]  }
0x92: {  	s4 =	sld [smem:$0x3FD0];
	(tm) =	ssettm $0x1  }
0x93: {  	s5 =	sld [smem:$0x3FFB];
	_ =	sdelay $0x3  }
0x94: {  	_ =	strace s5  }
0x95: {  	s5 =	sld [smem:$0x3FFC];
	_ =	sdelay $0x3  }
0x96: {  	_ =	strace s5  }
0x97: {  	s5 =	sld [smem:$0x3FFD];
	_ =	sdelay $0x3  }
0x98: {  	_ =	strace s5  }
0x99: {  	_ =	strace $0x8FFFFFFF  }
0x9a: {  	s19 =	sld [smem:$0x3FDB];
	_ =	sdelay $0x1  }
0x9b: {  	s6 =	simm.s32 $_scs_section_size  }
0x9c: {  	s7 =	simm.s32 $_size__tile_overlayer_lowered;
	s8 =	simm.s32 $_tile_overlayer_lowered  }
0x9d: {  	s22 =	simm.s32 $0x1BFF;
	s21 =	sshll.u32 s8, $0x1;
	s5 =	sadd.s32 s6, s19  }
0x9e: {  	s9 =	simm.s32 $0x0;
	s20 =	sshll.u32 s7, $0x1;
	s7 =	sadd.s32 s21, s5  }
0x9f: {  	[timem:s9], [sflag:s22] =	dma.local [hbm:s7], s20  }
0xa0: {  	_ =	swait.ge [sflag:s22], s20  }
0xa1: {  	s6 =	ssub.s32 $0x0, s20;
	[sflag:s22] =	ssyncset.done $0x0  }
0xa2: {  	[sflag:s22] =	ssyncadd.s32 s6;
	_ =	sdelay $0x1  }
0xa3: {  	s23 =	simm.s32 $0x1B8B  }
0xa4: {  	_ =	swait.ge [sflag:s23], $0x1  }
0xa5: {  	[sflag:s23] =	ssyncset.done $0x0  }
0xa6: {  	s25 =	simm.s32 $0x1B8E;
	s24 =	sld [smem:$0x3FFE];
	[sflag:s23] =	ssyncadd.s32 $0xFFFFFFFF  }
0xa7: {  	s26 =	simm.s32 $execute0_lowered;
	[smem:$0x3FD2] =	sst s25  }
0xa8: {  	s7 =	sshll.u32 s26, $0x1;
	_ =	strace $0x80000046;
	[dreg:$0x1] =	wrdreg $0xFFFFFFFF  }
0xa9: {  	s28 =	simm.s32 $_size_execute0_lowered;
	s5 =	sadd.s32 s5, s7;
	[dreg:$0x0] =	wrdreg $0x0  }
0xaa: {  	s7 =	sshll.u32 s28, $0x1;
	[dreg:$0x2] =	wrdreg s5  }
0xab: {  	[dreg:$0x3] =	wrdreg s7  }
0xac: {  	[dreg:$0x4] =	wrdreg $0xC0  }
0xad: {  	_ =	task [dreg:s9], $0x5FFFF  }
0xae: {  	[dreg:$0x1] =	wrdreg $0xFFFFFFFF  }
0xaf: {  	[dreg:$0x0] =	wrdreg $0x60  }
0xb0: {  	[dreg:$0x2] =	wrdreg s2  }
0xb1: {  	[dreg:$0x3] =	wrdreg s18  }
0xb2: {  	[dreg:$0x4] =	wrdreg s24  }
0xb3: {  	[dreg:$0x5] =	wrdreg s4  }
0xb4: {  	[dreg:$0x6] =	wrdreg $0x9  }
0xb5: {  	_ =	task.clear_ibuf [dreg:s9], $0x7FFFF;
	_ =	strace $0x90000046  }
0xb6: {  	s29 =	simm.s32 $0x9;
	_ =	strace $0x80000049  }
0xb7: {  	_ =	swait.ge [sflag:s29], $0x1  }
0xb8: {  	[sflag:s29] =	ssyncadd.s32 $0xFFFFFFFF  }
0xb9: {  	_ =	strace $0x90000049  }
0xba: {  	_ =	sfence  }
0xbb: {  	s30 =	sld [smem:$0x0];
	_ =	sdelay $0x2  }
0xbc: {  	s31 =	sshll.u32 s1, $0xD;
	s1 =	sshrl.u32 s1, $0x2  }
0xbd: {  	s3 =	sand.u32 $0x4000, s31;
	s1 =	sadd.s32 s1, s30  }
0xbe: {  	s0 =	sor.u32 s3, s0;
	s1 =	sshll.u32 s1, $0x11  }
0xbf: {  	s0 =	sor.u32 s1, s0  }
0xc0: {  	s0 =	sadd.s32 $0x8F2B, s0  }
0xc1: {  	[sflag:s0] =	ssyncadd.remote.s32 $0x1  }
0xc2: {  	_ =	sfence.sel $0xFFFF  }
0xc3: {  	[dreg:$0x0] =	wrdreg $0xFFFFFFFF;
	(pc) =	sbr.abs _section_cstart, $3  }
0xc4: {  	[dreg:$0x1] =	wrdreg $0xFFFFFFFF  }
0xc5: {  	_ =	task.clear_ibuf [dreg:s9], $0x2FFFF;
	_ =	strace $0x9FFFFFFF  }
0xc6: {  	(tm) =	ssettm $0x7FFFFFFF  }
0xc7: {  	_ =	shalt  }
tec
execute0_lowered:
.L_overlay_start_1:
0x0: {  	(tag) =	ssettag $0x1  }
0x1: {  	v50 =	vimm.s32 $0x0;
	vm8 =	vcmask $0x1300  }
0x2: {  	vm7 =	vcmask $0x2714;
	v2 =	vimm.s32 $0x7E;
	vm6 =	vcmask $0x300  }
0x3: {  	vm5 =	vcmask $0x704;
	vm4 =	vcmask $0xB08;
	vm3 =	vcmask $0xF0C  }
0x4: {  	vm1 =	vcmask $0x1310;
	vm0 =	vcmask $0x1B18;
	v27 =	vimm.s32 $0x1  }
0x5: {  	v30 =	vimm.s32 $0x2;
	v3 =	vimm.s32 $0xCBAEDCBD;
	vm2 =	vcmask $0x1714  }
0x6: {  	v4 =	vimm.s32 $0x80FE8281;
	v5 =	vimm.s32 $0xFF020100;
	vm9 =	vcmask $0x2B1C  }
0x7: {  	vm15 =	vcmask $0x3B2C;
	v9 =	vimm.s32 $0x8;
	vm12 =	vcmask $0x2300  }
0x8: {  	vm13 =	vcmask $0x700;
	v10 =	vimm.s32 $0xAEDCBAE0;
	vm14 =	vcmask $0x2304  }
0x9: {  	v41 =	vimm.s32 $0x3;
	v12 =	vimm.s32 $0xBAEDCBA0;
	v13 =	vimm.s32 $0xEDCBAEDA  }
0xa: {  	v14 =	vimm.s32 $0xAEDCBAEB;
	v15 =	vimm.s32 $0xBAEDCBAC;
	v16 =	vimm.s32 $0xCBAEDCB0  }
0xb: {  	v17 =	vimm.s32 $0xDCBAEDC0;
	v18 =	vimm.s32 $0xEDCBAED0;
	v21 =	vimm.s32 $0x6  }
0xc: {  	v22 =	vimm.s32 $0x8281807F;
	v23 =	vimm.s32 $0x7060606;
	v32 =	vimm.s32 $0x7  }
0xd: {  	v34 =	vimm.s32 $0x8070707;
	v56 =	vimm.s32 $0x4100;
	v57 =	vimm.s32 $0x8001  }
0xe: {  	v58 =	vimm.s32 $0xBF02;
	v59 =	vimm.s32 $0xC0FE;
	v60 =	vimm.s32 $0xFFFF  }
0xf: {  	v61 =	vimm.s32 $0x13F00;
	v1 =	vsel vm8, $0x2, v50;
	v2 =	vsel vm6, $0xFFFFFEFE, v2  }
0x10: {  	v4 =	vunpack.c.0.s8.s32 v4;
	v5 =	vunpack.c.0.s8.s32 v5;
	v6 =	vunpack.c.l.s4.s8 v3  }
0x11: {  	v37 =	vsel vm12, $0x3, v30;
	v0 =	vsel vm13, $0x1, v30;
	v40 =	vsel vm13, $0x2, v27  }
0x12: {  	v10 =	vunpack.c.l.s4.s8 v10;
	v9 =	vsel vm8, $0x5, v9;
	v12 =	vunpack.c.l.s4.s8 v12  }
0x13: {  	v13 =	vunpack.c.l.s4.s8 v13;
	v14 =	vunpack.c.l.s4.s8 v14;
	v15 =	vunpack.c.l.s4.s8 v15  }
0x14: {  	v16 =	vunpack.c.l.s4.s8 v16;
	v17 =	vunpack.c.l.s4.s8 v17;
	v18 =	vunpack.c.l.s4.s8 v18  }
0x15: {  	vm13 =	vcmask $0x3B28;
	v35 =	vunpack.c.0.s8.s32 v34;
	v2 =	vsel vm5, $0xFFFFFEFF, v2  }
0x16: {  	v44 =	vsel vm7, $0x1, v1;
	v1 =	vsel vm7, $0x6, v9;
	v9 =	vunpack.c.0.s8.s32 v22  }
0x17: {  	v2 =	vsel vm4, $0xFFFFFF00, v2;
	v10 =	vunpack.c.0.s8.s32 v10;
	v12 =	vunpack.c.0.s8.s32 v12  }
0x18: {  	v13 =	vunpack.c.0.s8.s32 v13;
	v14 =	vunpack.c.0.s8.s32 v14;
	v2 =	vsel vm3, $0xFFFFFF01, v2  }
0x19: {  	v15 =	vunpack.c.0.s8.s32 v15;
	v16 =	vunpack.c.0.s8.s32 v16;
	v2 =	vsel vm1, $0xFFFFFF02, v2  }
0x1a: {  	v17 =	vunpack.c.0.s8.s32 v17;
	v18 =	vunpack.c.0.s8.s32 v18;
	v2 =	vsel vm2, $0xFFFFFF7E, v2  }
0x1b: {  	v47 =	vsel vm13, $0x7, v1;
	v13 =	vnsel vm14, $0xC, v13;
	v2 =	vsel vm0, $0xFFFFFF7F, v2  }
0x1c: {  	v14 =	vnsel vm14, $0xD, v14;
	v15 =	vnsel vm14, $0xE, v15;
	v2 =	vsel vm9, v4, v2  }
0x1d: {  	v33 =	vsel vm15, v5, v2;
	v2 =	vunpack.c.0.s8.s32 v6;
	v6 =	vsel vm12, $0x0, v27  }
0x1e: {  	v5 =	vimm.s32 $0xDCBAEDCE;
	vm15 =	vcmask $0x3F24;
	vm12 =	vcmask $0x2B00  }
0x1f: {  	v8 =	vunpack.c.l.s4.s8 v5;
	v39 =	vsel vm15, v16, v13;
	v63 =	vsel vm15, v17, v14  }
0x20: {  	[tilespmem:$0x1FDB0] =	vst v0;
	v43 =	vsel vm15, v18, v15;
	v0 =	vsel vm12, $0x2, v41;
	v45 =	vsel vm12, $0x1, v50  }
0x21: {  	vm12 =	vcmask $0x1F10;
	v13 =	vsel vm6, $0xC0FF, v60;
	v17 =	vsel vm6, $0x10000, v61  }
0x22: {  	v2 =	vnsel vm14, $0xA, v2;
	v13 =	vsel vm5, $0xC100, v13;
	v17 =	vsel vm5, $0x10001, v17  }
0x23: {  	v11 =	vunpack.c.0.s8.s32 v8;
	v24 =	vsel vm15, v10, v2;
	v2 =	vimm.s32 $0x9  }
0x24: {  	v10 =	vsel vm6, $0x4101, v57;
	v13 =	vsel vm4, $0xC101, v13;
	v17 =	vsel vm4, $0x10002, v17  }
0x25: {  	v2 =	vsel vm8, $0x6, v2;
	vm8 =	vcmask $0xF00;
	v10 =	vsel vm5, $0x4102, v10  }
0x26: {  	v13 =	vsel vm3, $0xC102, v13;
	v17 =	vsel vm3, $0x1007E, v17;
	v11 =	vnsel vm14, $0xB, v11  }
0x27: {  	v1 =	vsel vm8, $0x8, v21;
	v2 =	vsel vm7, $0x7, v2;
	vm14 =	vcmask $0x2310  }
0x28: {  	v10 =	vsel vm4, $0x7EFE, v10;
	v13 =	vsel vm1, $0xFEFE, v13;
	v17 =	vsel vm1, $0x1007F, v17  }
0x29: {  	v25 =	vsel vm15, v12, v11;
	v1 =	vsel vm14, $0x9, v1;
	v42 =	vsel vm13, $0x8, v2  }
0x2a: {  	vm15 =	vcmask $0x3724;
	v2 =	vunpack.c.0.s8.s32 v23;
	vm13 =	vcmask $0x3320  }
0x2b: {  	v11 =	vsel vm6, $0x8002, v58;
	v12 =	vsel vm6, $0xBF7E, v59;
	v10 =	vsel vm3, $0x7EFF, v10  }
0x2c: {  	v13 =	vsel vm2, $0xFEFF, v13;
	v17 =	vsel vm2, $0x10080, v17;
	v48 =	vsel vm15, $0x5, v1  }
0x2d: {  	v1 =	vand.u32 $0xFF, v9;
	v9 =	vsel vm8, $0x9, v32;
	v11 =	vsel vm5, $0x807E, v11  }
0x2e: {  	v12 =	vsel vm5, $0xBF7F, v12;
	v10 =	vsel vm1, $0x7F00, v10;
	v13 =	vsel vm0, $0xFF00, v13  }
0x2f: {  	v17 =	vsel vm0, $0x10081, v17;
	v1 =	vnsel vm8, $0x3F7F, v1;
	v2 =	vnsel vm8, $0x9, v2  }
0x30: {  	v9 =	vsel vm14, $0x5, v9;
	vm14 =	vcmask $0x3300;
	v11 =	vsel vm4, $0x807F, v11  }
0x31: {  	v12 =	vsel vm4, $0xBF80, v12;
	v10 =	vsel vm2, $0x7F01, v10;
	v2 =	vsel vm12, $0x7, v2  }
0x32: {  	v49 =	vsel vm15, $0x6, v9;
	v9 =	vnsel vm8, $0x5, v35;
	v11 =	vsel vm3, $0x8080, v11  }
0x33: {  	v12 =	vsel vm3, $0xBF81, v12;
	v1 =	vsel vm1, $0xFE, v1;
	v10 =	vsel vm0, $0x7F02, v10  }
0x34: {  	vm15 =	vcmask $0x2724;
	v52 =	vsel vm13, $0x8, v2;
	v2 =	vsel vm12, $0x8, v9  }
0x35: {  	v9 =	vsel vm6, $0x3F80, v56;
	v11 =	vsel vm1, $0x8081, v11;
	v12 =	vsel vm1, $0xBF82, v12  }
0x36: {  	v1 =	vsel vm2, $0xFF, v1;
	v53 =	vsel vm13, $0x9, v2;
	v2 =	vimm.s32 $0xFFFFFFFE  }
0x37: {  	v9 =	vsel vm5, $0x3F81, v9;
	v11 =	vsel vm2, $0x8082, v11;
	v12 =	vsel vm2, $0xBFFE, v12  }
0x38: {  	v54 =	vsel vm14, $0xFFFFFFFF, v2;
	v2 =	vimm.f32 $2.000000000e+00;
	v9 =	vsel vm4, $0x3F82, v9  }
0x39: {  	v1 =	vsel vm0, $0x100, v1;
	v2 =	vsel vm5, $0x3F800000, v2;
	v9 =	vsel vm3, $0x3FFE, v9  }
0x3a: {  	v11 =	vsel vm0, $0x80FE, v11;
	v2 =	vsel vm4, $0x80000000, v2;
	v9 =	vsel vm1, $0x3FFF, v9  }
0x3b: {  	v12 =	vsel vm0, $0xBFFF, v12;
	v2 =	vsel vm3, $0xBF800000, v2;
	v9 =	vsel vm2, $0x4000, v9  }
0x3c: {  	vm3 =	vcmask $0x2320;
	vm2 =	vcmask $0x2F2C;
	v2 =	vsel vm1, $0xC0000000, v2  }
0x3d: {  	vm1 =	vcmask $0x1F1C;
	v9 =	vsel vm0, $0x4001, v9;
	v2 =	vsel vm0, $0x3F800000, v2  }
0x3e: {  	v1 =	vsel vm1, $0x101, v1;
	v9 =	vsel vm1, $0x4002, v9;
	v10 =	vsel vm1, $0x7F7E, v10  }
0x3f: {  	v11 =	vsel vm1, $0x80FF, v11;
	v12 =	vsel vm1, $0xC000, v12;
	v13 =	vsel vm1, $0xFF01, v13  }
0x40: {  	v17 =	vsel vm1, $0x10082, v17;
	vm0 =	vcmask $0x3330;
	v2 =	vsel vm1, $0x80000000, v2  }
0x41: {  	v1 =	vsel vm3, $0x102, v1;
	v9 =	vsel vm3, $0x407E, v9;
	v10 =	vsel vm3, $0x7F7F, v10  }
0x42: {  	v11 =	vsel vm3, $0x8100, v11;
	v12 =	vsel vm3, $0xC001, v12;
	v13 =	vsel vm3, $0xFF02, v13  }
0x43: {  	v17 =	vsel vm3, $0x100FE, v17;
	vm1 =	vcmask $0x2B28;
	v2 =	vsel vm3, $0xBF800000, v2  }
0x44: {  	v1 =	vsel vm15, $0x3EFE, v1;
	v9 =	vsel vm15, $0x407F, v9;
	v10 =	vsel vm15, $0x7F80, v10  }
0x45: {  	v11 =	vsel vm15, $0x8101, v11;
	v12 =	vsel vm15, $0xC002, v12;
	v13 =	vsel vm15, $0xFF7E, v13  }
0x46: {  	v17 =	vsel vm15, $0x100FF, v17;
	v2 =	vsel vm15, $0xC0000000, v2;
	v1 =	vsel vm1, $0x3EFF, v1  }
0x47: {  	v9 =	vsel vm1, $0x4080, v9;
	v10 =	vsel vm1, $0x7F81, v10;
	v11 =	vsel vm1, $0x8102, v11  }
0x48: {  	s1 =	srdreg.scid;
	v12 =	vsel vm1, $0xC07E, v12;
	v13 =	vsel vm1, $0xFF7F, v13;
	v17 =	vsel vm1, $0x10100, v17  }
0x49: {  	s0 =	stileid.u32;
	s7 =	rddreg [dreg:$0x2];
	vm1 =	vcmask $0x3734;
	v2 =	vsel vm2, $0x3F800000, v2;
	v1 =	vsel vm2, $0x3F00, v1  }
0x4a: {  	s8 =	rddreg [dreg:$0x3];
	s5 =	sand.u32 $0x1, s1;
	s29 =	sshll.u32 s0, $0x1;
	v9 =	vsel vm2, $0x4081, v9;
	v10 =	vsel vm2, $0x7F82, v10;
	v11 =	vsel vm2, $0xBEFE, v11  }
0x4b: {  	s3 =	rddreg [dreg:$0x4];
	s4 =	simm.s32 $0x0;
	s6 =	sor.u32 s5, s29;
	v12 =	vsel vm2, $0xC07F, v12;
	v13 =	vsel vm2, $0xFF80, v13;
	v1 =	vsel vm0, $0x3F01, v1  }
0x4c: {  	[smem:$0x7FF] =	sst s4;
	s1 =	sshll.u32 s6, $0x2;
	v17 =	vsel vm2, $0x10101, v17;
	vm2 =	vcmask $0x3B38;
	v1 =	vsel vm1, $0x3F02, v1  }
0x4d: {  	s2 =	sadd.s32 $0xFFFFFFFE, s1;
	s30 =	sadd.s32 $0x5, s1;
	s1 =	sor.u32 $0x2, s1;
	[tilespmem:$0x1FDC0] =	vst v0;
	v1 =	vsel vm2, $0x3F7E, v1  }
0x4e: {  	v55 =	vmov s1;
	s1 =	rddreg [dreg:$0x0];
	[tilespmem:$0x1FDD0] =	vst v1  }
0x4f: {  	v3 =	vmov s2;
	s2 =	rddreg [dreg:$0x1];
	_ =	strace $0x80000047;
	[tilespmem:$0x1FE10] =	vst v24  }
0x50: {  	[tilespmem:$0x1FE20] =	vst v25  }
0x51: {  	[tilespmem:$0x1FE30] =	vst v39  }
0x52: {  	[tilespmem:$0x1FE40] =	vst v63  }
0x53: {  	[tilespmem:$0x1FE50] =	vst v43  }
0x54: {  	[tilespmem:$0x1FE60] =	vst v42  }
0x55: {  	v28 =	vimm.s32 $0x65555599;
	v2 =	vsel vm0, $0x80000000, v2;
	[tilespmem:$0x1FE70] =	vst v49  }
0x56: {  	v28 =	vunpack.c.l.s4.s8 v28;
	v5 =	vmov s30;
	v2 =	vsel vm1, $0xBF800000, v2;
	[tilespmem:$0x1FE80] =	vst v3  }
0x57: {  	v56 =	vsel vm2, $0xC0000000, v2;
	[tilespmem:$0x1FE90] =	vst v5  }
0x58: {  	v20 =	vimm.s32 $0x99888887;
	v57 =	vand.u32 $0xF, v24;
	v59 =	vunpack.c.0.s8.s32 v28;
	[tilespmem:$0x1FEA0] =	vst v56  }
0x59: {  	v58 =	vand.u32 $0xF, v25;
	v62 =	vsel vm0, $0x7FFE, v10;
	v10 =	vunpack.c.l.s4.s8 v20;
	[tilespmem:$0x1FEB0] =	vst v57  }
0x5a: {  	[tilespmem:$0x1FEC0] =	vst v58  }
0x5b: {  	v8 =	vand.u32 $0xF, v39;
	v60 =	vunpack.c.0.s8.s32 v10;
	[tilespmem:$0x1FED0] =	vst v59  }
0x5c: {  	[tilespmem:$0x1FEE0] =	vst v8  }
0x5d: {  	v46 =	vimm.s32 $0x4;
	v35 =	vand.u32 $0xF, v63;
	[tilespmem:$0x1FEF0] =	vst v60  }
0x5e: {  	v38 =	vimm.s32 $0x5;
	v15 =	vsel vm8, $0x3, v46;
	[tilespmem:$0x1FF10] =	vst v35  }
0x5f: {  	v36 =	vimm.s32 $0xFFFFFFFF;
	v0 =	vsel vm14, $0x4, v38;
	[tilespmem:$0x1FF20] =	vst v15  }
0x60: {  	v51 =	vsel vm8, $0x0, v36;
	v17 =	vsel vm0, $0x10102, v17;
	[tilespmem:$0x1FF30] =	vst v0  }
0x61: {  	v36 =	vand.u32 $0xF, v43;
	v12 =	vsel vm0, $0xC080, v12;
	v32 =	vsel vm1, $0x13EFE, v17;
	[tilespmem:$0x1FF40] =	vst v48  }
0x62: {  	v22 =	vsel vm1, $0xC081, v12;
	v38 =	vsel vm2, $0x13EFF, v32;
	[tilespmem:$0x1FF60] =	vst v36  }
0x63: {  	v13 =	vsel vm0, $0xFF81, v13;
	v61 =	vsel vm2, $0xC082, v22;
	[tilespmem:$0x1FF80] =	vst v38  }
0x64: {  	v23 =	vsel vm1, $0xFF82, v13;
	[tilespmem:$0x1FF90] =	vst v61  }
0x65: {  	v1 =	vsel vm0, $0x4082, v9;
	v9 =	vsel vm1, $0x7FFF, v62;
	v62 =	vsel vm2, $0xFFFE, v23;
	[tilespmem:$0x1FFA0] =	vst v52  }
0x66: {  	[tilespmem:$0x1FFB0] =	vst v62  }
0x67: {  	v11 =	vsel vm0, $0xBEFF, v11;
	[tilespmem:$0x1FFC0] =	vst v51  }
0x68: {  	v21 =	vsel vm1, $0xBF00, v11;
	[tilespmem:$0x1FFD0] =	vst v53  }
0x69: {  	v2 =	vand.u32 $0xF, v59;
	vm0 =	vcmask $0x1F00;
	v1 =	vsel vm1, $0x40FE, v1;
	[tilespmem:$0x1FFE0] =	vst v55  }
0x6a: {  	v2 =	vnsel vm0, $0x7, v2;
	vm1 =	vcmask $0x2F20;
	[tilespmem:$0x1FFF0] =	vst v54;
	v1 =	vsel vm2, $0x40FF, v1  }
0x6b: {  	v34 =	vsel vm1, $0x6, v2;
	v2 =	vsel vm2, $0x8000, v9;
	[tilespmem:$0x1FDE0] =	vst v1  }
.Ltmp0:
0x6c: {  	v7 =	vlaneseq.u32;
	s11 =	simm.s32 $0x200;
	s12 =	simm.s32 $0x2780;
	v1 =	vand.u32 $0xF, v60;
	[tilespmem:$0x1FDF0] =	vst v2;
	v2 =	vsel vm2, $0xBF01, v21;
	(pc) =	sbr.rel .LBB2_1-.Ltmp0, $4  }
0x6d: {  	s13 =	simm.s32 $0x4F80;
	s14 =	simm.s32 $0x0;
	s9 =	ssub.s32 $0x2, s5;
	vm2 =	vcmask $0x2B20;
	v1 =	vnsel vm0, $0x5, v1;
	[tilespmem:$0x1FE00] =	vst v2;
	v2 =	vmul.u32 $0xFFFFFFFF, v7  }
0x6e: {  	s5 =	sadd.s32 $0x400, s7;
	s10 =	sshrl.u32 s9, $0x1;
	s6 =	sshll.u32 s6, $0xD;
	[tilespmem:$0x1FF00] =	vst v34;
	v1 =	vsel vm2, $0x9, v1  }
0x6f: {  	s31 =	ssub.s32 s9, s10;
	s6 =	sadd.s32 s8, s6;
	s8 =	simm.s32 $0x8F80;
	v2 =	vadd.s32 $0xC, v2;
	[tilespmem:$0x1FF50] =	vst v1  }
0x70: {  	s9 =	simm.s32 $0x1;
	s10 =	simm.s32 $0x80;
	s7 =	smax.u32 s31, $0x1;
	[tilespmem:$0x1FF70] =	vst v2  }
.LBB2_15:
0x71: {  	s14 =	sadd.s32 $0x1, s14  }
0x72: {  	p0 =	sne.s32 s14, s7  }
.Ltmp1:
0x73: {  	_ = 	snop;
	(pc) =	sbr.rel @!p0 .LBB2_16-.Ltmp1, $1  }
0x74: {  	_ =	sdelay $0x3  }
.LBB2_1:
0x75: {  	s15 =	simm.s32 $0x40;
	s16 =	simm.s32 $0x0  }
.LBB2_2:
0x76: {  	p0 =	sne.s32 s15, $0x9E40;
	[tilespmem:s16+$0x2780] =	vst v50;
	s16 =	smov.u32 s15;
	s15 =	sadd.s32 $0x40, s15  }
.Ltmp2:
0x77: {  	(pc) =	sbr.rel @p0 .LBB2_2-.Ltmp2, $2  }
0x78: {  	_ =	sdelay $0x2  }
0x79: {  	s16 =	sshra.s32 s16, $0x2  }
.Ltmp3:
0x7a: {  	(pc) =	sbr.rel .LBB2_4-.Ltmp3, $3  }
0x7b: {  	_ =	sdelay $0x1  }
0x7c: {  	[tilespmem:s16+$0x2780] =	vst v50;
	s15 =	simm.s32 $0x0;
	v1 =	vimm.f32 $0.0e+00  }
0x7d: {  	s16 =	simm.s32 $0x10;
	s17 =	simm.s32 $0x10;
	s18 =	simm.s32 $0x0;
	[tilespmem:$0x18F80] =	vst v1  }
.LBB2_14:
0x7e: {  	s19 =	sshll.u32 s18, $0x12;
	s18 =	sadd.s32 $0x1, s18  }
0x7f: {  	p0 =	sne.s32 s18, $0x4  }
.Ltmp4:
0x80: {  	_ =	strace $0x90000048;
	s19 =	sadd.s32 s19, s6;
	(pc) =	sbr.rel @!p0 .LBB2_15-.Ltmp4, $4  }
0x81: {  	[hbm4b:s19+s4] =	stream.linear.scatter [tilespmem:s8], [sflag:$0x1], $0x10000, $0x38;
	[tilespmem:$0x19000] =	vst v63  }
0x82: {  	_ =	swait.ge [sflag:s9], $0x10000  }
0x83: {  	[sflag:s9] =	ssyncset.done $0x0;
	v3 =	vld [tilespmem:$0x1FE80]  }
0x84: {  	s17 =	sadd.s32 $0x2710, s17;
	v7 =	vlaneseq.u32;
	v5 =	vld [tilespmem:$0x1FE90];
	[sflag:s9] =	ssyncadd.s32 $0xFFFF0000  }
.LBB2_4:
0x85: {  	[tilespmem:s8], [sflag:$0x1] =	stream.linear.gather [hbm4b:s5+s15], $0x10000, $0x38;
	[tilespmem:$0x19000] =	vst v63  }
0x86: {  	_ =	swait.ge [sflag:s9], $0x10000  }
0x87: {  	s19 =	sshll.u32 s18, $0x4;
	[sflag:s9] =	ssyncset.done $0x0  }
0x88: {  	s19 =	sadd.s32 s2, s19;
	[sflag:s9] =	ssyncadd.s32 $0xFFFF0000  }
0x89: {  	[tilespmem:s15], [sflag:$0x1] =	stream.strided.gather [hbm4b:s19+s10], $0x2780, s11, s10, $0x38;
	[tilespmem:$0x19000] =	vst v63  }
0x8a: {  	_ =	swait.ge [sflag:s9], $0x2780  }
0x8b: {  	[sflag:s9] =	ssyncset.done $0x0  }
0x8c: {  	[sflag:s9] =	ssyncadd.s32 $0xFFFFD880  }
0x8d: {  	v1 =	vld [tilespmem:s16+$0xFFFFFFF0];
	_ =	sdelay $0x1  }
0x8e: {  	v2 =	vld [tilespmem:s16+$0x0];
	_ =	sdelay $0x2  }
0x8f: {  	v1 =	vtrunc.f32 v1  }
0x90: {  	v1 =	vcvt.f32.s32 v1  }
0x91: {  	v2 =	vtrunc.f32 v2  }
0x92: {  	v2 =	vcvt.f32.s32 v2;
	v9 =	vsub.s32 v1, v3;
	v1 =	vsub.s32 v5, v1  }
0x93: {  	vm3 =	vlt.s32 v9, v1  }
0x94: {  	v10 =	vsub.s32 v2, v3;
	v2 =	vsub.s32 v5, v2;
	v1 =	vsel vm3, v9, v1  }
0x95: {  	vm4 =	vlt.s32 v10, v2;
	vm3 =	vgt.s32 v1, $0xFFFFFFFF  }
0x96: {  	s26 =	simm.s32 $0x30;
	v2 =	vsel vm4, v10, v2;
	v9 =	vsel vm3, $0x1, v50  }
0x97: {  	vm4 =	vgt.s32 v2, $0xFFFFFFFF;
	(xrf0) =	vadd.scan.msk.s32 $0xffff, v9;
	v9 =	vld [tilespmem:s26+$0x0]  }
0x98: {  	v11 =	vsel vm4, $0x1, v50  }
0x99: {  	v10 =	vld [tilespmem:s26+$0xFFFFFFF0];
	(xrf0) =	vadd.scan.msk.s32 $0xffff, v11;
	_ =	sdelay $0x2  }
0x9a: {  	v9 =	vtrunc.f32 v9;
	_ =	sdelay $0x1  }
0x9b: {  	v1 =	vshra.s32 v1, $0x1F;
	v10 =	vtrunc.f32 v10;
	v12, _, _ =	vpop (xrf0)  }
0x9c: {  	v10 =	vcvt.f32.s32 v10;
	v11 =	vcvt.f32.s32 v9;
	(v2sf) =	vpush v12, $0xF;
	v9, _, _ =	vpop (xrf0)  }
0x9d: {  	v28 =	vand.u32 $0x2790, v1;
	(v2sf) =	vpush v9, $0xF  }
0x9e: {  	s28 =	simm.s32 $0x50;
	v1 =	vmov s15;
	v13 =	vsub.s32 v10, v3;
	v10 =	vsub.s32 v5, v10  }
0x9f: {  	v29 =	vld [tilespmem:s28+$0xFFFFFFF0];
	vm5 =	vlt.s32 v13, v10;
	v17 =	vsub.s32 v11, v3;
	v11 =	vsub.s32 v5, v11  }
0xa0: {  	v1 =	vadd.s32 $0xFFFFFFFF, v1;
	v13 =	vsel vm5, v13, v10;
	vm5 =	vlt.s32 v17, v11  }
0xa1: {  	v1 =	vbroadcast v1, $0x0;
	vm6 =	vgt.s32 v13, $0xFFFFFFFF;
	v17 =	vsel vm5, v17, v11  }
0xa2: {  	v10 =	vsel vm6, $0x1, v50;
	vm5 =	vgt.s32 v17, $0xFFFFFFFF  }
0xa3: {  	v31 =	vld [tilespmem:s28+$0x0];
	vm7 =	vmmov vm3;
	v1 =	vadd.s32 v12, v1;
	(xrf0) =	vadd.scan.msk.s32 $0xffff, v10;
	v11 =	vsel vm5, $0x1, v50  }
0xa4: {  	v2 =	vshra.s32 v2, $0x1F;
	v12 =	vnsel vm7, $0x0, v1;
	v1 =	vtrunc.f32 v29;
	(xrf0) =	vadd.scan.msk.s32 $0xffff, v11  }
0xa5: {  	s29 =	sadd.s32 $0xFFFFFFF0, s17;
	v10 =	vand.u32 $0x2790, v2;
	v2 =	vshra.s32 v13, $0x1F;
	v13 =	vcvt.f32.s32 v1  }
0xa6: {  	v32 =	vor.u32 s29, v7;
	v28 =	vadd.s32 v28, v12  }
0xa7: {  	vm3 =	vmmov vm5;
	v29 =	vsub.s32 v13, v3;
	v13 =	vsub.s32 v5, v13  }
0xa8: {  	v11 =	vand.u32 $0x2790, v2;
	v2 =	vshra.s32 v17, $0x1F;
	v17 =	vtrunc.f32 v31  }
0xa9: {  	vm5 =	vmmov vm6;
	vm6 =	vlt.s32 v29, v13;
	v17 =	vcvt.f32.s32 v17;
	v1, _, _ =	vpop (xrf0)  }
0xaa: {  	vm4 =	vmmov vm4;
	v29 =	vsel vm6, v29, v13;
	(v2sf) =	vpush v1, $0xF;
	v12, _, _ =	vpop (xrf0)  }
0xab: {  	v31 =	vsub.s32 v17, v3;
	v17 =	vsub.s32 v5, v17;
	(v2sf) =	vpush v12, $0xF;
	s20 =	spop (v2sf)  }
0xac: {  	vm4 =	vmmov vm4;
	vm6 =	vgt.s32 v29, $0xFFFFFFFF;
	vm7 =	vlt.s32 v31, v17;
	s30 =	sadd.s32 $0x0, s20;
	s31 =	spop (v2sf)  }
0xad: {  	v2 =	vand.u32 $0x2790, v2;
	v13 =	vsel vm7, v31, v17;
	v31 =	vsel vm6, $0x1, v50;
	s21 =	sadd.s32 s30, s31  }
0xae: {  	s22 =	simm.s32 $0x70;
	[tilespmem:v28+s12+$0x0] =	vst.idx.msk $0xffff, v32;
	vm7 =	vgt.s32 v13, $0xFFFFFFFF;
	v17 =	vmov s30;
	v63 =	vmov s21  }
0xaf: {  	v28 =	vld [tilespmem:s22+$0xFFFFFFF0];
	(xrf0) =	vadd.scan.msk.s32 $0xffff, v31;
	v34 =	vsel vm7, $0x1, v50;
	v35 =	vadd.s32 $0xFFFFFFFF, v17;
	v31 =	vadd.s32 $0xFFFFFFFF, v63  }
0xb0: {  	s23 =	simm.s32 $0x6;
	s19 =	smov.u32 s17;
	v29 =	vshra.s32 v29, $0x1F;
	(xrf0) =	vadd.scan.msk.s32 $0xffff, v34;
	s20 =	smul.u32 $0x2710, s18;
	v17 =	vld [tilespmem:s22+$0x0];
	v32 =	vbroadcast v31, $0x0;
	v31 =	vbroadcast v35, $0x0  }
.LBB2_5:
0xb1: {  	v29 =	vand.u32 $0x2790, v29;
	v13 =	vshra.s32 v13, $0x1F  }
0xb2: {  	s23 =	sadd.s32 $0x2, s23;
	vm8 =	vmmov vm4;
	vm4 =	vmmov vm3;
	vm3 =	vmmov vm7  }
0xb3: {  	p0 =	slt.u32 s23, $0x26E;
	v13 =	vand.u32 $0x2790, v13;
	v1 =	vadd.s32 v1, v32;
	v31 =	vadd.s32 v9, v31;
	v9 =	vmovc v12  }
0xb4: {  	v0 =	vnsel vm5, $0x0, v1;
	v12 =	vnsel vm8, $0x0, v31;
	vm5 =	vmmov vm6  }
0xb5: {  	v28 =	vtrunc.f32 v28;
	v31 =	vadd.s32 v11, v0;
	v32 =	vadd.s32 v10, v12;
	v11 =	vmovc v29;
	v10 =	vmovc v2  }
0xb6: {  	v2 =	vmov v13;
	v28 =	vcvt.f32.s32 v28;
	v0 =	vtrunc.f32 v17;
	v1, _, _ =	vpop (xrf0)  }
0xb7: {  	v17 =	vor.u32 s19, v7;
	v13 =	vcvt.f32.s32 v0;
	(v2sf) =	vpush v1, $0xF;
	v12, _, _ =	vpop (xrf0)  }
0xb8: {  	s19 =	sadd.s32 $0x20, s19;
	v29 =	vsub.s32 v28, v3;
	v28 =	vsub.s32 v5, v28;
	(v2sf) =	vpush v12, $0xF  }
0xb9: {  	s24 =	sadd.s32 $0xFFFFFFF0, s19;
	vm6 =	vlt.s32 v29, v28;
	v34 =	vsub.s32 v13, v3;
	v13 =	vsub.s32 v5, v13;
	s25 =	spop (v2sf)  }
.Ltmp5:
0xba: {  	v29 =	vsel vm6, v29, v28;
	vm7 =	vlt.s32 v34, v13;
	v28 =	vor.u32 s24, v7;
	s21 =	sadd.s32 s21, s25;
	s24 =	spop (v2sf);
	[tilespmem:v32+s12+$0x0] =	vst.idx.msk $0xffff, v17;
	(pc) =	sbr.rel @p0 .LBB2_5-.Ltmp5, $4  }
0xbb: {  	vm6 =	vgt.s32 v29, $0xFFFFFFFF;
	v13 =	vsel vm7, v34, v13;
	[tilespmem:v31+s12+$0x0] =	vst.idx.msk $0xffff, v28;
	v17 =	vmov s21;
	s21 =	sadd.s32 s21, s24  }
0xbc: {  	s22 =	sadd.s32 $0x20, s22;
	v31 =	vsel vm6, $0x1, v50;
	vm7 =	vgt.s32 v13, $0xFFFFFFFF;
	v32 =	vmov s21  }
0xbd: {  	v35 =	vadd.s32 $0xFFFFFFFF, v17;
	v28 =	vld [tilespmem:s22+$0xFFFFFFF0];
	v34 =	vsel vm7, $0x1, v50;
	(xrf0) =	vadd.scan.msk.s32 $0xffff, v31;
	v31 =	vadd.s32 $0xFFFFFFFF, v32  }
0xbe: {  	v29 =	vshra.s32 v29, $0x1F;
	v17 =	vld [tilespmem:s22+$0x0];
	(xrf0) =	vadd.scan.msk.s32 $0xffff, v34;
	v32 =	vbroadcast v31, $0x0;
	v31 =	vbroadcast v35, $0x0  }
0xbf: {  	_ =	sdelay $0x2  }
0xc0: {  	v28 =	vtrunc.f32 v28  }
0xc1: {  	v28 =	vcvt.f32.s32 v28;
	_ =	sdelay $0x1  }
0xc2: {  	v34 =	vsub.s32 v28, v3;
	v28 =	vsub.s32 v5, v28  }
0xc3: {  	vm8 =	vlt.s32 v34, v28  }
0xc4: {  	v28 =	vsel vm8, v34, v28  }
0xc5: {  	vm8 =	vgt.s32 v28, $0xFFFFFFFF  }
0xc6: {  	v39 =	vsel vm8, $0x1, v50  }
0xc7: {  	(xrf0) =	vadd.scan.msk.s32 $0xffff, v39;
	_ =	sdelay $0x3  }
0xc8: {  	v43, _, _ =	vpop (xrf0)  }
0xc9: {  	(v2sf) =	vpush v43, $0xF;
	v35, _, _ =	vpop (xrf0)  }
0xca: {  	(v2sf) =	vpush v35, $0xF;
	v36, _, _ =	vpop (xrf0)  }
0xcb: {  	(v2sf) =	vpush v36, $0xF;
	_ =	sdelay $0x1  }
0xcc: {  	v29 =	vand.u32 $0x2790, v29;
	v13 =	vshra.s32 v13, $0x1F;
	vm4 =	vmmov vm4  }
0xcd: {  	vm10 =	vmmov vm3;
	vm3 =	vmmov vm7;
	vm11 =	vmmov vm6  }
0xce: {  	v60 =	vor.u32 s19, v7;
	v1 =	vadd.s32 v1, v32;
	v9 =	vadd.s32 v9, v31  }
0xcf: {  	s25 =	sadd.s32 $0x20, s19;
	v13 =	vand.u32 $0x2790, v13;
	vm13 =	vmmov vm10;
	v17 =	vtrunc.f32 v17;
	s22 =	spop (v2sf)  }
0xd0: {  	s26 =	sadd.s32 $0xFFFFFFF0, s25;
	vm3 =	vmmov vm3;
	v1 =	vnsel vm5, $0x0, v1;
	v17 =	vcvt.f32.s32 v17;
	s21 =	sadd.s32 s21, s22;
	s24 =	spop (v2sf)  }
0xd1: {  	v9 =	vnsel vm4, $0x0, v9;
	v63 =	vor.u32 s26, v7;
	vm3 =	vmmov vm3;
	s22 =	sadd.s32 s21, s24  }
0xd2: {  	v1 =	vadd.s32 v11, v1;
	v0 =	vsub.s32 v17, v3;
	v31 =	vmov s22  }
0xd3: {  	v17 =	vsub.s32 v5, v17;
	v59 =	vmov s21;
	v31 =	vadd.s32 $0xFFFFFFFF, v31  }
0xd4: {  	vm9 =	vlt.s32 v0, v17;
	v11 =	vadd.s32 $0xFFFFFFFF, v59;
	v31 =	vbroadcast v31, $0x0  }
0xd5: {  	v9 =	vadd.s32 v10, v9;
	v17 =	vsel vm9, v0, v17;
	v11 =	vbroadcast v11, $0x0  }
0xd6: {  	v28 =	vshra.s32 v28, $0x1F;
	vm12 =	vgt.s32 v17, $0xFFFFFFFF;
	v31 =	vadd.s32 v43, v31  }
0xd7: {  	v11 =	vadd.s32 v12, v11;
	v0 =	vnsel vm11, $0x0, v31;
	v31 =	vsel vm12, $0x1, v50;
	s23 =	spop (v2sf)  }
0xd8: {  	v28 =	vand.u32 $0x2790, v28;
	v17 =	vshra.s32 v17, $0x1F;
	v11 =	vnsel vm13, $0x0, v11;
	(xrf0) =	vadd.scan.msk.s32 $0xffff, v31;
	s28 =	sadd.s32 s22, s23;
	s29 =	spop (v2sf)  }
0xd9: {  	vm15 =	vmmov vm8;
	v2 =	vadd.s32 v2, v11;
	s22 =	sadd.s32 s28, s29;
	v14 =	vmov s28;
	s30 =	spop (v2sf)  }
0xda: {  	v12 =	vadd.s32 v29, v0;
	v29 =	vmov s22;
	v11 =	vadd.s32 $0xFFFFFFFF, v14;
	s19 =	sadd.s32 s22, s30  }
0xdb: {  	v29 =	vadd.s32 $0xFFFFFFFF, v29;
	v11 =	vbroadcast v11, $0x0;
	v31 =	vmov s19  }
0xdc: {  	vm14 =	vmmov vm12;
	v29 =	vbroadcast v29, $0x0;
	v31 =	vadd.s32 $0xFFFFFFFF, v31  }
0xdd: {  	vm4 =	vmmov vm14;
	v11 =	vadd.s32 v35, v11;
	v31 =	vbroadcast v31, $0x0  }
0xde: {  	v19, _, _ =	vpop (xrf0);
	v29 =	vadd.s32 v36, v29;
	v11 =	vnsel vm3, $0x0, v11;
	vm3 =	vmmov vm4  }
0xdf: {  	v29 =	vnsel vm15, $0x0, v29;
	v11 =	vadd.s32 v13, v11;
	v20 =	vadd.s32 v19, v31  }
0xe0: {  	s31 =	sadd.s32 $0x20, s25;
	[tilespmem:v9+s12+$0x0] =	vst.idx.msk $0xffff, v60;
	v21 =	vand.u32 $0x2790, v17;
	v22 =	vadd.s32 v28, v29;
	v13 =	vnsel vm3, $0x0, v20  }
0xe1: {  	v23 =	vor.u32 s25, v7;
	[tilespmem:v1+s12+$0x0] =	vst.idx.msk $0xffff, v63;
	s23 =	sadd.s32 $0xFFFFFFF0, s31;
	v9 =	vadd.s32 v21, v13  }
0xe2: {  	s24 =	sadd.s32 $0x20, s31;
	[tilespmem:v2+s12+$0x0] =	vst.idx.msk $0xffff, v23;
	v32 =	vor.u32 s23, v7  }
0xe3: {  	s25 =	sadd.s32 $0xFFFFFFF0, s24;
	[tilespmem:v12+s12+$0x0] =	vst.idx.msk $0xffff, v32;
	v35 =	vor.u32 s31, v7  }
0xe4: {  	v36 =	vor.u32 s25, v7;
	[tilespmem:v11+s12+$0x0] =	vst.idx.msk $0xffff, v35  }
0xe5: {  	v39 =	vor.u32 s24, v7;
	[tilespmem:v22+s12+$0x0] =	vst.idx.msk $0xffff, v36  }
0xe6: {  	[tilespmem:v9+s12+$0x0] =	vst.idx.msk $0xffff, v39  }
0xe7: {  	v1 =	vld [tilespmem:$0x2700];
	_ =	sdelay $0x4  }
0xe8: {  	v1 =	vtrunc.f32 v1  }
0xe9: {  	v1 =	vcvt.f32.s32 v1;
	_ =	sdelay $0x1  }
0xea: {  	v43 =	vsub.s32 v1, v3;
	v1 =	vsub.s32 v5, v1  }
0xeb: {  	vm3 =	vlt.s32 v43, v1  }
0xec: {  	v1 =	vsel vm3, v43, v1  }
0xed: {  	vm3 =	vgt.s32 v1, $0xFFFFFFFF  }
0xee: {  	v59 =	vsel vm3, $0x1, v50  }
0xef: {  	(xrf0) =	vadd.scan.msk.s32 $0xffff, v59;
	_ =	sdelay $0x5  }
0xf0: {  	(v2sf) =	vpush v19, $0xF;
	v2, _, _ =	vpop (xrf0)  }
0xf1: {  	(v2sf) =	vpush v2, $0xF;
	_ =	sdelay $0xd  }
0xf2: {  	s26 =	spop (v2sf)  }
0xf3: {  	s19 =	sadd.s32 s19, s26;
	s28 =	spop (v2sf)  }
0xf4: {  	v60 =	vmov s19;
	s19 =	sadd.s32 s19, s28  }
0xf5: {  	s21 =	sadd.s32 $0x7F, s19  }
0xf6: {  	v9 =	vadd.s32 $0xFFFFFFFF, v60;
	s29 =	sand.u32 $0x7F, s21  }
0xf7: {  	v9 =	vbroadcast v9, $0x0;
	s30 =	sshra.s32 s21, $0x1F;
	p0 =	slt.s32 s21, $0x1;
	p1 =	sne.s32 s29, $0x0  }
0xf8: {  	s31 =	sshrl.u32 s30, $0x19;
	p0 =	por !p0, !p1  }
0xf9: {  	s22 =	simm.s32 $0x1;
	v1 =	vshra.s32 v1, $0x1F;
	v2 =	vadd.s32 v2, v9;
	s21 =	sadd.s32 s31, s21;
	p0 =	por !p0, !p0  }
0xfa: {  	s20 =	sadd.s32 $0x2700, s20;
	v1 =	vand.u32 $0x2790, v1;
	v2 =	vnsel vm3, $0x0, v2;
	s21 =	sshra.s32 s21, $0x7;
	s22 =	simm.s32 @!p0 $0x0  }
0xfb: {  	v63 =	vor.u32 s20, v7;
	v1 =	vadd.s32 v1, v2;
	s20 =	ssub.s32 s21, s22  }
0xfc: {  	p0 =	slt.s32 s20, $0x1  }
.Ltmp6:
0xfd: {  	_ = 	snop;
	(pc) =	sbr.rel @!p0 .LBB2_7-.Ltmp6, $4  }
.Ltmp7:
0xfe: {  	_ = 	snop;
	(pc) =	sbr.rel @p0 .LBB2_14-.Ltmp7, $4  }
0xff: {  	_ = 	snop  }
0x100: {  	[tilespmem:v1+s12+$0x0] =	vst.idx.msk $0xffff, v63  }
0x101: {  	_ =	strace $0x80000048;
	s21 =	simm.s32 $0x0;
	s22 =	smov.u32 s19  }
0x102: {  	_ = 	snop  }
.LBB2_13:
0x103: {  	s21 =	sadd.s32 $0x1, s21  }
0x104: {  	p0 =	sne.s32 s21, s20  }
.Ltmp8:
0x105: {  	_ = 	snop;
	(pc) =	sbr.rel @!p0 .LBB2_14-.Ltmp8, $2  }
0x106: {  	_ =	sdelay $0x2  }
0x107: {  	s22 =	sadd.s32 $0xFFFFFF80, s22  }
.LBB2_7:
0x108: {  	s23 =	sshll.u32 s21, $0x7;
	s24 =	sshll.u32 s21, $0x9  }
0x109: {  	s23 =	ssub.s32 s19, s23;
	s24 =	sshra.s32 s24, $0x2  }
0x10a: {  	p0 =	slt.s32 s23, $0x80;
	s24 =	sadd.s32 $0x2780, s24  }
0x10b: {  	[tilespmem:s13], [sflag:$0x1] =	stream.indirect.gather [hbm4b:s1+s10], $0x80, s24, s10, $0x2000b8;
	[tilespmem:$0x19000] =	vst v63  }
0x10c: {  	s23 =	simm.s32 @!p0 $0x80;
	_ =	swait.ge [sflag:s9], $0x4000  }
0x10d: {  	s25 =	smulhi.u32 $0x2AAAAAAB, s23;
	s26 =	sshra.s32 s23, $0x1F;
	v3 =	vld [tilespmem:$0x1FDD0]  }
0x10e: {  	s26 =	smul.u32 $0x2AAAAAAB, s26;
	v16 =	vld [tilespmem:$0x1FEE0]  }
0x10f: {  	v8 =	vld [tilespmem:$0x1FDE0]  }
0x110: {  	v18 =	vld [tilespmem:$0x1FF00];
	s31 =	sadd.s32 s26, s25  }
0x111: {  	v19 =	vld [tilespmem:$0x1FF10];
	s25 =	sshrl.u32 s31, $0x1F  }
0x112: {  	v14 =	vmov v55;
	v55 =	vld [tilespmem:$0x1FDF0];
	s24 =	sadd.s32 s25, s31  }
0x113: {  	v5 =	vld [tilespmem:$0x1FE00];
	s24 =	smul.u32 $0x6, s24  }
0x114: {  	v15 =	vld [tilespmem:$0x1FDB0]  }
0x115: {  	v22 =	vld [tilespmem:$0x1FDC0];
	p0 =	slt.s32 s24, $0x1  }
.Ltmp9:
0x116: {  	v26 =	vld [tilespmem:$0x1FF20];
	(pc) =	sbr.rel @p0 .LBB2_10-.Ltmp9, $4  }
0x117: {  	v0 =	vld [tilespmem:$0x1FF30]  }
0x118: {  	v20 =	vld [tilespmem:$0x1FF50]  }
0x119: {  	[sflag:s9] =	ssyncset.done $0x0;
	v21 =	vld [tilespmem:$0x1FF60]  }
0x11a: {  	v23 =	vmov v54;
	v7 =	vmov v61;
	v4 =	vmov v62;
	v24 =	vld [tilespmem:$0x1FF70];
	[sflag:s9] =	ssyncadd.s32 $0xFFFFC000  }
0x11b: {  	s25 =	simm.s32 $0x0;
	s26 =	simm.s32 $0x5100  }
.LBB2_9:
0x11c: {  	v1 =	vld [tilespmem:s26+$0xFFFFFE80];
	_ =	sdelay $0x4  }
0x11d: {  	v2 =	vtrunc.f32 v1  }
0x11e: {  	v10 =	vcvt.f32.s32 v2;
	_ =	sdelay $0x1  }
0x11f: {  	v2 =	vcvt.s32.f32 v10;
	_ =	sdelay $0x1  }
0x120: {  	v2 =	vsub.f32 v1, v2;
	_ =	sdelay $0x1  }
0x121: {  	v2 =	vperm.xlane v2, v44;
	_ =	sdelay $0x1  }
0x122: {  	v2 =	vadd.f32 v56, v2;
	_ =	sdelay $0x1  }
0x123: {  	v9 =	vshrl.u32 v2, $0x10  }
0x124: {  	v9 =	vand.u32 $0x1, v9  }
0x125: {  	v2 =	vadd.s32 v9, v2  }
0x126: {  	v2 =	vadd.s32 $0x7FFF, v2  }
0x127: {  	v2 =	vand.u32 $0xFFFF0000, v2  }
0x128: {  	v9 =	vmul.f32 v2, v2;
	_ =	sdelay $0x1  }
0x129: {  	v2 =	vperm.xlane v9, v50;
	v11 =	vperm.xlane v9, v47;
	_ =	sdelay $0x1  }
0x12a: {  	v11 =	vadd.f32 v11, v2;
	v2 =	vperm.xlane v9, v57;
	_ =	sdelay $0x1  }
0x12b: {  	v11 =	vadd.f32 v2, v11;
	_ =	sdelay $0x1  }
0x12c: {  	v12 =	vmax.f32 v11, $9.999999960e-13  }
0x12d: {  	v11 =	vshrl.u32 v12, $0x1;
	v13 =	vmul.f32 $-5.000000000e-01, v12  }
0x12e: {  	v11 =	vsub.s32 $0x5F3759DF, v11  }
0x12f: {  	v17 =	vmul.f32 v11, v13;
	_ =	sdelay $0x1  }
0x130: {  	v17 =	vmul.f32 v11, v17;
	_ =	sdelay $0x1  }
0x131: {  	v17 =	vadd.f32 $1.500000000e+00, v17;
	_ =	sdelay $0x1  }
0x132: {  	v11 =	vmul.f32 v11, v17;
	_ =	sdelay $0x1  }
0x133: {  	v13 =	vmul.f32 v11, v13;
	_ =	sdelay $0x1  }
0x134: {  	v13 =	vmul.f32 v13, v11;
	_ =	sdelay $0x1  }
0x135: {  	v28 =	vperm.xlane v9, v48;
	v17 =	vperm.xlane v9, v6;
	v13 =	vadd.f32 $1.500000000e+00, v13;
	_ =	sdelay $0x1  }
0x136: {  	v17 =	vadd.f32 v28, v17;
	v13 =	vmul.f32 v13, v11;
	v11 =	vperm.xlane v9, v58;
	_ =	sdelay $0x1  }
0x137: {  	v12 =	vmul.f32 v13, v12;
	v13 =	vadd.f32 v11, v17;
	_ =	sdelay $0x1  }
0x138: {  	v12 =	vmul.f32 $1.000000000e+01, v12;
	v13 =	vmax.f32 v13, $9.999999960e-13  }
0x139: {  	v17 =	vshrl.u32 v13, $0x1;
	v28 =	vmul.f32 $-5.000000000e-01, v13  }
0x13a: {  	v29 =	vtrunc.f32 v12;
	v17 =	vsub.s32 $0x5F3759DF, v17  }
0x13b: {  	v29 =	vcvt.f32.s32 v29;
	v31 =	vmul.f32 v17, v28;
	_ =	sdelay $0x1  }
0x13c: {  	v32 =	vadd.s32 $0x40, v29;
	v31 =	vmul.f32 v17, v31  }
0x13d: {  	s28 =	sshll.u32 s25, $0x7;
	v35 =	vadd.s32 $0x41, v29;
	v34 =	vand.u32 $0xFFFFFF80, v32;
	v32 =	vand.u32 $0x7F, v32  }
0x13e: {  	v36 =	vand.u32 $0xFFFFFF80, v35;
	v57 =	vand.u32 $0x7F, v35;
	v34 =	vadd.s32 s28, v34  }
0x13f: {  	v31 =	vadd.f32 $1.500000000e+00, v31;
	v58 =	vadd.s32 s28, v36;
	v32 =	vor.u32 v32, v34  }
0x140: {  	v34 =	vor.u32 v57, v58  }
0x141: {  	v17 =	vmul.f32 v17, v31  }
0x142: {  	v31 =	vperm.xlane v1, v41  }
0x143: {  	v1 =	vperm.xlane v1, v46;
	v28 =	vmul.f32 v17, v28  }
0x144: {  	v59 =	vperm.xlane v10, v30;
	v32 =	vld.idx.msk [tilespmem:v32+s13+$0x0], $0xffff  }
0x145: {  	v57 =	vmul.f32 v1, v31;
	v28 =	vmul.f32 v28, v17;
	v1 =	vld.idx.msk [tilespmem:v34+s13+$0x0], $0xffff  }
0x146: {  	v29 =	vcvt.s32.f32 v29;
	v31 =	vperm.xlane v10, v27  }
0x147: {  	v10 =	vperm.xlane v10, v50;
	v28 =	vadd.f32 $1.500000000e+00, v28  }
0x148: {  	v56 =	vsub.s32 v59, v14;
	v12 =	vsub.f32 v12, v29;
	v31 =	vshll.u32 v31, $0x7  }
0x149: {  	v29 =	vsub.s32 $0x3, v56;
	v10 =	vadd.s32 v10, v31;
	v17 =	vmul.f32 v28, v17  }
0x14a: {  	v31 =	vperm.xlane v9, v52;
	v28 =	vshll.u32 v56, $0xE;
	v1 =	vsub.f32 v1, v32  }
0x14b: {  	v13 =	vmul.f32 v17, v13;
	v17 =	vor.u32 v56, v29;
	v29 =	vperm.xlane v9, v27  }
0x14c: {  	v58 =	vadd.s32 v28, v10;
	v1 =	vmul.f32 v12, v1  }
0x14d: {  	v10 =	vshrl.u32 v17, $0x1F;
	v12 =	vperm.xlane v9, v16;
	v17 =	vadd.f32 v31, v29  }
0x14e: {  	v13 =	vmul.f32 $1.000000000e+01, v13;
	v28 =	vxor.u32 $0x1, v10;
	v29 =	vadd.s32 v33, v58  }
0x14f: {  	v10 =	vshll.u32 v10, $0x10;
	v1 =	vadd.f32 v1, v32;
	v17 =	vadd.f32 v12, v17  }
0x150: {  	v29 =	vmul.u32 v28, v29;
	v28 =	vcvt.s32.f32 v28;
	v31 =	vtrunc.f32 v13  }
0x151: {  	v31 =	vcvt.f32.s32 v31;
	v1 =	vmul.f32 v1, v57;
	v17 =	vmax.f32 v17, $9.999999960e-13  }
0x152: {  	v10 =	vadd.s32 v10, v29;
	v60 =	vshrl.u32 v17, $0x1;
	v61 =	vmul.f32 $-5.000000000e-01, v17  }
0x153: {  	v29 =	vadd.s32 $0x40, v31;
	v63 =	vadd.s32 $0x41, v31;
	v32 =	vsub.s32 $0x5F3759DF, v60  }
0x154: {  	v62 =	vand.u32 $0xFFFFFF80, v29;
	v29 =	vand.u32 $0x7F, v29;
	v38 =	vmul.f32 v32, v61  }
0x155: {  	v43 =	vand.u32 $0xFFFFFF80, v63;
	v36 =	vand.u32 $0x7F, v63;
	v35 =	vadd.s32 s28, v62  }
0x156: {  	v29 =	vor.u32 v29, v35;
	v35 =	vadd.s32 s28, v43;
	v38 =	vmul.f32 v32, v38  }
0x157: {  	v35 =	vor.u32 v36, v35  }
0x158: {  	v1 =	vmul.f32 v28, v1;
	v28 =	vadd.f32 $1.500000000e+00, v38;
	_ =	sdelay $0x1  }
0x159: {  	[tilespmem:v10+s8+$0x0] =	vst.idx.add.f32.msk $0xffff, v1;
	v1 =	vmul.f32 v32, v28  }
0x15a: {  	v10 =	vld.idx.msk [tilespmem:v29+s13+$0x0], $0xffff  }
0x15b: {  	v28 =	vld.idx.msk [tilespmem:v35+s13+$0x0], $0xffff;
	v29 =	vmul.f32 v1, v61;
	_ =	sdelay $0x1  }
0x15c: {  	v29 =	vmul.f32 v29, v1  }
0x15d: {  	v31 =	vcvt.s32.f32 v31  }
0x15e: {  	v48 =	vperm.xlane v9, v15;
	v51 =	vperm.xlane v9, v18;
	v29 =	vadd.f32 $1.500000000e+00, v29  }
0x15f: {  	v13 =	vsub.f32 v13, v31;
	v28 =	vsub.f32 v28, v10  }
0x160: {  	v31 =	vperm.xlane v9, v19;
	v1 =	vmul.f32 v29, v1;
	v29 =	vadd.f32 v51, v48  }
0x161: {  	v52 =	vsub.s32 v37, v56;
	v13 =	vmul.f32 v13, v28  }
0x162: {  	v28 =	vadd.s32 v6, v56;
	v1 =	vmul.f32 v1, v17;
	v17 =	vadd.f32 v31, v29  }
0x163: {  	v28 =	vor.u32 v52, v28;
	v10 =	vadd.f32 v13, v10  }
0x164: {  	v13 =	vshrl.u32 v28, $0x1F;
	v1 =	vmul.f32 $1.000000000e+01, v1;
	v17 =	vmax.f32 v17, $9.999999960e-13  }
0x165: {  	v29 =	vadd.s32 v3, v58;
	v31 =	vshrl.u32 v17, $0x1;
	v53 =	vmul.f32 $-5.000000000e-01, v17  }
0x166: {  	v28 =	vxor.u32 $0x1, v13;
	v54 =	vtrunc.f32 v1;
	v31 =	vsub.s32 $0x5F3759DF, v31  }
0x167: {  	v29 =	vmul.u32 v28, v29;
	v34 =	vcvt.f32.s32 v54;
	v59 =	vmul.f32 v31, v53  }
0x168: {  	v13 =	vshll.u32 v13, $0x10;
	v10 =	vmul.f32 v10, v57;
	v28 =	vcvt.s32.f32 v28  }
0x169: {  	v13 =	vadd.s32 v13, v29;
	v29 =	vadd.s32 $0x40, v34;
	v35 =	vmul.f32 v31, v59  }
0x16a: {  	v61 =	vadd.s32 $0x41, v34;
	v60 =	vand.u32 $0xFFFFFF80, v29;
	v29 =	vand.u32 $0x7F, v29  }
0x16b: {  	v39 =	vand.u32 $0xFFFFFF80, v61;
	v62 =	vand.u32 $0x7F, v61;
	v36 =	vadd.s32 s28, v60  }
0x16c: {  	v35 =	vadd.f32 $1.500000000e+00, v35;
	v63 =	vadd.s32 s28, v39;
	v29 =	vor.u32 v29, v36  }
0x16d: {  	v36 =	vor.u32 v62, v63  }
0x16e: {  	v10 =	vmul.f32 v28, v10;
	v31 =	vmul.f32 v31, v35;
	_ =	sdelay $0x1  }
0x16f: {  	[tilespmem:v13+s8+$0x0] =	vst.idx.add.f32.msk $0xffff, v10;
	v28 =	vmul.f32 v31, v53  }
0x170: {  	v10 =	vld.idx.msk [tilespmem:v29+s13+$0x0], $0xffff  }
0x171: {  	v13 =	vmul.f32 v28, v31;
	v28 =	vld.idx.msk [tilespmem:v36+s13+$0x0], $0xffff;
	_ =	sdelay $0x1  }
0x172: {  	v43 =	vperm.xlane v9, v22;
	v13 =	vadd.f32 $1.500000000e+00, v13  }
0x173: {  	v38 =	vadd.s32 $0x1, v56;
	v39 =	vsub.s32 $0x2, v56;
	v29 =	vcvt.s32.f32 v34  }
0x174: {  	v48 =	vperm.xlane v9, v20;
	v13 =	vmul.f32 v13, v31;
	v31 =	vor.u32 v39, v38  }
0x175: {  	v1 =	vsub.f32 v1, v29;
	v28 =	vsub.f32 v28, v10;
	v29 =	vshrl.u32 v31, $0x1F  }
0x176: {  	v31 =	vperm.xlane v9, v21;
	v13 =	vmul.f32 v13, v17;
	v17 =	vadd.f32 v48, v43  }
0x177: {  	v51 =	vadd.s32 v8, v58;
	v1 =	vmul.f32 v1, v28  }
0x178: {  	v28 =	vxor.u32 $0x1, v29;
	v13 =	vmul.f32 $1.000000000e+01, v13;
	v17 =	vadd.f32 v31, v17  }
0x179: {  	v29 =	vshll.u32 v29, $0x10;
	v1 =	vadd.f32 v1, v10;
	v10 =	vmul.u32 v28, v51  }
0x17a: {  	v28 =	vcvt.s32.f32 v28;
	v31 =	vtrunc.f32 v13;
	v52 =	vmax.f32 v17, $9.999999960e-13  }
0x17b: {  	v17 =	vcvt.f32.s32 v31;
	v31 =	vshrl.u32 v52, $0x1;
	v53 =	vmul.f32 $-5.000000000e-01, v52  }
0x17c: {  	v1 =	vmul.f32 v1, v57;
	v10 =	vadd.s32 v29, v10;
	v29 =	vsub.s32 $0x5F3759DF, v31  }
0x17d: {  	v54 =	vmul.f32 v29, v53  }
0x17e: {  	v31 =	vadd.s32 $0x40, v17;
	v60 =	vadd.s32 $0x41, v17;
	v1 =	vmul.f32 v28, v1  }
0x17f: {  	v59 =	vand.u32 $0xFFFFFF80, v31;
	v31 =	vand.u32 $0x7F, v31;
	v35 =	vmul.f32 v29, v54  }
0x180: {  	v61 =	vand.u32 $0xFFFFFF80, v60;
	v62 =	vand.u32 $0x7F, v60;
	v36 =	vadd.s32 s28, v59  }
0x181: {  	v63 =	vadd.s32 s28, v61;
	v31 =	vor.u32 v31, v36;
	v28 =	vadd.f32 $1.500000000e+00, v35  }
0x182: {  	v36 =	vor.u32 v62, v63;
	[tilespmem:v10+s8+$0x0] =	vst.idx.add.f32.msk $0xffff, v1  }
0x183: {  	v1 =	vmul.f32 v29, v28;
	v28 =	vld [tilespmem:s26+$0xFFFFFF00];
	_ =	sdelay $0x1  }
0x184: {  	v29 =	vmul.f32 v1, v53  }
0x185: {  	v10 =	vld.idx.msk [tilespmem:v31+s13+$0x0], $0xffff  }
0x186: {  	v31 =	vld.idx.msk [tilespmem:v36+s13+$0x0], $0xffff;
	v29 =	vmul.f32 v29, v1  }
0x187: {  	v43 =	vcvt.s32.f32 v17;
	v17 =	vtrunc.f32 v28  }
0x188: {  	v29 =	vadd.f32 $1.500000000e+00, v29;
	v17 =	vcvt.f32.s32 v17;
	_ =	sdelay $0x1  }
0x189: {  	v13 =	vsub.f32 v13, v43;
	v1 =	vmul.f32 v29, v1;
	v29 =	vcvt.s32.f32 v17  }
0x18a: {  	v3 =	vld [tilespmem:$0x1FEA0];
	v54 =	vperm.xlane v9, v42;
	v53 =	vperm.xlane v9, v41;
	v31 =	vsub.f32 v31, v10  }
0x18b: {  	v48 =	vsub.s32 v40, v56;
	v1 =	vmul.f32 v1, v52;
	v29 =	vsub.f32 v28, v29  }
0x18c: {  	v51 =	vadd.s32 v55, v58;
	v35 =	vadd.f32 v54, v53;
	v13 =	vmul.f32 v13, v31  }
0x18d: {  	v31 =	vadd.s32 v15, v56;
	v1 =	vmul.f32 $1.000000000e+01, v1;
	v29 =	vperm.xlane v29, v44  }
0x18e: {  	v2 =	vadd.f32 v35, v2;
	v31 =	vor.u32 v48, v31;
	v10 =	vadd.f32 v13, v10  }
0x18f: {  	v13 =	vshrl.u32 v31, $0x1F;
	v52 =	vtrunc.f32 v1;
	v29 =	vadd.f32 v3, v29  }
0x190: {  	v39 =	vmax.f32 v2, $9.999999960e-13;
	v31 =	vxor.u32 $0x1, v13;
	v34 =	vcvt.f32.s32 v52  }
0x191: {  	v32 =	vmul.u32 v31, v51;
	v38 =	vmul.f32 v10, v57;
	v10 =	vshrl.u32 v29, $0x10  }
0x192: {  	v55 =	vadd.s32 $0x40, v34;
	v10 =	vand.u32 $0x1, v10;
	v61 =	vadd.s32 $0x41, v34  }
0x193: {  	v59 =	vand.u32 $0xFFFFFF80, v55;
	v10 =	vadd.s32 v10, v29;
	v62 =	vand.u32 $0xFFFFFF80, v61  }
0x194: {  	v2 =	vand.u32 $0x7F, v61;
	v10 =	vadd.s32 $0x7FFF, v10;
	v63 =	vadd.s32 s28, v62  }
0x195: {  	v60 =	vadd.s32 s28, v59;
	v10 =	vand.u32 $0xFFFF0000, v10;
	v59 =	vor.u32 v2, v63;
	v2 =	vld [tilespmem:$0x1FEB0]  }
0x196: {  	v13 =	vshll.u32 v13, $0x10;
	v10 =	vmul.f32 v10, v10  }
0x197: {  	v53 =	vshrl.u32 v39, $0x1;
	v13 =	vadd.s32 v13, v32;
	v52 =	vmul.f32 $-5.000000000e-01, v39  }
0x198: {  	v29 =	vand.u32 $0x7F, v55;
	v54 =	vperm.xlane v10, v50;
	v55 =	vperm.xlane v10, v47  }
0x199: {  	v31 =	vcvt.s32.f32 v31;
	v29 =	vor.u32 v29, v60;
	v60 =	vsub.s32 $0x5F3759DF, v53  }
0x19a: {  	v41 =	vmul.f32 v60, v52;
	v42 =	vadd.f32 v55, v54;
	v2 =	vperm.xlane v10, v2  }
0x19b: {  	v31 =	vmul.f32 v31, v38  }
0x19c: {  	v61 =	vmul.f32 v60, v41;
	v62 =	vadd.f32 v2, v42  }
0x19d: {  	[tilespmem:v13+s8+$0x0] =	vst.idx.add.f32.msk $0xffff, v31  }
0x19e: {  	v13 =	vld.idx.msk [tilespmem:v29+s13+$0x0], $0xffff;
	v29 =	vadd.f32 $1.500000000e+00, v61;
	v31 =	vmax.f32 v62, $9.999999960e-13  }
0x19f: {  	v32 =	vld.idx.msk [tilespmem:v59+s13+$0x0], $0xffff;
	v63 =	vshrl.u32 v31, $0x1;
	v41 =	vmul.f32 $-5.000000000e-01, v31  }
0x1a0: {  	v29 =	vmul.f32 v60, v29;
	v42 =	vsub.s32 $0x5F3759DF, v63  }
0x1a1: {  	v38 =	vmul.f32 v42, v41  }
0x1a2: {  	v3 =	vld [tilespmem:$0x1FF40];
	v34 =	vcvt.s32.f32 v34;
	v36 =	vmul.f32 v29, v52  }
0x1a3: {  	v38 =	vmul.f32 v42, v38  }
0x1a4: {  	v1 =	vsub.f32 v1, v34;
	v32 =	vsub.f32 v32, v13;
	v48 =	vmul.f32 v36, v29  }
0x1a5: {  	v51 =	vadd.f32 $1.500000000e+00, v38  }
0x1a6: {  	v61 =	vperm.xlane v10, v6;
	v1 =	vmul.f32 v1, v32;
	v52 =	vadd.f32 $1.500000000e+00, v48  }
0x1a7: {  	v43 =	vimm.s32 $0x3;
	v62 =	vperm.xlane v10, v3;
	v53 =	vmul.f32 v42, v51  }
0x1a8: {  	v54 =	vsub.s32 v45, v56;
	v1 =	vadd.f32 v1, v13;
	v13 =	vmul.f32 v52, v29  }
0x1a9: {  	v60 =	vadd.s32 v5, v58;
	v32 =	vadd.f32 v62, v61;
	v35 =	vmul.f32 v53, v41  }
0x1aa: {  	v48 =	vperm.xlane v9, v26;
	v29 =	vadd.s32 v22, v56;
	v13 =	vmul.f32 v13, v39  }
0x1ab: {  	v3 =	vld [tilespmem:$0x1FEC0];
	v29 =	vor.u32 v54, v29;
	v51 =	vperm.xlane v9, v49;
	v55 =	vmul.f32 v35, v53  }
0x1ac: {  	v1 =	vmul.f32 v1, v57;
	v29 =	vshrl.u32 v29, $0x1F;
	v38 =	vmul.f32 $1.000000000e+01, v13  }
0x1ad: {  	v59 =	vxor.u32 $0x1, v29;
	v52 =	vadd.f32 v51, v48;
	v13 =	vadd.f32 $1.500000000e+00, v55  }
0x1ae: {  	v29 =	vshll.u32 v29, $0x10;
	v36 =	vmul.u32 v59, v60;
	v63 =	vtrunc.f32 v38  }
0x1af: {  	v35 =	vcvt.s32.f32 v59;
	v11 =	vadd.f32 v52, v11;
	v34 =	vmul.f32 v13, v53  }
0x1b0: {  	v29 =	vadd.s32 v29, v36;
	v39 =	vcvt.f32.s32 v63;
	v13 =	vperm.xlane v10, v3  }
0x1b1: {  	v1 =	vmul.f32 v35, v1;
	v52 =	vmax.f32 v11, $9.999999960e-13;
	v31 =	vmul.f32 v34, v31  }
0x1b2: {  	v11 =	vshrl.u32 v52, $0x1;
	v53 =	vadd.s32 $0x40, v39;
	v32 =	vadd.f32 v13, v32  }
0x1b3: {  	v59 =	vand.u32 $0xFFFFFF80, v53;
	v36 =	vand.u32 $0x7F, v53;
	v31 =	vmul.f32 $1.000000000e+01, v31  }
0x1b4: {  	v34 =	vcvt.s32.f32 v39;
	v48 =	vadd.s32 s28, v59;
	v32 =	vmax.f32 v32, $9.999999960e-13  }
0x1b5: {  	v54 =	vshrl.u32 v32, $0x1;
	v42 =	vmul.f32 $-5.000000000e-01, v32;
	v55 =	vtrunc.f32 v31  }
0x1b6: {  	v36 =	vor.u32 v36, v48;
	v41 =	vsub.s32 $0x5F3759DF, v54;
	v35 =	vcvt.f32.s32 v55  }
0x1b7: {  	v34 =	vsub.f32 v38, v34;
	v38 =	vsub.s32 $0x5F3759DF, v11;
	v60 =	vmul.f32 v41, v42  }
0x1b8: {  	v11 =	vadd.s32 $0x41, v39;
	v55 =	vmul.f32 $-5.000000000e-01, v52;
	v51 =	vadd.s32 $0x40, v35  }
0x1b9: {  	v49 =	vmul.f32 v41, v60;
	v54 =	vadd.s32 $0x41, v35;
	v60 =	vand.u32 $0xFFFFFF80, v11  }
0x1ba: {  	s29 =	sadd.s32 $0x80, s28;
	v11 =	vand.u32 $0x7F, v11;
	v53 =	vand.u32 $0xFFFFFF80, v51;
	v51 =	vand.u32 $0x7F, v51  }
0x1bb: {  	v61 =	vand.u32 $0xFFFFFF80, v54;
	v53 =	vadd.s32 s29, v53;
	v49 =	vadd.f32 $1.500000000e+00, v49  }
0x1bc: {  	v62 =	vand.u32 $0x7F, v54;
	v63 =	vadd.s32 s29, v61;
	v51 =	vor.u32 v51, v53  }
0x1bd: {  	v54 =	vmul.f32 v38, v55;
	v53 =	vor.u32 v62, v63;
	v41 =	vmul.f32 v41, v49  }
0x1be: {  	v48 =	vadd.s32 s28, v60;
	v61 =	vperm.xlane v28, v43;
	v28 =	vperm.xlane v28, v46  }
0x1bf: {  	v3 =	vld [tilespmem:$0x1FFA0];
	v48 =	vor.u32 v11, v48;
	v63 =	vperm.xlane v17, v30;
	v42 =	vmul.f32 v41, v42  }
0x1c0: {  	[tilespmem:v29+s8+$0x0] =	vst.idx.add.f32.msk $0xffff, v1;
	v11 =	vmul.f32 v38, v54;
	v62 =	vperm.xlane v17, v27  }
0x1c1: {  	v61 =	vmul.f32 v28, v61;
	v54 =	vsub.s32 v63, v14;
	v59 =	vld.idx.msk [tilespmem:v51+s13+$0x0], $0xffff;
	v42 =	vmul.f32 v42, v41  }
0x1c2: {  	v28 =	vld.idx.msk [tilespmem:v53+s13+$0x0], $0xffff;
	v53 =	vadd.f32 $1.500000000e+00, v11;
	v11 =	vperm.xlane v17, v50;
	v17 =	vcvt.s32.f32 v35  }
0x1c3: {  	v36 =	vld.idx.msk [tilespmem:v36+s13+$0x0], $0xffff;
	v63 =	vperm.xlane v10, v27;
	v51 =	vshll.u32 v62, $0x7;
	v42 =	vadd.f32 $1.500000000e+00, v42  }
0x1c4: {  	v17 =	vsub.f32 v31, v17;
	v31 =	vsub.s32 $0x3, v54;
	v1 =	vmul.f32 v38, v53;
	v38 =	vld.idx.msk [tilespmem:v48+s13+$0x0], $0xffff  }
0x1c5: {  	v62 =	vshll.u32 v54, $0xE;
	v11 =	vadd.s32 v11, v51;
	v31 =	vor.u32 v54, v31  }
0x1c6: {  	v51 =	vadd.s32 v62, v11;
	v60 =	vmul.f32 v42, v41;
	v42 =	vperm.xlane v10, v3  }
0x1c7: {  	v11 =	vperm.xlane v10, v16;
	v55 =	vmul.f32 v1, v55;
	v28 =	vsub.f32 v28, v59  }
0x1c8: {  	v32 =	vmul.f32 v60, v32;
	v49 =	vadd.f32 v42, v63;
	v60 =	vadd.s32 v33, v51  }
0x1c9: {  	v17 =	vmul.f32 v17, v28;
	v28 =	vshrl.u32 v31, $0x1F;
	v38 =	vsub.f32 v38, v36  }
0x1ca: {  	v31 =	vmul.f32 $1.000000000e+01, v32;
	v35 =	vxor.u32 $0x1, v28;
	v32 =	vadd.f32 v11, v49  }
0x1cb: {  	v28 =	vshll.u32 v28, $0x10;
	v17 =	vadd.f32 v17, v59;
	v39 =	vmul.u32 v35, v60  }
0x1cc: {  	v35 =	vcvt.s32.f32 v35;
	v62 =	vtrunc.f32 v31;
	v32 =	vmax.f32 v32, $9.999999960e-13  }
0x1cd: {  	v29 =	vcvt.f32.s32 v62;
	v53 =	vshrl.u32 v32, $0x1;
	v42 =	vmul.f32 $-5.000000000e-01, v32  }
0x1ce: {  	v17 =	vmul.f32 v17, v61;
	v28 =	vadd.s32 v28, v39;
	v41 =	vsub.s32 $0x5F3759DF, v53  }
0x1cf: {  	v63 =	vadd.s32 $0x40, v29;
	v60 =	vadd.s32 $0x41, v29;
	v62 =	vmul.f32 v41, v42  }
0x1d0: {  	v17 =	vmul.f32 v35, v17;
	v59 =	vand.u32 $0xFFFFFF80, v63;
	v39 =	vand.u32 $0x7F, v63  }
0x1d1: {  	v63 =	vand.u32 $0xFFFFFF80, v60;
	v48 =	vadd.s32 s29, v59;
	v53 =	vmul.f32 v41, v62  }
0x1d2: {  	v49 =	vand.u32 $0x7F, v60;
	v39 =	vor.u32 v39, v48;
	v48 =	vadd.s32 s29, v63  }
0x1d3: {  	v60 =	vmul.f32 v55, v1;
	v48 =	vor.u32 v49, v48;
	v59 =	vadd.f32 $1.500000000e+00, v53  }
0x1d4: {  	v34 =	vmul.f32 v34, v38;
	v29 =	vcvt.s32.f32 v29  }
0x1d5: {  	v62 =	vadd.s32 $0x3, v56;
	[tilespmem:v28+s8+$0x0] =	vst.idx.add.f32.msk $0xffff, v17;
	v60 =	vadd.f32 $1.500000000e+00, v60;
	v17 =	vmul.f32 v41, v59  }
0x1d6: {  	v29 =	vsub.f32 v31, v29;
	v63 =	vsub.s32 $0x0, v56;
	v28 =	vadd.f32 v34, v36  }
0x1d7: {  	v1 =	vmul.f32 v60, v1;
	v59 =	vor.u32 v63, v62;
	v36 =	vld.idx.msk [tilespmem:v39+s13+$0x0], $0xffff;
	v63 =	vmul.f32 v17, v42  }
0x1d8: {  	v49 =	vadd.s32 v7, v58;
	v53 =	vperm.xlane v10, v18;
	v28 =	vmul.f32 v28, v57;
	v62 =	vld.idx.msk [tilespmem:v48+s13+$0x0], $0xffff  }
0x1d9: {  	v60 =	vsub.s32 v37, v54;
	v1 =	vmul.f32 v1, v52;
	v39 =	vmul.f32 v63, v17  }
0x1da: {  	v34 =	vshrl.u32 v59, $0x1F;
	v52 =	vperm.xlane v10, v15;
	v59 =	vperm.xlane v10, v19  }
0x1db: {  	v3 =	vld [tilespmem:$0x1FDD0];
	v48 =	vxor.u32 $0x1, v34;
	v1 =	vmul.f32 $1.000000000e+01, v1;
	v39 =	vadd.f32 $1.500000000e+00, v39  }
0x1dc: {  	v55 =	vadd.f32 v53, v52;
	v34 =	vshll.u32 v34, $0x10;
	v42 =	vcvt.s32.f32 v48  }
0x1dd: {  	v38 =	vtrunc.f32 v1;
	v31 =	vsub.f32 v62, v36;
	v17 =	vmul.f32 v39, v17  }
0x1de: {  	v35 =	vmul.u32 v48, v49;
	v38 =	vcvt.f32.s32 v38;
	v62 =	vadd.f32 v59, v55  }
0x1df: {  	v29 =	vmul.f32 v29, v31;
	v31 =	vadd.s32 v6, v54;
	v17 =	vmul.f32 v17, v32  }
0x1e0: {  	v55 =	vadd.s32 v3, v51;
	v32 =	vmax.f32 v62, $9.999999960e-13;
	v31 =	vor.u32 v60, v31  }
0x1e1: {  	v59 =	vshrl.u32 v32, $0x1;
	v48 =	vmul.f32 $-5.000000000e-01, v32;
	v17 =	vmul.f32 $1.000000000e+01, v17  }
0x1e2: {  	v29 =	vadd.f32 v29, v36;
	v31 =	vshrl.u32 v31, $0x1F;
	v41 =	vsub.s32 $0x5F3759DF, v59  }
0x1e3: {  	v63 =	vxor.u32 $0x1, v31;
	v62 =	vmul.f32 v41, v48;
	v60 =	vtrunc.f32 v17  }
0x1e4: {  	v39 =	vmul.u32 v63, v55;
	v29 =	vmul.f32 v29, v61;
	v49 =	vcvt.f32.s32 v60  }
0x1e5: {  	v3 =	vld [tilespmem:$0x1FFD0];
	v31 =	vshll.u32 v31, $0x10;
	v36 =	vcvt.s32.f32 v63;
	v52 =	vmul.f32 v41, v62  }
0x1e6: {  	v31 =	vadd.s32 v31, v39;
	v63 =	vadd.s32 $0x40, v49;
	v60 =	vadd.s32 $0x41, v49  }
0x1e7: {  	v52 =	vadd.f32 $1.500000000e+00, v52;
	v59 =	vand.u32 $0xFFFFFF80, v63;
	v39 =	vand.u32 $0x7F, v63  }
0x1e8: {  	v62 =	vand.u32 $0xFFFFFF80, v60;
	v63 =	vand.u32 $0x7F, v60;
	v53 =	vadd.s32 s29, v59  }
0x1e9: {  	v60 =	vadd.s32 s29, v62;
	v41 =	vmul.f32 v41, v52;
	v39 =	vor.u32 v39, v53  }
0x1ea: {  	v62 =	vperm.xlane v9, v0;
	v9 =	vperm.xlane v9, v3;
	v53 =	vor.u32 v63, v60  }
0x1eb: {  	v29 =	vmul.f32 v36, v29;
	v63 =	vadd.s32 $0x40, v38;
	v52 =	vmul.f32 v41, v48  }
0x1ec: {  	v28 =	vmul.f32 v42, v28;
	v55 =	vand.u32 $0xFFFFFF80, v63;
	v9 =	vadd.f32 v9, v62  }
0x1ed: {  	[tilespmem:v31+s8+$0x0] =	vst.idx.add.f32.msk $0xffff, v29;
	v29 =	vand.u32 $0x7F, v63;
	v31 =	vadd.s32 s28, v55;
	v36 =	vmul.f32 v52, v41  }
0x1ee: {  	v29 =	vor.u32 v29, v31;
	v31 =	vadd.s32 $0x41, v38;
	v9 =	vadd.f32 v9, v12;
	v59 =	vld.idx.msk [tilespmem:v39+s13+$0x0], $0xffff  }
0x1ef: {  	v63 =	vperm.xlane v10, v20;
	v12 =	vand.u32 $0xFFFFFF80, v31;
	v60 =	vld.idx.msk [tilespmem:v53+s13+$0x0], $0xffff;
	v36 =	vadd.f32 $1.500000000e+00, v36  }
0x1f0: {  	v62 =	vadd.s32 s28, v12;
	v12 =	vmax.f32 v9, $9.999999960e-13;
	v9 =	vcvt.s32.f32 v49  }
0x1f1: {  	v55 =	vperm.xlane v10, v21;
	v52 =	vadd.s32 $0x1, v54;
	v36 =	vmul.f32 v36, v41  }
0x1f2: {  	v31 =	vand.u32 $0x7F, v31;
	v9 =	vsub.f32 v17, v9;
	v17 =	vperm.xlane v10, v22  }
0x1f3: {  	v53 =	vsub.s32 $0x2, v54;
	v42 =	vor.u32 v31, v62;
	v32 =	vmul.f32 v36, v32  }
0x1f4: {  	v31 =	vshrl.u32 v12, $0x1;
	v17 =	vadd.f32 v63, v17;
	v39 =	vsub.f32 v60, v59  }
0x1f5: {  	v41 =	vsub.s32 $0x5F3759DF, v31;
	v31 =	vor.u32 v53, v52;
	v32 =	vmul.f32 $1.000000000e+01, v32  }
0x1f6: {  	v31 =	vshrl.u32 v31, $0x1F;
	v17 =	vadd.f32 v55, v17;
	v9 =	vmul.f32 v9, v39  }
0x1f7: {  	v34 =	vadd.s32 v34, v35;
	v35 =	vxor.u32 $0x1, v31;
	v60 =	vtrunc.f32 v32  }
0x1f8: {  	v17 =	vmax.f32 v17, $9.999999960e-13;
	v9 =	vadd.f32 v9, v59;
	v59 =	vadd.s32 v8, v51  }
0x1f9: {  	v48 =	vcvt.f32.s32 v60;
	v62 =	vshrl.u32 v17, $0x1;
	v52 =	vmul.f32 $-5.000000000e-01, v17  }
0x1fa: {  	v39 =	vmul.u32 v35, v59;
	v49 =	vsub.s32 $0x5F3759DF, v62  }
0x1fb: {  	v31 =	vshll.u32 v31, $0x10;
	v63 =	vadd.s32 $0x40, v48;
	v55 =	vmul.f32 v49, v52  }
0x1fc: {  	v39 =	vadd.s32 v31, v39;
	v31 =	vand.u32 $0xFFFFFF80, v63  }
0x1fd: {  	v59 =	vadd.s32 s29, v31;
	v55 =	vmul.f32 v49, v55;
	v31 =	vld [tilespmem:s26+$0xFFFFFF80]  }
0x1fe: {  	[tilespmem:v34+s8+$0x0] =	vst.idx.add.f32.msk $0xffff, v28;
	v28 =	vcvt.s32.f32 v35;
	v9 =	vmul.f32 v9, v61  }
0x1ff: {  	v60 =	vadd.s32 $0x41, v48;
	v53 =	vand.u32 $0x7F, v63;
	v55 =	vadd.f32 $1.500000000e+00, v55  }
0x200: {  	v62 =	vand.u32 $0x7F, v60;
	v34 =	vor.u32 v53, v59;
	v59 =	vand.u32 $0xFFFFFF80, v60  }
0x201: {  	v3 =	vld [tilespmem:$0x1FFC0];
	v9 =	vmul.f32 v28, v9;
	v35 =	vadd.s32 s29, v59;
	v28 =	vmul.f32 v49, v55  }
0x202: {  	v36 =	vmul.f32 $-5.000000000e-01, v12;
	v53 =	vor.u32 v62, v35;
	v59 =	vtrunc.f32 v31  }
0x203: {  	[tilespmem:v39+s8+$0x0] =	vst.idx.add.f32.msk $0xffff, v9;
	v9 =	vmul.f32 v28, v52;
	v35 =	vcvt.f32.s32 v59  }
0x204: {  	v29 =	vld.idx.msk [tilespmem:v29+s13+$0x0], $0xffff;
	v63 =	vmul.f32 v41, v36  }
0x205: {  	v42 =	vld.idx.msk [tilespmem:v42+s13+$0x0], $0xffff;
	v9 =	vmul.f32 v9, v28;
	v52 =	vcvt.s32.f32 v35  }
0x206: {  	v49 =	vsub.s32 v3, v56;
	v3 =	vld [tilespmem:$0x1FEA0]  }
0x207: {  	v55 =	vmul.f32 v41, v63;
	v63 =	vld.idx.msk [tilespmem:v53+s13+$0x0], $0xffff;
	v9 =	vadd.f32 $1.500000000e+00, v9;
	v53 =	vsub.f32 v31, v52  }
0x208: {  	v38 =	vcvt.s32.f32 v38  }
0x209: {  	v9 =	vmul.f32 v9, v28;
	v28 =	vperm.xlane v53, v44  }
0x20a: {  	v1 =	vsub.f32 v1, v38;
	v62 =	vsub.f32 v42, v29;
	v34 =	vld.idx.msk [tilespmem:v34+s13+$0x0], $0xffff  }
0x20b: {  	v60 =	vadd.f32 $1.500000000e+00, v55;
	v9 =	vmul.f32 v9, v17;
	v17 =	vadd.f32 v3, v28;
	v3 =	vld [tilespmem:$0x1FDF0]  }
0x20c: {  	v48 =	vcvt.s32.f32 v48  }
0x20d: {  	v1 =	vmul.f32 v1, v62;
	v38 =	vmul.f32 v41, v60  }
0x20e: {  	v32 =	vsub.f32 v32, v48  }
0x20f: {  	v59 =	vadd.s32 v15, v54;
	v1 =	vadd.f32 v1, v29;
	v36 =	vmul.f32 v38, v36  }
0x210: {  	v60 =	vsub.s32 v40, v54;
	v55 =	vsub.f32 v63, v34;
	v63 =	vadd.s32 v3, v51;
	v3 =	vld [tilespmem:$0x1FE60]  }
0x211: {  	v41 =	vadd.s32 v26, v56;
	v62 =	vor.u32 v60, v59;
	v28 =	vmul.f32 v36, v38  }
0x212: {  	v14 =	vperm.xlane v35, v30;
	v36 =	vshrl.u32 v62, $0x1F;
	v32 =	vmul.f32 v32, v55  }
0x213: {  	v39 =	vmul.f32 $1.000000000e+01, v9;
	v9 =	vshrl.u32 v17, $0x10;
	v28 =	vadd.f32 $1.500000000e+00, v28  }
0x214: {  	v32 =	vadd.f32 v32, v34;
	v34 =	vxor.u32 $0x1, v36;
	v9 =	vand.u32 $0x1, v9  }
0x215: {  	v9 =	vadd.s32 v9, v17;
	v17 =	vperm.xlane v10, v43;
	v60 =	vperm.xlane v10, v3  }
0x216: {  	v36 =	vshll.u32 v36, $0x10;
	v59 =	vtrunc.f32 v39;
	v9 =	vadd.s32 $0x7FFF, v9;
	v3 =	vld [tilespmem:$0x1FEB0]  }
0x217: {  	v48 =	vcvt.f32.s32 v59;
	v9 =	vand.u32 $0xFFFF0000, v9;
	v17 =	vadd.f32 v60, v17  }
0x218: {  	v52 =	vmul.f32 v32, v61;
	v42 =	vmul.u32 v34, v63;
	v9 =	vmul.f32 v9, v9  }
0x219: {  	v34 =	vcvt.s32.f32 v34;
	v62 =	vadd.s32 $0x40, v48;
	v2 =	vadd.f32 v17, v2  }
0x21a: {  	v36 =	vadd.s32 v36, v42;
	v63 =	vperm.xlane v9, v47;
	v17 =	vperm.xlane v9, v50  }
0x21b: {  	v60 =	vand.u32 $0xFFFFFF80, v62;
	v32 =	vperm.xlane v9, v3;
	v59 =	vmax.f32 v2, $9.999999960e-13  }
0x21c: {  	v2 =	vadd.f32 v63, v17;
	v42 =	vshrl.u32 v59, $0x1;
	v53 =	vmul.f32 $-5.000000000e-01, v59  }
0x21d: {  	v55 =	vand.u32 $0x7F, v62;
	v17 =	vadd.s32 s29, v60;
	v42 =	vsub.s32 $0x5F3759DF, v42  }
0x21e: {  	v60 =	vadd.s32 $0x41, v48;
	v2 =	vadd.f32 v32, v2;
	v62 =	vmul.f32 v42, v53  }
0x21f: {  	v17 =	vor.u32 v55, v17;
	v55 =	vand.u32 $0xFFFFFF80, v60;
	v60 =	vand.u32 $0x7F, v60  }
0x220: {  	v55 =	vadd.s32 s29, v55;
	v63 =	vmax.f32 v2, $9.999999960e-13;
	v2 =	vmul.f32 v42, v62  }
0x221: {  	v18 =	vld [tilespmem:$0x1FFA0];
	v55 =	vor.u32 v60, v55;
	v62 =	vshrl.u32 v63, $0x1;
	v3 =	vmul.f32 $-5.000000000e-01, v63  }
0x222: {  	v34 =	vmul.f32 v34, v52;
	v60 =	vsub.s32 $0x5F3759DF, v62;
	v2 =	vadd.f32 $1.500000000e+00, v2  }
0x223: {  	v29 =	vor.u32 v49, v41;
	v28 =	vmul.f32 v28, v38;
	v62 =	vmul.f32 v60, v3  }
0x224: {  	v1 =	vmul.f32 v1, v57;
	[tilespmem:v36+s8+$0x0] =	vst.idx.add.f32.msk $0xffff, v34;
	v34 =	vmul.f32 v42, v2  }
0x225: {  	v29 =	vshrl.u32 v29, $0x1F;
	v12 =	vmul.f32 v28, v12;
	v38 =	vld.idx.msk [tilespmem:v17+s13+$0x0], $0xffff;
	v2 =	vmul.f32 v60, v62  }
0x226: {  	v18 =	vperm.xlane v9, v18;
	v17 =	vxor.u32 $0x1, v29;
	v36 =	vld.idx.msk [tilespmem:v55+s13+$0x0], $0xffff;
	v28 =	vmul.f32 v34, v53  }
0x227: {  	v55 =	vcvt.s32.f32 v17;
	v52 =	vadd.f32 $1.500000000e+00, v2;
	v53 =	vadd.s32 v4, v58  }
0x228: {  	v2 =	vmul.f32 $1.000000000e+01, v12;
	v12 =	vmul.u32 v17, v53;
	v17 =	vmul.f32 v28, v34  }
0x229: {  	v49 =	vadd.s32 v22, v54;
	v41 =	vmul.f32 v60, v52;
	v28 =	vmul.f32 v55, v1  }
0x22a: {  	v29 =	vshll.u32 v29, $0x10;
	v1 =	vcvt.s32.f32 v48;
	v60 =	vtrunc.f32 v2  }
0x22b: {  	v36 =	vsub.f32 v36, v38;
	v52 =	vsub.s32 v45, v54;
	v55 =	vadd.s32 v5, v51;
	v5 =	vld [tilespmem:$0x1FF40]  }
0x22c: {  	v62 =	vadd.f32 $1.500000000e+00, v17;
	v3 =	vmul.f32 v41, v3;
	v17 =	vcvt.f32.s32 v60  }
0x22d: {  	v29 =	vadd.s32 v29, v12;
	v53 =	vor.u32 v52, v49;
	v1 =	vsub.f32 v39, v1  }
0x22e: {  	v12 =	vmul.f32 v62, v34;
	v3 =	vmul.f32 v3, v41;
	v48 =	vadd.s32 $0x40, v17  }
0x22f: {  	v1 =	vmul.f32 v1, v36;
	v36 =	vand.u32 $0xFFFFFF80, v48;
	v34 =	vand.u32 $0x7F, v48  }
0x230: {  	v60 =	vperm.xlane v9, v5;
	v5 =	vld [tilespmem:$0x1FEC0];
	v12 =	vmul.f32 v12, v59;
	v3 =	vadd.f32 $1.500000000e+00, v3  }
0x231: {  	v1 =	vadd.f32 v1, v38;
	v38 =	vshrl.u32 v53, $0x1F;
	v59 =	vperm.xlane v9, v6  }
0x232: {  	v39 =	vmul.f32 $1.000000000e+01, v12;
	v3 =	vmul.f32 v3, v41;
	v12 =	vxor.u32 $0x1, v38  }
0x233: {  	v1 =	vmul.f32 v1, v61;
	v38 =	vshll.u32 v38, $0x10;
	v62 =	vcvt.s32.f32 v12  }
0x234: {  	v41 =	vmul.u32 v12, v55;
	v42 =	vtrunc.f32 v39;
	v3 =	vmul.f32 v3, v63  }
0x235: {  	v48 =	vadd.f32 v60, v59;
	v12 =	vperm.xlane v9, v5;
	v42 =	vcvt.f32.s32 v42  }
0x236: {  	v55 =	vperm.xlane v10, v26;
	v5 =	vld [tilespmem:$0x1FE70];
	v38 =	vadd.s32 v38, v41;
	v3 =	vmul.f32 $1.000000000e+01, v3  }
0x237: {  	v1 =	vmul.f32 v62, v1;
	v48 =	vadd.f32 v12, v48;
	v41 =	vcvt.s32.f32 v42  }
0x238: {  	v63 =	vadd.s32 $0x40, v42;
	v42 =	vadd.s32 $0x41, v42;
	v59 =	vtrunc.f32 v3  }
0x239: {  	v53 =	vand.u32 $0xFFFFFF80, v63;
	v49 =	vand.u32 $0x7F, v63;
	v48 =	vmax.f32 v48, $9.999999960e-13  }
0x23a: {  	v52 =	vcvt.f32.s32 v59;
	v62 =	vshrl.u32 v48, $0x1;
	v63 =	vmul.f32 $-5.000000000e-01, v48  }
0x23b: {  	v59 =	vperm.xlane v10, v5;
	v53 =	vadd.s32 s29, v53;
	v62 =	vsub.s32 $0x5F3759DF, v62  }
0x23c: {  	v49 =	vor.u32 v49, v53;
	v60 =	vadd.s32 $0x40, v52;
	v8 =	vmul.f32 v62, v63  }
0x23d: {  	s30 =	sadd.s32 $0x100, s28;
	v7 =	vadd.s32 $0x41, v52;
	v55 =	vadd.f32 v59, v55;
	v5 =	vand.u32 $0xFFFFFF80, v60  }
0x23e: {  	v60 =	vand.u32 $0x7F, v60;
	v5 =	vadd.s32 s30, v5;
	v8 =	vmul.f32 v62, v8  }
0x23f: {  	v4 =	vld [tilespmem:$0x1FFE0];
	v13 =	vadd.f32 v55, v13;
	v5 =	vor.u32 v60, v5;
	v60 =	vand.u32 $0xFFFFFF80, v7  }
0x240: {  	v7 =	vand.u32 $0x7F, v7;
	v59 =	vadd.s32 s30, v60;
	v8 =	vadd.f32 $1.500000000e+00, v8  }
0x241: {  	v52 =	vcvt.s32.f32 v52;
	v60 =	vand.u32 $0xFFFFFF80, v42;
	v7 =	vor.u32 v7, v59  }
0x242: {  	v42 =	vand.u32 $0x7F, v42;
	v13 =	vmax.f32 v13, $9.999999960e-13;
	v8 =	vmul.f32 v62, v8  }
0x243: {  	v53 =	vadd.s32 s29, v60;
	v59 =	vmul.f32 $-5.000000000e-01, v13;
	v55 =	vshrl.u32 v13, $0x1  }
0x244: {  	v42 =	vor.u32 v42, v53;
	v53 =	vsub.s32 v14, v4;
	v4 =	vld [tilespmem:$0x1FEE0];
	v63 =	vmul.f32 v8, v63  }
0x245: {  	v60 =	vperm.xlane v31, v43;
	v31 =	vperm.xlane v31, v46;
	v62 =	vsub.s32 $0x5F3759DF, v55;
	v5 =	vld.idx.msk [tilespmem:v5+s13+$0x0], $0xffff  }
0x246: {  	v16 =	vmul.f32 v62, v59;
	v7 =	vld.idx.msk [tilespmem:v7+s13+$0x0], $0xffff;
	v14 =	vmul.f32 v63, v8  }
0x247: {  	v3 =	vsub.f32 v3, v52;
	v55 =	vmul.f32 v31, v60;
	v31 =	vperm.xlane v35, v27  }
0x248: {  	v60 =	vperm.xlane v35, v50;
	v16 =	vmul.f32 v62, v16;
	v14 =	vadd.f32 $1.500000000e+00, v14  }
0x249: {  	v35 =	vshll.u32 v53, $0xE;
	v19 =	vshll.u32 v31, $0x7;
	v63 =	vperm.xlane v9, v27  }
0x24a: {  	v31 =	vperm.xlane v9, v4;
	v16 =	vadd.f32 $1.500000000e+00, v16;
	v8 =	vmul.f32 v14, v8  }
0x24b: {  	v14 =	vadd.f32 v18, v63;
	v18 =	vadd.s32 v60, v19;
	v7 =	vsub.f32 v7, v5  }
0x24c: {  	v16 =	vmul.f32 v62, v16;
	v52 =	vadd.s32 v35, v18;
	v8 =	vmul.f32 v8, v48  }
0x24d: {  	v14 =	vadd.f32 v31, v14;
	v3 =	vmul.f32 v3, v7;
	v7 =	vsub.s32 $0x3, v53  }
0x24e: {  	v18 =	vadd.s32 v33, v52;
	v7 =	vor.u32 v53, v7;
	v8 =	vmul.f32 $1.000000000e+01, v8  }
0x24f: {  	v14 =	vmax.f32 v14, $9.999999960e-13;
	v3 =	vadd.f32 v3, v5;
	v5 =	vshrl.u32 v7, $0x1F  }
0x250: {  	v19 =	vshrl.u32 v14, $0x1;
	v35 =	vmul.f32 $-5.000000000e-01, v14;
	v7 =	vxor.u32 $0x1, v5  }
0x251: {  	[tilespmem:v38+s8+$0x0] =	vst.idx.add.f32.msk $0xffff, v1;
	v63 =	vtrunc.f32 v8;
	v19 =	vsub.s32 $0x5F3759DF, v19;
	v1 =	vshll.u32 v5, $0x10  }
0x252: {  	v18 =	vmul.u32 v7, v18;
	v5 =	vcvt.f32.s32 v63;
	v60 =	vmul.f32 v19, v35  }
0x253: {  	v3 =	vmul.f32 v3, v55;
	v7 =	vcvt.s32.f32 v7  }
0x254: {  	v48 =	vld.idx.msk [tilespmem:v49+s13+$0x0], $0xffff;
	v1 =	vadd.s32 v1, v18;
	v63 =	vadd.s32 $0x40, v5;
	v38 =	vmul.f32 v19, v60  }
0x255: {  	v18 =	vld.idx.msk [tilespmem:v42+s13+$0x0], $0xffff;
	v60 =	vadd.s32 $0x41, v5;
	v49 =	vand.u32 $0xFFFFFF80, v63;
	v42 =	vand.u32 $0x7F, v63  }
0x256: {  	v63 =	vand.u32 $0xFFFFFF80, v60;
	v49 =	vadd.s32 s30, v49;
	v38 =	vadd.f32 $1.500000000e+00, v38  }
0x257: {  	v42 =	vor.u32 v42, v49;
	v49 =	vand.u32 $0x7F, v60;
	v60 =	vadd.s32 s30, v63  }
0x258: {  	v3 =	vmul.f32 v7, v3;
	v5 =	vcvt.s32.f32 v5;
	v49 =	vor.u32 v49, v60  }
0x259: {  	v36 =	vadd.s32 s28, v36;
	v4 =	vld [tilespmem:$0x1FF00];
	v62 =	vadd.s32 v6, v53;
	v19 =	vmul.f32 v19, v38  }
0x25a: {  	v7 =	vadd.s32 $0x41, v17;
	v5 =	vsub.f32 v8, v5;
	[tilespmem:v1+s8+$0x0] =	vst.idx.add.f32.msk $0xffff, v3;
	v3 =	vmul.f32 v16, v59  }
0x25b: {  	v63 =	vand.u32 $0xFFFFFF80, v7;
	v60 =	vsub.f32 v39, v41;
	v35 =	vmul.f32 v19, v35  }
0x25c: {  	v18 =	vsub.f32 v18, v48;
	v1 =	vand.u32 $0x7F, v7;
	v3 =	vmul.f32 v3, v16;
	v7 =	vld.idx.msk [tilespmem:v42+s13+$0x0], $0xffff  }
0x25d: {  	v8 =	vperm.xlane v9, v15;
	v38 =	vadd.s32 s28, v63;
	v35 =	vmul.f32 v35, v19;
	v49 =	vld.idx.msk [tilespmem:v49+s13+$0x0], $0xffff  }
0x25e: {  	v18 =	vmul.f32 v60, v18;
	v60 =	vperm.xlane v9, v4;
	v4 =	vld [tilespmem:$0x1FF10];
	v3 =	vadd.f32 $1.500000000e+00, v3  }
0x25f: {  	v63 =	vsub.s32 v37, v53;
	v59 =	vsub.s32 $0x0, v54;
	v35 =	vadd.f32 $1.500000000e+00, v35  }
0x260: {  	v1 =	vor.u32 v1, v38;
	v18 =	vadd.f32 v18, v48;
	v3 =	vmul.f32 v3, v16  }
0x261: {  	v48 =	vadd.s32 $0x3, v54;
	v8 =	vadd.f32 v60, v8;
	v19 =	vmul.f32 v35, v19  }
0x262: {  	v18 =	vmul.f32 v18, v61;
	v3 =	vmul.f32 v3, v13;
	v13 =	vld [tilespmem:$0x1FDD0];
	v41 =	vsub.f32 v49, v7  }
0x263: {  	v39 =	vor.u32 v59, v48;
	v14 =	vmul.f32 v19, v14;
	v19 =	vperm.xlane v9, v4  }
0x264: {  	v39 =	vshrl.u32 v39, $0x1F;
	v16 =	vor.u32 v63, v62;
	v5 =	vmul.f32 v5, v41  }
0x265: {  	v16 =	vshrl.u32 v16, $0x1F;
	v14 =	vmul.f32 $1.000000000e+01, v14;
	v8 =	vadd.f32 v19, v8  }
0x266: {  	v3 =	vmul.f32 $1.000000000e+01, v3;
	v5 =	vadd.f32 v5, v7;
	v7 =	vxor.u32 $0x1, v16  }
0x267: {  	v13 =	vadd.s32 v13, v52;
	v19 =	vtrunc.f32 v14;
	v8 =	vmax.f32 v8, $9.999999960e-13  }
0x268: {  	v16 =	vshll.u32 v16, $0x10;
	v19 =	vcvt.f32.s32 v19;
	v59 =	vshrl.u32 v8, $0x1  }
0x269: {  	v41 =	vmul.f32 $-5.000000000e-01, v8;
	v13 =	vmul.u32 v7, v13;
	v7 =	vcvt.s32.f32 v7  }
0x26a: {  	v5 =	vmul.f32 v5, v55;
	v35 =	vsub.s32 $0x5F3759DF, v59;
	v60 =	vadd.s32 $0x40, v19  }
0x26b: {  	v20 =	vld [tilespmem:$0x1FF90];
	v62 =	vmul.f32 v35, v41;
	v13 =	vadd.s32 v16, v13;
	v63 =	vadd.s32 $0x41, v19  }
0x26c: {  	v19 =	vcvt.s32.f32 v19;
	v16 =	vand.u32 $0xFFFFFF80, v60;
	v42 =	vand.u32 $0x7F, v60  }
0x26d: {  	v59 =	vand.u32 $0xFFFFFF80, v63;
	v49 =	vand.u32 $0x7F, v63;
	v48 =	vmul.f32 v35, v62  }
0x26e: {  	v60 =	vxor.u32 $0x1, v39;
	v5 =	vmul.f32 v7, v5;
	v16 =	vadd.s32 s30, v16  }
0x26f: {  	v16 =	vor.u32 v42, v16;
	v42 =	vadd.s32 s30, v59;
	v48 =	vadd.f32 $1.500000000e+00, v48  }
0x270: {  	v62 =	vadd.s32 v20, v51;
	v59 =	vcvt.s32.f32 v60;
	v42 =	vor.u32 v49, v42  }
0x271: {  	v4 =	vld [tilespmem:$0x1FF50];
	v63 =	vmul.u32 v60, v62;
	v60 =	vtrunc.f32 v3;
	v7 =	vmul.f32 v35, v48  }
0x272: {  	v39 =	vshll.u32 v39, $0x10;
	v14 =	vsub.f32 v14, v19;
	v49 =	vcvt.f32.s32 v60;
	[tilespmem:v13+s8+$0x0] =	vst.idx.add.f32.msk $0xffff, v5  }
0x273: {  	v20 =	vld [tilespmem:$0x1FDE0];
	v13 =	vor.u32 v34, v36;
	v34 =	vadd.s32 v39, v63;
	v5 =	vmul.f32 v7, v41  }
0x274: {  	v18 =	vmul.f32 v59, v18;
	v62 =	vadd.s32 $0x40, v49;
	v59 =	vadd.s32 $0x41, v49;
	v16 =	vld.idx.msk [tilespmem:v16+s13+$0x0], $0xffff  }
0x275: {  	v48 =	vand.u32 $0xFFFFFF80, v62;
	v35 =	vand.u32 $0x7F, v62;
	v63 =	vld.idx.msk [tilespmem:v42+s13+$0x0], $0xffff;
	v5 =	vmul.f32 v5, v7  }
0x276: {  	v60 =	vand.u32 $0xFFFFFF80, v59;
	v38 =	vadd.s32 s29, v48;
	v48 =	vperm.xlane v9, v4;
	v4 =	vld [tilespmem:$0x1FFD0]  }
0x277: {  	v39 =	vand.u32 $0x7F, v59;
	v62 =	vadd.s32 $0x1, v53;
	v5 =	vadd.f32 $1.500000000e+00, v5  }
0x278: {  	v59 =	vperm.xlane v9, v21;
	v41 =	vadd.s32 s29, v60;
	v60 =	vadd.s32 v20, v52  }
0x279: {  	v35 =	vor.u32 v35, v38;
	v38 =	vor.u32 v39, v41;
	v5 =	vmul.f32 v5, v7  }
0x27a: {  	v42 =	vperm.xlane v9, v22;
	v7 =	vperm.xlane v10, v0;
	v19 =	vsub.f32 v63, v16  }
0x27b: {  	v63 =	vsub.s32 $0x2, v53;
	v10 =	vperm.xlane v10, v4;
	v5 =	vmul.f32 v5, v8  }
0x27c: {  	v8 =	vor.u32 v63, v62;
	v14 =	vmul.f32 v14, v19;
	v19 =	vadd.f32 v48, v42  }
0x27d: {  	v7 =	vadd.f32 v10, v7;
	v8 =	vshrl.u32 v8, $0x1F;
	v5 =	vmul.f32 $1.000000000e+01, v5  }
0x27e: {  	v14 =	vadd.f32 v14, v16;
	v16 =	vxor.u32 $0x1, v8;
	v19 =	vadd.f32 v59, v19  }
0x27f: {  	v8 =	vshll.u32 v8, $0x10;
	v39 =	vmul.u32 v16, v60;
	v16 =	vcvt.s32.f32 v16  }
0x280: {  	v62 =	vtrunc.f32 v5;
	v14 =	vmul.f32 v14, v55;
	v19 =	vmax.f32 v19, $9.999999960e-13  }
0x281: {  	v10 =	vcvt.f32.s32 v62;
	v48 =	vshrl.u32 v19, $0x1;
	v59 =	vmul.f32 $-5.000000000e-01, v19  }
0x282: {  	[tilespmem:v29+s8+$0x0] =	vst.idx.add.f32.msk $0xffff, v28;
	v8 =	vadd.s32 v8, v39;
	v39 =	vsub.s32 $0x5F3759DF, v48  }
0x283: {  	v1 =	vld.idx.msk [tilespmem:v1+s13+$0x0], $0xffff;
	v14 =	vmul.f32 v16, v14;
	v63 =	vadd.s32 $0x40, v10;
	v62 =	vmul.f32 v39, v59  }
0x284: {  	v13 =	vld.idx.msk [tilespmem:v13+s13+$0x0], $0xffff;
	v29 =	vadd.s32 $0x41, v10;
	v60 =	vand.u32 $0xFFFFFF80, v63;
	v36 =	vand.u32 $0x7F, v63  }
0x285: {  	[tilespmem:v34+s8+$0x0] =	vst.idx.add.f32.msk $0xffff, v18;
	v63 =	vand.u32 $0xFFFFFF80, v29;
	v28 =	vadd.s32 s30, v60;
	v42 =	vmul.f32 v39, v62  }
0x286: {  	v18 =	vld.idx.msk [tilespmem:v35+s13+$0x0], $0xffff;
	v29 =	vand.u32 $0x7F, v29;
	v28 =	vor.u32 v36, v28;
	v36 =	vadd.s32 s30, v63  }
0x287: {  	v7 =	vadd.f32 v7, v11;
	[tilespmem:v8+s8+$0x0] =	vst.idx.add.f32.msk $0xffff, v14;
	v11 =	vor.u32 v29, v36;
	v16 =	vadd.f32 $1.500000000e+00, v42  }
0x288: {  	v14 =	vcvt.s32.f32 v17;
	v29 =	vld.idx.msk [tilespmem:v38+s13+$0x0], $0xffff  }
0x289: {  	v7 =	vmax.f32 v7, $9.999999960e-13;
	v8 =	vmul.f32 v39, v16  }
0x28a: {  	v35 =	vmul.f32 $-5.000000000e-01, v7;
	v42 =	vshrl.u32 v7, $0x1;
	v2 =	vsub.f32 v2, v14  }
0x28b: {  	v14 =	vcvt.s32.f32 v49;
	v16 =	vsub.s32 $0x5F3759DF, v42;
	v17 =	vld.idx.msk [tilespmem:v28+s13+$0x0], $0xffff;
	v48 =	vmul.f32 v8, v59  }
0x28c: {  	v1 =	vsub.f32 v1, v13;
	v28 =	vmul.f32 v16, v35;
	v11 =	vld.idx.msk [tilespmem:v11+s13+$0x0], $0xffff  }
0x28d: {  	v3 =	vsub.f32 v3, v14;
	v14 =	vsub.f32 v29, v18;
	v29 =	vld [tilespmem:s26+$0x0];
	v34 =	vmul.f32 v48, v8  }
0x28e: {  	v10 =	vcvt.s32.f32 v10;
	v28 =	vmul.f32 v16, v28  }
0x28f: {  	v36 =	vmul.f32 v2, v1;
	v3 =	vmul.f32 v3, v14;
	v14 =	vld [tilespmem:$0x1FE60];
	v2 =	vadd.f32 $1.500000000e+00, v34  }
0x290: {  	v1 =	vadd.f32 $1.500000000e+00, v28  }
0x291: {  	v5 =	vsub.f32 v5, v10;
	v10 =	vsub.f32 v11, v17;
	v2 =	vmul.f32 v2, v8  }
0x292: {  	v1 =	vmul.f32 v16, v1;
	v16 =	vtrunc.f32 v29  }
0x293: {  	v8 =	vadd.s32 v15, v53;
	v5 =	vmul.f32 v5, v10;
	v2 =	vmul.f32 v2, v19  }
0x294: {  	v11 =	vsub.s32 v40, v53;
	v10 =	vperm.xlane v9, v43;
	v14 =	vperm.xlane v9, v14  }
0x295: {  	v8 =	vor.u32 v11, v8;
	v34 =	vcvt.f32.s32 v16;
	v11 =	vmul.f32 $1.000000000e+01, v2  }
0x296: {  	v2 =	vadd.f32 v5, v17;
	v5 =	vshrl.u32 v8, $0x1F;
	v8 =	vadd.f32 v14, v10;
	_ =	sdelay $0x1  }
0x297: {  	v16 =	vcvt.s32.f32 v34;
	v17 =	vld [tilespmem:$0x1FDF0];
	v8 =	vadd.f32 v8, v32  }
0x298: {  	v62 =	vsub.s32 v23, v56;
	v39 =	vadd.s32 v0, v56;
	v3 =	vadd.f32 v3, v18  }
0x299: {  	v20 =	vld [tilespmem:$0x1FEA0];
	v10 =	vxor.u32 $0x1, v5;
	v16 =	vsub.f32 v29, v16;
	v8 =	vmax.f32 v8, $9.999999960e-13  }
0x29a: {  	v14 =	vtrunc.f32 v11;
	v19 =	vshrl.u32 v8, $0x1;
	v28 =	vmul.f32 $-5.000000000e-01, v8  }
0x29b: {  	v5 =	vshll.u32 v5, $0x10;
	v14 =	vcvt.f32.s32 v14;
	v19 =	vsub.s32 $0x5F3759DF, v19  }
0x29c: {  	v16 =	vperm.xlane v16, v44;
	v17 =	vadd.s32 v17, v52;
	v56 =	vmul.f32 v19, v28  }
0x29d: {  	v2 =	vmul.f32 v2, v55;
	v18 =	vadd.s32 $0x40, v14;
	v17 =	vmul.u32 v10, v17  }
0x29e: {  	v16 =	vadd.f32 v20, v16;
	v49 =	vand.u32 $0xFFFFFF80, v18;
	v59 =	vmul.f32 v19, v56  }
0x29f: {  	v18 =	vand.u32 $0x7F, v18;
	v32 =	vadd.s32 s30, v49;
	v5 =	vadd.s32 v5, v17  }
0x2a0: {  	v10 =	vcvt.s32.f32 v10;
	v17 =	vor.u32 v18, v32;
	v32 =	vadd.f32 $1.500000000e+00, v59  }
0x2a1: {  	v60 =	vshrl.u32 v16, $0x10  }
0x2a2: {  	v18 =	vadd.s32 $0x41, v14;
	v2 =	vmul.f32 v10, v2;
	v19 =	vmul.f32 v19, v32  }
0x2a3: {  	v4 =	vld [tilespmem:$0x1FFC0];
	v38 =	vand.u32 $0x1, v60;
	v63 =	vand.u32 $0xFFFFFF80, v18;
	v18 =	vand.u32 $0x7F, v18  }
0x2a4: {  	v16 =	vadd.s32 v38, v16;
	v41 =	vadd.s32 s30, v63;
	[tilespmem:v5+s8+$0x0] =	vst.idx.add.f32.msk $0xffff, v2;
	v2 =	vmul.f32 v19, v28  }
0x2a5: {  	v16 =	vadd.s32 $0x7FFF, v16;
	v18 =	vor.u32 v18, v41  }
0x2a6: {  	v35 =	vmul.f32 v1, v35;
	v10 =	vand.u32 $0xFFFF0000, v16;
	v48 =	vmul.f32 v2, v19;
	v2 =	vld [tilespmem:$0x1FEB0]  }
0x2a7: {  	v10 =	vmul.f32 v10, v10  }
0x2a8: {  	v35 =	vmul.f32 v35, v1;
	v16 =	vadd.s32 v26, v54;
	v41 =	vsub.s32 v4, v54  }
0x2a9: {  	v5 =	vor.u32 v41, v16;
	v16 =	vld.idx.msk [tilespmem:v17+s13+$0x0], $0xffff;
	v17 =	vperm.xlane v10, v50;
	v28 =	vperm.xlane v10, v47  }
0x2aa: {  	v42 =	vadd.f32 $1.500000000e+00, v35;
	v18 =	vld.idx.msk [tilespmem:v18+s13+$0x0], $0xffff  }
0x2ab: {  	v17 =	vadd.f32 v28, v17;
	v2 =	vperm.xlane v10, v2  }
0x2ac: {  	v1 =	vmul.f32 v42, v1;
	v14 =	vcvt.s32.f32 v14  }
0x2ad: {  	v35 =	vadd.f32 $1.500000000e+00, v48;
	v17 =	vadd.f32 v2, v17  }
0x2ae: {  	v1 =	vmul.f32 v1, v7;
	v7 =	vsub.f32 v11, v14  }
0x2af: {  	v11 =	vsub.f32 v18, v16;
	v14 =	vmul.f32 v35, v19;
	v18 =	vmax.f32 v17, $9.999999960e-13  }
0x2b0: {  	v17 =	vmul.f32 $1.000000000e+01, v1;
	v1 =	vshrl.u32 v18, $0x1;
	v19 =	vmul.f32 $-5.000000000e-01, v18  }
0x2b1: {  	v1 =	vsub.s32 $0x5F3759DF, v1  }
0x2b2: {  	v7 =	vmul.f32 v7, v11;
	v56 =	vmul.f32 v1, v19  }
0x2b3: {  	v20 =	vld [tilespmem:$0x1FE00];
	v8 =	vmul.f32 v14, v8;
	v11 =	vadd.s32 v22, v53;
	v14 =	vsub.s32 v45, v53  }
0x2b4: {  	v11 =	vor.u32 v14, v11;
	v14 =	vmul.f32 v1, v56  }
0x2b5: {  	v4 =	vld [tilespmem:$0x1FFB0]  }
0x2b6: {  	v14 =	vadd.f32 $1.500000000e+00, v14;
	_ =	sdelay $0x1  }
0x2b7: {  	v59 =	vadd.s32 v20, v52;
	v20 =	vld [tilespmem:$0x1FE70];
	v1 =	vmul.f32 v1, v14  }
0x2b8: {  	v63 =	vperm.xlane v9, v26  }
0x2b9: {  	v5 =	vshrl.u32 v5, $0x1F;
	v49 =	vadd.s32 v4, v51;
	v19 =	vmul.f32 v1, v19  }
0x2ba: {  	v28 =	vxor.u32 $0x1, v5;
	v8 =	vmul.f32 $1.000000000e+01, v8;
	v11 =	vshrl.u32 v11, $0x1F  }
0x2bb: {  	v7 =	vadd.f32 v7, v16;
	v16 =	vxor.u32 $0x1, v11;
	v19 =	vmul.f32 v19, v1  }
0x2bc: {  	v60 =	vtrunc.f32 v8;
	v35 =	vmul.u32 v16, v59;
	v56 =	vperm.xlane v9, v20  }
0x2bd: {  	v11 =	vshll.u32 v11, $0x10;
	v41 =	vcvt.f32.s32 v60;
	v19 =	vadd.f32 $1.500000000e+00, v19  }
0x2be: {  	v7 =	vmul.f32 v7, v55;
	v11 =	vadd.s32 v11, v35;
	v59 =	vadd.f32 v56, v63  }
0x2bf: {  	v63 =	vadd.s32 $0x41, v41;
	v14 =	vcvt.s32.f32 v16;
	v1 =	vmul.f32 v19, v1;
	v19 =	vld [tilespmem:$0x1FF40]  }
0x2c0: {  	v56 =	vand.u32 $0xFFFFFF80, v63;
	v16 =	vadd.s32 $0x40, v41;
	v12 =	vadd.f32 v59, v12  }
0x2c1: {  	v59 =	vand.u32 $0x7F, v63;
	v60 =	vand.u32 $0xFFFFFF80, v16;
	v7 =	vmul.f32 v14, v7  }
0x2c2: {  	v35 =	vadd.s32 s30, v56;
	v16 =	vand.u32 $0x7F, v16;
	v42 =	vadd.s32 s30, v60  }
0x2c3: {  	v12 =	vmax.f32 v12, $9.999999960e-13;
	v14 =	vor.u32 v59, v35;
	[tilespmem:v11+s8+$0x0] =	vst.idx.add.f32.msk $0xffff, v7;
	v11 =	vperm.xlane v10, v6  }
0x2c4: {  	v16 =	vor.u32 v16, v42;
	v1 =	vmul.f32 v1, v18;
	v19 =	vperm.xlane v10, v19  }
0x2c5: {  	v32 =	vmul.u32 v28, v49;
	v60 =	vshrl.u32 v12, $0x1;
	v49 =	vmul.f32 $-5.000000000e-01, v12  }
0x2c6: {  	v63 =	vsub.s32 $0x5F3759DF, v60;
	v48 =	vmul.f32 $1.000000000e+01, v1;
	v1 =	vadd.f32 v19, v11;
	v11 =	vld [tilespmem:$0x1FEC0]  }
0x2c7: {  	v5 =	vshll.u32 v5, $0x10;
	v38 =	vtrunc.f32 v17;
	v56 =	vmul.f32 v63, v49  }
0x2c8: {  	v32 =	vadd.s32 v5, v32;
	v5 =	vcvt.s32.f32 v28;
	v28 =	vcvt.f32.s32 v38;
	v14 =	vld.idx.msk [tilespmem:v14+s13+$0x0], $0xffff  }
0x2c9: {  	v7 =	vmul.f32 v63, v56;
	v16 =	vld.idx.msk [tilespmem:v16+s13+$0x0], $0xffff  }
0x2ca: {  	v41 =	vcvt.s32.f32 v41;
	v42 =	vadd.s32 $0x41, v28  }
0x2cb: {  	v60 =	vand.u32 $0xFFFFFF80, v42;
	v7 =	vadd.f32 $1.500000000e+00, v7;
	v11 =	vperm.xlane v10, v11  }
0x2cc: {  	v8 =	vsub.f32 v8, v41;
	v56 =	vadd.s32 s29, v60;
	v18 =	vadd.s32 $0x40, v28  }
0x2cd: {  	v7 =	vmul.f32 v63, v7;
	v63 =	vtrunc.f32 v48;
	v1 =	vadd.f32 v11, v1  }
0x2ce: {  	v59 =	vand.u32 $0xFFFFFF80, v18;
	v14 =	vsub.f32 v14, v16;
	v41 =	vcvt.f32.s32 v63  }
0x2cf: {  	v35 =	vmul.f32 v7, v49;
	v19 =	vadd.s32 s29, v59;
	v49 =	vmax.f32 v1, $9.999999960e-13  }
0x2d0: {  	v1 =	vadd.s32 $0x40, v41;
	v38 =	vshrl.u32 v49, $0x1;
	v59 =	vmul.f32 $-5.000000000e-01, v49  }
0x2d1: {  	s29 =	sadd.s32 $0x180, s28;
	v60 =	vand.u32 $0xFFFFFF80, v1;
	v1 =	vand.u32 $0x7F, v1;
	v63 =	vsub.s32 $0x5F3759DF, v38  }
0x2d2: {  	v23 =	vld [tilespmem:$0x1FFA0];
	v38 =	vadd.s32 s29, v60;
	v60 =	vadd.s32 $0x41, v41;
	v20 =	vmul.f32 v63, v59  }
0x2d3: {  	v35 =	vmul.f32 v35, v7;
	v21 =	vor.u32 v1, v38;
	v1 =	vand.u32 $0xFFFFFF80, v60  }
0x2d4: {  	v60 =	vand.u32 $0x7F, v60;
	v1 =	vadd.s32 s29, v1;
	v20 =	vmul.f32 v63, v20  }
0x2d5: {  	v3 =	vmul.f32 v3, v61;
	v42 =	vand.u32 $0x7F, v42;
	v60 =	vor.u32 v60, v1  }
0x2d6: {  	v4 =	vld [tilespmem:$0x1FFE0];
	v8 =	vmul.f32 v8, v14;
	v14 =	vadd.f32 $1.500000000e+00, v35;
	v20 =	vadd.f32 $1.500000000e+00, v20  }
0x2d7: {  	v35 =	vor.u32 v42, v56;
	v42 =	vperm.xlane v10, v23;
	v1 =	vmul.f32 v5, v3  }
0x2d8: {  	v18 =	vand.u32 $0x7F, v18;
	v5 =	vmul.f32 v14, v7;
	v7 =	vmul.f32 v63, v20  }
0x2d9: {  	v38 =	vor.u32 v18, v19;
	v14 =	vperm.xlane v29, v43;
	v18 =	vld.idx.msk [tilespmem:v21+s13+$0x0], $0xffff;
	v20 =	vperm.xlane v34, v30  }
0x2da: {  	v3 =	vadd.f32 v8, v16;
	v16 =	vperm.xlane v29, v46;
	v21 =	vld.idx.msk [tilespmem:v60+s13+$0x0], $0xffff;
	v29 =	vmul.f32 v7, v59  }
0x2db: {  	v19 =	vsub.s32 $0x0, v53;
	v5 =	vmul.f32 v5, v12;
	v60 =	vsub.s32 v20, v4;
	v4 =	vld [tilespmem:$0x1FEE0]  }
0x2dc: {  	v8 =	vadd.s32 $0x3, v53;
	v56 =	vmul.f32 v16, v14;
	v12 =	vmul.f32 v29, v7  }
0x2dd: {  	v8 =	vor.u32 v19, v8;
	v16 =	vperm.xlane v34, v27;
	v20 =	vcvt.s32.f32 v41  }
0x2de: {  	v14 =	vperm.xlane v34, v50;
	v29 =	vperm.xlane v10, v27;
	v12 =	vadd.f32 $1.500000000e+00, v12  }
0x2df: {  	v16 =	vshll.u32 v16, $0x7;
	v20 =	vsub.f32 v48, v20;
	v21 =	vsub.f32 v21, v18  }
0x2e0: {  	v29 =	vadd.f32 v42, v29;
	v7 =	vmul.f32 v12, v7;
	v12 =	vperm.xlane v10, v4  }
0x2e1: {  	v14 =	vadd.s32 v14, v16;
	v19 =	vshll.u32 v60, $0xE;
	v16 =	vmul.f32 v20, v21  }
0x2e2: {  	v20 =	vsub.s32 $0x3, v60;
	v7 =	vmul.f32 v7, v49;
	v21 =	vadd.f32 v12, v29  }
0x2e3: {  	v59 =	vadd.s32 v19, v14;
	v20 =	vor.u32 v60, v20;
	v14 =	vadd.f32 v16, v18  }
0x2e4: {  	v16 =	vshrl.u32 v20, $0x1F;
	v7 =	vmul.f32 $1.000000000e+01, v7;
	v19 =	vmax.f32 v21, $9.999999960e-13  }
0x2e5: {  	v20 =	vadd.s32 v33, v59;
	v21 =	vshrl.u32 v19, $0x1;
	v29 =	vmul.f32 $-5.000000000e-01, v19  }
0x2e6: {  	v18 =	vxor.u32 $0x1, v16;
	v48 =	vtrunc.f32 v7;
	v21 =	vsub.s32 $0x5F3759DF, v21  }
0x2e7: {  	v20 =	vmul.u32 v18, v20;
	v34 =	vcvt.f32.s32 v48;
	v49 =	vmul.f32 v21, v29  }
0x2e8: {  	v16 =	vshll.u32 v16, $0x10;
	v14 =	vmul.f32 v14, v56;
	v18 =	vcvt.s32.f32 v18  }
0x2e9: {  	v16 =	vadd.s32 v16, v20;
	v20 =	vadd.s32 $0x40, v34;
	v41 =	vmul.f32 v21, v49  }
0x2ea: {  	v14 =	vmul.f32 v18, v14;
	v18 =	vld [tilespmem:$0x1FF90];
	v48 =	vadd.s32 $0x41, v34;
	v63 =	vand.u32 $0xFFFFFF80, v20  }
0x2eb: {  	v4 =	vld [tilespmem:$0x1FF00];
	v20 =	vand.u32 $0x7F, v20;
	v42 =	vadd.s32 s29, v63;
	v41 =	vadd.f32 $1.500000000e+00, v41  }
0x2ec: {  	v8 =	vshrl.u32 v8, $0x1F;
	v63 =	vand.u32 $0xFFFFFF80, v48;
	v20 =	vor.u32 v20, v42  }
0x2ed: {  	v42 =	vand.u32 $0x7F, v48;
	v63 =	vadd.s32 s29, v63;
	v21 =	vmul.f32 v21, v41  }
0x2ee: {  	v5 =	vmul.f32 $1.000000000e+01, v5;
	v34 =	vcvt.s32.f32 v34;
	v42 =	vor.u32 v42, v63  }
0x2ef: {  	v3 =	vmul.f32 v3, v55;
	v18 =	vadd.s32 v18, v52;
	v29 =	vmul.f32 v21, v29  }
0x2f0: {  	[tilespmem:v16+s8+$0x0] =	vst.idx.add.f32.msk $0xffff, v14;
	v7 =	vsub.f32 v7, v34;
	v34 =	vperm.xlane v10, v4;
	v63 =	vtrunc.f32 v5  }
0x2f1: {  	v41 =	vxor.u32 $0x1, v8;
	v48 =	vcvt.f32.s32 v63;
	v16 =	vld.idx.msk [tilespmem:v20+s13+$0x0], $0xffff;
	v20 =	vmul.f32 v29, v21  }
0x2f2: {  	v4 =	vld [tilespmem:$0x1FF10];
	v8 =	vshll.u32 v8, $0x10;
	v18 =	vmul.u32 v41, v18;
	v41 =	vcvt.s32.f32 v41  }
0x2f3: {  	v63 =	vsub.s32 v37, v60;
	v14 =	vadd.s32 $0x40, v48;
	v29 =	vld.idx.msk [tilespmem:v42+s13+$0x0], $0xffff;
	v20 =	vadd.f32 $1.500000000e+00, v20  }
0x2f4: {  	v8 =	vadd.s32 v8, v18;
	v18 =	vand.u32 $0xFFFFFF80, v14;
	v14 =	vand.u32 $0x7F, v14  }
0x2f5: {  	v18 =	vadd.s32 s30, v18;
	v20 =	vmul.f32 v20, v21;
	v21 =	vperm.xlane v10, v15  }
0x2f6: {  	v3 =	vmul.f32 v41, v3;
	v14 =	vor.u32 v14, v18;
	v18 =	vadd.s32 $0x41, v48  }
0x2f7: {  	v19 =	vmul.f32 v20, v19;
	v20 =	vadd.f32 v34, v21;
	v21 =	vperm.xlane v10, v4  }
0x2f8: {  	v42 =	vadd.s32 v6, v60;
	v41 =	vand.u32 $0xFFFFFF80, v18;
	v29 =	vsub.f32 v29, v16  }
0x2f9: {  	v18 =	vand.u32 $0x7F, v18;
	v41 =	vadd.s32 s30, v41;
	v20 =	vadd.f32 v21, v20;
	v21 =	vld [tilespmem:$0x1FDD0]  }
0x2fa: {  	v7 =	vmul.f32 v7, v29;
	v29 =	vor.u32 v63, v42;
	v19 =	vmul.f32 $1.000000000e+01, v19  }
0x2fb: {  	v13 =	vadd.f32 v36, v13;
	v18 =	vor.u32 v18, v41;
	v29 =	vshrl.u32 v29, $0x1F  }
0x2fc: {  	v7 =	vadd.f32 v7, v16;
	v42 =	vtrunc.f32 v19;
	v20 =	vmax.f32 v20, $9.999999960e-13  }
0x2fd: {  	v34 =	vcvt.f32.s32 v42;
	v49 =	vshrl.u32 v20, $0x1;
	v42 =	vmul.f32 $-5.000000000e-01, v20  }
0x2fe: {  	v23 =	vld [tilespmem:$0x1FFD0];
	v16 =	vxor.u32 $0x1, v29;
	v41 =	vsub.s32 $0x5F3759DF, v49;
	v21 =	vadd.s32 v21, v59  }
0x2ff: {  	[tilespmem:v32+s8+$0x0] =	vst.idx.add.f32.msk $0xffff, v1;
	v36 =	vcvt.s32.f32 v48;
	v63 =	vmul.f32 v41, v42;
	v21 =	vmul.u32 v16, v21  }
0x300: {  	v4 =	vld [tilespmem:$0x1FF50];
	v29 =	vshll.u32 v29, $0x10;
	v7 =	vmul.f32 v7, v56;
	v49 =	vadd.s32 $0x40, v34  }
0x301: {  	[tilespmem:v8+s8+$0x0] =	vst.idx.add.f32.msk $0xffff, v3;
	v32 =	vmul.f32 v41, v63;
	v21 =	vadd.s32 v29, v21;
	v29 =	vand.u32 $0xFFFFFF80, v49  }
0x302: {  	v14 =	vld.idx.msk [tilespmem:v14+s13+$0x0], $0xffff;
	v49 =	vand.u32 $0x7F, v49;
	v1 =	vadd.s32 s29, v29;
	v29 =	vadd.s32 $0x41, v34  }
0x303: {  	v18 =	vld.idx.msk [tilespmem:v18+s13+$0x0], $0xffff;
	v16 =	vcvt.s32.f32 v16;
	v1 =	vor.u32 v49, v1;
	v63 =	vand.u32 $0xFFFFFF80, v29  }
0x304: {  	v38 =	vld.idx.msk [tilespmem:v38+s13+$0x0], $0xffff;
	v3 =	vand.u32 $0x7F, v29;
	v29 =	vadd.f32 $1.500000000e+00, v32;
	v8 =	vadd.s32 s29, v63  }
0x305: {  	v48 =	vperm.xlane v10, v4;
	v4 =	vld [tilespmem:$0x1FF60];
	v7 =	vmul.f32 v16, v7;
	v3 =	vor.u32 v3, v8  }
0x306: {  	v34 =	vcvt.s32.f32 v34;
	v49 =	vld.idx.msk [tilespmem:v35+s13+$0x0], $0xffff;
	v16 =	vmul.f32 v41, v29  }
0x307: {  	v5 =	vsub.f32 v5, v36;
	v63 =	vperm.xlane v9, v0;
	v9 =	vperm.xlane v9, v23;
	v23 =	vld [tilespmem:$0x1FF80]  }
0x308: {  	v18 =	vsub.f32 v18, v14;
	[tilespmem:v21+s8+$0x0] =	vst.idx.add.f32.msk $0xffff, v7;
	v7 =	vmul.f32 v16, v42  }
0x309: {  	v19 =	vsub.f32 v19, v34;
	v8 =	vor.u32 v39, v62;
	v9 =	vadd.f32 v9, v63;
	v1 =	vld.idx.msk [tilespmem:v1+s13+$0x0], $0xffff  }
0x30a: {  	v39 =	vadd.s32 $0x1, v60;
	v41 =	vsub.s32 $0x2, v60;
	v7 =	vmul.f32 v7, v16;
	v3 =	vld.idx.msk [tilespmem:v3+s13+$0x0], $0xffff  }
0x30b: {  	v21 =	vmul.f32 v13, v57;
	v13 =	vcvt.s32.f32 v28;
	v9 =	vadd.f32 v9, v31  }
0x30c: {  	v8 =	vor.u32 v24, v8;
	v57 =	vperm.xlane v10, v4;
	v7 =	vadd.f32 $1.500000000e+00, v7  }
0x30d: {  	v42 =	vperm.xlane v10, v22;
	v17 =	vsub.f32 v17, v13;
	v13 =	vmax.f32 v9, $9.999999960e-13  }
0x30e: {  	v28 =	vadd.s32 v23, v58;
	v23 =	vld [tilespmem:$0x1FDE0];
	v9 =	vshrl.u32 v13, $0x1;
	v7 =	vmul.f32 v7, v16  }
0x30f: {  	v32 =	vsub.f32 v49, v38;
	v9 =	vsub.s32 $0x5F3759DF, v9;
	v3 =	vsub.f32 v3, v1  }
0x310: {  	v16 =	vmul.f32 $-5.000000000e-01, v13;
	v7 =	vmul.f32 v7, v20;
	v20 =	vor.u32 v41, v39  }
0x311: {  	v3 =	vmul.f32 v19, v3;
	v19 =	vshrl.u32 v20, $0x1F;
	v20 =	vadd.f32 v48, v42  }
0x312: {  	v8 =	vshrl.u32 v8, $0x1F;
	v32 =	vmul.f32 v17, v32;
	v49 =	vmul.f32 v9, v16  }
0x313: {  	v58 =	vadd.s32 v23, v59;
	v7 =	vmul.f32 $1.000000000e+01, v7;
	v20 =	vadd.f32 v57, v20  }
0x314: {  	v34 =	vmul.f32 v9, v49;
	v1 =	vadd.f32 v3, v1;
	v3 =	vxor.u32 $0x1, v19  }
0x315: {  	v62 =	vtrunc.f32 v7;
	v19 =	vshll.u32 v19, $0x10;
	v20 =	vmax.f32 v20, $9.999999960e-13  }
0x316: {  	v36 =	vcvt.f32.s32 v62;
	v48 =	vshrl.u32 v20, $0x1;
	v41 =	vmul.f32 $-5.000000000e-01, v20  }
0x317: {  	v35 =	vmul.u32 v3, v58;
	v3 =	vcvt.s32.f32 v3;
	v39 =	vsub.s32 $0x5F3759DF, v48  }
0x318: {  	v1 =	vmul.f32 v1, v56;
	v63 =	vadd.s32 $0x40, v36;
	v58 =	vmul.f32 v39, v41  }
0x319: {  	v19 =	vadd.s32 v19, v35;
	v57 =	vadd.s32 $0x41, v36;
	v49 =	vand.u32 $0xFFFFFF80, v63  }
0x31a: {  	v35 =	vand.u32 $0x7F, v63;
	v42 =	vadd.s32 s29, v49;
	v49 =	vmul.f32 v39, v58  }
0x31b: {  	v17 =	vld [tilespmem:s26+$0x80];
	v62 =	vand.u32 $0xFFFFFF80, v57;
	v48 =	vand.u32 $0x7F, v57;
	v1 =	vmul.f32 v3, v1  }
0x31c: {  	v35 =	vor.u32 v35, v42;
	v42 =	vadd.s32 s29, v62;
	v3 =	vadd.f32 $1.500000000e+00, v49  }
0x31d: {  	v5 =	vmul.f32 v5, v18;
	v29 =	vxor.u32 $0x1, v8;
	v42 =	vor.u32 v48, v42  }
0x31e: {  	v34 =	vadd.f32 $1.500000000e+00, v34;
	[tilespmem:v19+s8+$0x0] =	vst.idx.add.f32.msk $0xffff, v1;
	v1 =	vmul.f32 v39, v3;
	v3 =	vmul.u32 v28, v29  }
0x31f: {  	v8 =	vshll.u32 v8, $0x10;
	v31 =	vcvt.s32.f32 v29;
	v18 =	vadd.f32 v32, v38  }
0x320: {  	v9 =	vmul.f32 v9, v34;
	v58 =	vadd.s32 v8, v3;
	v8 =	vtrunc.f32 v17  }
0x321: {  	v5 =	vadd.f32 v5, v14;
	v61 =	vmul.f32 v18, v61;
	v28 =	vcvt.f32.s32 v8;
	v8 =	vld [tilespmem:$0x1FFC0]  }
0x322: {  	v14 =	vmul.f32 v9, v16;
	v19 =	vcvt.s32.f32 v36;
	v16 =	vld.idx.msk [tilespmem:v35+s13+$0x0], $0xffff  }
0x323: {  	v29 =	vmul.f32 v5, v55;
	v5 =	vld.idx.msk [tilespmem:v42+s13+$0x0], $0xffff;
	v18 =	vmul.f32 v1, v41  }
0x324: {  	v3 =	vmul.f32 v14, v9  }
0x325: {  	v57 =	vmul.f32 v31, v21;
	v7 =	vsub.f32 v7, v19;
	v18 =	vmul.f32 v18, v1  }
0x326: {  	v14 =	vadd.s32 v26, v53;
	v3 =	vadd.f32 $1.500000000e+00, v3;
	v8 =	vsub.s32 v8, v53  }
0x327: {  	v8 =	vor.u32 v8, v14;
	v14 =	vadd.f32 $1.500000000e+00, v18;
	v18 =	vcvt.s32.f32 v28  }
0x328: {  	v3 =	vmul.f32 v3, v9;
	v5 =	vsub.f32 v5, v16;
	v9 =	vadd.s32 v15, v60  }
0x329: {  	v21 =	vld [tilespmem:$0x1FE60];
	v1 =	vmul.f32 v14, v1;
	v14 =	vsub.f32 v17, v18;
	v18 =	vsub.s32 v40, v60  }
0x32a: {  	v5 =	vmul.f32 v7, v5;
	v7 =	vor.u32 v18, v9;
	v18 =	vld [tilespmem:$0x1FEA0];
	_ =	sdelay $0x2  }
0x32b: {  	v9 =	vperm.xlane v14, v44;
	_ =	sdelay $0x1  }
0x32c: {  	v21 =	vperm.xlane v10, v21;
	v19 =	vperm.xlane v10, v43;
	v9 =	vadd.f32 v18, v9;
	v18 =	vld [tilespmem:$0x1FDF0]  }
0x32d: {  	v1 =	vmul.f32 v1, v20  }
0x32e: {  	v14 =	vadd.f32 v21, v19  }
0x32f: {  	v1 =	vmul.f32 $1.000000000e+01, v1  }
0x330: {  	v5 =	vadd.f32 v5, v16;
	v7 =	vshrl.u32 v7, $0x1F;
	v2 =	vadd.f32 v14, v2  }
0x331: {  	v16 =	vxor.u32 $0x1, v7;
	v19 =	vtrunc.f32 v1;
	v18 =	vadd.s32 v18, v59  }
0x332: {  	v2 =	vmax.f32 v2, $9.999999960e-13;
	v14 =	vmul.u32 v16, v18;
	v18 =	vshrl.u32 v9, $0x10  }
0x333: {  	v20 =	vshrl.u32 v2, $0x1;
	v21 =	vmul.f32 $-5.000000000e-01, v2;
	v18 =	vand.u32 $0x1, v18  }
0x334: {  	v9 =	vadd.s32 v18, v9;
	v18 =	vcvt.f32.s32 v19;
	v19 =	vsub.s32 $0x5F3759DF, v20  }
0x335: {  	v20 =	vmul.f32 v19, v21  }
0x336: {  	v5 =	vmul.f32 v5, v56;
	v7 =	vshll.u32 v7, $0x10;
	v9 =	vadd.s32 $0x7FFF, v9  }
0x337: {  	v23 =	vld [tilespmem:$0x1FEB0];
	v16 =	vcvt.s32.f32 v16;
	v9 =	vand.u32 $0xFFFF0000, v9;
	v20 =	vmul.f32 v19, v20  }
0x338: {  	v7 =	vadd.s32 v7, v14;
	v9 =	vmul.f32 v9, v9  }
0x339: {  	v5 =	vmul.f32 v16, v5;
	v14 =	vadd.s32 $0x40, v18;
	v20 =	vadd.f32 $1.500000000e+00, v20  }
0x33a: {  	v63 =	vadd.s32 $0x41, v18;
	v41 =	vperm.xlane v9, v50;
	v42 =	vperm.xlane v9, v47  }
0x33b: {  	v31 =	vand.u32 $0xFFFFFF80, v14;
	v14 =	vand.u32 $0x7F, v14;
	v19 =	vmul.f32 v19, v20  }
0x33c: {  	v48 =	vand.u32 $0xFFFFFF80, v63;
	v36 =	vperm.xlane v9, v23;
	v34 =	vadd.f32 v42, v41  }
0x33d: {  	v31 =	vadd.s32 s29, v31;
	v49 =	vadd.s32 s29, v48;
	v16 =	vmul.f32 v19, v21;
	v21 =	vld [tilespmem:$0x1FFB0]  }
0x33e: {  	v14 =	vor.u32 v14, v31;
	v31 =	vand.u32 $0x7F, v63;
	v20 =	vadd.f32 v36, v34  }
0x33f: {  	v31 =	vor.u32 v31, v49  }
0x340: {  	v3 =	vmul.f32 v3, v13;
	v20 =	vmax.f32 v20, $9.999999960e-13  }
0x341: {  	v8 =	vshrl.u32 v8, $0x1F;
	[tilespmem:v7+s8+$0x0] =	vst.idx.add.f32.msk $0xffff, v5;
	v5 =	vshrl.u32 v20, $0x1;
	v7 =	vmul.f32 $-5.000000000e-01, v20  }
0x342: {  	v13 =	vxor.u32 $0x1, v8;
	v5 =	vsub.s32 $0x5F3759DF, v5;
	v21 =	vadd.s32 v21, v52  }
0x343: {  	v14 =	vld.idx.msk [tilespmem:v14+s13+$0x0], $0xffff;
	v63 =	vmul.f32 v5, v7;
	v21 =	vmul.u32 v13, v21  }
0x344: {  	v3 =	vmul.f32 $1.000000000e+01, v3;
	v8 =	vshll.u32 v8, $0x10;
	v16 =	vmul.f32 v16, v19;
	v31 =	vld.idx.msk [tilespmem:v31+s13+$0x0], $0xffff  }
0x345: {  	v32 =	vadd.s32 v8, v21;
	v8 =	vcvt.s32.f32 v13;
	v13 =	vmul.f32 v5, v63  }
0x346: {  	v23 =	vld [tilespmem:$0x1FE00];
	v16 =	vadd.f32 $1.500000000e+00, v16  }
0x347: {  	v62 =	vtrunc.f32 v3;
	v18 =	vcvt.s32.f32 v18;
	v13 =	vadd.f32 $1.500000000e+00, v13  }
0x348: {  	v38 =	vcvt.f32.s32 v62;
	v16 =	vmul.f32 v16, v19  }
0x349: {  	v1 =	vsub.f32 v1, v18;
	v18 =	vsub.f32 v31, v14;
	v5 =	vmul.f32 v5, v13  }
0x34a: {  	v31 =	vsub.s32 v45, v60;
	v2 =	vmul.f32 v16, v2;
	v16 =	vadd.s32 v22, v60  }
0x34b: {  	v13 =	vor.u32 v31, v16;
	v31 =	vadd.s32 v23, v59;
	v23 =	vld [tilespmem:$0x1FE70];
	v7 =	vmul.f32 v5, v7  }
0x34c: {  	v48 =	vperm.xlane v10, v26;
	v1 =	vmul.f32 v1, v18  }
0x34d: {  	v2 =	vmul.f32 $1.000000000e+01, v2;
	v7 =	vmul.f32 v7, v5  }
0x34e: {  	v34 =	vadd.s32 $0x41, v38;
	v1 =	vadd.f32 v1, v14;
	v13 =	vshrl.u32 v13, $0x1F  }
0x34f: {  	v18 =	vtrunc.f32 v2;
	v14 =	vxor.u32 $0x1, v13;
	v7 =	vadd.f32 $1.500000000e+00, v7  }
0x350: {  	v18 =	vcvt.f32.s32 v18;
	v31 =	vmul.u32 v14, v31;
	v49 =	vperm.xlane v10, v23  }
0x351: {  	v21 =	vadd.s32 $0x40, v38;
	v13 =	vshll.u32 v13, $0x10;
	v23 =	vld [tilespmem:$0x1FF40];
	v5 =	vmul.f32 v7, v5  }
0x352: {  	v62 =	vadd.f32 v49, v48;
	v7 =	vadd.s32 v13, v31;
	v13 =	vadd.s32 $0x41, v18  }
0x353: {  	v49 =	vand.u32 $0x7F, v13;
	v5 =	vmul.f32 v5, v20;
	v20 =	vand.u32 $0xFFFFFF80, v13;
	v13 =	vld [tilespmem:$0x1FEC0]  }
0x354: {  	v19 =	vcvt.s32.f32 v38;
	v63 =	vperm.xlane v9, v6;
	v39 =	vand.u32 $0xFFFFFF80, v21  }
0x355: {  	v1 =	vmul.f32 v1, v56;
	v41 =	vadd.s32 $0x40, v18;
	v14 =	vcvt.s32.f32 v14  }
0x356: {  	v8 =	vmul.f32 v8, v29;
	v42 =	vand.u32 $0xFFFFFF80, v41;
	v48 =	vperm.xlane v9, v23  }
0x357: {  	v35 =	vand.u32 $0x7F, v41;
	v38 =	vadd.s32 s29, v42;
	v1 =	vmul.f32 v14, v1  }
0x358: {  	v11 =	vadd.f32 v62, v11;
	v62 =	vadd.f32 v48, v63;
	v13 =	vperm.xlane v9, v13  }
0x359: {  	v31 =	vor.u32 v35, v38;
	v20 =	vadd.s32 s29, v20;
	v5 =	vmul.f32 $1.000000000e+01, v5  }
0x35a: {  	v14 =	vor.u32 v49, v20;
	v20 =	vmax.f32 v11, $9.999999960e-13;
	v35 =	vadd.f32 v13, v62  }
0x35b: {  	v16 =	vadd.s32 s30, v39;
	v63 =	vand.u32 $0xFFFFFF80, v34;
	v42 =	vshrl.u32 v20, $0x1  }
0x35c: {  	[tilespmem:v7+s8+$0x0] =	vst.idx.add.f32.msk $0xffff, v1;
	v1 =	vcvt.s32.f32 v18;
	v11 =	vtrunc.f32 v5;
	v18 =	vmax.f32 v35, $9.999999960e-13  }
0x35d: {  	v11 =	vcvt.f32.s32 v11;
	v48 =	vshrl.u32 v18, $0x1;
	v41 =	vmul.f32 $-5.000000000e-01, v18  }
0x35e: {  	v23 =	vmul.f32 $-5.000000000e-01, v20;
	v7 =	vsub.s32 $0x5F3759DF, v42;
	v39 =	vsub.s32 $0x5F3759DF, v48  }
0x35f: {  	v1 =	vsub.f32 v2, v1;
	v35 =	vld.idx.msk [tilespmem:v31+s13+$0x0], $0xffff;
	v31 =	vadd.s32 $0x40, v11;
	v62 =	vmul.f32 v39, v41  }
0x360: {  	s31 =	sadd.s32 $0x200, s28;
	v2 =	vsub.f32 v3, v19;
	v3 =	vand.u32 $0x7F, v21;
	v49 =	vand.u32 $0xFFFFFF80, v31  }
0x361: {  	v14 =	vld.idx.msk [tilespmem:v14+s13+$0x0], $0xffff;
	v42 =	vadd.s32 s31, v49;
	v49 =	vmul.f32 v39, v62;
	v62 =	vmul.f32 v7, v23  }
0x362: {  	v38 =	vadd.s32 s30, v63;
	v3 =	vor.u32 v3, v16;
	v31 =	vand.u32 $0x7F, v31  }
0x363: {  	v48 =	vadd.s32 $0x41, v11;
	v11 =	vcvt.s32.f32 v11;
	v19 =	vmul.f32 v7, v62  }
0x364: {  	v31 =	vor.u32 v31, v42;
	v63 =	vand.u32 $0xFFFFFF80, v48;
	v48 =	vand.u32 $0x7F, v48  }
0x365: {  	v16 =	vadd.f32 $1.500000000e+00, v19;
	v19 =	vperm.xlane v17, v43;
	v17 =	vperm.xlane v17, v46  }
0x366: {  	v4 =	vmovc v24;
	v24 =	vld [tilespmem:$0x1FFA0];
	v42 =	vadd.s32 s31, v63;
	v14 =	vsub.f32 v14, v35;
	v29 =	vadd.f32 $1.500000000e+00, v49  }
0x367: {  	v42 =	vor.u32 v48, v42;
	v62 =	vmul.f32 v17, v19;
	v17 =	vld [tilespmem:$0x1FFE0]  }
0x368: {  	v5 =	vsub.f32 v5, v11;
	v11 =	vld [tilespmem:$0x1FEE0];
	v1 =	vmul.f32 v1, v14;
	v14 =	vmul.f32 v39, v29;
	_ =	sdelay $0x1  }
0x369: {  	v21 =	vld.idx.msk [tilespmem:v31+s13+$0x0], $0xffff;
	v31 =	vperm.xlane v28, v30;
	v39 =	vmul.f32 v14, v41;
	_ =	sdelay $0x1  }
0x36a: {  	v63 =	vperm.xlane v9, v24;
	v48 =	vld.idx.msk [tilespmem:v42+s13+$0x0], $0xffff;
	v31 =	vsub.s32 v31, v17;
	v17 =	vmul.f32 v39, v14  }
0x36b: {  	v49 =	vperm.xlane v9, v27;
	v29 =	vand.u32 $0x7F, v34;
	v11 =	vperm.xlane v9, v11  }
0x36c: {  	v29 =	vor.u32 v29, v38;
	v19 =	vperm.xlane v28, v27;
	v17 =	vadd.f32 $1.500000000e+00, v17  }
0x36d: {  	v7 =	vmul.f32 v7, v16;
	v16 =	vperm.xlane v28, v50;
	v41 =	vadd.s32 $0x3, v60  }
0x36e: {  	v19 =	vshll.u32 v19, $0x7;
	v14 =	vmul.f32 v17, v14;
	v17 =	vadd.f32 v63, v49  }
0x36f: {  	v23 =	vmul.f32 v7, v23;
	v16 =	vadd.s32 v16, v19;
	v34 =	vsub.f32 v48, v21  }
0x370: {  	v28 =	vshll.u32 v31, $0xE;
	v19 =	vsub.s32 $0x3, v31;
	v17 =	vadd.f32 v11, v17  }
0x371: {  	v5 =	vmul.f32 v5, v34;
	v19 =	vor.u32 v31, v19;
	v63 =	vadd.s32 v28, v16  }
0x372: {  	v16 =	vshrl.u32 v19, $0x1F;
	v14 =	vmul.f32 v14, v18;
	v19 =	vmax.f32 v17, $9.999999960e-13  }
0x373: {  	v5 =	vadd.f32 v5, v21;
	v21 =	vshrl.u32 v19, $0x1;
	v28 =	vmul.f32 $-5.000000000e-01, v19  }
0x374: {  	v23 =	vmul.f32 v23, v7;
	v14 =	vmul.f32 $1.000000000e+01, v14;
	v21 =	vsub.s32 $0x5F3759DF, v21  }
0x375: {  	v5 =	vmul.f32 v5, v62;
	v18 =	vxor.u32 $0x1, v16;
	v48 =	vmul.f32 v21, v28  }
0x376: {  	[tilespmem:v32+s8+$0x0] =	vst.idx.add.f32.msk $0xffff, v8;
	v8 =	vcvt.s32.f32 v18;
	v17 =	vadd.s32 v33, v63;
	v42 =	vtrunc.f32 v14  }
0x377: {  	v17 =	vmul.u32 v18, v17;
	v34 =	vcvt.f32.s32 v42;
	v49 =	vmul.f32 v21, v48  }
0x378: {  	v23 =	vadd.f32 $1.500000000e+00, v23;
	v16 =	vshll.u32 v16, $0x10;
	v5 =	vmul.f32 v8, v5  }
0x379: {  	v16 =	vadd.s32 v16, v17;
	v18 =	vadd.s32 $0x40, v34;
	v32 =	vadd.f32 $1.500000000e+00, v49  }
0x37a: {  	v17 =	vld.idx.msk [tilespmem:v3+s13+$0x0], $0xffff;
	v42 =	vadd.s32 $0x41, v34;
	v3 =	vand.u32 $0xFFFFFF80, v18;
	v18 =	vand.u32 $0x7F, v18  }
0x37b: {  	v29 =	vld.idx.msk [tilespmem:v29+s13+$0x0], $0xffff;
	v48 =	vand.u32 $0xFFFFFF80, v42;
	v3 =	vadd.s32 s31, v3;
	v21 =	vmul.f32 v21, v32  }
0x37c: {  	v3 =	vor.u32 v18, v3;
	v18 =	vand.u32 $0x7F, v42;
	v42 =	vsub.s32 $0x0, v60  }
0x37d: {  	v49 =	vadd.s32 s31, v48;
	v8 =	vor.u32 v42, v41;
	v48 =	vmul.f32 v21, v28  }
0x37e: {  	v1 =	vadd.f32 v1, v35;
	v7 =	vmul.f32 v23, v7;
	v23 =	vld [tilespmem:$0x1FF90];
	v8 =	vshrl.u32 v8, $0x1F  }
0x37f: {  	[tilespmem:v16+s8+$0x0] =	vst.idx.add.f32.msk $0xffff, v5;
	v5 =	vxor.u32 $0x1, v8;
	v16 =	vmul.f32 v48, v21  }
0x380: {  	v1 =	vmul.f32 v1, v56;
	v28 =	vsub.f32 v29, v17;
	v29 =	vcvt.s32.f32 v5  }
0x381: {  	v7 =	vmul.f32 v7, v20;
	v16 =	vadd.f32 $1.500000000e+00, v16  }
0x382: {  	v1 =	vmul.f32 v29, v1  }
0x383: {  	v29 =	vmul.f32 $1.000000000e+01, v7;
	v7 =	vmul.f32 v16, v21;
	v16 =	vld [tilespmem:$0x1FF00]  }
0x384: {  	v23 =	vadd.s32 v23, v59  }
0x385: {  	v5 =	vmul.u32 v5, v23  }
0x386: {  	v20 =	vcvt.s32.f32 v34;
	v18 =	vor.u32 v18, v49;
	v8 =	vshll.u32 v8, $0x10  }
0x387: {  	v5 =	vadd.s32 v8, v5  }
0x388: {  	v8 =	vsub.f32 v14, v20;
	v14 =	vperm.xlane v9, v15;
	v16 =	vperm.xlane v9, v16  }
0x389: {  	v3 =	vld.idx.msk [tilespmem:v3+s13+$0x0], $0xffff  }
0x38a: {  	v14 =	vadd.f32 v16, v14;
	v16 =	vld [tilespmem:$0x1FF10]  }
0x38b: {  	v18 =	vld.idx.msk [tilespmem:v18+s13+$0x0], $0xffff;
	_ =	sdelay $0x1  }
0x38c: {  	v24 =	vld [tilespmem:$0x1FFD0];
	_ =	sdelay $0x1  }
0x38d: {  	v42 =	vperm.xlane v10, v0;
	v20 =	vadd.s32 v6, v31;
	v16 =	vperm.xlane v9, v16  }
0x38e: {  	v18 =	vsub.f32 v18, v3;
	v7 =	vmul.f32 v7, v19;
	v19 =	vtrunc.f32 v29  }
0x38f: {  	v21 =	vsub.s32 v37, v31;
	v14 =	vadd.f32 v16, v14;
	v16 =	vcvt.f32.s32 v19;
	v19 =	vld [tilespmem:$0x1FDD0]  }
0x390: {  	v48 =	vperm.xlane v10, v24;
	v8 =	vmul.f32 v8, v18;
	v18 =	vor.u32 v21, v20  }
0x391: {  	v7 =	vmul.f32 $1.000000000e+01, v7;
	v18 =	vshrl.u32 v18, $0x1F;
	v14 =	vmax.f32 v14, $9.999999960e-13  }
0x392: {  	v3 =	vadd.f32 v8, v3;
	v21 =	vshrl.u32 v14, $0x1;
	v23 =	vmul.f32 $-5.000000000e-01, v14  }
0x393: {  	v8 =	vxor.u32 $0x1, v18;
	v20 =	vtrunc.f32 v7;
	v21 =	vsub.s32 $0x5F3759DF, v21  }
0x394: {  	v20 =	vcvt.f32.s32 v20;
	v19 =	vadd.s32 v19, v63;
	v38 =	vmul.f32 v21, v23  }
0x395: {  	v18 =	vshll.u32 v18, $0x10;
	v3 =	vmul.f32 v3, v62;
	v19 =	vmul.u32 v8, v19  }
0x396: {  	v49 =	vadd.s32 $0x40, v20;
	v39 =	vadd.s32 $0x41, v20;
	v34 =	vmul.f32 v21, v38  }
0x397: {  	v32 =	vand.u32 $0x7F, v49;
	v8 =	vcvt.s32.f32 v8;
	v18 =	vadd.s32 v18, v19  }
0x398: {  	v41 =	vand.u32 $0xFFFFFF80, v39;
	v19 =	vand.u32 $0xFFFFFF80, v49;
	v34 =	vadd.f32 $1.500000000e+00, v34  }
0x399: {  	v35 =	vand.u32 $0x7F, v39;
	v3 =	vmul.f32 v8, v3;
	v19 =	vadd.s32 s31, v19  }
0x39a: {  	v10 =	vld [tilespmem:s26+$0x100];
	v19 =	vor.u32 v32, v19;
	v32 =	vadd.s32 s31, v41;
	v8 =	vmul.f32 v21, v34  }
0x39b: {  	v49 =	vadd.s32 $0x40, v16;
	v32 =	vor.u32 v35, v32  }
0x39c: {  	v21 =	vcvt.s32.f32 v16;
	v16 =	vadd.s32 $0x41, v16;
	[tilespmem:v18+s8+$0x0] =	vst.idx.add.f32.msk $0xffff, v3;
	v3 =	vmul.f32 v8, v23  }
0x39d: {  	v23 =	vand.u32 $0xFFFFFF80, v16  }
0x39e: {  	v16 =	vand.u32 $0x7F, v16;
	v23 =	vadd.s32 s29, v23;
	v3 =	vmul.f32 v3, v8  }
0x39f: {  	v16 =	vor.u32 v16, v23;
	v23 =	vtrunc.f32 v10  }
0x3a0: {  	v38 =	vadd.f32 v48, v42;
	v42 =	vld.idx.msk [tilespmem:v32+s13+$0x0], $0xffff;
	v32 =	vcvt.f32.s32 v23;
	v3 =	vadd.f32 $1.500000000e+00, v3;
	_ =	sdelay $0x1  }
0x3a1: {  	v3 =	vmul.f32 v3, v8;
	v8 =	vcvt.s32.f32 v32  }
0x3a2: {  	v24 =	vld [tilespmem:$0x1FEA0]  }
0x3a3: {  	v19 =	vld.idx.msk [tilespmem:v19+s13+$0x0], $0xffff;
	v8 =	vsub.f32 v10, v8  }
0x3a4: {  	v12 =	vadd.f32 v38, v12;
	v41 =	vand.u32 $0xFFFFFF80, v49  }
0x3a5: {  	v35 =	vand.u32 $0x7F, v49;
	v18 =	vadd.s32 s29, v41;
	v8 =	vperm.xlane v8, v44  }
0x3a6: {  	v20 =	vcvt.s32.f32 v20;
	v18 =	vor.u32 v35, v18;
	v35 =	vmax.f32 v12, $9.999999960e-13  }
0x3a7: {  	v12 =	vshrl.u32 v35, $0x1;
	v8 =	vadd.f32 v24, v8;
	v24 =	vld [tilespmem:$0x1FF50]  }
0x3a8: {  	v7 =	vsub.f32 v7, v20;
	v38 =	vsub.s32 $0x5F3759DF, v12;
	v12 =	vsub.f32 v42, v19  }
0x3a9: {  	v20 =	vadd.s32 $0x1, v31;
	v48 =	vsub.s32 $0x2, v31  }
0x3aa: {  	v3 =	vmul.f32 v3, v14;
	v7 =	vmul.f32 v7, v12;
	v12 =	vor.u32 v48, v20;
	v20 =	vld [tilespmem:$0x1FDE0]  }
0x3ab: {  	v23 =	vmul.f32 $-5.000000000e-01, v35  }
0x3ac: {  	v3 =	vmul.f32 $1.000000000e+01, v3;
	v48 =	vperm.xlane v9, v24;
	v24 =	vld [tilespmem:$0x1FF60]  }
0x3ad: {  	v39 =	vperm.xlane v9, v22;
	v14 =	vmul.f32 v38, v23;
	v12 =	vshrl.u32 v12, $0x1F  }
0x3ae: {  	v7 =	vadd.f32 v7, v19;
	v19 =	vxor.u32 $0x1, v12;
	v49 =	vtrunc.f32 v3  }
0x3af: {  	v34 =	vcvt.f32.s32 v49;
	v49 =	vshrl.u32 v8, $0x10;
	v20 =	vadd.s32 v20, v63  }
0x3b0: {  	v14 =	vmul.f32 v38, v14;
	v42 =	vand.u32 $0x1, v49;
	v20 =	vmul.u32 v19, v20  }
0x3b1: {  	v8 =	vadd.s32 v42, v8;
	v39 =	vadd.f32 v48, v39;
	v48 =	vperm.xlane v9, v24  }
0x3b2: {  	v12 =	vshll.u32 v12, $0x10;
	v7 =	vmul.f32 v7, v62;
	v8 =	vadd.s32 $0x7FFF, v8  }
0x3b3: {  	v25 =	vld [tilespmem:$0x1FEB0];
	v20 =	vadd.s32 v12, v20;
	v12 =	vadd.s32 $0x40, v34;
	v39 =	vadd.f32 v48, v39  }
0x3b4: {  	[tilespmem:v5+s8+$0x0] =	vst.idx.add.f32.msk $0xffff, v1;
	v5 =	vadd.s32 $0x41, v34;
	v8 =	vand.u32 $0xFFFF0000, v8;
	v41 =	vand.u32 $0xFFFFFF80, v12  }
0x3b5: {  	v42 =	vand.u32 $0x7F, v12;
	v12 =	vmul.f32 v8, v8;
	v48 =	vmax.f32 v39, $9.999999960e-13  }
0x3b6: {  	v8 =	vadd.s32 s31, v41;
	v39 =	vshrl.u32 v48, $0x1;
	v41 =	vmul.f32 $-5.000000000e-01, v48  }
0x3b7: {  	v24 =	vperm.xlane v12, v47;
	v49 =	vsub.s32 $0x5F3759DF, v39;
	v39 =	vperm.xlane v12, v50  }
0x3b8: {  	v19 =	vcvt.s32.f32 v19;
	v1 =	vor.u32 v42, v8;
	v8 =	vmul.f32 v49, v41  }
0x3b9: {  	v18 =	vld.idx.msk [tilespmem:v18+s13+$0x0], $0xffff;
	v42 =	vand.u32 $0xFFFFFF80, v5;
	v24 =	vadd.f32 v24, v39;
	v39 =	vperm.xlane v12, v25  }
0x3ba: {  	v16 =	vld.idx.msk [tilespmem:v16+s13+$0x0], $0xffff;
	v5 =	vand.u32 $0x7F, v5;
	v42 =	vadd.s32 s31, v42;
	v8 =	vmul.f32 v49, v8  }
0x3bb: {  	v14 =	vadd.f32 $1.500000000e+00, v14;
	v5 =	vor.u32 v5, v42;
	v24 =	vadd.f32 v39, v24  }
0x3bc: {  	v2 =	vmul.f32 v2, v28;
	v7 =	vmul.f32 v19, v7;
	v8 =	vadd.f32 $1.500000000e+00, v8  }
0x3bd: {  	v14 =	vmul.f32 v38, v14;
	v19 =	vsub.f32 v29, v21;
	v21 =	vmax.f32 v24, $9.999999960e-13  }
0x3be: {  	[tilespmem:v20+s8+$0x0] =	vst.idx.add.f32.msk $0xffff, v7;
	v7 =	vmul.f32 v49, v8;
	v8 =	vshrl.u32 v21, $0x1;
	v20 =	vmul.f32 $-5.000000000e-01, v21  }
0x3bf: {  	v16 =	vsub.f32 v16, v18;
	v23 =	vmul.f32 v14, v23;
	v1 =	vld.idx.msk [tilespmem:v1+s13+$0x0], $0xffff;
	v8 =	vsub.s32 $0x5F3759DF, v8  }
0x3c0: {  	v5 =	vld.idx.msk [tilespmem:v5+s13+$0x0], $0xffff;
	v29 =	vmul.f32 v7, v41;
	v49 =	vmul.f32 v8, v20  }
0x3c1: {  	v16 =	vmul.f32 v19, v16;
	v19 =	vmul.f32 v23, v14  }
0x3c2: {  	v28 =	vadd.f32 v2, v17;
	v2 =	vmul.f32 v29, v7;
	v23 =	vmul.f32 v8, v49  }
0x3c3: {  	v16 =	vadd.f32 v16, v18;
	v18 =	vadd.f32 $1.500000000e+00, v19;
	v19 =	vcvt.s32.f32 v34  }
0x3c4: {  	v2 =	vadd.f32 $1.500000000e+00, v2;
	v23 =	vadd.f32 $1.500000000e+00, v23  }
0x3c5: {  	v3 =	vsub.f32 v3, v19;
	v5 =	vsub.f32 v5, v1  }
0x3c6: {  	v2 =	vmul.f32 v2, v7;
	v7 =	vmul.f32 v8, v23  }
0x3c7: {  	v3 =	vmul.f32 v3, v5;
	v8 =	vmul.f32 v18, v14  }
0x3c8: {  	v2 =	vmul.f32 v2, v48;
	v18 =	vmul.f32 v7, v20  }
0x3c9: {  	v5 =	vadd.s32 v15, v31;
	v1 =	vadd.f32 v3, v1;
	v14 =	vsub.s32 v40, v31  }
0x3ca: {  	v3 =	vor.u32 v14, v5;
	v5 =	vmul.f32 $1.000000000e+01, v2;
	v2 =	vmul.f32 v18, v7;
	v18 =	vld [tilespmem:$0x1FDF0];
	_ =	sdelay $0x3  }
0x3cb: {  	v3 =	vshrl.u32 v3, $0x1F  }
0x3cc: {  	v14 =	vxor.u32 $0x1, v3;
	v18 =	vadd.s32 v18, v63  }
0x3cd: {  	v18 =	vmul.u32 v14, v18  }
0x3ce: {  	v3 =	vshll.u32 v3, $0x10  }
0x3cf: {  	v3 =	vadd.s32 v3, v18;
	v18 =	vld [tilespmem:$0x1FE60]  }
0x3d0: {  	v2 =	vadd.f32 $1.500000000e+00, v2  }
0x3d1: {  	v8 =	vmul.f32 v8, v35  }
0x3d2: {  	v25 =	vld [tilespmem:$0x1FFF0];
	v2 =	vmul.f32 v2, v7  }
0x3d3: {  	v23 =	vld [tilespmem:$0x1FF40];
	v29 =	vmul.f32 $1.000000000e+01, v8;
	v8 =	vperm.xlane v9, v43  }
0x3d4: {  	v2 =	vmul.f32 v2, v21;
	v18 =	vperm.xlane v9, v18;
	_ =	sdelay $0x1  }
0x3d5: {  	v8 =	vadd.f32 v18, v8;
	v18 =	vmul.f32 $1.000000000e+01, v2;
	v2 =	vld [tilespmem:$0x1FEC0]  }
0x3d6: {  	v24 =	vadd.s32 v0, v54;
	v1 =	vmul.f32 v1, v62;
	v20 =	vtrunc.f32 v5  }
0x3d7: {  	v54 =	vsub.s32 v25, v54;
	v23 =	vperm.xlane v12, v23;
	v20 =	vcvt.f32.s32 v20  }
0x3d8: {  	v17 =	vor.u32 v24, v54;
	v14 =	vcvt.s32.f32 v14;
	v21 =	vperm.xlane v12, v6  }
0x3d9: {  	v35 =	vmul.f32 v16, v56;
	v7 =	vadd.s32 $0x40, v20;
	v38 =	vadd.s32 $0x41, v20  }
0x3da: {  	v1 =	vmul.f32 v14, v1;
	v21 =	vadd.f32 v23, v21;
	v2 =	vperm.xlane v12, v2  }
0x3db: {  	v14 =	vand.u32 $0xFFFFFF80, v7;
	v7 =	vand.u32 $0x7F, v7;
	v8 =	vadd.f32 v8, v36  }
0x3dc: {  	v23 =	vand.u32 $0x7F, v38;
	v41 =	vtrunc.f32 v18;
	v21 =	vadd.f32 v2, v21  }
0x3dd: {  	v14 =	vadd.s32 s31, v14;
	v49 =	vmax.f32 v8, $9.999999960e-13;
	v8 =	vcvt.f32.s32 v41  }
0x3de: {  	v7 =	vor.u32 v7, v14;
	v14 =	vand.u32 $0xFFFFFF80, v38;
	v21 =	vmax.f32 v21, $9.999999960e-13  }
0x3df: {  	v19 =	vld [tilespmem:$0x1FFC0];
	v34 =	vadd.s32 $0x40, v8;
	v42 =	vshrl.u32 v21, $0x1;
	v36 =	vmul.f32 $-5.000000000e-01, v21  }
0x3e0: {  	s28 =	sadd.s32 $0x280, s28;
	v38 =	vadd.s32 $0x41, v8;
	v48 =	vand.u32 $0xFFFFFF80, v34;
	v42 =	vsub.s32 $0x5F3759DF, v42  }
0x3e1: {  	v34 =	vand.u32 $0x7F, v34;
	v54 =	vadd.s32 s28, v48;
	v41 =	vmul.f32 v42, v36  }
0x3e2: {  	v16 =	vcvt.s32.f32 v20;
	v54 =	vor.u32 v34, v54;
	v34 =	vand.u32 $0xFFFFFF80, v38  }
0x3e3: {  	[tilespmem:v3+s8+$0x0] =	vst.idx.add.f32.msk $0xffff, v1;
	v3 =	vadd.s32 s28, v34;
	v34 =	vmul.f32 v42, v41  }
0x3e4: {  	v19 =	vsub.s32 v19, v60;
	v24 =	vadd.s32 v26, v60;
	v5 =	vsub.f32 v5, v16  }
0x3e5: {  	v16 =	vperm.xlane v32, v30;
	v14 =	vadd.s32 s31, v14;
	v25 =	vadd.f32 $1.500000000e+00, v34  }
0x3e6: {  	v30 =	vld [tilespmem:$0x1FFE0];
	v14 =	vor.u32 v23, v14;
	v1 =	vand.u32 $0x7F, v38;
	v41 =	vtrunc.f32 v29  }
0x3e7: {  	v38 =	vcvt.f32.s32 v41;
	v41 =	vor.u32 v19, v24;
	v19 =	vmul.f32 v42, v25;
	_ =	sdelay $0x1  }
0x3e8: {  	v1 =	vor.u32 v1, v3;
	v36 =	vmul.f32 v19, v36  }
0x3e9: {  	v24 =	vperm.xlane v10, v43;
	v10 =	vperm.xlane v10, v46  }
0x3ea: {  	v48 =	vmul.f32 $-5.000000000e-01, v49;
	v25 =	vld.idx.msk [tilespmem:v54+s13+$0x0], $0xffff;
	v54 =	vsub.s32 v16, v30;
	v16 =	vmul.f32 v36, v19  }
0x3eb: {  	v23 =	vshrl.u32 v49, $0x1;
	v3 =	vld.idx.msk [tilespmem:v14+s13+$0x0], $0xffff;
	v10 =	vmul.f32 v10, v24;
	v24 =	vperm.xlane v32, v50  }
0x3ec: {  	v32 =	vperm.xlane v32, v27;
	v50 =	vperm.xlane v12, v27;
	v27 =	vld [tilespmem:$0x1FFA0];
	v16 =	vadd.f32 $1.500000000e+00, v16  }
0x3ed: {  	v23 =	vsub.s32 $0x5F3759DF, v23;
	v1 =	vld.idx.msk [tilespmem:v1+s13+$0x0], $0xffff  }
0x3ee: {  	v14 =	vmul.f32 v23, v48;
	v16 =	vmul.f32 v16, v19;
	v19 =	vld [tilespmem:$0x1FEE0]  }
0x3ef: {  	v7 =	vld.idx.msk [tilespmem:v7+s13+$0x0], $0xffff;
	v8 =	vcvt.s32.f32 v8  }
0x3f0: {  	v14 =	vmul.f32 v23, v14  }
0x3f1: {  	v8 =	vsub.f32 v18, v8;
	v27 =	vperm.xlane v12, v27  }
0x3f2: {  	v14 =	vadd.f32 $1.500000000e+00, v14;
	v1 =	vsub.f32 v1, v25  }
0x3f3: {  	v30 =	vshll.u32 v32, $0x7;
	v18 =	vadd.f32 v27, v50;
	v32 =	vperm.xlane v12, v19  }
0x3f4: {  	v3 =	vsub.f32 v3, v7;
	v34 =	vadd.s32 $0x40, v38;
	v1 =	vmul.f32 v8, v1  }
0x3f5: {  	v8 =	vsub.s32 $0x3, v54;
	v16 =	vmul.f32 v16, v21;
	v18 =	vadd.f32 v32, v18  }
0x3f6: {  	v46 =	vshll.u32 v54, $0xE;
	v8 =	vor.u32 v54, v8;
	v1 =	vadd.f32 v1, v25  }
0x3f7: {  	v8 =	vshrl.u32 v8, $0x1F;
	v16 =	vmul.f32 $1.000000000e+01, v16;
	v18 =	vmax.f32 v18, $9.999999960e-13  }
0x3f8: {  	v19 =	vadd.s32 v24, v30;
	v24 =	vshrl.u32 v18, $0x1;
	v25 =	vmul.f32 $-5.000000000e-01, v18  }
0x3f9: {  	v36 =	vadd.s32 v46, v19;
	v19 =	vxor.u32 $0x1, v8;
	v24 =	vsub.s32 $0x5F3759DF, v24  }
0x3fa: {  	v27 =	vtrunc.f32 v16;
	v21 =	vadd.s32 v33, v36;
	v30 =	vmul.f32 v24, v25  }
0x3fb: {  	v14 =	vmul.f32 v23, v14;
	v27 =	vcvt.f32.s32 v27;
	v21 =	vmul.u32 v19, v21  }
0x3fc: {  	v20 =	vand.u32 $0xFFFFFF80, v34;
	v8 =	vshll.u32 v8, $0x10;
	v23 =	vmul.f32 v24, v30  }
0x3fd: {  	v3 =	vmul.f32 v5, v3;
	v8 =	vadd.s32 v8, v21;
	v21 =	vadd.s32 $0x40, v27  }
0x3fe: {  	v42 =	vadd.s32 s29, v20;
	v30 =	vand.u32 $0xFFFFFF80, v21;
	v23 =	vadd.f32 $1.500000000e+00, v23  }
0x3ff: {  	v1 =	vmul.f32 v1, v10;
	v21 =	vand.u32 $0x7F, v21;
	v30 =	vadd.s32 s28, v30  }
0x400: {  	v19 =	vcvt.s32.f32 v19;
	v21 =	vor.u32 v21, v30;
	v23 =	vmul.f32 v24, v23  }
0x401: {  	v20 =	vmul.f32 v14, v48;
	v3 =	vadd.f32 v3, v7;
	v7 =	vadd.s32 v22, v31  }
0x402: {  	v46 =	vadd.s32 $0x41, v27;
	v1 =	vmul.f32 v19, v1;
	v19 =	vmul.f32 v23, v25  }
0x403: {  	v43 =	vmovc v33;
	v20 =	vmul.f32 v20, v14;
	v50 =	vand.u32 $0xFFFFFF80, v46;
	v24 =	vsub.s32 v45, v31  }
0x404: {  	v33 =	vadd.s32 s28, v50;
	[tilespmem:v8+s8+$0x0] =	vst.idx.add.f32.msk $0xffff, v1;
	v1 =	vor.u32 v24, v7;
	v19 =	vmul.f32 v19, v23  }
0x405: {  	v30 =	vand.u32 $0x7F, v46;
	v7 =	vld.idx.msk [tilespmem:v21+s13+$0x0], $0xffff;
	v21 =	vshrl.u32 v1, $0x1F;
	v1 =	vadd.f32 $1.500000000e+00, v20  }
0x406: {  	v5 =	vor.u32 v30, v33;
	v25 =	vadd.s32 v6, v54;
	v19 =	vadd.f32 $1.500000000e+00, v19  }
0x407: {  	v1 =	vmul.f32 v1, v14;
	v14 =	vcvt.s32.f32 v27;
	v27 =	vsub.s32 v37, v54  }
0x408: {  	v19 =	vmul.f32 v19, v23;
	v23 =	vor.u32 v27, v25;
	v27 =	vld [tilespmem:$0x1FF00];
	_ =	sdelay $0x1  }
0x409: {  	v24 =	vld [tilespmem:$0x1FE00]  }
0x40a: {  	v5 =	vld.idx.msk [tilespmem:v5+s13+$0x0], $0xffff  }
0x40b: {  	v14 =	vsub.f32 v16, v14;
	v16 =	vshrl.u32 v23, $0x1F;
	v23 =	vld [tilespmem:$0x1FF10]  }
0x40c: {  	v25 =	vperm.xlane v12, v15;
	v27 =	vperm.xlane v12, v27;
	_ =	sdelay $0x1  }
0x40d: {  	v18 =	vmul.f32 v19, v18;
	v19 =	vadd.f32 v27, v25;
	v25 =	vld [tilespmem:$0x1FDD0]  }
0x40e: {  	v5 =	vsub.f32 v5, v7  }
0x40f: {  	v20 =	vxor.u32 $0x1, v21;
	v24 =	vadd.s32 v24, v63;
	v23 =	vperm.xlane v12, v23  }
0x410: {  	v24 =	vmul.u32 v20, v24;
	v5 =	vmul.f32 v14, v5;
	v18 =	vmul.f32 $1.000000000e+01, v18  }
0x411: {  	v1 =	vmul.f32 v1, v49;
	v14 =	vxor.u32 $0x1, v16;
	v19 =	vadd.f32 v23, v19  }
0x412: {  	v5 =	vadd.f32 v5, v7;
	v23 =	vtrunc.f32 v18;
	v25 =	vadd.s32 v25, v36  }
0x413: {  	v23 =	vcvt.f32.s32 v23;
	v19 =	vmax.f32 v19, $9.999999960e-13;
	v7 =	vmul.u32 v14, v25  }
0x414: {  	v16 =	vshll.u32 v16, $0x10;
	v5 =	vmul.f32 v5, v10;
	v25 =	vshrl.u32 v19, $0x1  }
0x415: {  	v7 =	vadd.s32 v16, v7;
	v16 =	vsub.s32 $0x5F3759DF, v25;
	v25 =	vadd.s32 $0x40, v23  }
0x416: {  	v27 =	vmul.f32 $-5.000000000e-01, v19;
	v14 =	vcvt.s32.f32 v14;
	v46 =	vand.u32 $0xFFFFFF80, v25  }
0x417: {  	v21 =	vshll.u32 v21, $0x10;
	v1 =	vmul.f32 $1.000000000e+01, v1;
	v49 =	vadd.s32 $0x41, v23  }
0x418: {  	v5 =	vmul.f32 v14, v5;
	v14 =	vadd.s32 v21, v24;
	v30 =	vmul.f32 v16, v27  }
0x419: {  	v24 =	vld [tilespmem:$0x1FE70];
	v25 =	vand.u32 $0x7F, v25;
	v33 =	vadd.s32 s28, v46;
	v46 =	vmovc v44;
	v44 =	vmovc v37;
	v37 =	vand.u32 $0xFFFFFF80, v49  }
0x41a: {  	v50 =	vand.u32 $0x7F, v49;
	v25 =	vor.u32 v25, v33;
	v37 =	vadd.s32 s28, v37  }
0x41b: {  	v30 =	vmul.f32 v16, v30;
	v33 =	vor.u32 v50, v37  }
0x41c: {  	v48 =	vadd.s32 $0x41, v38;
	v49 =	vtrunc.f32 v1  }
0x41d: {  	v8 =	vand.u32 $0xFFFFFF80, v48;
	v30 =	vadd.f32 $1.500000000e+00, v30;
	v21 =	vcvt.f32.s32 v49  }
0x41e: {  	v49 =	vadd.s32 s29, v8;
	v8 =	vperm.xlane v9, v26;
	v24 =	vperm.xlane v9, v24;
	[tilespmem:v7+s8+$0x0] =	vst.idx.add.f32.msk $0xffff, v5  }
0x41f: {  	v3 =	vmul.f32 v3, v62;
	v20 =	vcvt.s32.f32 v20;
	v7 =	vld.idx.msk [tilespmem:v25+s13+$0x0], $0xffff  }
0x420: {  	v16 =	vmul.f32 v16, v30;
	v5 =	vadd.s32 $0x40, v21;
	v8 =	vadd.f32 v24, v8;
	v24 =	vld.idx.msk [tilespmem:v33+s13+$0x0], $0xffff  }
0x421: {  	v3 =	vmul.f32 v20, v3;
	v23 =	vcvt.s32.f32 v23;
	v25 =	vand.u32 $0xFFFFFF80, v5  }
0x422: {  	v5 =	vand.u32 $0x7F, v5;
	v20 =	vmul.f32 v16, v27;
	v27 =	vadd.s32 $0x41, v21  }
0x423: {  	v25 =	vadd.s32 s31, v25;
	v8 =	vadd.f32 v8, v13;
	v30 =	vand.u32 $0xFFFFFF80, v27  }
0x424: {  	v27 =	vand.u32 $0x7F, v27;
	v5 =	vor.u32 v5, v25;
	v13 =	vadd.s32 s31, v30  }
0x425: {  	v25 =	vor.u32 v27, v13;
	v13 =	vsub.f32 v18, v23;
	v18 =	vsub.f32 v24, v7;
	v24 =	vld [tilespmem:$0x1FF50]  }
0x426: {  	v20 =	vmul.f32 v20, v16;
	_ =	sdelay $0x1  }
0x427: {  	v20 =	vadd.f32 $1.500000000e+00, v20  }
0x428: {  	v23 =	vperm.xlane v12, v22  }
0x429: {  	v16 =	vmul.f32 v20, v16;
	v24 =	vperm.xlane v12, v24;
	_ =	sdelay $0x1  }
0x42a: {  	v16 =	vmul.f32 v16, v19;
	v19 =	vadd.f32 v24, v23;
	v23 =	vld [tilespmem:$0x1FF60];
	_ =	sdelay $0x4  }
0x42b: {  	v13 =	vmul.f32 v13, v18;
	v23 =	vperm.xlane v12, v23  }
0x42c: {  	v27 =	vsub.s32 $0x2, v54;
	v18 =	vadd.s32 $0x1, v54  }
0x42d: {  	v7 =	vadd.f32 v13, v7;
	v13 =	vor.u32 v27, v18;
	v18 =	vadd.f32 v23, v19;
	_ =	sdelay $0x1  }
0x42e: {  	v23 =	vld [tilespmem:$0x1FDE0];
	v18 =	vmax.f32 v18, $9.999999960e-13  }
0x42f: {  	v27 =	vshrl.u32 v18, $0x1;
	v30 =	vmul.f32 $-5.000000000e-01, v18  }
0x430: {  	v16 =	vmul.f32 $1.000000000e+01, v16;
	v27 =	vsub.s32 $0x5F3759DF, v27  }
0x431: {  	v50 =	vmul.f32 v27, v30  }
0x432: {  	v8 =	vmax.f32 v8, $9.999999960e-13;
	v13 =	vshrl.u32 v13, $0x1F;
	v24 =	vtrunc.f32 v16  }
0x433: {  	v19 =	vxor.u32 $0x1, v13;
	v23 =	vadd.s32 v23, v36;
	v33 =	vmul.f32 v27, v50  }
0x434: {  	v7 =	vmul.f32 v7, v10;
	v24 =	vcvt.f32.s32 v24;
	v23 =	vmul.u32 v19, v23  }
0x435: {  	v13 =	vshll.u32 v13, $0x10;
	v19 =	vcvt.s32.f32 v19;
	v33 =	vadd.f32 $1.500000000e+00, v33  }
0x436: {  	[tilespmem:v14+s8+$0x0] =	vst.idx.add.f32.msk $0xffff, v3;
	v20 =	vshrl.u32 v8, $0x1;
	v13 =	vadd.s32 v13, v23;
	v23 =	vadd.s32 $0x40, v24  }
0x437: {  	v7 =	vmul.f32 v19, v7;
	v19 =	vand.u32 $0xFFFFFF80, v23;
	v14 =	vmul.f32 v27, v33;
	v27 =	vld [tilespmem:$0x1FFB0]  }
0x438: {  	v37 =	vadd.s32 $0x41, v24;
	v23 =	vand.u32 $0x7F, v23;
	v50 =	vmovc v47;
	v19 =	vadd.s32 s28, v19  }
0x439: {  	v47 =	vmovc v45;
	v45 =	vmovc v40;
	v40 =	vmul.f32 $-5.000000000e-01, v8;
	v19 =	vor.u32 v23, v19;
	v23 =	vand.u32 $0xFFFFFF80, v37  }
0x43a: {  	v20 =	vsub.s32 $0x5F3759DF, v20;
	v37 =	vand.u32 $0x7F, v37;
	v23 =	vadd.s32 s28, v23  }
0x43b: {  	v41 =	vshrl.u32 v41, $0x1F;
	v23 =	vor.u32 v37, v23;
	v37 =	vmul.f32 v20, v40  }
0x43c: {  	v3 =	vxor.u32 $0x1, v41;
	v21 =	vcvt.s32.f32 v21;
	[tilespmem:v13+s8+$0x0] =	vst.idx.add.f32.msk $0xffff, v7;
	v27 =	vadd.s32 v27, v59  }
0x43d: {  	v5 =	vld.idx.msk [tilespmem:v5+s13+$0x0], $0xffff;
	v30 =	vmul.f32 v14, v30;
	v7 =	vmul.u32 v3, v27;
	v27 =	vmul.f32 v20, v37  }
0x43e: {  	v33 =	vshll.u32 v41, $0x10;
	v13 =	vmul.f32 v28, v55;
	v55 =	vld [tilespmem:$0x1FDF0];
	v3 =	vcvt.s32.f32 v3  }
0x43f: {  	v37 =	vcvt.s32.f32 v38;
	v38 =	vadd.s32 v33, v7;
	v7 =	vld.idx.msk [tilespmem:v25+s13+$0x0], $0xffff;
	v25 =	vadd.f32 $1.500000000e+00, v27  }
0x440: {  	v24 =	vcvt.s32.f32 v24;
	v23 =	vld.idx.msk [tilespmem:v23+s13+$0x0], $0xffff;
	v35 =	vmul.f32 v3, v35  }
0x441: {  	v3 =	vld.idx.msk [tilespmem:v19+s13+$0x0], $0xffff;
	v19 =	vmul.f32 v30, v14;
	v20 =	vmul.f32 v20, v25  }
0x442: {  	v1 =	vsub.f32 v1, v21;
	v16 =	vsub.f32 v16, v24;
	v41 =	vimm.s32 $0x3  }
0x443: {  	v25 =	vand.u32 $0x7F, v34;
	v19 =	vadd.f32 $1.500000000e+00, v19;
	v21 =	vmul.f32 v20, v40  }
0x444: {  	v24 =	vadd.s32 v55, v36;
	v28 =	vsub.f32 v29, v37;
	v29 =	vor.u32 v25, v42  }
0x445: {  	v42 =	vld [tilespmem:$0x1FE60];
	v14 =	vmul.f32 v19, v14;
	v7 =	vsub.f32 v7, v5;
	v21 =	vmul.f32 v21, v20  }
0x446: {  	v27 =	vsub.s32 $0x0, v31;
	v19 =	vadd.s32 $0x3, v31;
	v23 =	vsub.f32 v23, v3  }
0x447: {  	v14 =	vmul.f32 v14, v18;
	v1 =	vmul.f32 v1, v7;
	v18 =	vadd.f32 $1.500000000e+00, v21  }
0x448: {  	v40 =	vmovc v45;
	v7 =	vor.u32 v27, v19;
	v16 =	vmul.f32 v16, v23;
	v19 =	vadd.s32 v15, v54  }
0x449: {  	v14 =	vmul.f32 $1.000000000e+01, v14;
	v18 =	vmul.f32 v18, v20;
	v20 =	vsub.s32 v40, v54  }
0x44a: {  	v21 =	vperm.xlane v12, v42;
	v3 =	vadd.f32 v16, v3;
	v16 =	vor.u32 v20, v19  }
0x44b: {  	v19 =	vtrunc.f32 v14;
	v20 =	vperm.xlane v12, v41;
	v16 =	vshrl.u32 v16, $0x1F  }
0x44c: {  	v3 =	vmul.f32 v3, v10;
	v19 =	vcvt.f32.s32 v19;
	v23 =	vxor.u32 $0x1, v16  }
0x44d: {  	v8 =	vmul.f32 v18, v8;
	v20 =	vadd.f32 v21, v20;
	v18 =	vmul.u32 v23, v24  }
0x44e: {  	v16 =	vshll.u32 v16, $0x10;
	v21 =	vadd.s32 $0x40, v19;
	v23 =	vcvt.s32.f32 v23  }
0x44f: {  	v20 =	vadd.f32 v20, v39;
	v16 =	vadd.s32 v16, v18;
	v18 =	vand.u32 $0xFFFFFF80, v21  }
0x450: {  	v21 =	vand.u32 $0x7F, v21;
	v3 =	vmul.f32 v23, v3;
	v18 =	vadd.s32 s28, v18  }
0x451: {  	v20 =	vmax.f32 v20, $9.999999960e-13;
	v18 =	vor.u32 v21, v18;
	v21 =	vadd.s32 $0x41, v19  }
0x452: {  	v23 =	vld [tilespmem:$0x1FF90];
	v27 =	vshrl.u32 v20, $0x1;
	v30 =	vmul.f32 $-5.000000000e-01, v20;
	v24 =	vand.u32 $0xFFFFFF80, v21  }
0x453: {  	v21 =	vand.u32 $0x7F, v21;
	v27 =	vsub.s32 $0x5F3759DF, v27;
	v24 =	vadd.s32 s28, v24  }
0x454: {  	v21 =	vor.u32 v21, v24;
	v24 =	vmul.f32 v27, v30;
	_ =	sdelay $0x1  }
0x455: {  	v7 =	vshrl.u32 v7, $0x1F;
	v24 =	vmul.f32 v27, v24  }
0x456: {  	v1 =	vadd.f32 v1, v5;
	v5 =	vxor.u32 $0x1, v7;
	v23 =	vadd.s32 v23, v63  }
0x457: {  	[tilespmem:v16+s8+$0x0] =	vst.idx.add.f32.msk $0xffff, v3;
	v3 =	vmul.u32 v5, v23;
	v23 =	vadd.f32 $1.500000000e+00, v24  }
0x458: {  	v8 =	vmul.f32 $1.000000000e+01, v8  }
0x459: {  	v1 =	vmul.f32 v1, v62;
	v23 =	vmul.f32 v27, v23;
	v27 =	vld [tilespmem:$0x1FFD0]  }
0x45a: {  	v39 =	vtrunc.f32 v8;
	v19 =	vcvt.s32.f32 v19;
	v18 =	vld.idx.msk [tilespmem:v18+s13+$0x0], $0xffff  }
0x45b: {  	v16 =	vcvt.f32.s32 v39;
	v5 =	vcvt.s32.f32 v5;
	v21 =	vld.idx.msk [tilespmem:v21+s13+$0x0], $0xffff  }
0x45c: {  	v25 =	vand.u32 $0x7F, v48;
	v7 =	vshll.u32 v7, $0x10;
	v14 =	vsub.f32 v14, v19  }
0x45d: {  	v3 =	vadd.s32 v7, v3;
	v7 =	vadd.s32 $0x40, v16;
	v1 =	vmul.f32 v5, v1  }
0x45e: {  	v24 =	vor.u32 v25, v49;
	v25 =	vperm.xlane v9, v0;
	v9 =	vperm.xlane v9, v27  }
0x45f: {  	v49 =	vld [tilespmem:$0x1FE70];
	v5 =	vand.u32 $0xFFFFFF80, v7;
	v7 =	vand.u32 $0x7F, v7;
	v27 =	vmul.f32 v23, v30  }
0x460: {  	v5 =	vadd.s32 s31, v5;
	v19 =	vsub.f32 v21, v18;
	v9 =	vadd.f32 v9, v25  }
0x461: {  	v5 =	vor.u32 v7, v5;
	v7 =	vadd.s32 $0x41, v16;
	v21 =	vmul.f32 v27, v23  }
0x462: {  	v14 =	vmul.f32 v14, v19;
	v25 =	vand.u32 $0xFFFFFF80, v7;
	v9 =	vadd.f32 v9, v11  }
0x463: {  	v7 =	vand.u32 $0x7F, v7;
	v11 =	vadd.s32 s31, v25;
	v19 =	vadd.f32 $1.500000000e+00, v21  }
0x464: {  	v25 =	vperm.xlane v12, v49;
	v21 =	vmax.f32 v9, $9.999999960e-13;
	v9 =	vperm.xlane v12, v26  }
0x465: {  	v7 =	vor.u32 v7, v11;
	v19 =	vmul.f32 v19, v23;
	v11 =	vshrl.u32 v21, $0x1  }
0x466: {  	v45 =	vmovc v47;
	v23 =	vsub.s32 $0x5F3759DF, v11;
	v11 =	vadd.f32 v14, v18;
	v9 =	vadd.f32 v25, v9  }
0x467: {  	v14 =	vadd.s32 v22, v54;
	v18 =	vsub.s32 v45, v54;
	v19 =	vmul.f32 v19, v20  }
0x468: {  	v14 =	vor.u32 v18, v14  }
0x469: {  	v2 =	vadd.f32 v9, v2;
	v9 =	vshrl.u32 v14, $0x1F;
	v14 =	vmul.f32 $1.000000000e+01, v19;
	v19 =	vld [tilespmem:$0x1FE00];
	_ =	sdelay $0x1  }
0x46a: {  	v20 =	vmul.f32 $-5.000000000e-01, v21;
	v11 =	vmul.f32 v11, v10;
	v25 =	vmax.f32 v2, $9.999999960e-13  }
0x46b: {  	v2 =	vtrunc.f32 v14;
	v27 =	vshrl.u32 v25, $0x1;
	v30 =	vmul.f32 $-5.000000000e-01, v25  }
0x46c: {  	v34 =	vmul.f32 v23, v20;
	v33 =	vcvt.f32.s32 v2;
	v2 =	vsub.s32 $0x5F3759DF, v27  }
0x46d: {  	v18 =	vxor.u32 $0x1, v9;
	v19 =	vadd.s32 v19, v36;
	v27 =	vmul.f32 v2, v30  }
0x46e: {  	v9 =	vshll.u32 v9, $0x10;
	v19 =	vmul.u32 v18, v19;
	v18 =	vcvt.s32.f32 v18  }
0x46f: {  	[tilespmem:v38+s8+$0x0] =	vst.idx.add.f32.msk $0xffff, v35;
	v38 =	vadd.s32 $0x40, v33;
	v39 =	vadd.s32 $0x41, v33;
	v27 =	vmul.f32 v2, v27  }
0x470: {  	[tilespmem:v3+s8+$0x0] =	vst.idx.add.f32.msk $0xffff, v1;
	v19 =	vadd.s32 v9, v19;
	v18 =	vmul.f32 v18, v11;
	v11 =	vand.u32 $0xFFFFFF80, v38  }
0x471: {  	v3 =	vand.u32 $0xFFFFFF80, v39;
	v9 =	vld.idx.msk [tilespmem:v29+s13+$0x0], $0xffff;
	v29 =	vand.u32 $0x7F, v38;
	v11 =	vadd.s32 s28, v11  }
0x472: {  	v5 =	vld.idx.msk [tilespmem:v5+s13+$0x0], $0xffff;
	v1 =	vor.u32 v29, v11;
	v11 =	vadd.f32 $1.500000000e+00, v27;
	v27 =	vmul.f32 v23, v34  }
0x473: {  	v7 =	vld.idx.msk [tilespmem:v7+s13+$0x0], $0xffff;
	v3 =	vadd.s32 s28, v3;
	v29 =	vand.u32 $0x7F, v39  }
0x474: {  	v3 =	vor.u32 v29, v3;
	v29 =	vmul.f32 v2, v11;
	v2 =	vld [tilespmem:$0x1FF80];
	v27 =	vadd.f32 $1.500000000e+00, v27  }
0x475: {  	[tilespmem:v19+s8+$0x0] =	vst.idx.add.f32.msk $0xffff, v18  }
0x476: {  	v18 =	vmul.f32 v23, v27;
	v23 =	vld [tilespmem:$0x1FFF0]  }
0x477: {  	v16 =	vcvt.s32.f32 v16  }
0x478: {  	v17 =	vor.u32 v4, v17;
	v24 =	vld.idx.msk [tilespmem:v24+s13+$0x0], $0xffff;
	v30 =	vmul.f32 v29, v30  }
0x479: {  	v17 =	vshrl.u32 v17, $0x1F;
	v8 =	vsub.f32 v8, v16;
	v7 =	vsub.f32 v7, v5  }
0x47a: {  	v11 =	vxor.u32 $0x1, v17;
	v1 =	vld.idx.msk [tilespmem:v1+s13+$0x0], $0xffff;
	v19 =	vmul.f32 v30, v29;
	v16 =	vmul.f32 v18, v20  }
0x47b: {  	v20 =	vadd.s32 v0, v53;
	v2 =	vadd.s32 v2, v51;
	v23 =	vsub.s32 v23, v53;
	v53 =	vld [tilespmem:$0x1FFD0]  }
0x47c: {  	v7 =	vmul.f32 v8, v7;
	v3 =	vld.idx.msk [tilespmem:v3+s13+$0x0], $0xffff;
	v2 =	vmul.u32 v2, v11;
	v19 =	vadd.f32 $1.500000000e+00, v19  }
0x47d: {  	v17 =	vshll.u32 v17, $0x10;
	v24 =	vsub.f32 v24, v9;
	v8 =	vmul.f32 v16, v18  }
0x47e: {  	v2 =	vadd.s32 v17, v2;
	v20 =	vor.u32 v20, v23;
	v19 =	vmul.f32 v19, v29  }
0x47f: {  	v23 =	vperm.xlane v12, v0;
	v16 =	vor.u32 v4, v20;
	v20 =	vcvt.s32.f32 v33  }
0x480: {  	v8 =	vadd.f32 $1.500000000e+00, v8;
	v19 =	vmul.f32 v19, v25;
	v12 =	vperm.xlane v12, v53  }
0x481: {  	v17 =	vmul.f32 v28, v24;
	v3 =	vsub.f32 v3, v1;
	v14 =	vsub.f32 v14, v20  }
0x482: {  	v8 =	vmul.f32 v8, v18;
	v18 =	vmul.f32 $1.000000000e+01, v19;
	v19 =	vld [tilespmem:$0x1FF90];
	v12 =	vadd.f32 v12, v23  }
0x483: {  	v24 =	vsub.s32 $0x0, v54;
	v20 =	vadd.s32 $0x3, v54;
	v3 =	vmul.f32 v14, v3  }
0x484: {  	v8 =	vmul.f32 v8, v21;
	v14 =	vor.u32 v24, v20;
	v12 =	vadd.f32 v12, v32  }
0x485: {  	v14 =	vshrl.u32 v14, $0x1F;
	v20 =	vtrunc.f32 v18;
	v1 =	vadd.f32 v3, v1  }
0x486: {  	v3 =	vxor.u32 $0x1, v14;
	v20 =	vcvt.f32.s32 v20;
	v12 =	vmax.f32 v12, $9.999999960e-13  }
0x487: {  	v19 =	vadd.s32 v19, v36;
	v21 =	vshrl.u32 v12, $0x1;
	v23 =	vmul.f32 $-5.000000000e-01, v12  }
0x488: {  	v14 =	vshll.u32 v14, $0x10;
	v19 =	vmul.u32 v3, v19;
	v21 =	vsub.s32 $0x5F3759DF, v21  }
0x489: {  	v1 =	vmul.f32 v1, v10;
	v24 =	vadd.s32 $0x40, v20;
	v25 =	vmul.f32 v21, v23  }
0x48a: {  	v27 =	vadd.s32 $0x41, v20;
	v14 =	vadd.s32 v14, v19;
	v19 =	vand.u32 $0xFFFFFF80, v24  }
0x48b: {  	v24 =	vand.u32 $0x7F, v24;
	v19 =	vadd.s32 s28, v19;
	v25 =	vmul.f32 v21, v25  }
0x48c: {  	v3 =	vcvt.s32.f32 v3;
	v19 =	vor.u32 v24, v19;
	v24 =	vand.u32 $0xFFFFFF80, v27  }
0x48d: {  	v27 =	vand.u32 $0x7F, v27;
	v24 =	vadd.s32 s28, v24;
	v25 =	vadd.f32 $1.500000000e+00, v25  }
0x48e: {  	v51 =	vld [tilespmem:$0x1FFC0];
	v1 =	vmul.f32 v3, v1;
	v3 =	vshrl.u32 v16, $0x1F;
	v16 =	vor.u32 v27, v24  }
0x48f: {  	v27 =	vld [tilespmem:$0x1FFF0];
	v21 =	vmul.f32 v21, v25  }
0x490: {  	v5 =	vadd.f32 v7, v5;
	[tilespmem:v14+s8+$0x0] =	vst.idx.add.f32.msk $0xffff, v1  }
0x491: {  	v20 =	vcvt.s32.f32 v20;
	v1 =	vmul.f32 v21, v23;
	v23 =	vld [tilespmem:$0x1FFB0]  }
0x492: {  	v5 =	vmul.f32 v5, v62;
	v8 =	vmul.f32 $1.000000000e+01, v8;
	v19 =	vld.idx.msk [tilespmem:v19+s13+$0x0], $0xffff  }
0x493: {  	v18 =	vsub.f32 v18, v20;
	v24 =	vadd.s32 v26, v31;
	v25 =	vsub.s32 v51, v31;
	v16 =	vld.idx.msk [tilespmem:v16+s13+$0x0], $0xffff  }
0x494: {  	v24 =	vor.u32 v25, v24;
	v25 =	vadd.s32 v0, v60;
	v27 =	vsub.s32 v27, v60  }
0x495: {  	v24 =	vshrl.u32 v24, $0x1F;
	v14 =	vor.u32 v25, v27;
	v1 =	vmul.f32 v1, v21  }
0x496: {  	v7 =	vxor.u32 $0x1, v24;
	v25 =	vtrunc.f32 v8;
	v23 =	vadd.s32 v23, v63  }
0x497: {  	v25 =	vcvt.f32.s32 v25;
	v1 =	vadd.f32 $1.500000000e+00, v1;
	v23 =	vmul.u32 v7, v23  }
0x498: {  	v24 =	vshll.u32 v24, $0x10;
	v16 =	vsub.f32 v16, v19;
	v7 =	vcvt.s32.f32 v7  }
0x499: {  	v1 =	vmul.f32 v1, v21;
	v23 =	vadd.s32 v24, v23;
	v24 =	vadd.s32 $0x40, v25  }
0x49a: {  	v5 =	vmul.f32 v7, v5;
	v7 =	vand.u32 $0xFFFFFF80, v24;
	v21 =	vand.u32 $0x7F, v24;
	v24 =	vld [tilespmem:$0x1FFB0]  }
0x49b: {  	v16 =	vmul.f32 v18, v16;
	v7 =	vadd.s32 s31, v7  }
0x49c: {  	v18 =	vadd.s32 v26, v54;
	v7 =	vor.u32 v21, v7;
	v21 =	vsub.s32 v51, v54  }
0x49d: {  	v1 =	vmul.f32 v1, v12;
	v18 =	vor.u32 v21, v18  }
0x49e: {  	v20 =	vadd.s32 $0x41, v25;
	v18 =	vshrl.u32 v18, $0x1F  }
0x49f: {  	v1 =	vmul.f32 $1.000000000e+01, v1;
	v21 =	vxor.u32 $0x1, v18;
	v24 =	vadd.s32 v24, v36  }
0x4a0: {  	[tilespmem:v58+s8+$0x0] =	vst.idx.add.f32.msk $0xffff, v57;
	v11 =	vcvt.s32.f32 v11;
	v12 =	vand.u32 $0xFFFFFF80, v20;
	v24 =	vmul.u32 v21, v24  }
0x4a1: {  	v58 =	vld [tilespmem:$0x1FEC0];
	v16 =	vadd.f32 v16, v19;
	v19 =	vtrunc.f32 v1;
	v18 =	vshll.u32 v18, $0x10  }
0x4a2: {  	v57 =	vld [tilespmem:$0x1FEB0];
	v20 =	vand.u32 $0x7F, v20;
	v19 =	vcvt.f32.s32 v19;
	v18 =	vadd.s32 v18, v24  }
0x4a3: {  	v48 =	vld [tilespmem:$0x1FF40];
	v12 =	vadd.s32 s31, v12;
	v16 =	vmul.f32 v16, v10;
	v21 =	vcvt.s32.f32 v21  }
0x4a4: {  	v28 =	vld [tilespmem:$0x1FF80];
	v12 =	vor.u32 v20, v12;
	v20 =	vadd.s32 $0x40, v19  }
0x4a5: {  	v11 =	vmul.f32 v11, v61;
	[tilespmem:v23+s8+$0x0] =	vst.idx.add.f32.msk $0xffff, v5;
	v16 =	vmul.f32 v21, v16;
	v21 =	vand.u32 $0xFFFFFF80, v20  }
0x4a6: {  	v23 =	vld [tilespmem:$0x1FFF0];
	v20 =	vand.u32 $0x7F, v20;
	v24 =	vadd.s32 $0x41, v19;
	v21 =	vadd.s32 s28, v21  }
0x4a7: {  	v9 =	vadd.f32 v17, v9;
	v20 =	vor.u32 v20, v21;
	v21 =	vand.u32 $0xFFFFFF80, v24;
	[tilespmem:v18+s8+$0x0] =	vst.idx.add.f32.msk $0xffff, v16  }
0x4a8: {  	v17 =	vadd.s32 v0, v31;
	v24 =	vand.u32 $0x7F, v24;
	v21 =	vadd.s32 s28, v21;
	v16 =	vld [tilespmem:$0x1FF80]  }
0x4a9: {  	v28 =	vadd.s32 v28, v52;
	v27 =	vxor.u32 $0x1, v3;
	v12 =	vld.idx.msk [tilespmem:v12+s13+$0x0], $0xffff;
	v21 =	vor.u32 v24, v21  }
0x4aa: {  	v14 =	vor.u32 v4, v14;
	v5 =	vcvt.s32.f32 v27;
	v7 =	vld.idx.msk [tilespmem:v7+s13+$0x0], $0xffff;
	v24 =	vmul.u32 v28, v27  }
0x4ab: {  	v38 =	vld [tilespmem:$0x1FF80];
	v9 =	vmul.f32 v9, v56;
	v3 =	vshll.u32 v3, $0x10;
	v14 =	vshrl.u32 v14, $0x1F  }
0x4ac: {  	v56 =	vld [tilespmem:$0x1FEA0];
	v5 =	vmul.f32 v5, v13;
	v18 =	vsub.s32 v23, v31;
	v3 =	vadd.s32 v3, v24  }
0x4ad: {  	v13 =	vxor.u32 $0x1, v14;
	v17 =	vor.u32 v17, v18;
	v18 =	vld.idx.msk [tilespmem:v20+s13+$0x0], $0xffff;
	v16 =	vadd.s32 v16, v59  }
0x4ae: {  	v14 =	vshll.u32 v14, $0x10;
	v21 =	vld.idx.msk [tilespmem:v21+s13+$0x0], $0xffff;
	v16 =	vmul.u32 v16, v13  }
0x4af: {  	[tilespmem:v2+s8+$0x0] =	vst.idx.add.f32.msk $0xffff, v11;
	v12 =	vsub.f32 v12, v7;
	v20 =	vcvt.s32.f32 v25;
	v13 =	vcvt.s32.f32 v13  }
0x4b0: {  	v14 =	vadd.s32 v14, v16;
	v16 =	vor.u32 v4, v17;
	v17 =	vcvt.s32.f32 v19;
	v19 =	vld [tilespmem:$0x1FF80]  }
0x4b1: {  	v8 =	vsub.f32 v8, v20;
	[tilespmem:v3+s8+$0x0] =	vst.idx.add.f32.msk $0xffff, v5;
	v9 =	vmul.f32 v13, v9;
	v13 =	vshrl.u32 v16, $0x1F  }
0x4b2: {  	v52 =	vld [tilespmem:$0x1FFA0];
	v16 =	vadd.s32 v0, v54;
	v1 =	vsub.f32 v1, v17;
	v17 =	vsub.s32 v23, v54  }
0x4b3: {  	v5 =	vld [tilespmem:$0x1FE00];
	v20 =	vsub.f32 v21, v18;
	v16 =	vor.u32 v16, v17  }
0x4b4: {  	v8 =	vmul.f32 v8, v12;
	v21 =	vld [tilespmem:$0x1FF60];
	v17 =	vxor.u32 $0x1, v13;
	v16 =	vor.u32 v4, v16  }
0x4b5: {  	v24 =	vmovc v4;
	v1 =	vmul.f32 v1, v20;
	v4 =	vld [tilespmem:$0x1FFB0];
	v19 =	vadd.s32 v19, v63;
	v16 =	vshrl.u32 v16, $0x1F  }
0x4b6: {  	v20 =	vadd.s32 v38, v36;
	[tilespmem:v14+s8+$0x0] =	vst.idx.add.f32.msk $0xffff, v9;
	v12 =	vmul.u32 v19, v17;
	v19 =	vxor.u32 $0x1, v16  }
0x4b7: {  	v7 =	vadd.f32 v8, v7;
	v8 =	vshll.u32 v13, $0x10;
	v14 =	vld [tilespmem:$0x1FFE0];
	v13 =	vmul.u32 v20, v19  }
0x4b8: {  	v1 =	vadd.f32 v1, v18;
	v18 =	vld [tilespmem:$0x1FF00];
	v8 =	vadd.s32 v8, v12;
	v12 =	vshll.u32 v16, $0x10  }
0x4b9: {  	v7 =	vmul.f32 v7, v62;
	v20 =	vld [tilespmem:$0x1FF50];
	v12 =	vadd.s32 v12, v13;
	v13 =	vcvt.s32.f32 v17  }
0x4ba: {  	s25 =	sadd.s32 $0x6, s25;
	v2 =	vcvt.s32.f32 v19;
	v19 =	vld [tilespmem:$0x1FF10]  }
0x4bb: {  	p0 =	slt.s32 s25, s24;
	v16 =	vld [tilespmem:$0x1FEE0];
	v3 =	vmul.f32 v13, v7  }
.Ltmp10:
0x4bc: {  	v1 =	vmul.f32 v1, v10;
	v7 =	vld [tilespmem:$0x1FF90];
	(pc) =	sbr.rel @p0 .LBB2_9-.Ltmp10, $4  }
0x4bd: {  	[tilespmem:v8+s8+$0x0] =	vst.idx.add.f32.msk $0xffff, v3  }
0x4be: {  	v1 =	vmul.f32 v2, v1;
	v8 =	vld [tilespmem:$0x1FDE0]  }
0x4bf: {  	v37 =	vmov v44;
	v44 =	vmov v46;
	v46 =	vimm.s32 $0x4;
	v3 =	vld [tilespmem:$0x1FDD0]  }
0x4c0: {  	s26 =	sadd.s32 $0x300, s26;
	v47 =	vmovc v50;
	v50 =	vimm.s32 $0x0;
	v30 =	vimm.s32 $0x2;
	v33 =	vmovc v43;
	v27 =	vimm.s32 $0x1;
	[tilespmem:v12+s8+$0x0] =	vst.idx.add.f32.msk $0xffff, v1  }
.LBB2_10:
0x4c1: {  	v25 =	vld [tilespmem:$0x1FE20]  }
0x4c2: {  	p0 =	sge.s32 s24, s23;
	v39 =	vld [tilespmem:$0x1FE30]  }
.Ltmp11:
0x4c3: {  	v63 =	vld [tilespmem:$0x1FE40];
	(pc) =	sbr.rel @p0 .LBB2_13-.Ltmp11, $4  }
0x4c4: {  	v43 =	vld [tilespmem:$0x1FE50]  }
0x4c5: {  	v59 =	vld [tilespmem:$0x1FED0]  }
0x4c6: {  	v54 =	vmov v23;
	v60 =	vld [tilespmem:$0x1FEF0]  }
0x4c7: {  	v31 =	vmovc v55;
	v55 =	vmovc v14;
	v61 =	vmov v7;
	v62 =	vmov v4;
	v34 =	vmov v24;
	v24 =	vld [tilespmem:$0x1FE10]  }
0x4c8: {  	p0 =	slt.s32 s22, $0x80;
	s25 =	smov.u32 s22  }
0x4c9: {  	s23 =	ssub.s32 s23, s24;
	s25 =	simm.s32 @!p0 $0x80  }
0x4ca: {  	s26 =	sshll.u32 s23, $0x9;
	s31 =	sshll.u32 s25, $0x9  }
0x4cb: {  	s24 =	ssub.s32 s31, s26  }
0x4cc: {  	s24 =	sshra.s32 s24, $0x2  }
0x4cd: {  	v28 =	vmov v3;
	v29 =	vmov v8;
	v32 =	vmov v5;
	s23 =	ssub.s32 $0x0, s23;
	s24 =	sadd.s32 $0x4F80, s24  }
.LBB2_12:
0x4ce: {  	v1 =	vld [tilespmem:s24+$0x0];
	_ =	sdelay $0x4  }
0x4cf: {  	v2 =	vtrunc.f32 v1  }
0x4d0: {  	v3 =	vcvt.f32.s32 v2;
	_ =	sdelay $0x1  }
0x4d1: {  	v2 =	vcvt.s32.f32 v3;
	_ =	sdelay $0x1  }
0x4d2: {  	v2 =	vsub.f32 v1, v2;
	_ =	sdelay $0x1  }
0x4d3: {  	v2 =	vperm.xlane v2, v44;
	_ =	sdelay $0x1  }
0x4d4: {  	v2 =	vadd.f32 v56, v2;
	_ =	sdelay $0x1  }
0x4d5: {  	v5 =	vshrl.u32 v2, $0x10  }
0x4d6: {  	v5 =	vand.u32 $0x1, v5  }
0x4d7: {  	v2 =	vadd.s32 v5, v2  }
0x4d8: {  	v2 =	vadd.s32 $0x7FFF, v2  }
0x4d9: {  	v2 =	vand.u32 $0xFFFF0000, v2  }
0x4da: {  	v11 =	vmul.f32 v2, v2;
	_ =	sdelay $0x1  }
0x4db: {  	v2 =	vperm.xlane v11, v50;
	v5 =	vperm.xlane v11, v47;
	_ =	sdelay $0x1  }
0x4dc: {  	v17 =	vperm.xlane v11, v24;
	v2 =	vadd.f32 v5, v2;
	_ =	sdelay $0x1  }
0x4dd: {  	v2 =	vadd.f32 v17, v2;
	_ =	sdelay $0x1  }
0x4de: {  	v2 =	vmax.f32 v2, $9.999999960e-13  }
0x4df: {  	v5 =	vshrl.u32 v2, $0x1;
	v7 =	vmul.f32 $-5.000000000e-01, v2  }
0x4e0: {  	v5 =	vsub.s32 $0x5F3759DF, v5  }
0x4e1: {  	v8 =	vmul.f32 v5, v7;
	_ =	sdelay $0x1  }
0x4e2: {  	v8 =	vmul.f32 v5, v8;
	_ =	sdelay $0x1  }
0x4e3: {  	v8 =	vadd.f32 $1.500000000e+00, v8;
	_ =	sdelay $0x1  }
0x4e4: {  	v5 =	vmul.f32 v5, v8;
	_ =	sdelay $0x1  }
0x4e5: {  	v7 =	vmul.f32 v5, v7;
	_ =	sdelay $0x1  }
0x4e6: {  	v7 =	vmul.f32 v7, v5;
	_ =	sdelay $0x1  }
0x4e7: {  	v9 =	vperm.xlane v11, v48;
	v8 =	vperm.xlane v11, v6;
	v7 =	vadd.f32 $1.500000000e+00, v7;
	_ =	sdelay $0x1  }
0x4e8: {  	v12 =	vperm.xlane v11, v25;
	v5 =	vmul.f32 v7, v5;
	v7 =	vadd.f32 v9, v8;
	_ =	sdelay $0x1  }
0x4e9: {  	v2 =	vmul.f32 v5, v2;
	v5 =	vadd.f32 v12, v7;
	_ =	sdelay $0x1  }
0x4ea: {  	v7 =	vmul.f32 $1.000000000e+01, v2;
	v5 =	vmax.f32 v5, $9.999999960e-13  }
0x4eb: {  	v2 =	vshrl.u32 v5, $0x1;
	v8 =	vmul.f32 $-5.000000000e-01, v5  }
0x4ec: {  	v19 =	vtrunc.f32 v7;
	v2 =	vsub.s32 $0x5F3759DF, v2  }
0x4ed: {  	v10 =	vcvt.f32.s32 v19;
	v35 =	vmul.f32 v2, v8;
	_ =	sdelay $0x1  }
0x4ee: {  	s26 =	sadd.s32 s23, s25;
	v13 =	vadd.s32 $0x40, v10;
	v9 =	vmul.f32 v2, v35  }
0x4ef: {  	s26 =	sshll.u32 s26, $0x7;
	v16 =	vadd.s32 $0x41, v10;
	v14 =	vand.u32 $0xFFFFFF80, v13;
	v13 =	vand.u32 $0x7F, v13  }
0x4f0: {  	v18 =	vand.u32 $0xFFFFFF80, v16;
	v14 =	vadd.s32 s26, v14;
	v9 =	vadd.f32 $1.500000000e+00, v9  }
0x4f1: {  	v13 =	vor.u32 v13, v14;
	v14 =	vand.u32 $0x7F, v16;
	v16 =	vadd.s32 s26, v18  }
0x4f2: {  	v14 =	vor.u32 v14, v16  }
0x4f3: {  	v16 =	vmul.f32 v2, v9;
	_ =	sdelay $0x1  }
0x4f4: {  	v2 =	vmul.f32 v16, v8  }
0x4f5: {  	v8 =	vperm.xlane v1, v41;
	v1 =	vperm.xlane v1, v46;
	v36 =	vld.idx.msk [tilespmem:v13+s13+$0x0], $0xffff  }
0x4f6: {  	v10 =	vcvt.s32.f32 v10;
	v9 =	vmul.f32 v2, v16;
	v14 =	vld.idx.msk [tilespmem:v14+s13+$0x0], $0xffff  }
0x4f7: {  	v13 =	vperm.xlane v3, v30;
	v2 =	vmul.f32 v1, v8  }
0x4f8: {  	v8 =	vperm.xlane v3, v50;
	v3 =	vperm.xlane v3, v27;
	v1 =	vadd.f32 $1.500000000e+00, v9  }
0x4f9: {  	v7 =	vsub.f32 v7, v10;
	v9 =	vsub.s32 v13, v55;
	v13 =	vperm.xlane v11, v27  }
0x4fa: {  	v3 =	vshll.u32 v3, $0x7;
	v1 =	vmul.f32 v1, v16;
	v16 =	vperm.xlane v11, v52  }
0x4fb: {  	v19 =	vshll.u32 v9, $0xE;
	v3 =	vadd.s32 v8, v3;
	v35 =	vsub.f32 v14, v36  }
0x4fc: {  	v1 =	vmul.f32 v1, v5;
	v5 =	vadd.f32 v16, v13;
	v13 =	vperm.xlane v11, v39  }
0x4fd: {  	v10 =	vadd.s32 v19, v3;
	v14 =	vsub.s32 $0x3, v9;
	v7 =	vmul.f32 v7, v35  }
0x4fe: {  	v8 =	vor.u32 v9, v14;
	v1 =	vmul.f32 $1.000000000e+01, v1;
	v5 =	vadd.f32 v13, v5  }
0x4ff: {  	v14 =	vadd.s32 v33, v10;
	v8 =	vshrl.u32 v8, $0x1F;
	v3 =	vadd.f32 v7, v36  }
0x500: {  	v7 =	vxor.u32 $0x1, v8;
	v16 =	vtrunc.f32 v1;
	v5 =	vmax.f32 v5, $9.999999960e-13  }
0x501: {  	v16 =	vcvt.f32.s32 v16;
	v36 =	vshrl.u32 v5, $0x1;
	v35 =	vmul.f32 $-5.000000000e-01, v5  }
0x502: {  	v8 =	vshll.u32 v8, $0x10;
	v14 =	vmul.u32 v7, v14;
	v18 =	vsub.s32 $0x5F3759DF, v36  }
0x503: {  	v7 =	vcvt.s32.f32 v7;
	v20 =	vadd.s32 $0x40, v16;
	v21 =	vmul.f32 v18, v35  }
0x504: {  	v8 =	vadd.s32 v8, v14;
	v23 =	vadd.s32 $0x41, v16;
	v14 =	vand.u32 $0xFFFFFF80, v20  }
0x505: {  	v20 =	vand.u32 $0x7F, v20;
	v14 =	vadd.s32 s26, v14;
	v21 =	vmul.f32 v18, v21  }
0x506: {  	v3 =	vmul.f32 v3, v2;
	v14 =	vor.u32 v20, v14;
	v20 =	vand.u32 $0xFFFFFF80, v23  }
0x507: {  	v23 =	vand.u32 $0x7F, v23;
	v20 =	vadd.s32 s26, v20;
	v21 =	vadd.f32 $1.500000000e+00, v21  }
0x508: {  	v20 =	vor.u32 v23, v20  }
0x509: {  	v3 =	vmul.f32 v7, v3;
	v7 =	vmul.f32 v18, v21;
	_ =	sdelay $0x1  }
0x50a: {  	[tilespmem:v8+s8+$0x0] =	vst.idx.add.f32.msk $0xffff, v3;
	v3 =	vmul.f32 v7, v35  }
0x50b: {  	v8 =	vld.idx.msk [tilespmem:v14+s13+$0x0], $0xffff  }
0x50c: {  	v14 =	vld.idx.msk [tilespmem:v20+s13+$0x0], $0xffff;
	v3 =	vmul.f32 v3, v7  }
0x50d: {  	v36 =	vnsel vm0, $0x7, v59  }
0x50e: {  	v16 =	vcvt.s32.f32 v16;
	v18 =	vsel vm1, $0x6, v36;
	v3 =	vadd.f32 $1.500000000e+00, v3  }
0x50f: {  	v18 =	vperm.xlane v11, v18;
	v35 =	vperm.xlane v11, v15  }
0x510: {  	v1 =	vsub.f32 v1, v16;
	v3 =	vmul.f32 v3, v7  }
0x511: {  	v16 =	vperm.xlane v11, v63;
	v7 =	vsub.f32 v14, v8;
	v14 =	vadd.f32 v18, v35  }
0x512: {  	v36 =	vadd.s32 v6, v9;
	v3 =	vmul.f32 v3, v5  }
0x513: {  	v35 =	vsub.s32 v37, v9;
	v1 =	vmul.f32 v1, v7;
	v7 =	vadd.f32 v16, v14  }
0x514: {  	v5 =	vor.u32 v35, v36;
	v36 =	vadd.s32 v28, v10;
	v3 =	vmul.f32 $1.000000000e+01, v3  }
0x515: {  	v5 =	vshrl.u32 v5, $0x1F;
	v1 =	vadd.f32 v1, v8;
	v7 =	vmax.f32 v7, $9.999999960e-13  }
0x516: {  	v14 =	vtrunc.f32 v3;
	v16 =	vshrl.u32 v7, $0x1;
	v18 =	vmul.f32 $-5.000000000e-01, v7  }
0x517: {  	v8 =	vxor.u32 $0x1, v5;
	v14 =	vcvt.f32.s32 v14;
	v16 =	vsub.s32 $0x5F3759DF, v16  }
0x518: {  	v19 =	vmul.u32 v8, v36;
	v20 =	vmul.f32 v16, v18  }
0x519: {  	v5 =	vshll.u32 v5, $0x10;
	v8 =	vcvt.s32.f32 v8;
	v21 =	vadd.s32 $0x40, v14  }
0x51a: {  	v5 =	vadd.s32 v5, v19;
	v35 =	vand.u32 $0xFFFFFF80, v21;
	v20 =	vmul.f32 v16, v20  }
0x51b: {  	v23 =	vadd.s32 $0x41, v14;
	v21 =	vand.u32 $0x7F, v21;
	v19 =	vadd.s32 s26, v35  }
0x51c: {  	v19 =	vor.u32 v21, v19;
	v21 =	vand.u32 $0xFFFFFF80, v23;
	v20 =	vadd.f32 $1.500000000e+00, v20  }
0x51d: {  	v1 =	vmul.f32 v1, v2;
	v23 =	vand.u32 $0x7F, v23;
	v21 =	vadd.s32 s26, v21  }
0x51e: {  	v21 =	vor.u32 v23, v21;
	v16 =	vmul.f32 v16, v20  }
0x51f: {  	v1 =	vmul.f32 v8, v1  }
0x520: {  	v8 =	vmul.f32 v16, v18  }
0x521: {  	[tilespmem:v5+s8+$0x0] =	vst.idx.add.f32.msk $0xffff, v1  }
0x522: {  	v1 =	vld.idx.msk [tilespmem:v19+s13+$0x0], $0xffff;
	v5 =	vmul.f32 v8, v16  }
0x523: {  	v8 =	vld.idx.msk [tilespmem:v21+s13+$0x0], $0xffff  }
0x524: {  	v5 =	vadd.f32 $1.500000000e+00, v5  }
0x525: {  	v36 =	vnsel vm0, $0x5, v60;
	v14 =	vcvt.s32.f32 v14  }
0x526: {  	v5 =	vmul.f32 v5, v16;
	v16 =	vsel vm2, $0x9, v36  }
0x527: {  	v3 =	vsub.f32 v3, v14;
	v14 =	vperm.xlane v11, v22;
	v16 =	vperm.xlane v11, v16  }
0x528: {  	v35 =	vadd.s32 $0x1, v9;
	v8 =	vsub.f32 v8, v1;
	v5 =	vmul.f32 v5, v7  }
0x529: {  	v36 =	vsub.s32 $0x2, v9;
	v7 =	vadd.f32 v16, v14;
	v14 =	vperm.xlane v11, v43  }
0x52a: {  	v3 =	vmul.f32 v3, v8;
	v8 =	vor.u32 v36, v35;
	v5 =	vmul.f32 $1.000000000e+01, v5  }
0x52b: {  	v8 =	vshrl.u32 v8, $0x1F;
	v7 =	vadd.f32 v14, v7;
	v14 =	vadd.s32 v29, v10  }
0x52c: {  	v1 =	vadd.f32 v3, v1;
	v3 =	vxor.u32 $0x1, v8;
	v16 =	vtrunc.f32 v5  }
0x52d: {  	v8 =	vshll.u32 v8, $0x10;
	v7 =	vmax.f32 v7, $9.999999960e-13;
	v16 =	vcvt.f32.s32 v16  }
0x52e: {  	v14 =	vmul.u32 v3, v14;
	v35 =	vshrl.u32 v7, $0x1;
	v36 =	vmul.f32 $-5.000000000e-01, v7  }
0x52f: {  	v3 =	vcvt.s32.f32 v3;
	v18 =	vsub.s32 $0x5F3759DF, v35;
	v20 =	vadd.s32 $0x40, v16  }
0x530: {  	v8 =	vadd.s32 v8, v14;
	v21 =	vmul.f32 v18, v36;
	v14 =	vand.u32 $0xFFFFFF80, v20  }
0x531: {  	v23 =	vadd.s32 $0x41, v16;
	v20 =	vand.u32 $0x7F, v20;
	v14 =	vadd.s32 s26, v14  }
0x532: {  	v21 =	vmul.f32 v18, v21;
	v14 =	vor.u32 v20, v14;
	v20 =	vand.u32 $0xFFFFFF80, v23  }
0x533: {  	v1 =	vmul.f32 v1, v2;
	v23 =	vand.u32 $0x7F, v23;
	v20 =	vadd.s32 s26, v20  }
0x534: {  	v21 =	vadd.f32 $1.500000000e+00, v21;
	v20 =	vor.u32 v23, v20  }
0x535: {  	v1 =	vmul.f32 v3, v1  }
0x536: {  	v3 =	vmul.f32 v18, v21  }
0x537: {  	[tilespmem:v8+s8+$0x0] =	vst.idx.add.f32.msk $0xffff, v1  }
0x538: {  	v8 =	vld.idx.msk [tilespmem:v14+s13+$0x0], $0xffff;
	v1 =	vmul.f32 v3, v36  }
0x539: {  	v14 =	vld.idx.msk [tilespmem:v20+s13+$0x0], $0xffff  }
0x53a: {  	v1 =	vmul.f32 v1, v3;
	_ =	sdelay $0x1  }
0x53b: {  	v35 =	vperm.xlane v11, v41;
	v36 =	vperm.xlane v11, v42;
	v1 =	vadd.f32 $1.500000000e+00, v1  }
0x53c: {  	v16 =	vcvt.s32.f32 v16  }
0x53d: {  	v1 =	vmul.f32 v1, v3;
	v3 =	vsub.f32 v14, v8;
	v14 =	vadd.f32 v36, v35  }
0x53e: {  	v5 =	vsub.f32 v5, v16  }
0x53f: {  	v16 =	vadd.s32 v15, v9;
	v1 =	vmul.f32 v1, v7;
	v7 =	vadd.f32 v14, v17  }
0x540: {  	v35 =	vsub.s32 v40, v9;
	v36 =	vadd.s32 v31, v10;
	v3 =	vmul.f32 v5, v3  }
0x541: {  	v5 =	vor.u32 v35, v16;
	v1 =	vmul.f32 $1.000000000e+01, v1;
	v7 =	vmax.f32 v7, $9.999999960e-13  }
0x542: {  	v5 =	vshrl.u32 v5, $0x1F;
	v16 =	vshrl.u32 v7, $0x1;
	v17 =	vmul.f32 $-5.000000000e-01, v7  }
0x543: {  	v3 =	vadd.f32 v3, v8;
	v14 =	vtrunc.f32 v1;
	v16 =	vsub.s32 $0x5F3759DF, v16  }
0x544: {  	v8 =	vxor.u32 $0x1, v5;
	v14 =	vcvt.f32.s32 v14;
	v35 =	vmul.f32 v16, v17  }
0x545: {  	v5 =	vshll.u32 v5, $0x10;
	v18 =	vmul.u32 v8, v36  }
0x546: {  	v8 =	vcvt.s32.f32 v8;
	v20 =	vadd.s32 $0x40, v14;
	v19 =	vmul.f32 v16, v35  }
0x547: {  	v5 =	vadd.s32 v5, v18;
	v21 =	vadd.s32 $0x41, v14;
	v36 =	vand.u32 $0xFFFFFF80, v20  }
0x548: {  	v20 =	vand.u32 $0x7F, v20;
	v18 =	vadd.s32 s26, v36;
	v19 =	vadd.f32 $1.500000000e+00, v19  }
0x549: {  	v3 =	vmul.f32 v3, v2;
	v18 =	vor.u32 v20, v18;
	v20 =	vand.u32 $0xFFFFFF80, v21  }
0x54a: {  	v21 =	vand.u32 $0x7F, v21;
	v20 =	vadd.s32 s26, v20;
	v16 =	vmul.f32 v16, v19  }
0x54b: {  	v20 =	vor.u32 v21, v20  }
0x54c: {  	v3 =	vmul.f32 v8, v3;
	v8 =	vmul.f32 v16, v17;
	_ =	sdelay $0x1  }
0x54d: {  	[tilespmem:v5+s8+$0x0] =	vst.idx.add.f32.msk $0xffff, v3;
	v5 =	vmul.f32 v8, v16  }
0x54e: {  	v3 =	vld.idx.msk [tilespmem:v18+s13+$0x0], $0xffff  }
0x54f: {  	v8 =	vld.idx.msk [tilespmem:v20+s13+$0x0], $0xffff;
	v5 =	vadd.f32 $1.500000000e+00, v5;
	_ =	sdelay $0x1  }
0x550: {  	v14 =	vcvt.s32.f32 v14;
	v5 =	vmul.f32 v5, v16  }
0x551: {  	v17 =	vperm.xlane v11, v49;
	v16 =	vperm.xlane v11, v26  }
0x552: {  	v1 =	vsub.f32 v1, v14;
	v5 =	vmul.f32 v5, v7  }
0x553: {  	v7 =	vadd.f32 v17, v16;
	v8 =	vsub.f32 v8, v3  }
0x554: {  	v35 =	vsub.s32 v45, v9;
	v14 =	vadd.s32 v22, v9;
	v5 =	vmul.f32 $1.000000000e+01, v5  }
0x555: {  	v7 =	vadd.f32 v7, v12;
	v1 =	vmul.f32 v1, v8;
	v8 =	vor.u32 v35, v14  }
0x556: {  	v12 =	vadd.s32 v32, v10;
	v8 =	vshrl.u32 v8, $0x1F;
	v14 =	vtrunc.f32 v5  }
0x557: {  	v7 =	vmax.f32 v7, $9.999999960e-13;
	v1 =	vadd.f32 v1, v3;
	v3 =	vxor.u32 $0x1, v8  }
0x558: {  	v14 =	vcvt.f32.s32 v14;
	v16 =	vshrl.u32 v7, $0x1;
	v17 =	vmul.f32 $-5.000000000e-01, v7  }
0x559: {  	v12 =	vmul.u32 v3, v12;
	v16 =	vsub.s32 $0x5F3759DF, v16;
	v3 =	vcvt.s32.f32 v3  }
0x55a: {  	v8 =	vshll.u32 v8, $0x10;
	v1 =	vmul.f32 v1, v2;
	v35 =	vmul.f32 v16, v17  }
0x55b: {  	v36 =	vadd.s32 $0x40, v14;
	v20 =	vadd.s32 $0x41, v14;
	v8 =	vadd.s32 v8, v12  }
0x55c: {  	v12 =	vand.u32 $0xFFFFFF80, v36;
	v18 =	vand.u32 $0x7F, v36;
	v19 =	vmul.f32 v16, v35  }
0x55d: {  	v36 =	vand.u32 $0xFFFFFF80, v20;
	v20 =	vand.u32 $0x7F, v20;
	v12 =	vadd.s32 s26, v12  }
0x55e: {  	v12 =	vor.u32 v18, v12;
	v18 =	vadd.s32 s26, v36;
	v19 =	vadd.f32 $1.500000000e+00, v19  }
0x55f: {  	v18 =	vor.u32 v20, v18  }
0x560: {  	v1 =	vmul.f32 v3, v1;
	v3 =	vmul.f32 v16, v19;
	_ =	sdelay $0x1  }
0x561: {  	[tilespmem:v8+s8+$0x0] =	vst.idx.add.f32.msk $0xffff, v1;
	v1 =	vmul.f32 v3, v17  }
0x562: {  	v8 =	vld.idx.msk [tilespmem:v12+s13+$0x0], $0xffff;
	v12 =	vperm.xlane v11, v0;
	v11 =	vperm.xlane v11, v53  }
0x563: {  	v16 =	vld.idx.msk [tilespmem:v18+s13+$0x0], $0xffff;
	v1 =	vmul.f32 v1, v3  }
0x564: {  	v11 =	vadd.f32 v11, v12  }
0x565: {  	v1 =	vadd.f32 $1.500000000e+00, v1  }
0x566: {  	v12 =	vcvt.s32.f32 v14;
	v11 =	vadd.f32 v11, v13  }
0x567: {  	v1 =	vmul.f32 v1, v3  }
0x568: {  	v3 =	vsub.f32 v5, v12;
	v5 =	vsub.f32 v16, v8;
	v11 =	vmax.f32 v11, $9.999999960e-13  }
0x569: {  	v12 =	vmul.f32 $-5.000000000e-01, v11;
	v1 =	vmul.f32 v1, v7;
	v7 =	vshrl.u32 v11, $0x1  }
0x56a: {  	v13 =	vsub.s32 $0x0, v9;
	v3 =	vmul.f32 v3, v5;
	v7 =	vsub.s32 $0x5F3759DF, v7  }
0x56b: {  	v5 =	vadd.s32 $0x3, v9;
	v1 =	vmul.f32 $1.000000000e+01, v1;
	v14 =	vmul.f32 v7, v12  }
0x56c: {  	v5 =	vor.u32 v13, v5;
	v3 =	vadd.f32 v3, v8  }
0x56d: {  	v5 =	vshrl.u32 v5, $0x1F;
	v8 =	vtrunc.f32 v1;
	v13 =	vmul.f32 v7, v14  }
0x56e: {  	v16 =	vadd.s32 v61, v10;
	v14 =	vxor.u32 $0x1, v5;
	v8 =	vcvt.f32.s32 v8  }
0x56f: {  	v16 =	vmul.u32 v14, v16;
	v13 =	vadd.f32 $1.500000000e+00, v13  }
0x570: {  	v3 =	vmul.f32 v3, v2;
	v5 =	vshll.u32 v5, $0x10;
	v17 =	vadd.s32 $0x40, v8  }
0x571: {  	v5 =	vadd.s32 v5, v16;
	v16 =	vand.u32 $0xFFFFFF80, v17;
	v7 =	vmul.f32 v7, v13  }
0x572: {  	v13 =	vand.u32 $0x7F, v17;
	v17 =	vadd.s32 $0x41, v8;
	v16 =	vadd.s32 s26, v16  }
0x573: {  	v13 =	vor.u32 v13, v16;
	v16 =	vand.u32 $0xFFFFFF80, v17;
	v12 =	vmul.f32 v7, v12  }
0x574: {  	v14 =	vcvt.s32.f32 v14;
	v17 =	vand.u32 $0x7F, v17;
	v16 =	vadd.s32 s26, v16  }
0x575: {  	v16 =	vor.u32 v17, v16;
	v12 =	vmul.f32 v12, v7  }
0x576: {  	v3 =	vmul.f32 v14, v3  }
0x577: {  	v12 =	vadd.f32 $1.500000000e+00, v12  }
0x578: {  	[tilespmem:v5+s8+$0x0] =	vst.idx.add.f32.msk $0xffff, v3  }
0x579: {  	v3 =	vld.idx.msk [tilespmem:v13+s13+$0x0], $0xffff;
	v5 =	vmul.f32 v12, v7  }
0x57a: {  	v7 =	vld.idx.msk [tilespmem:v16+s13+$0x0], $0xffff  }
0x57b: {  	v5 =	vmul.f32 v5, v11  }
0x57c: {  	v8 =	vcvt.s32.f32 v8  }
0x57d: {  	v35 =	vadd.s32 v26, v9;
	v12 =	vsub.s32 v51, v9;
	v5 =	vmul.f32 $1.000000000e+01, v5  }
0x57e: {  	v1 =	vsub.f32 v1, v8;
	v8 =	vor.u32 v12, v35  }
0x57f: {  	v8 =	vshrl.u32 v8, $0x1F;
	v7 =	vsub.f32 v7, v3;
	v36 =	vtrunc.f32 v5  }
0x580: {  	v13 =	vadd.s32 v62, v10;
	v12 =	vxor.u32 $0x1, v8;
	v11 =	vcvt.f32.s32 v36  }
0x581: {  	v1 =	vmul.f32 v1, v7;
	v7 =	vmul.u32 v12, v13  }
0x582: {  	v8 =	vshll.u32 v8, $0x10;
	v13 =	vadd.s32 $0x40, v11  }
0x583: {  	v1 =	vadd.f32 v1, v3;
	v3 =	vadd.s32 v8, v7;
	v7 =	vand.u32 $0xFFFFFF80, v13  }
0x584: {  	v8 =	vand.u32 $0x7F, v13;
	v13 =	vadd.s32 $0x41, v11;
	v7 =	vadd.s32 s26, v7  }
0x585: {  	v12 =	vcvt.s32.f32 v12;
	v7 =	vor.u32 v8, v7;
	v8 =	vand.u32 $0xFFFFFF80, v13  }
0x586: {  	v1 =	vmul.f32 v1, v2;
	v13 =	vand.u32 $0x7F, v13;
	v8 =	vadd.s32 s26, v8  }
0x587: {  	v8 =	vor.u32 v13, v8  }
0x588: {  	v1 =	vmul.f32 v12, v1;
	_ =	sdelay $0x1  }
0x589: {  	[tilespmem:v3+s8+$0x0] =	vst.idx.add.f32.msk $0xffff, v1  }
0x58a: {  	v1 =	vld.idx.msk [tilespmem:v7+s13+$0x0], $0xffff  }
0x58b: {  	v3 =	vld.idx.msk [tilespmem:v8+s13+$0x0], $0xffff;
	_ =	sdelay $0x2  }
0x58c: {  	v7 =	vcvt.s32.f32 v11;
	v8 =	vadd.s32 v0, v9;
	v9 =	vsub.s32 v54, v9  }
0x58d: {  	v8 =	vor.u32 v8, v9  }
0x58e: {  	v5 =	vsub.f32 v5, v7;
	v7 =	vor.u32 v34, v8;
	v3 =	vsub.f32 v3, v1  }
0x58f: {  	v7 =	vshrl.u32 v7, $0x1F  }
0x590: {  	v8 =	vadd.s32 v38, v10;
	v3 =	vmul.f32 v5, v3;
	v5 =	vxor.u32 $0x1, v7  }
0x591: {  	v8 =	vmul.u32 v8, v5  }
0x592: {  	s23 =	sadd.s32 $0x1, s23;
	v1 =	vadd.f32 v3, v1;
	v3 =	vshll.u32 v7, $0x10  }
0x593: {  	p0 =	seq.s32 s23, $0x0;
	v3 =	vadd.s32 v3, v8  }
.Ltmp12:
0x594: {  	v1 =	vmul.f32 v1, v2;
	v2 =	vcvt.s32.f32 v5;
	(pc) =	sbr.rel @!p0 .LBB2_12-.Ltmp12, $3  }
0x595: {  	_ = 	snop  }
0x596: {  	v1 =	vmul.f32 v2, v1;
	_ =	sdelay $0x1  }
0x597: {  	s24 =	sadd.s32 $0x80, s24;
	[tilespmem:v3+s8+$0x0] =	vst.idx.add.f32.msk $0xffff, v1  }
.Ltmp13:
0x598: {  	_ = 	snop;
	(pc) =	sbr.rel .LBB2_13-.Ltmp13, $1  }
0x599: {  	_ =	sdelay $0x3  }
.LBB2_16:
0x59a: {  	_ =	sfence.sel $0x180000  }
0x59b: {  	[bflag:$0x0] =	sbarrier.arrive $0xFFFF  }
0x59c: {  	p0 =	sne.s32 s0, $0x0;
	_ =	strace $0x90000047  }
0x59d: {  	s0 =	sadd.s32 @!p0 $0x100000, s3;
	[bflag:$0x2] =	sbarrier.arrive $0xFFFF  }
0x59e: {  	[sflag:s0] =	ssyncadd.tile.s32 @!p0 $0x1;
	_ =	shalt  }
.Lfunc_end2:
_tile_overlayer_lowered:
.L_overlay_start_2:
0x59f: {  	(tag) =	ssettag $0x2  }
0x5a0: {  	s0 =	rddreg [dreg:$0x0];
	s2 =	stileid.u32  }
0x5a1: {  	s1 =	rddreg [dreg:$0x1];
	p0 =	sne.s32 s2, $0x0  }
0x5a2: {  	s3 =	rddreg [dreg:$0x2];
	[bflag:$0x3] =	sbarrier.arrive $0xFFFF;
	s2 =	simm.s32 @!p0 $0x1C01  }
0x5a3: {  	[timem:s3], [sflag:s2] =	dma.local @!p0 [hbm:s0], s1  }
0x5a4: {  	s0 =	simm.s32 @!p0 $0x1  }
0x5a5: {  	_ =	swait.ge @!p0 [sflag:s0], s1  }
0x5a6: {  	s1 =	ssub.s32 @!p0 $0x0, s1;
	[sflag:s0] =	ssyncset.done @!p0 $0x0  }
0x5a7: {  	[sflag:s0] =	ssyncadd.s32 @!p0 s1  }
0x5a8: {  	[bflag:$0x3] =	sbarrier.arrive $0xFFFF  }
0x5a9: {  	_ =	shalt  }

</sc_bundles>
